<compile_context>
chip_gen: v7x
topology: tpu7x:2x2x1
jax: 0.10.2.dev20260603
libtpu: 0.0.44.dev20260713+nightly
codegen_flags: <defaults>
</compile_context>

<pallas_src>
import functools

import jax
import jax.numpy as jnp
from jax import lax
from jax.experimental import pallas as pl
from jax.experimental.pallas import tpu as pltpu
from jax.experimental.pallas import tpu_sc as plsc

N = 10000
E = 320000
HID = 128
NH = 8
HD = HID // NH
EPS = 1e-5

NC = 2
NS = 16
NW = NC * NS
EW = E // NW
C = 16
NCHUNK = EW // C
NP = 10240
NP8 = NP // 8
AROWS = NP + NP8
RPT = AROWS // NS
NB = NP // NW

_GDN = lax.GatherDimensionNumbers(
    offset_dims=(), collapsed_slice_dims=(0,), start_index_map=(0,))


def _perm(x, idx):
    return lax.gather(x, idx[:, None], _GDN, (1,),
                      mode=lax.GatherScatterMode.PROMISE_IN_BOUNDS)



def _qkv_body(h_ref, wq_ref, bq_ref, wk_ref, bk_ref, wv_ref, bv_ref,
              qs_ref, k_ref, v_ref):
    h = h_ref[...]
    scaling = HD ** (-0.5)
    qs_ref[...] = (jnp.dot(h, wq_ref[...],
                           preferred_element_type=jnp.float32)
                   + bq_ref[...]) * scaling
    k_ref[...] = jnp.dot(h, wk_ref[...],
                         preferred_element_type=jnp.float32) + bk_ref[...]
    v_ref[...] = jnp.dot(h, wv_ref[...],
                         preferred_element_type=jnp.float32) + bv_ref[...]


_qkv_call = pl.pallas_call(
    _qkv_body,
    out_shape=[
        jax.ShapeDtypeStruct((N, HID), jnp.float32),
        jax.ShapeDtypeStruct((N, HID), jnp.float32),
        jax.ShapeDtypeStruct((N, HID), jnp.float32),
    ],
)



def _sc_body(rows_hbm, cols_hbm, qs_hbm, k_hbm, v_hbm,
             out_hbm,
             acc,
             rows_a, cols_a, rows_b, cols_b,
             qb_a, kb_a, vb_a, ev_a, qb_b, kb_b, vb_b, ev_b, zq,
             sq_a, sk_a, sv_a, sm_a, se_a,
             sq_b, sk_b, sv_b, sm_b, se_b):
    c = lax.axis_index("c")
    s = lax.axis_index("s")
    wid = s * NC + c
    base = wid * EW
    lane = lax.iota(jnp.int32, 16)
    idx_hi = (lane + 8) & 15
    idx_mod8 = lane & 7
    zero16 = jnp.zeros((16,), jnp.float32)

    def _zq_row(i, _):
        for j in range(8):
            zq[i, pl.ds(16 * j, 16)] = zero16
        return 0
    lax.fori_loop(0, 16, _zq_row, 0)

    r0 = s * RPT

    def _zcopy(t, _):
        pltpu.sync_copy(zq, acc.at[pl.ds(r0 + t * 16, 16)])
        return 0
    lax.fori_loop(0, RPT // 16, _zcopy, 0)

    plsc.subcore_barrier()

    DEN_BATCHES = ((0, 0),)

    def _load_idx(ch, rv, cv):
        off = base + ch * C
        pltpu.sync_copy(rows_hbm.at[pl.ds(off, C)], rv)
        pltpu.sync_copy(cols_hbm.at[pl.ds(off, C)], cv)

    def _start_gathers(rv, cv, qb, kb, vb, sq, sk, sv):
        rr = rv[pl.ds(0, 16)]
        cc = cv[pl.ds(0, 16)]
        pltpu.async_copy(qs_hbm.at[rr], qb, sq)
        pltpu.async_copy(k_hbm.at[cc], kb, sk)
        pltpu.async_copy(v_hbm.at[cc], vb, sv)

    def _wait_gathers(rv, cv, qb, kb, vb, sq, sk, sv):
        pltpu.make_async_copy(qs_hbm.at[pl.ds(0, 16)], qb, sq).wait()
        pltpu.make_async_copy(k_hbm.at[pl.ds(0, 16)], kb, sk).wait()
        pltpu.make_async_copy(v_hbm.at[pl.ds(0, 16)], vb, sv).wait()

    def _compute(rv, qb, kb, vb, ev):
        k7 = (rv[pl.ds(0, 16)] & 7).astype(jnp.float32)

        def _edge(e, _):
            dot = qb[e, pl.ds(0, 16)] * kb[e, pl.ds(0, 16)]
            for j in range(1, 8):
                dot = dot + qb[e, pl.ds(16 * j, 16)] * kb[e, pl.ds(16 * j, 16)]
            s16 = dot + _perm(dot, idx_hi)
            s16 = jnp.where(lane < 8, s16, 0.0)
            e16 = jnp.exp(s16)
            e16z = jnp.where(lane < 8, e16, 0.0)
            ks = _perm(k7, lane * 0 + e)
            for j in range(8):
                d = ks - float(j)
                ev[e, pl.ds(16 * j, 16)] = e16z * jnp.maximum(1.0 - d * d, 0.0)
            pat = _perm(e16, idx_mod8)
            for j in range(8):
                vb[e, pl.ds(16 * j, 16)] = vb[e, pl.ds(16 * j, 16)] * pat
            return 0

        def _edge_pl(e):
            _edge(e, 0)
        plsc.parallel_loop(0, C, 1, unroll=2)(_edge_pl)

    def _start_scatters(rv, vb, ev, sm, se):
        rr = rv[pl.ds(0, 16)]
        di = NP + lax.shift_right_logical(rr, 3)
        pltpu.async_copy(vb, acc.at[rr], sm, add=True)
        pltpu.async_copy(ev, acc.at[di], se, add=True)

    def _drain_scatters(rv, vb, ev, sm, se):
        pltpu.make_async_copy(vb, acc.at[pl.ds(0, 16)], sm).wait()
        pltpu.make_async_copy(ev, acc.at[pl.ds(0, 16)], se).wait()

    _load_idx(0, rows_a, cols_a)
    _start_gathers(rows_a, cols_a, qb_a, kb_a, vb_a, sq_a, sk_a, sv_a)

    def _pair(i, _):
        @pl.when(i > 0)
        def _():
            _drain_scatters(rows_b, vb_b, ev_b, sm_b, se_b)
        _load_idx(2 * i + 1, rows_b, cols_b)
        _start_gathers(rows_b, cols_b, qb_b, kb_b, vb_b, sq_b, sk_b, sv_b)
        _wait_gathers(rows_a, cols_a, qb_a, kb_a, vb_a, sq_a, sk_a, sv_a)
        _compute(rows_a, qb_a, kb_a, vb_a, ev_a)
        _start_scatters(rows_a, vb_a, ev_a, sm_a, se_a)
        _drain_scatters(rows_a, vb_a, ev_a, sm_a, se_a)
        _load_idx(2 * i + 2, rows_a, cols_a)
        _start_gathers(rows_a, cols_a, qb_a, kb_a, vb_a, sq_a, sk_a, sv_a)
        _wait_gathers(rows_b, cols_b, qb_b, kb_b, vb_b, sq_b, sk_b, sv_b)
        _compute(rows_b, qb_b, kb_b, vb_b, ev_b)
        _start_scatters(rows_b, vb_b, ev_b, sm_b, se_b)
        return 0

    lax.fori_loop(0, NCHUNK // 2, _pair, 0)
    _drain_scatters(rows_b, vb_b, ev_b, sm_b, se_b)
    _wait_gathers(rows_a, cols_a, qb_a, kb_a, vb_a, sq_a, sk_a, sv_a)
    _compute(rows_a, qb_a, kb_a, vb_a, ev_a)
    _start_scatters(rows_a, vb_a, ev_a, sm_a, se_a)
    _drain_scatters(rows_a, vb_a, ev_a, sm_a, se_a)
    plsc.subcore_barrier()

    def _wcopy(t, _):
        pltpu.sync_copy(acc.at[pl.ds(r0 + t * 16, 16)],
                        out_hbm.at[c, pl.ds(r0 + t * 16, 16)])
        return 0
    lax.fori_loop(0, RPT // 16, _wcopy, 0)


_sc_call = functools.partial(
    pl.kernel,
    out_type=jax.ShapeDtypeStruct((NC, AROWS, HID), jnp.float32),
    mesh=plsc.VectorSubcoreMesh(
        core_axis_name="c", subcore_axis_name="s",
        num_cores=NC, num_subcores=NS),
    scratch_types=[
        pltpu.VMEM_SHARED((AROWS, HID), jnp.float32),
        pltpu.VMEM((C,), jnp.int32),
        pltpu.VMEM((C,), jnp.int32),
        pltpu.VMEM((C,), jnp.int32),
        pltpu.VMEM((C,), jnp.int32),
        pltpu.VMEM((C, HID), jnp.float32),
        pltpu.VMEM((C, HID), jnp.float32),
        pltpu.VMEM((C, HID), jnp.float32),
        pltpu.VMEM((C, HID), jnp.float32),
        pltpu.VMEM((C, HID), jnp.float32),
        pltpu.VMEM((C, HID), jnp.float32),
        pltpu.VMEM((C, HID), jnp.float32),
        pltpu.VMEM((C, HID), jnp.float32),
        pltpu.VMEM((16, HID), jnp.float32),
    ] + [pltpu.SemaphoreType.DMA] * 10,
)(_sc_body)



PC = 64


def _norm_body(all_hbm,
               att_hbm,
               o0, o1, d0, d1, obuf, sem0, sem1, sem2, sem3):
    c = lax.axis_index("c")
    s = lax.axis_index("s")
    wid = s * NC + c
    nb = wid * NB
    lane = lax.iota(jnp.int32, 16)
    idx_mod8 = lane & 7

    def _chunk(t, _):
        nb_t = pl.multiple_of(nb + t * PC, 64)
        dof = pl.multiple_of(NP + wid * (NB // 8) + t * (PC // 8), 8)
        cp0 = pltpu.async_copy(all_hbm.at[0, pl.ds(nb_t, PC)], o0, sem0)
        cp1 = pltpu.async_copy(all_hbm.at[1, pl.ds(nb_t, PC)], o1, sem1)
        cp2 = pltpu.async_copy(all_hbm.at[0, pl.ds(dof, PC // 8)], d0, sem2)
        cp3 = pltpu.async_copy(all_hbm.at[1, pl.ds(dof, PC // 8)], d1, sem3)
        cp0.wait()
        cp1.wait()
        cp2.wait()
        cp3.wait()

        def _drow(dr, _):
            for j in range(8):
                slot = d0[dr, pl.ds(16 * j, 16)] + d1[dr, pl.ds(16 * j, 16)]
                recip = 1.0 / jnp.maximum(slot, 1e-30)
                pat = _perm(recip, idx_mod8)
                i = dr * 8 + j
                for m in range(8):
                    obuf[i, pl.ds(16 * m, 16)] = (
                        o0[i, pl.ds(16 * m, 16)]
                        + o1[i, pl.ds(16 * m, 16)]) * pat
            return 0

        lax.fori_loop(0, PC // 8, _drow, 0)
        pltpu.sync_copy(obuf, att_hbm.at[pl.ds(nb_t, PC)])
        return 0

    lax.fori_loop(0, NB // PC, _chunk, 0)


_norm_call = functools.partial(
    pl.kernel,
    out_type=jax.ShapeDtypeStruct((NP, HID), jnp.float32),
    mesh=plsc.VectorSubcoreMesh(
        core_axis_name="c", subcore_axis_name="s",
        num_cores=NC, num_subcores=NS),
    scratch_types=[
        pltpu.VMEM((PC, HID), jnp.float32),
        pltpu.VMEM((PC, HID), jnp.float32),
        pltpu.VMEM((PC // 8, HID), jnp.float32),
        pltpu.VMEM((PC // 8, HID), jnp.float32),
        pltpu.VMEM((PC, HID), jnp.float32),
        pltpu.SemaphoreType.DMA,
        pltpu.SemaphoreType.DMA,
        pltpu.SemaphoreType.DMA,
        pltpu.SemaphoreType.DMA,
    ],
)(_norm_body)



def _gelu(x):
    return 0.5 * x * (1.0 + lax.erf(x * (2.0 ** -0.5)))


def _bn(x, gamma, beta):
    mean = jnp.mean(x, axis=0)
    var = jnp.mean((x - mean) ** 2, axis=0)
    return (x - mean) / jnp.sqrt(var + EPS) * gamma + beta


def _epi_body(a_ref, h_ref, wo_ref, bo_ref, w1_ref, b1_ref,
              w2_ref, b2_ref, g1_ref, be1_ref, g2_ref, be2_ref, out_ref):
    attnout = a_ref[:N]
    mha = jnp.dot(attnout, wo_ref[...],
                  preferred_element_type=jnp.float32) + bo_ref[...]
    x1 = _bn(mha + h_ref[...], g1_ref[...], be1_ref[...])
    h1 = _gelu(x1)
    ffn = _gelu(jnp.dot(h1, w1_ref[...],
                        preferred_element_type=jnp.float32) + b1_ref[...])
    ffn = jnp.dot(ffn, w2_ref[...],
                  preferred_element_type=jnp.float32) + b2_ref[...]
    out_ref[...] = _bn(h1 + ffn, g2_ref[...], be2_ref[...])


_epi_call = pl.pallas_call(
    _epi_body,
    out_shape=jax.ShapeDtypeStruct((N, HID), jnp.float32),
)


def kernel(edge_index, h, Wq, bq, Wk, bk, Wv, bv, Wo, bo, W1, b1, W2, b2,
           g1, be1, g2, be2):
    rows = edge_index[0]
    cols = edge_index[1]
    qs, kk, vv = _qkv_call(h, Wq, bq.reshape(1, HID), Wk, bk.reshape(1, HID),
                           Wv, bv.reshape(1, HID))
    out_all = _sc_call(rows, cols, qs, kk, vv)
    att = _norm_call(out_all)
    return _epi_call(att, h, Wo, bo.reshape(1, HID),
                     W1, b1.reshape(1, 2 * HID), W2, b2.reshape(1, HID),
                     g1.reshape(1, HID), be1.reshape(1, HID),
                     g2.reshape(1, HID), be2.reshape(1, HID))

# --- scband reference (transcript-rebuilt; emitter-appended) ---
"""Pipeline reference for scband-gtlayer-1357209665642 (READ-ONLY COPY).

The authoritative reference and input builder live on the scoring server;
editing this copy changes nothing except your own understanding.
"""

import jax, jax.numpy as jnp
import numpy as np

N = 10000
E = 320000
HID = 128
NH = 8
HD = HID // NH
EPS = 1e-5


def setup_inputs(seed: int = 0) -> dict:
    key = jax.random.key(seed)
    ks = jax.random.split(key, 20)
    s = 0.05
    inp = {}
    inp['edge_index'] = jax.random.randint(ks[0], (2, E), 0, N, dtype=jnp.int32)
    inp['h'] = jax.random.normal(ks[1], (N, HID), dtype=jnp.float32)
    inp['Wq'] = jax.random.normal(ks[2], (HID, HID), dtype=jnp.float32) * s
    inp['bq'] = jnp.zeros((HID,), dtype=jnp.float32)
    inp['Wk'] = jax.random.normal(ks[3], (HID, HID), dtype=jnp.float32) * s
    inp['bk'] = jnp.zeros((HID,), dtype=jnp.float32)
    inp['Wv'] = jax.random.normal(ks[4], (HID, HID), dtype=jnp.float32) * s
    inp['bv'] = jnp.zeros((HID,), dtype=jnp.float32)
    inp['Wo'] = jax.random.normal(ks[5], (HID, HID), dtype=jnp.float32) * s
    inp['bo'] = jnp.zeros((HID,), dtype=jnp.float32)
    inp['W1'] = jax.random.normal(ks[6], (HID, 2 * HID), dtype=jnp.float32) * s
    inp['b1'] = jnp.zeros((2 * HID,), dtype=jnp.float32)
    inp['W2'] = jax.random.normal(ks[7], (2 * HID, HID), dtype=jnp.float32) * s
    inp['b2'] = jnp.zeros((HID,), dtype=jnp.float32)
    inp['g1'] = jnp.ones((HID,), dtype=jnp.float32)
    inp['be1'] = jnp.zeros((HID,), dtype=jnp.float32)
    inp['g2'] = jnp.ones((HID,), dtype=jnp.float32)
    inp['be2'] = jnp.zeros((HID,), dtype=jnp.float32)
    return inp


def _batchnorm(x, gamma, beta):
    mean = jnp.mean(x, axis=0)
    var = jnp.mean((x - mean) ** 2, axis=0)
    return (x - mean) / jnp.sqrt(var + EPS) * gamma + beta


def reference(edge_index, h, Wq, bq, Wk, bk, Wv, bv, Wo, bo, W1, b1, W2, b2, g1, be1, g2, be2):
    row = edge_index[0]
    col = edge_index[1]
    scaling = HD ** (-0.5)
    q = (h @ Wq + bq).reshape(N, HD, NH) * scaling
    k = (h @ Wk + bk).reshape(N, HD, NH)
    v = (h @ Wv + bv).reshape(N, HD, NH)
    # sparse SDDMM: per-edge, per-head attention logits
    s = jnp.einsum('edh,edh->eh', q[row], k[col])  # (E, NH)
    # sparse softmax over each row's neighbors
    m = jax.lax.stop_gradient(jax.ops.segment_max(s, row, num_segments=N))
    e = jnp.exp(s - m[row])
    denom = jax.ops.segment_sum(e, row, num_segments=N)
    attn = e / jnp.maximum(denom[row], 1e-30)  # (E, NH)
    # sparse SpMM
    msg = attn[:, None, :] * v[col]  # (E, HD, NH)
    out = jax.ops.segment_sum(msg, row, num_segments=N)  # (N, HD, NH)
    mha = out.reshape(N, HID) @ Wo + bo
    h1 = _batchnorm(mha + h, g1, be1)
    h1 = jax.nn.gelu(h1, approximate=False)
    ffn = jax.nn.gelu(h1 @ W1 + b1, approximate=False) @ W2 + b2
    return _batchnorm(h1 + ffn, g2, be2)

if __name__ == "__main__":
    import jax
    _d = setup_inputs()
    print(jax.jit(kernel)(*tuple(_d.values())))

</pallas_src>

<mosaic_0001>
#map = affine_map<(d0, d1) -> (0)>
#map1 = affine_map<(d0, d1) -> (0, 0)>
#map2 = affine_map<(d0, d1) -> (0, 0, 0)>
module attributes {stable_mosaic.version = 14 : i64} {
  func.func @_sc_body(%arg0: i32, %arg1: i32, %arg2: memref<320000xi32, #tpu.memory_space<hbm>>, %arg3: memref<320000xi32, #tpu.memory_space<hbm>>, %arg4: memref<10000x128xf32, #tpu.memory_space<hbm>>, %arg5: memref<10000x128xf32, #tpu.memory_space<hbm>>, %arg6: memref<10000x128xf32, #tpu.memory_space<hbm>>, %arg7: memref<2x11520x128xf32, #tpu.memory_space<hbm>>, %arg8: memref<11520x128xf32, #tpu.memory_space<vmem_shared>>, %arg9: memref<16xi32, #tpu.memory_space<vmem>>, %arg10: memref<16xi32, #tpu.memory_space<vmem>>, %arg11: memref<16xi32, #tpu.memory_space<vmem>>, %arg12: memref<16xi32, #tpu.memory_space<vmem>>, %arg13: memref<16x128xf32, #tpu.memory_space<vmem>>, %arg14: memref<16x128xf32, #tpu.memory_space<vmem>>, %arg15: memref<16x128xf32, #tpu.memory_space<vmem>>, %arg16: memref<16x128xf32, #tpu.memory_space<vmem>>, %arg17: memref<16x128xf32, #tpu.memory_space<vmem>>, %arg18: memref<16x128xf32, #tpu.memory_space<vmem>>, %arg19: memref<16x128xf32, #tpu.memory_space<vmem>>, %arg20: memref<16x128xf32, #tpu.memory_space<vmem>>, %arg21: memref<16x128xf32, #tpu.memory_space<vmem>>, %arg22: memref<!tpu.dma_semaphore, #tpu.memory_space<semaphore_mem>>, %arg23: memref<!tpu.dma_semaphore, #tpu.memory_space<semaphore_mem>>, %arg24: memref<!tpu.dma_semaphore, #tpu.memory_space<semaphore_mem>>, %arg25: memref<!tpu.dma_semaphore, #tpu.memory_space<semaphore_mem>>, %arg26: memref<!tpu.dma_semaphore, #tpu.memory_space<semaphore_mem>>, %arg27: memref<!tpu.dma_semaphore, #tpu.memory_space<semaphore_mem>>, %arg28: memref<!tpu.dma_semaphore, #tpu.memory_space<semaphore_mem>>, %arg29: memref<!tpu.dma_semaphore, #tpu.memory_space<semaphore_mem>>, %arg30: memref<!tpu.dma_semaphore, #tpu.memory_space<semaphore_mem>>, %arg31: memref<!tpu.dma_semaphore, #tpu.memory_space<semaphore_mem>>) attributes {dimension_semantics = [#tpu.dimension_semantics<core_parallel>, #tpu.dimension_semantics<subcore_parallel>], iteration_bounds = array<i64: 2, 16>, scalar_prefetch = 0 : i64, scratch_operands = 24 : i64, tpu.core_type = #tpu.core_type<sc_vector_subcore>, window_params = [{transform_indices = #map}, {transform_indices = #map}, {transform_indices = #map1}, {transform_indices = #map1}, {transform_indices = #map1}, {transform_indices = #map2}]} {
    %mul3A = arith.constant 2 : i32
    %mul3A_0 = arith.muli %arg1, %mul3A : i32
    %add3A = arith.addi %mul3A_0, %arg0 : i32
    %mul3A_1 = arith.constant 10000 : i32
    %mul3A_2 = arith.muli %add3A, %mul3A_1 : i32
    %iota3A = tpu.iota {dimensions = array<i32: 0>} : vector<16xi32>
    %add3A_3 = arith.constant 8 : i32
    %add3A_4 = vector.broadcast %add3A_3 : i32 to vector<16xi32>
    %add3A_5 = arith.addi %iota3A, %add3A_4 : vector<16xi32>
    %and3A = arith.constant 15 : i32
    %and3A_6 = vector.broadcast %and3A : i32 to vector<16xi32>
    %and3A_7 = arith.andi %add3A_5, %and3A_6 : vector<16xi32>
    %and3A_8 = arith.constant 7 : i32
    %and3A_9 = vector.broadcast %and3A_8 : i32 to vector<16xi32>
    %and3A_10 = arith.andi %iota3A, %and3A_9 : vector<16xi32>
    %broadcast_in_dim3A = arith.constant 0.000000e+00 : f32
    %broadcast_in_dim3A_11 = vector.broadcast %broadcast_in_dim3A : f32 to vector<16xf32>
    %scan3A = arith.constant 0 : i32
    %scan3A_12 = arith.constant 0 : i32
    %scan3A_13 = arith.constant 16 : i32
    %scan3A_14 = arith.addi %scan3A_12, %scan3A_13 : i32
    %scan3A_15 = arith.constant 1 : i32
    %scan3A_16 = scf.for %scan3A_120 = %scan3A_12 to %scan3A_14 step %scan3A_15 iter_args(%scan3A_121 = %scan3A) -> (i32)  : i32 {
      %swap3A = arith.index_cast %scan3A_120 : i32 to index
      %swap3A_122 = arith.constant 0 : index
      %swap3A_123 = tpu.vector_load %arg21[%swap3A, %swap3A_122] {strides = array<i32>} : memref<16x128xf32, #tpu.memory_space<vmem>>, vector<1x16xf32>,
      %swap3A_124 = vector.shape_cast %swap3A_123 : vector<1x16xf32> to vector<16xf32>
      %swap3A_125 = vector.shape_cast %broadcast_in_dim3A_11 : vector<16xf32> to vector<1x16xf32>
      tpu.vector_store %arg21[%swap3A, %swap3A_122], %swap3A_125 {strides = array<i32>} : memref<16x128xf32, #tpu.memory_space<vmem>>, vector<1x16xf32>,
      %swap3A_126 = arith.index_cast %scan3A_120 : i32 to index
      %swap3A_127 = arith.constant 16 : index
      %swap3A_128 = tpu.vector_load %arg21[%swap3A_126, %swap3A_127] {strides = array<i32>} : memref<16x128xf32, #tpu.memory_space<vmem>>, vector<1x16xf32>,
      %swap3A_129 = vector.shape_cast %swap3A_128 : vector<1x16xf32> to vector<16xf32>
      %swap3A_130 = vector.shape_cast %broadcast_in_dim3A_11 : vector<16xf32> to vector<1x16xf32>
      tpu.vector_store %arg21[%swap3A_126, %swap3A_127], %swap3A_130 {strides = array<i32>} : memref<16x128xf32, #tpu.memory_space<vmem>>, vector<1x16xf32>,
      %swap3A_131 = arith.index_cast %scan3A_120 : i32 to index
      %swap3A_132 = arith.constant 32 : index
      %swap3A_133 = tpu.vector_load %arg21[%swap3A_131, %swap3A_132] {strides = array<i32>} : memref<16x128xf32, #tpu.memory_space<vmem>>, vector<1x16xf32>,
      %swap3A_134 = vector.shape_cast %swap3A_133 : vector<1x16xf32> to vector<16xf32>
      %swap3A_135 = vector.shape_cast %broadcast_in_dim3A_11 : vector<16xf32> to vector<1x16xf32>
      tpu.vector_store %arg21[%swap3A_131, %swap3A_132], %swap3A_135 {strides = array<i32>} : memref<16x128xf32, #tpu.memory_space<vmem>>, vector<1x16xf32>,
      %swap3A_136 = arith.index_cast %scan3A_120 : i32 to index
      %swap3A_137 = arith.constant 48 : index
      %swap3A_138 = tpu.vector_load %arg21[%swap3A_136, %swap3A_137] {strides = array<i32>} : memref<16x128xf32, #tpu.memory_space<vmem>>, vector<1x16xf32>,
      %swap3A_139 = vector.shape_cast %swap3A_138 : vector<1x16xf32> to vector<16xf32>
      %swap3A_140 = vector.shape_cast %broadcast_in_dim3A_11 : vector<16xf32> to vector<1x16xf32>
      tpu.vector_store %arg21[%swap3A_136, %swap3A_137], %swap3A_140 {strides = array<i32>} : memref<16x128xf32, #tpu.memory_space<vmem>>, vector<1x16xf32>,
      %swap3A_141 = arith.index_cast %scan3A_120 : i32 to index
      %swap3A_142 = arith.constant 64 : index
      %swap3A_143 = tpu.vector_load %arg21[%swap3A_141, %swap3A_142] {strides = array<i32>} : memref<16x128xf32, #tpu.memory_space<vmem>>, vector<1x16xf32>,
      %swap3A_144 = vector.shape_cast %swap3A_143 : vector<1x16xf32> to vector<16xf32>
      %swap3A_145 = vector.shape_cast %broadcast_in_dim3A_11 : vector<16xf32> to vector<1x16xf32>
      tpu.vector_store %arg21[%swap3A_141, %swap3A_142], %swap3A_145 {strides = array<i32>} : memref<16x128xf32, #tpu.memory_space<vmem>>, vector<1x16xf32>,
      %swap3A_146 = arith.index_cast %scan3A_120 : i32 to index
      %swap3A_147 = arith.constant 80 : index
      %swap3A_148 = tpu.vector_load %arg21[%swap3A_146, %swap3A_147] {strides = array<i32>} : memref<16x128xf32, #tpu.memory_space<vmem>>, vector<1x16xf32>,
      %swap3A_149 = vector.shape_cast %swap3A_148 : vector<1x16xf32> to vector<16xf32>
      %swap3A_150 = vector.shape_cast %broadcast_in_dim3A_11 : vector<16xf32> to vector<1x16xf32>
      tpu.vector_store %arg21[%swap3A_146, %swap3A_147], %swap3A_150 {strides = array<i32>} : memref<16x128xf32, #tpu.memory_space<vmem>>, vector<1x16xf32>,
      %swap3A_151 = arith.index_cast %scan3A_120 : i32 to index
      %swap3A_152 = arith.constant 96 : index
      %swap3A_153 = tpu.vector_load %arg21[%swap3A_151, %swap3A_152] {strides = array<i32>} : memref<16x128xf32, #tpu.memory_space<vmem>>, vector<1x16xf32>,
      %swap3A_154 = vector.shape_cast %swap3A_153 : vector<1x16xf32> to vector<16xf32>
      %swap3A_155 = vector.shape_cast %broadcast_in_dim3A_11 : vector<16xf32> to vector<1x16xf32>
      tpu.vector_store %arg21[%swap3A_151, %swap3A_152], %swap3A_155 {strides = array<i32>} : memref<16x128xf32, #tpu.memory_space<vmem>>, vector<1x16xf32>,
      %swap3A_156 = arith.index_cast %scan3A_120 : i32 to index
      %swap3A_157 = arith.constant 112 : index
      %swap3A_158 = tpu.vector_load %arg21[%swap3A_156, %swap3A_157] {strides = array<i32>} : memref<16x128xf32, #tpu.memory_space<vmem>>, vector<1x16xf32>,
      %swap3A_159 = vector.shape_cast %swap3A_158 : vector<1x16xf32> to vector<16xf32>
      %swap3A_160 = vector.shape_cast %broadcast_in_dim3A_11 : vector<16xf32> to vector<1x16xf32>
      tpu.vector_store %arg21[%swap3A_156, %swap3A_157], %swap3A_160 {strides = array<i32>} : memref<16x128xf32, #tpu.memory_space<vmem>>, vector<1x16xf32>,
      %scan3A_161 = arith.constant 0 : i32
      scf.yield %scan3A_161 : i32
    }
    %scan3A_17 = arith.constant 16 : i32
    %mul3A_18 = arith.constant 720 : i32
    %mul3A_19 = arith.muli %arg1, %mul3A_18 : i32
    %scan3A_20 = arith.constant 0 : i32
    %scan3A_21 = arith.constant 0 : i32
    %scan3A_22 = arith.constant 45 : i32
    %scan3A_23 = arith.addi %scan3A_21, %scan3A_22 : i32
    %scan3A_24 = arith.constant 1 : i32
    %scan3A_25 = scf.for %scan3A_120 = %scan3A_21 to %scan3A_23 step %scan3A_24 iter_args(%scan3A_121 = %scan3A_20) -> (i32)  : i32 {
      %mul3A_122 = arith.constant 16 : i32
      %mul3A_123 = arith.muli %scan3A_120, %mul3A_122 : i32
      %add3A_124 = arith.addi %mul3A_19, %mul3A_123 : i32
      "tpu.region"() ({
        %run_scoped3A = tpu.sem_alloc : memref<!tpu.dma_semaphore, #tpu.memory_space<semaphore_mem>>
        %dma_start3A_126 = arith.constant 0 : i32
        %dma_start3A_127 = tpu.memref_slice %arg8[%add3A_124, %dma_start3A_126] : memref<11520x128xf32, #tpu.memory_space<vmem_shared>> -> memref<16x128xf32, #tpu.memory_space<vmem_shared>>
        %dma_start3A_128 = arith.constant 0 : i32
        %dma_start3A_129 = tpu.memref_slice %arg8[%add3A_124, %dma_start3A_128] : memref<11520x128xf32, #tpu.memory_space<vmem_shared>> -> memref<16x128xf32, #tpu.memory_space<vmem_shared>>
        tpu.enqueue_dma source(%arg21 : memref<16x128xf32, #tpu.memory_space<vmem>>) target(%dma_start3A_129 : memref<16x128xf32, #tpu.memory_space<vmem_shared>>) target_semaphore(%run_scoped3A : memref<!tpu.dma_semaphore, #tpu.memory_space<semaphore_mem>>)
        %dma_wait3A_130 = arith.constant 0 : i32
        %dma_wait3A_131 = tpu.memref_slice %arg8[%add3A_124, %dma_wait3A_130] : memref<11520x128xf32, #tpu.memory_space<vmem_shared>> -> memref<16x128xf32, #tpu.memory_space<vmem_shared>>
        %dma_wait3A_132 = arith.constant 0 : i32
        %dma_wait3A_133 = tpu.memref_slice %arg8[%add3A_124, %dma_wait3A_132] : memref<11520x128xf32, #tpu.memory_space<vmem_shared>> -> memref<16x128xf32, #tpu.memory_space<vmem_shared>>
        tpu.wait_dma2 semaphore(%run_scoped3A : memref<!tpu.dma_semaphore, #tpu.memory_space<semaphore_mem>>) src(%arg21 : memref<16x128xf32, #tpu.memory_space<vmem>>) dst(%dma_wait3A_133 : memref<16x128xf32, #tpu.memory_space<vmem_shared>>)
        tpu.yield
      }) : () -> ()
      %scan3A_125 = arith.constant 0 : i32
      scf.yield %scan3A_125 : i32
    }
    %scan3A_26 = arith.constant 45 : i32
    %barrier3A = arith.constant 0 : index
    tpu.barrier barrier_id(%barrier3A)
    %add3A_27 = arith.constant 0 : i32
    %add3A_28 = arith.addi %mul3A_2, %add3A_27 : i32
    "tpu.region"() ({
      %run_scoped3A = tpu.sem_alloc : memref<!tpu.dma_semaphore, #tpu.memory_space<semaphore_mem>>
      %dma_start3A_120 = tpu.memref_slice %arg2[%add3A_28] : memref<320000xi32, #tpu.memory_space<hbm>> -> memref<16xi32, #tpu.memory_space<hbm>>
      %dma_start3A_121 = tpu.memref_slice %arg2[%add3A_28] : memref<320000xi32, #tpu.memory_space<hbm>> -> memref<16xi32, #tpu.memory_space<hbm>>
      tpu.enqueue_dma source(%dma_start3A_121 : memref<16xi32, #tpu.memory_space<hbm>>) target(%arg9 : memref<16xi32, #tpu.memory_space<vmem>>) target_semaphore(%run_scoped3A : memref<!tpu.dma_semaphore, #tpu.memory_space<semaphore_mem>>)
      %dma_wait3A_122 = tpu.memref_slice %arg2[%add3A_28] : memref<320000xi32, #tpu.memory_space<hbm>> -> memref<16xi32, #tpu.memory_space<hbm>>
      %dma_wait3A_123 = tpu.memref_slice %arg2[%add3A_28] : memref<320000xi32, #tpu.memory_space<hbm>> -> memref<16xi32, #tpu.memory_space<hbm>>
      tpu.wait_dma2 semaphore(%run_scoped3A : memref<!tpu.dma_semaphore, #tpu.memory_space<semaphore_mem>>) src(%dma_wait3A_123 : memref<16xi32, #tpu.memory_space<hbm>>) dst(%arg9 : memref<16xi32, #tpu.memory_space<vmem>>)
      tpu.yield
    }) : () -> ()
    "tpu.region"() ({
      %run_scoped3A = tpu.sem_alloc : memref<!tpu.dma_semaphore, #tpu.memory_space<semaphore_mem>>
      %dma_start3A_120 = tpu.memref_slice %arg3[%add3A_28] : memref<320000xi32, #tpu.memory_space<hbm>> -> memref<16xi32, #tpu.memory_space<hbm>>
      %dma_start3A_121 = tpu.memref_slice %arg3[%add3A_28] : memref<320000xi32, #tpu.memory_space<hbm>> -> memref<16xi32, #tpu.memory_space<hbm>>
      tpu.enqueue_dma source(%dma_start3A_121 : memref<16xi32, #tpu.memory_space<hbm>>) target(%arg10 : memref<16xi32, #tpu.memory_space<vmem>>) target_semaphore(%run_scoped3A : memref<!tpu.dma_semaphore, #tpu.memory_space<semaphore_mem>>)
      %dma_wait3A_122 = tpu.memref_slice %arg3[%add3A_28] : memref<320000xi32, #tpu.memory_space<hbm>> -> memref<16xi32, #tpu.memory_space<hbm>>
      %dma_wait3A_123 = tpu.memref_slice %arg3[%add3A_28] : memref<320000xi32, #tpu.memory_space<hbm>> -> memref<16xi32, #tpu.memory_space<hbm>>
      tpu.wait_dma2 semaphore(%run_scoped3A : memref<!tpu.dma_semaphore, #tpu.memory_space<semaphore_mem>>) src(%dma_wait3A_123 : memref<16xi32, #tpu.memory_space<hbm>>) dst(%arg10 : memref<16xi32, #tpu.memory_space<vmem>>)
      tpu.yield
    }) : () -> ()
    %get3A = arith.constant 0 : index
    %get3A_29 = tpu.vector_load %arg9[%get3A] {strides = array<i32>} : memref<16xi32, #tpu.memory_space<vmem>>, vector<16xi32>,
    %get3A_30 = vector.shape_cast %get3A_29 : vector<16xi32> to vector<16xi32>
    %get3A_31 = arith.constant 0 : index
    %get3A_32 = tpu.vector_load %arg10[%get3A_31] {strides = array<i32>} : memref<16xi32, #tpu.memory_space<vmem>>, vector<16xi32>,
    %get3A_33 = vector.shape_cast %get3A_32 : vector<16xi32> to vector<16xi32>
    %dma_start3A = arith.constant 0 : i32
    %dma_start3A_34 = arith.constant 0 : i32
    %dma_start3A_35 = tpu.memref_slice %arg4[%dma_start3A, %dma_start3A_34] : memref<10000x128xf32, #tpu.memory_space<hbm>> -> memref<10000x128xf32, #tpu.memory_space<hbm>>
    tpu.enqueue_indirect_dma source(%dma_start3A_35 : memref<10000x128xf32, #tpu.memory_space<hbm>>) target(%arg13 : memref<16x128xf32, #tpu.memory_space<vmem>>) offsets(%get3A_30 : vector<16xi32>) semaphore(%arg22 : memref<!tpu.dma_semaphore, #tpu.memory_space<semaphore_mem>>)
    %dma_start3A_36 = arith.constant 0 : i32
    %dma_start3A_37 = arith.constant 0 : i32
    %dma_start3A_38 = tpu.memref_slice %arg5[%dma_start3A_36, %dma_start3A_37] : memref<10000x128xf32, #tpu.memory_space<hbm>> -> memref<10000x128xf32, #tpu.memory_space<hbm>>
    tpu.enqueue_indirect_dma source(%dma_start3A_38 : memref<10000x128xf32, #tpu.memory_space<hbm>>) target(%arg14 : memref<16x128xf32, #tpu.memory_space<vmem>>) offsets(%get3A_33 : vector<16xi32>) semaphore(%arg23 : memref<!tpu.dma_semaphore, #tpu.memory_space<semaphore_mem>>)
    %dma_start3A_39 = arith.constant 0 : i32
    %dma_start3A_40 = arith.constant 0 : i32
    %dma_start3A_41 = tpu.memref_slice %arg6[%dma_start3A_39, %dma_start3A_40] : memref<10000x128xf32, #tpu.memory_space<hbm>> -> memref<10000x128xf32, #tpu.memory_space<hbm>>
    tpu.enqueue_indirect_dma source(%dma_start3A_41 : memref<10000x128xf32, #tpu.memory_space<hbm>>) target(%arg15 : memref<16x128xf32, #tpu.memory_space<vmem>>) offsets(%get3A_33 : vector<16xi32>) semaphore(%arg24 : memref<!tpu.dma_semaphore, #tpu.memory_space<semaphore_mem>>)
    %scan3A_42 = arith.constant 0 : i32
    %scan3A_43 = arith.constant 0 : i32
    %scan3A_44 = arith.constant 312 : i32
    %scan3A_45 = arith.addi %scan3A_43, %scan3A_44 : i32
    %scan3A_46 = arith.constant 1 : i32
    %scan3A_47 = scf.for %scan3A_120 = %scan3A_43 to %scan3A_45 step %scan3A_46 iter_args(%scan3A_121 = %scan3A_42) -> (i32)  : i32 {
      %gt3A = arith.constant 0 : i32
      %gt3A_122 = arith.cmpi sgt, %scan3A_120, %gt3A : i32
      %convert_element_type3A_123 = arith.extui %gt3A_122 : i1 to i32
      %cond3A = arith.constant 0 : i32
      %cond3A_124 = arith.cmpi ne, %convert_element_type3A_123, %cond3A : i32
      scf.if %cond3A_124 {
        %dma_wait3A_268 = arith.constant 0 : i32
        %dma_wait3A_269 = arith.constant 0 : i32
        %dma_wait3A_270 = tpu.memref_slice %arg8[%dma_wait3A_268, %dma_wait3A_269] : memref<11520x128xf32, #tpu.memory_space<vmem_shared>> -> memref<16x128xf32, #tpu.memory_space<vmem_shared>>
        %dma_wait3A_271 = arith.constant 0 : i32
        %dma_wait3A_272 = arith.constant 0 : i32
        %dma_wait3A_273 = tpu.memref_slice %arg8[%dma_wait3A_271, %dma_wait3A_272] : memref<11520x128xf32, #tpu.memory_space<vmem_shared>> -> memref<16x128xf32, #tpu.memory_space<vmem_shared>>
        tpu.wait_dma2 semaphore(%arg30 : memref<!tpu.dma_semaphore, #tpu.memory_space<semaphore_mem>>) src(%arg19 : memref<16x128xf32, #tpu.memory_space<vmem>>) dst(%dma_wait3A_273 : memref<16x128xf32, #tpu.memory_space<vmem_shared>>)
        %dma_wait3A_274 = arith.constant 0 : i32
        %dma_wait3A_275 = arith.constant 0 : i32
        %dma_wait3A_276 = tpu.memref_slice %arg8[%dma_wait3A_274, %dma_wait3A_275] : memref<11520x128xf32, #tpu.memory_space<vmem_shared>> -> memref<16x128xf32, #tpu.memory_space<vmem_shared>>
        %dma_wait3A_277 = arith.constant 0 : i32
        %dma_wait3A_278 = arith.constant 0 : i32
        %dma_wait3A_279 = tpu.memref_slice %arg8[%dma_wait3A_277, %dma_wait3A_278] : memref<11520x128xf32, #tpu.memory_space<vmem_shared>> -> memref<16x128xf32, #tpu.memory_space<vmem_shared>>
        tpu.wait_dma2 semaphore(%arg31 : memref<!tpu.dma_semaphore, #tpu.memory_space<semaphore_mem>>) src(%arg20 : memref<16x128xf32, #tpu.memory_space<vmem>>) dst(%dma_wait3A_279 : memref<16x128xf32, #tpu.memory_space<vmem_shared>>)
      } else {
      }
      %mul3A_125 = arith.constant 2 : i32
      %mul3A_126 = arith.muli %mul3A_125, %scan3A_120 : i32
      %add3A_127 = arith.constant 1 : i32
      %add3A_128 = arith.addi %mul3A_126, %add3A_127 : i32
      %mul3A_129 = arith.constant 16 : i32
      %mul3A_130 = arith.muli %add3A_128, %mul3A_129 : i32
      %add3A_131 = arith.addi %mul3A_2, %mul3A_130 : i32
      "tpu.region"() ({
        %run_scoped3A = tpu.sem_alloc : memref<!tpu.dma_semaphore, #tpu.memory_space<semaphore_mem>>
        %dma_start3A_268 = tpu.memref_slice %arg2[%add3A_131] : memref<320000xi32, #tpu.memory_space<hbm>> -> memref<16xi32, #tpu.memory_space<hbm>>
        %dma_start3A_269 = tpu.memref_slice %arg2[%add3A_131] : memref<320000xi32, #tpu.memory_space<hbm>> -> memref<16xi32, #tpu.memory_space<hbm>>
        tpu.enqueue_dma source(%dma_start3A_269 : memref<16xi32, #tpu.memory_space<hbm>>) target(%arg11 : memref<16xi32, #tpu.memory_space<vmem>>) target_semaphore(%run_scoped3A : memref<!tpu.dma_semaphore, #tpu.memory_space<semaphore_mem>>)
        %dma_wait3A_270 = tpu.memref_slice %arg2[%add3A_131] : memref<320000xi32, #tpu.memory_space<hbm>> -> memref<16xi32, #tpu.memory_space<hbm>>
        %dma_wait3A_271 = tpu.memref_slice %arg2[%add3A_131] : memref<320000xi32, #tpu.memory_space<hbm>> -> memref<16xi32, #tpu.memory_space<hbm>>
        tpu.wait_dma2 semaphore(%run_scoped3A : memref<!tpu.dma_semaphore, #tpu.memory_space<semaphore_mem>>) src(%dma_wait3A_271 : memref<16xi32, #tpu.memory_space<hbm>>) dst(%arg11 : memref<16xi32, #tpu.memory_space<vmem>>)
        tpu.yield
      }) : () -> ()
      "tpu.region"() ({
        %run_scoped3A = tpu.sem_alloc : memref<!tpu.dma_semaphore, #tpu.memory_space<semaphore_mem>>
        %dma_start3A_268 = tpu.memref_slice %arg3[%add3A_131] : memref<320000xi32, #tpu.memory_space<hbm>> -> memref<16xi32, #tpu.memory_space<hbm>>
        %dma_start3A_269 = tpu.memref_slice %arg3[%add3A_131] : memref<320000xi32, #tpu.memory_space<hbm>> -> memref<16xi32, #tpu.memory_space<hbm>>
        tpu.enqueue_dma source(%dma_start3A_269 : memref<16xi32, #tpu.memory_space<hbm>>) target(%arg12 : memref<16xi32, #tpu.memory_space<vmem>>) target_semaphore(%run_scoped3A : memref<!tpu.dma_semaphore, #tpu.memory_space<semaphore_mem>>)
        %dma_wait3A_270 = tpu.memref_slice %arg3[%add3A_131] : memref<320000xi32, #tpu.memory_space<hbm>> -> memref<16xi32, #tpu.memory_space<hbm>>
        %dma_wait3A_271 = tpu.memref_slice %arg3[%add3A_131] : memref<320000xi32, #tpu.memory_space<hbm>> -> memref<16xi32, #tpu.memory_space<hbm>>
        tpu.wait_dma2 semaphore(%run_scoped3A : memref<!tpu.dma_semaphore, #tpu.memory_space<semaphore_mem>>) src(%dma_wait3A_271 : memref<16xi32, #tpu.memory_space<hbm>>) dst(%arg12 : memref<16xi32, #tpu.memory_space<vmem>>)
        tpu.yield
      }) : () -> ()
      %get3A_132 = arith.constant 0 : index
      %get3A_133 = tpu.vector_load %arg11[%get3A_132] {strides = array<i32>} : memref<16xi32, #tpu.memory_space<vmem>>, vector<16xi32>,
      %get3A_134 = vector.shape_cast %get3A_133 : vector<16xi32> to vector<16xi32>
      %get3A_135 = arith.constant 0 : index
      %get3A_136 = tpu.vector_load %arg12[%get3A_135] {strides = array<i32>} : memref<16xi32, #tpu.memory_space<vmem>>, vector<16xi32>,
      %get3A_137 = vector.shape_cast %get3A_136 : vector<16xi32> to vector<16xi32>
      %dma_start3A_138 = arith.constant 0 : i32
      %dma_start3A_139 = arith.constant 0 : i32
      %dma_start3A_140 = tpu.memref_slice %arg4[%dma_start3A_138, %dma_start3A_139] : memref<10000x128xf32, #tpu.memory_space<hbm>> -> memref<10000x128xf32, #tpu.memory_space<hbm>>
      tpu.enqueue_indirect_dma source(%dma_start3A_140 : memref<10000x128xf32, #tpu.memory_space<hbm>>) target(%arg17 : memref<16x128xf32, #tpu.memory_space<vmem>>) offsets(%get3A_134 : vector<16xi32>) semaphore(%arg27 : memref<!tpu.dma_semaphore, #tpu.memory_space<semaphore_mem>>)
      %dma_start3A_141 = arith.constant 0 : i32
      %dma_start3A_142 = arith.constant 0 : i32
      %dma_start3A_143 = tpu.memref_slice %arg5[%dma_start3A_141, %dma_start3A_142] : memref<10000x128xf32, #tpu.memory_space<hbm>> -> memref<10000x128xf32, #tpu.memory_space<hbm>>
      tpu.enqueue_indirect_dma source(%dma_start3A_143 : memref<10000x128xf32, #tpu.memory_space<hbm>>) target(%arg18 : memref<16x128xf32, #tpu.memory_space<vmem>>) offsets(%get3A_137 : vector<16xi32>) semaphore(%arg28 : memref<!tpu.dma_semaphore, #tpu.memory_space<semaphore_mem>>)
      %dma_start3A_144 = arith.constant 0 : i32
      %dma_start3A_145 = arith.constant 0 : i32
      %dma_start3A_146 = tpu.memref_slice %arg6[%dma_start3A_144, %dma_start3A_145] : memref<10000x128xf32, #tpu.memory_space<hbm>> -> memref<10000x128xf32, #tpu.memory_space<hbm>>
      tpu.enqueue_indirect_dma source(%dma_start3A_146 : memref<10000x128xf32, #tpu.memory_space<hbm>>) target(%arg19 : memref<16x128xf32, #tpu.memory_space<vmem>>) offsets(%get3A_137 : vector<16xi32>) semaphore(%arg29 : memref<!tpu.dma_semaphore, #tpu.memory_space<semaphore_mem>>)
      %dma_wait3A_147 = arith.constant 0 : i32
      %dma_wait3A_148 = arith.constant 0 : i32
      %dma_wait3A_149 = tpu.memref_slice %arg4[%dma_wait3A_147, %dma_wait3A_148] : memref<10000x128xf32, #tpu.memory_space<hbm>> -> memref<16x128xf32, #tpu.memory_space<hbm>>
      %dma_wait3A_150 = arith.constant 0 : i32
      %dma_wait3A_151 = arith.constant 0 : i32
      %dma_wait3A_152 = tpu.memref_slice %arg4[%dma_wait3A_150, %dma_wait3A_151] : memref<10000x128xf32, #tpu.memory_space<hbm>> -> memref<16x128xf32, #tpu.memory_space<hbm>>
      tpu.wait_dma2 semaphore(%arg22 : memref<!tpu.dma_semaphore, #tpu.memory_space<semaphore_mem>>) src(%dma_wait3A_152 : memref<16x128xf32, #tpu.memory_space<hbm>>) dst(%arg13 : memref<16x128xf32, #tpu.memory_space<vmem>>)
      %dma_wait3A_153 = arith.constant 0 : i32
      %dma_wait3A_154 = arith.constant 0 : i32
      %dma_wait3A_155 = tpu.memref_slice %arg5[%dma_wait3A_153, %dma_wait3A_154] : memref<10000x128xf32, #tpu.memory_space<hbm>> -> memref<16x128xf32, #tpu.memory_space<hbm>>
      %dma_wait3A_156 = arith.constant 0 : i32
      %dma_wait3A_157 = arith.constant 0 : i32
      %dma_wait3A_158 = tpu.memref_slice %arg5[%dma_wait3A_156, %dma_wait3A_157] : memref<10000x128xf32, #tpu.memory_space<hbm>> -> memref<16x128xf32, #tpu.memory_space<hbm>>
      tpu.wait_dma2 semaphore(%arg23 : memref<!tpu.dma_semaphore, #tpu.memory_space<semaphore_mem>>) src(%dma_wait3A_158 : memref<16x128xf32, #tpu.memory_space<hbm>>) dst(%arg14 : memref<16x128xf32, #tpu.memory_space<vmem>>)
      %dma_wait3A_159 = arith.constant 0 : i32
      %dma_wait3A_160 = arith.constant 0 : i32
      %dma_wait3A_161 = tpu.memref_slice %arg6[%dma_wait3A_159, %dma_wait3A_160] : memref<10000x128xf32, #tpu.memory_space<hbm>> -> memref<16x128xf32, #tpu.memory_space<hbm>>
      %dma_wait3A_162 = arith.constant 0 : i32
      %dma_wait3A_163 = arith.constant 0 : i32
      %dma_wait3A_164 = tpu.memref_slice %arg6[%dma_wait3A_162, %dma_wait3A_163] : memref<10000x128xf32, #tpu.memory_space<hbm>> -> memref<16x128xf32, #tpu.memory_space<hbm>>
      tpu.wait_dma2 semaphore(%arg24 : memref<!tpu.dma_semaphore, #tpu.memory_space<semaphore_mem>>) src(%dma_wait3A_164 : memref<16x128xf32, #tpu.memory_space<hbm>>) dst(%arg15 : memref<16x128xf32, #tpu.memory_space<vmem>>)
      %get3A_165 = arith.constant 0 : index
      %get3A_166 = tpu.vector_load %arg9[%get3A_165] {strides = array<i32>} : memref<16xi32, #tpu.memory_space<vmem>>, vector<16xi32>,
      %get3A_167 = vector.shape_cast %get3A_166 : vector<16xi32> to vector<16xi32>
      %and3A_168 = arith.constant 7 : i32
      %and3A_169 = vector.broadcast %and3A_168 : i32 to vector<16xi32>
      %and3A_170 = arith.andi %get3A_167, %and3A_169 : vector<16xi32>
      %convert_element_type3A_171 = arith.sitofp %and3A_170 : vector<16xi32> to vector<16xf32>
      %parallel_loop3A_172 = arith.constant 0 : i32
      %parallel_loop3A_173 = arith.constant 16 : i32
      %parallel_loop3A_174 = arith.constant 1 : i32
      scf.for %parallel_loop3A_268 = %parallel_loop3A_172 to %parallel_loop3A_173 step %parallel_loop3A_174  : i32 {
        %parallel_loop3A_269 = arith.index_cast %parallel_loop3A_268 : i32 to index
        %parallel_loop3A_270 = arith.constant 0 : index
        %parallel_loop3A_271 = tpu.vector_load %arg13[%parallel_loop3A_269, %parallel_loop3A_270] {strides = array<i32>} : memref<16x128xf32, #tpu.memory_space<vmem>>, vector<1x16xf32>,
        %parallel_loop3A_272 = vector.shape_cast %parallel_loop3A_271 : vector<1x16xf32> to vector<16xf32>
        %parallel_loop3A_273 = arith.index_cast %parallel_loop3A_268 : i32 to index
        %parallel_loop3A_274 = arith.constant 0 : index
        %parallel_loop3A_275 = tpu.vector_load %arg14[%parallel_loop3A_273, %parallel_loop3A_274] {strides = array<i32>} : memref<16x128xf32, #tpu.memory_space<vmem>>, vector<1x16xf32>,
        %parallel_loop3A_276 = vector.shape_cast %parallel_loop3A_275 : vector<1x16xf32> to vector<16xf32>
        %parallel_loop3A_277 = arith.mulf %parallel_loop3A_272, %parallel_loop3A_276 : vector<16xf32>
        %parallel_loop3A_278 = arith.index_cast %parallel_loop3A_268 : i32 to index
        %parallel_loop3A_279 = arith.constant 16 : index
        %parallel_loop3A_280 = tpu.vector_load %arg13[%parallel_loop3A_278, %parallel_loop3A_279] {strides = array<i32>} : memref<16x128xf32, #tpu.memory_space<vmem>>, vector<1x16xf32>,
        %parallel_loop3A_281 = vector.shape_cast %parallel_loop3A_280 : vector<1x16xf32> to vector<16xf32>
        %parallel_loop3A_282 = arith.index_cast %parallel_loop3A_268 : i32 to index
        %parallel_loop3A_283 = arith.constant 16 : index
        %parallel_loop3A_284 = tpu.vector_load %arg14[%parallel_loop3A_282, %parallel_loop3A_283] {strides = array<i32>} : memref<16x128xf32, #tpu.memory_space<vmem>>, vector<1x16xf32>,
        %parallel_loop3A_285 = vector.shape_cast %parallel_loop3A_284 : vector<1x16xf32> to vector<16xf32>
        %parallel_loop3A_286 = arith.mulf %parallel_loop3A_281, %parallel_loop3A_285 : vector<16xf32>
        %parallel_loop3A_287 = arith.addf %parallel_loop3A_277, %parallel_loop3A_286 : vector<16xf32>
        %parallel_loop3A_288 = arith.index_cast %parallel_loop3A_268 : i32 to index
        %parallel_loop3A_289 = arith.constant 32 : index
        %parallel_loop3A_290 = tpu.vector_load %arg13[%parallel_loop3A_288, %parallel_loop3A_289] {strides = array<i32>} : memref<16x128xf32, #tpu.memory_space<vmem>>, vector<1x16xf32>,
        %parallel_loop3A_291 = vector.shape_cast %parallel_loop3A_290 : vector<1x16xf32> to vector<16xf32>
        %parallel_loop3A_292 = arith.index_cast %parallel_loop3A_268 : i32 to index
        %parallel_loop3A_293 = arith.constant 32 : index
        %parallel_loop3A_294 = tpu.vector_load %arg14[%parallel_loop3A_292, %parallel_loop3A_293] {strides = array<i32>} : memref<16x128xf32, #tpu.memory_space<vmem>>, vector<1x16xf32>,
        %parallel_loop3A_295 = vector.shape_cast %parallel_loop3A_294 : vector<1x16xf32> to vector<16xf32>
        %parallel_loop3A_296 = arith.mulf %parallel_loop3A_291, %parallel_loop3A_295 : vector<16xf32>
        %parallel_loop3A_297 = arith.addf %parallel_loop3A_287, %parallel_loop3A_296 : vector<16xf32>
        %parallel_loop3A_298 = arith.index_cast %parallel_loop3A_268 : i32 to index
        %parallel_loop3A_299 = arith.constant 48 : index
        %parallel_loop3A_300 = tpu.vector_load %arg13[%parallel_loop3A_298, %parallel_loop3A_299] {strides = array<i32>} : memref<16x128xf32, #tpu.memory_space<vmem>>, vector<1x16xf32>,
        %parallel_loop3A_301 = vector.shape_cast %parallel_loop3A_300 : vector<1x16xf32> to vector<16xf32>
        %parallel_loop3A_302 = arith.index_cast %parallel_loop3A_268 : i32 to index
        %parallel_loop3A_303 = arith.constant 48 : index
        %parallel_loop3A_304 = tpu.vector_load %arg14[%parallel_loop3A_302, %parallel_loop3A_303] {strides = array<i32>} : memref<16x128xf32, #tpu.memory_space<vmem>>, vector<1x16xf32>,
        %parallel_loop3A_305 = vector.shape_cast %parallel_loop3A_304 : vector<1x16xf32> to vector<16xf32>
        %parallel_loop3A_306 = arith.mulf %parallel_loop3A_301, %parallel_loop3A_305 : vector<16xf32>
        %parallel_loop3A_307 = arith.addf %parallel_loop3A_297, %parallel_loop3A_306 : vector<16xf32>
        %parallel_loop3A_308 = arith.index_cast %parallel_loop3A_268 : i32 to index
        %parallel_loop3A_309 = arith.constant 64 : index
        %parallel_loop3A_310 = tpu.vector_load %arg13[%parallel_loop3A_308, %parallel_loop3A_309] {strides = array<i32>} : memref<16x128xf32, #tpu.memory_space<vmem>>, vector<1x16xf32>,
        %parallel_loop3A_311 = vector.shape_cast %parallel_loop3A_310 : vector<1x16xf32> to vector<16xf32>
        %parallel_loop3A_312 = arith.index_cast %parallel_loop3A_268 : i32 to index
        %parallel_loop3A_313 = arith.constant 64 : index
        %parallel_loop3A_314 = tpu.vector_load %arg14[%parallel_loop3A_312, %parallel_loop3A_313] {strides = array<i32>} : memref<16x128xf32, #tpu.memory_space<vmem>>, vector<1x16xf32>,
        %parallel_loop3A_315 = vector.shape_cast %parallel_loop3A_314 : vector<1x16xf32> to vector<16xf32>
        %parallel_loop3A_316 = arith.mulf %parallel_loop3A_311, %parallel_loop3A_315 : vector<16xf32>
        %parallel_loop3A_317 = arith.addf %parallel_loop3A_307, %parallel_loop3A_316 : vector<16xf32>
        %parallel_loop3A_318 = arith.index_cast %parallel_loop3A_268 : i32 to index
        %parallel_loop3A_319 = arith.constant 80 : index
        %parallel_loop3A_320 = tpu.vector_load %arg13[%parallel_loop3A_318, %parallel_loop3A_319] {strides = array<i32>} : memref<16x128xf32, #tpu.memory_space<vmem>>, vector<1x16xf32>,
        %parallel_loop3A_321 = vector.shape_cast %parallel_loop3A_320 : vector<1x16xf32> to vector<16xf32>
        %parallel_loop3A_322 = arith.index_cast %parallel_loop3A_268 : i32 to index
        %parallel_loop3A_323 = arith.constant 80 : index
        %parallel_loop3A_324 = tpu.vector_load %arg14[%parallel_loop3A_322, %parallel_loop3A_323] {strides = array<i32>} : memref<16x128xf32, #tpu.memory_space<vmem>>, vector<1x16xf32>,
        %parallel_loop3A_325 = vector.shape_cast %parallel_loop3A_324 : vector<1x16xf32> to vector<16xf32>
        %parallel_loop3A_326 = arith.mulf %parallel_loop3A_321, %parallel_loop3A_325 : vector<16xf32>
        %parallel_loop3A_327 = arith.addf %parallel_loop3A_317, %parallel_loop3A_326 : vector<16xf32>
        %parallel_loop3A_328 = arith.index_cast %parallel_loop3A_268 : i32 to index
        %parallel_loop3A_329 = arith.constant 96 : index
        %parallel_loop3A_330 = tpu.vector_load %arg13[%parallel_loop3A_328, %parallel_loop3A_329] {strides = array<i32>} : memref<16x128xf32, #tpu.memory_space<vmem>>, vector<1x16xf32>,
        %parallel_loop3A_331 = vector.shape_cast %parallel_loop3A_330 : vector<1x16xf32> to vector<16xf32>
        %parallel_loop3A_332 = arith.index_cast %parallel_loop3A_268 : i32 to index
        %parallel_loop3A_333 = arith.constant 96 : index
        %parallel_loop3A_334 = tpu.vector_load %arg14[%parallel_loop3A_332, %parallel_loop3A_333] {strides = array<i32>} : memref<16x128xf32, #tpu.memory_space<vmem>>, vector<1x16xf32>,
        %parallel_loop3A_335 = vector.shape_cast %parallel_loop3A_334 : vector<1x16xf32> to vector<16xf32>
        %parallel_loop3A_336 = arith.mulf %parallel_loop3A_331, %parallel_loop3A_335 : vector<16xf32>
        %parallel_loop3A_337 = arith.addf %parallel_loop3A_327, %parallel_loop3A_336 : vector<16xf32>
        %parallel_loop3A_338 = arith.index_cast %parallel_loop3A_268 : i32 to index
        %parallel_loop3A_339 = arith.constant 112 : index
        %parallel_loop3A_340 = tpu.vector_load %arg13[%parallel_loop3A_338, %parallel_loop3A_339] {strides = array<i32>} : memref<16x128xf32, #tpu.memory_space<vmem>>, vector<1x16xf32>,
        %parallel_loop3A_341 = vector.shape_cast %parallel_loop3A_340 : vector<1x16xf32> to vector<16xf32>
        %parallel_loop3A_342 = arith.index_cast %parallel_loop3A_268 : i32 to index
        %parallel_loop3A_343 = arith.constant 112 : index
        %parallel_loop3A_344 = tpu.vector_load %arg14[%parallel_loop3A_342, %parallel_loop3A_343] {strides = array<i32>} : memref<16x128xf32, #tpu.memory_space<vmem>>, vector<1x16xf32>,
        %parallel_loop3A_345 = vector.shape_cast %parallel_loop3A_344 : vector<1x16xf32> to vector<16xf32>
        %parallel_loop3A_346 = arith.mulf %parallel_loop3A_341, %parallel_loop3A_345 : vector<16xf32>
        %parallel_loop3A_347 = arith.addf %parallel_loop3A_337, %parallel_loop3A_346 : vector<16xf32>
        %parallel_loop3A_348 = vector.shape_cast %and3A_7 : vector<16xi32> to vector<16x1xi32>
        %parallel_loop3A_349 = vector.shape_cast %parallel_loop3A_348 : vector<16x1xi32> to vector<16xi32>
        %parallel_loop3A_350 = tpu.dynamic_gather %parallel_loop3A_347[%parallel_loop3A_349] in [0] : vector<16xf32>, vector<16xi32> -> vector<16xf32>
        %parallel_loop3A_351 = arith.addf %parallel_loop3A_347, %parallel_loop3A_350 : vector<16xf32>
        %parallel_loop3A_352 = arith.constant 8 : i32
        %parallel_loop3A_353 = vector.broadcast %parallel_loop3A_352 : i32 to vector<16xi32>
        %parallel_loop3A_354 = arith.cmpi slt, %iota3A, %parallel_loop3A_353 : vector<16xi32>
        %parallel_loop3A_355 = arith.constant 0.000000e+00 : f32
        %parallel_loop3A_356 = vector.broadcast %parallel_loop3A_355 : f32 to vector<16xf32>
        %parallel_loop3A_357 = arith.select %parallel_loop3A_354, %parallel_loop3A_351, %parallel_loop3A_356 : vector<16xi1>, vector<16xf32>
        %parallel_loop3A_358 = math.exp %parallel_loop3A_357 : vector<16xf32>
        %parallel_loop3A_359 = arith.constant 8 : i32
        %parallel_loop3A_360 = vector.broadcast %parallel_loop3A_359 : i32 to vector<16xi32>
        %parallel_loop3A_361 = arith.cmpi slt, %iota3A, %parallel_loop3A_360 : vector<16xi32>
        %parallel_loop3A_362 = arith.constant 0.000000e+00 : f32
        %parallel_loop3A_363 = vector.broadcast %parallel_loop3A_362 : f32 to vector<16xf32>
        %parallel_loop3A_364 = arith.select %parallel_loop3A_361, %parallel_loop3A_358, %parallel_loop3A_363 : vector<16xi1>, vector<16xf32>
        %parallel_loop3A_365 = arith.constant 0 : i32
        %parallel_loop3A_366 = vector.broadcast %parallel_loop3A_365 : i32 to vector<16xi32>
        %parallel_loop3A_367 = arith.muli %iota3A, %parallel_loop3A_366 : vector<16xi32>
        %parallel_loop3A_368 = vector.broadcast %parallel_loop3A_268 : i32 to vector<16xi32>
        %parallel_loop3A_369 = arith.addi %parallel_loop3A_367, %parallel_loop3A_368 : vector<16xi32>
        %parallel_loop3A_370 = vector.shape_cast %parallel_loop3A_369 : vector<16xi32> to vector<16x1xi32>
        %parallel_loop3A_371 = vector.shape_cast %parallel_loop3A_370 : vector<16x1xi32> to vector<16xi32>
        %parallel_loop3A_372 = tpu.dynamic_gather %convert_element_type3A_171[%parallel_loop3A_371] in [0] : vector<16xf32>, vector<16xi32> -> vector<16xf32>
        %parallel_loop3A_373 = arith.constant 0.000000e+00 : f32
        %parallel_loop3A_374 = vector.broadcast %parallel_loop3A_373 : f32 to vector<16xf32>
        %parallel_loop3A_375 = arith.subf %parallel_loop3A_372, %parallel_loop3A_374 : vector<16xf32>
        %parallel_loop3A_376 = arith.mulf %parallel_loop3A_375, %parallel_loop3A_375 : vector<16xf32>
        %parallel_loop3A_377 = arith.constant 1.000000e+00 : f32
        %parallel_loop3A_378 = vector.broadcast %parallel_loop3A_377 : f32 to vector<16xf32>
        %parallel_loop3A_379 = arith.subf %parallel_loop3A_378, %parallel_loop3A_376 : vector<16xf32>
        %parallel_loop3A_380 = arith.constant 0.000000e+00 : f32
        %parallel_loop3A_381 = vector.broadcast %parallel_loop3A_380 : f32 to vector<16xf32>
        %parallel_loop3A_382 = arith.maximumf %parallel_loop3A_379, %parallel_loop3A_381 : vector<16xf32>
        %parallel_loop3A_383 = arith.mulf %parallel_loop3A_364, %parallel_loop3A_382 : vector<16xf32>
        %parallel_loop3A_384 = arith.index_cast %parallel_loop3A_268 : i32 to index
        %parallel_loop3A_385 = arith.constant 0 : index
        %parallel_loop3A_386 = tpu.vector_load %arg16[%parallel_loop3A_384, %parallel_loop3A_385] {strides = array<i32>} : memref<16x128xf32, #tpu.memory_space<vmem>>, vector<1x16xf32>,
        %parallel_loop3A_387 = vector.shape_cast %parallel_loop3A_386 : vector<1x16xf32> to vector<16xf32>
        %parallel_loop3A_388 = vector.shape_cast %parallel_loop3A_383 : vector<16xf32> to vector<1x16xf32>
        tpu.vector_store %arg16[%parallel_loop3A_384, %parallel_loop3A_385], %parallel_loop3A_388 {strides = array<i32>} : memref<16x128xf32, #tpu.memory_space<vmem>>, vector<1x16xf32>,
        %parallel_loop3A_389 = arith.constant 1.000000e+00 : f32
        %parallel_loop3A_390 = vector.broadcast %parallel_loop3A_389 : f32 to vector<16xf32>
        %parallel_loop3A_391 = arith.subf %parallel_loop3A_372, %parallel_loop3A_390 : vector<16xf32>
        %parallel_loop3A_392 = arith.mulf %parallel_loop3A_391, %parallel_loop3A_391 : vector<16xf32>
        %parallel_loop3A_393 = arith.constant 1.000000e+00 : f32
        %parallel_loop3A_394 = vector.broadcast %parallel_loop3A_393 : f32 to vector<16xf32>
        %parallel_loop3A_395 = arith.subf %parallel_loop3A_394, %parallel_loop3A_392 : vector<16xf32>
        %parallel_loop3A_396 = arith.constant 0.000000e+00 : f32
        %parallel_loop3A_397 = vector.broadcast %parallel_loop3A_396 : f32 to vector<16xf32>
        %parallel_loop3A_398 = arith.maximumf %parallel_loop3A_395, %parallel_loop3A_397 : vector<16xf32>
        %parallel_loop3A_399 = arith.mulf %parallel_loop3A_364, %parallel_loop3A_398 : vector<16xf32>
        %parallel_loop3A_400 = arith.index_cast %parallel_loop3A_268 : i32 to index
        %parallel_loop3A_401 = arith.constant 16 : index
        %parallel_loop3A_402 = tpu.vector_load %arg16[%parallel_loop3A_400, %parallel_loop3A_401] {strides = array<i32>} : memref<16x128xf32, #tpu.memory_space<vmem>>, vector<1x16xf32>,
        %parallel_loop3A_403 = vector.shape_cast %parallel_loop3A_402 : vector<1x16xf32> to vector<16xf32>
        %parallel_loop3A_404 = vector.shape_cast %parallel_loop3A_399 : vector<16xf32> to vector<1x16xf32>
        tpu.vector_store %arg16[%parallel_loop3A_400, %parallel_loop3A_401], %parallel_loop3A_404 {strides = array<i32>} : memref<16x128xf32, #tpu.memory_space<vmem>>, vector<1x16xf32>,
        %parallel_loop3A_405 = arith.constant 2.000000e+00 : f32
        %parallel_loop3A_406 = vector.broadcast %parallel_loop3A_405 : f32 to vector<16xf32>
        %parallel_loop3A_407 = arith.subf %parallel_loop3A_372, %parallel_loop3A_406 : vector<16xf32>
        %parallel_loop3A_408 = arith.mulf %parallel_loop3A_407, %parallel_loop3A_407 : vector<16xf32>
        %parallel_loop3A_409 = arith.constant 1.000000e+00 : f32
        %parallel_loop3A_410 = vector.broadcast %parallel_loop3A_409 : f32 to vector<16xf32>
        %parallel_loop3A_411 = arith.subf %parallel_loop3A_410, %parallel_loop3A_408 : vector<16xf32>
        %parallel_loop3A_412 = arith.constant 0.000000e+00 : f32
        %parallel_loop3A_413 = vector.broadcast %parallel_loop3A_412 : f32 to vector<16xf32>
        %parallel_loop3A_414 = arith.maximumf %parallel_loop3A_411, %parallel_loop3A_413 : vector<16xf32>
        %parallel_loop3A_415 = arith.mulf %parallel_loop3A_364, %parallel_loop3A_414 : vector<16xf32>
        %parallel_loop3A_416 = arith.index_cast %parallel_loop3A_268 : i32 to index
        %parallel_loop3A_417 = arith.constant 32 : index
        %parallel_loop3A_418 = tpu.vector_load %arg16[%parallel_loop3A_416, %parallel_loop3A_417] {strides = array<i32>} : memref<16x128xf32, #tpu.memory_space<vmem>>, vector<1x16xf32>,
        %parallel_loop3A_419 = vector.shape_cast %parallel_loop3A_418 : vector<1x16xf32> to vector<16xf32>
        %parallel_loop3A_420 = vector.shape_cast %parallel_loop3A_415 : vector<16xf32> to vector<1x16xf32>
        tpu.vector_store %arg16[%parallel_loop3A_416, %parallel_loop3A_417], %parallel_loop3A_420 {strides = array<i32>} : memref<16x128xf32, #tpu.memory_space<vmem>>, vector<1x16xf32>,
        %parallel_loop3A_421 = arith.constant 3.000000e+00 : f32
        %parallel_loop3A_422 = vector.broadcast %parallel_loop3A_421 : f32 to vector<16xf32>
        %parallel_loop3A_423 = arith.subf %parallel_loop3A_372, %parallel_loop3A_422 : vector<16xf32>
        %parallel_loop3A_424 = arith.mulf %parallel_loop3A_423, %parallel_loop3A_423 : vector<16xf32>
        %parallel_loop3A_425 = arith.constant 1.000000e+00 : f32
        %parallel_loop3A_426 = vector.broadcast %parallel_loop3A_425 : f32 to vector<16xf32>
        %parallel_loop3A_427 = arith.subf %parallel_loop3A_426, %parallel_loop3A_424 : vector<16xf32>
        %parallel_loop3A_428 = arith.constant 0.000000e+00 : f32
        %parallel_loop3A_429 = vector.broadcast %parallel_loop3A_428 : f32 to vector<16xf32>
        %parallel_loop3A_430 = arith.maximumf %parallel_loop3A_427, %parallel_loop3A_429 : vector<16xf32>
        %parallel_loop3A_431 = arith.mulf %parallel_loop3A_364, %parallel_loop3A_430 : vector<16xf32>
        %parallel_loop3A_432 = arith.index_cast %parallel_loop3A_268 : i32 to index
        %parallel_loop3A_433 = arith.constant 48 : index
        %parallel_loop3A_434 = tpu.vector_load %arg16[%parallel_loop3A_432, %parallel_loop3A_433] {strides = array<i32>} : memref<16x128xf32, #tpu.memory_space<vmem>>, vector<1x16xf32>,
        %parallel_loop3A_435 = vector.shape_cast %parallel_loop3A_434 : vector<1x16xf32> to vector<16xf32>
        %parallel_loop3A_436 = vector.shape_cast %parallel_loop3A_431 : vector<16xf32> to vector<1x16xf32>
        tpu.vector_store %arg16[%parallel_loop3A_432, %parallel_loop3A_433], %parallel_loop3A_436 {strides = array<i32>} : memref<16x128xf32, #tpu.memory_space<vmem>>, vector<1x16xf32>,
        %parallel_loop3A_437 = arith.constant 4.000000e+00 : f32
        %parallel_loop3A_438 = vector.broadcast %parallel_loop3A_437 : f32 to vector<16xf32>
        %parallel_loop3A_439 = arith.subf %parallel_loop3A_372, %parallel_loop3A_438 : vector<16xf32>
        %parallel_loop3A_440 = arith.mulf %parallel_loop3A_439, %parallel_loop3A_439 : vector<16xf32>
        %parallel_loop3A_441 = arith.constant 1.000000e+00 : f32
        %parallel_loop3A_442 = vector.broadcast %parallel_loop3A_441 : f32 to vector<16xf32>
        %parallel_loop3A_443 = arith.subf %parallel_loop3A_442, %parallel_loop3A_440 : vector<16xf32>
        %parallel_loop3A_444 = arith.constant 0.000000e+00 : f32
        %parallel_loop3A_445 = vector.broadcast %parallel_loop3A_444 : f32 to vector<16xf32>
        %parallel_loop3A_446 = arith.maximumf %parallel_loop3A_443, %parallel_loop3A_445 : vector<16xf32>
        %parallel_loop3A_447 = arith.mulf %parallel_loop3A_364, %parallel_loop3A_446 : vector<16xf32>
        %parallel_loop3A_448 = arith.index_cast %parallel_loop3A_268 : i32 to index
        %parallel_loop3A_449 = arith.constant 64 : index
        %parallel_loop3A_450 = tpu.vector_load %arg16[%parallel_loop3A_448, %parallel_loop3A_449] {strides = array<i32>} : memref<16x128xf32, #tpu.memory_space<vmem>>, vector<1x16xf32>,
        %parallel_loop3A_451 = vector.shape_cast %parallel_loop3A_450 : vector<1x16xf32> to vector<16xf32>
        %parallel_loop3A_452 = vector.shape_cast %parallel_loop3A_447 : vector<16xf32> to vector<1x16xf32>
        tpu.vector_store %arg16[%parallel_loop3A_448, %parallel_loop3A_449], %parallel_loop3A_452 {strides = array<i32>} : memref<16x128xf32, #tpu.memory_space<vmem>>, vector<1x16xf32>,
        %parallel_loop3A_453 = arith.constant 5.000000e+00 : f32
        %parallel_loop3A_454 = vector.broadcast %parallel_loop3A_453 : f32 to vector<16xf32>
        %parallel_loop3A_455 = arith.subf %parallel_loop3A_372, %parallel_loop3A_454 : vector<16xf32>
        %parallel_loop3A_456 = arith.mulf %parallel_loop3A_455, %parallel_loop3A_455 : vector<16xf32>
        %parallel_loop3A_457 = arith.constant 1.000000e+00 : f32
        %parallel_loop3A_458 = vector.broadcast %parallel_loop3A_457 : f32 to vector<16xf32>
        %parallel_loop3A_459 = arith.subf %parallel_loop3A_458, %parallel_loop3A_456 : vector<16xf32>
        %parallel_loop3A_460 = arith.constant 0.000000e+00 : f32
        %parallel_loop3A_461 = vector.broadcast %parallel_loop3A_460 : f32 to vector<16xf32>
        %parallel_loop3A_462 = arith.maximumf %parallel_loop3A_459, %parallel_loop3A_461 : vector<16xf32>
        %parallel_loop3A_463 = arith.mulf %parallel_loop3A_364, %parallel_loop3A_462 : vector<16xf32>
        %parallel_loop3A_464 = arith.index_cast %parallel_loop3A_268 : i32 to index
        %parallel_loop3A_465 = arith.constant 80 : index
        %parallel_loop3A_466 = tpu.vector_load %arg16[%parallel_loop3A_464, %parallel_loop3A_465] {strides = array<i32>} : memref<16x128xf32, #tpu.memory_space<vmem>>, vector<1x16xf32>,
        %parallel_loop3A_467 = vector.shape_cast %parallel_loop3A_466 : vector<1x16xf32> to vector<16xf32>
        %parallel_loop3A_468 = vector.shape_cast %parallel_loop3A_463 : vector<16xf32> to vector<1x16xf32>
        tpu.vector_store %arg16[%parallel_loop3A_464, %parallel_loop3A_465], %parallel_loop3A_468 {strides = array<i32>} : memref<16x128xf32, #tpu.memory_space<vmem>>, vector<1x16xf32>,
        %parallel_loop3A_469 = arith.constant 6.000000e+00 : f32
        %parallel_loop3A_470 = vector.broadcast %parallel_loop3A_469 : f32 to vector<16xf32>
        %parallel_loop3A_471 = arith.subf %parallel_loop3A_372, %parallel_loop3A_470 : vector<16xf32>
        %parallel_loop3A_472 = arith.mulf %parallel_loop3A_471, %parallel_loop3A_471 : vector<16xf32>
        %parallel_loop3A_473 = arith.constant 1.000000e+00 : f32
        %parallel_loop3A_474 = vector.broadcast %parallel_loop3A_473 : f32 to vector<16xf32>
        %parallel_loop3A_475 = arith.subf %parallel_loop3A_474, %parallel_loop3A_472 : vector<16xf32>
        %parallel_loop3A_476 = arith.constant 0.000000e+00 : f32
        %parallel_loop3A_477 = vector.broadcast %parallel_loop3A_476 : f32 to vector<16xf32>
        %parallel_loop3A_478 = arith.maximumf %parallel_loop3A_475, %parallel_loop3A_477 : vector<16xf32>
        %parallel_loop3A_479 = arith.mulf %parallel_loop3A_364, %parallel_loop3A_478 : vector<16xf32>
        %parallel_loop3A_480 = arith.index_cast %parallel_loop3A_268 : i32 to index
        %parallel_loop3A_481 = arith.constant 96 : index
        %parallel_loop3A_482 = tpu.vector_load %arg16[%parallel_loop3A_480, %parallel_loop3A_481] {strides = array<i32>} : memref<16x128xf32, #tpu.memory_space<vmem>>, vector<1x16xf32>,
        %parallel_loop3A_483 = vector.shape_cast %parallel_loop3A_482 : vector<1x16xf32> to vector<16xf32>
        %parallel_loop3A_484 = vector.shape_cast %parallel_loop3A_479 : vector<16xf32> to vector<1x16xf32>
        tpu.vector_store %arg16[%parallel_loop3A_480, %parallel_loop3A_481], %parallel_loop3A_484 {strides = array<i32>} : memref<16x128xf32, #tpu.memory_space<vmem>>, vector<1x16xf32>,
        %parallel_loop3A_485 = arith.constant 7.000000e+00 : f32
        %parallel_loop3A_486 = vector.broadcast %parallel_loop3A_485 : f32 to vector<16xf32>
        %parallel_loop3A_487 = arith.subf %parallel_loop3A_372, %parallel_loop3A_486 : vector<16xf32>
        %parallel_loop3A_488 = arith.mulf %parallel_loop3A_487, %parallel_loop3A_487 : vector<16xf32>
        %parallel_loop3A_489 = arith.constant 1.000000e+00 : f32
        %parallel_loop3A_490 = vector.broadcast %parallel_loop3A_489 : f32 to vector<16xf32>
        %parallel_loop3A_491 = arith.subf %parallel_loop3A_490, %parallel_loop3A_488 : vector<16xf32>
        %parallel_loop3A_492 = arith.constant 0.000000e+00 : f32
        %parallel_loop3A_493 = vector.broadcast %parallel_loop3A_492 : f32 to vector<16xf32>
        %parallel_loop3A_494 = arith.maximumf %parallel_loop3A_491, %parallel_loop3A_493 : vector<16xf32>
        %parallel_loop3A_495 = arith.mulf %parallel_loop3A_364, %parallel_loop3A_494 : vector<16xf32>
        %parallel_loop3A_496 = arith.index_cast %parallel_loop3A_268 : i32 to index
        %parallel_loop3A_497 = arith.constant 112 : index
        %parallel_loop3A_498 = tpu.vector_load %arg16[%parallel_loop3A_496, %parallel_loop3A_497] {strides = array<i32>} : memref<16x128xf32, #tpu.memory_space<vmem>>, vector<1x16xf32>,
        %parallel_loop3A_499 = vector.shape_cast %parallel_loop3A_498 : vector<1x16xf32> to vector<16xf32>
        %parallel_loop3A_500 = vector.shape_cast %parallel_loop3A_495 : vector<16xf32> to vector<1x16xf32>
        tpu.vector_store %arg16[%parallel_loop3A_496, %parallel_loop3A_497], %parallel_loop3A_500 {strides = array<i32>} : memref<16x128xf32, #tpu.memory_space<vmem>>, vector<1x16xf32>,
        %parallel_loop3A_501 = vector.shape_cast %and3A_10 : vector<16xi32> to vector<16x1xi32>
        %parallel_loop3A_502 = vector.shape_cast %parallel_loop3A_501 : vector<16x1xi32> to vector<16xi32>
        %parallel_loop3A_503 = tpu.dynamic_gather %parallel_loop3A_358[%parallel_loop3A_502] in [0] : vector<16xf32>, vector<16xi32> -> vector<16xf32>
        %parallel_loop3A_504 = arith.index_cast %parallel_loop3A_268 : i32 to index
        %parallel_loop3A_505 = arith.constant 0 : index
        %parallel_loop3A_506 = tpu.vector_load %arg15[%parallel_loop3A_504, %parallel_loop3A_505] {strides = array<i32>} : memref<16x128xf32, #tpu.memory_space<vmem>>, vector<1x16xf32>,
        %parallel_loop3A_507 = vector.shape_cast %parallel_loop3A_506 : vector<1x16xf32> to vector<16xf32>
        %parallel_loop3A_508 = arith.mulf %parallel_loop3A_507, %parallel_loop3A_503 : vector<16xf32>
        %parallel_loop3A_509 = arith.index_cast %parallel_loop3A_268 : i32 to index
        %parallel_loop3A_510 = arith.constant 0 : index
        %parallel_loop3A_511 = tpu.vector_load %arg15[%parallel_loop3A_509, %parallel_loop3A_510] {strides = array<i32>} : memref<16x128xf32, #tpu.memory_space<vmem>>, vector<1x16xf32>,
        %parallel_loop3A_512 = vector.shape_cast %parallel_loop3A_511 : vector<1x16xf32> to vector<16xf32>
        %parallel_loop3A_513 = vector.shape_cast %parallel_loop3A_508 : vector<16xf32> to vector<1x16xf32>
        tpu.vector_store %arg15[%parallel_loop3A_509, %parallel_loop3A_510], %parallel_loop3A_513 {strides = array<i32>} : memref<16x128xf32, #tpu.memory_space<vmem>>, vector<1x16xf32>,
        %parallel_loop3A_514 = arith.index_cast %parallel_loop3A_268 : i32 to index
        %parallel_loop3A_515 = arith.constant 16 : index
        %parallel_loop3A_516 = tpu.vector_load %arg15[%parallel_loop3A_514, %parallel_loop3A_515] {strides = array<i32>} : memref<16x128xf32, #tpu.memory_space<vmem>>, vector<1x16xf32>,
        %parallel_loop3A_517 = vector.shape_cast %parallel_loop3A_516 : vector<1x16xf32> to vector<16xf32>
        %parallel_loop3A_518 = arith.mulf %parallel_loop3A_517, %parallel_loop3A_503 : vector<16xf32>
        %parallel_loop3A_519 = arith.index_cast %parallel_loop3A_268 : i32 to index
        %parallel_loop3A_520 = arith.constant 16 : index
        %parallel_loop3A_521 = tpu.vector_load %arg15[%parallel_loop3A_519, %parallel_loop3A_520] {strides = array<i32>} : memref<16x128xf32, #tpu.memory_space<vmem>>, vector<1x16xf32>,
        %parallel_loop3A_522 = vector.shape_cast %parallel_loop3A_521 : vector<1x16xf32> to vector<16xf32>
        %parallel_loop3A_523 = vector.shape_cast %parallel_loop3A_518 : vector<16xf32> to vector<1x16xf32>
        tpu.vector_store %arg15[%parallel_loop3A_519, %parallel_loop3A_520], %parallel_loop3A_523 {strides = array<i32>} : memref<16x128xf32, #tpu.memory_space<vmem>>, vector<1x16xf32>,
        %parallel_loop3A_524 = arith.index_cast %parallel_loop3A_268 : i32 to index
        %parallel_loop3A_525 = arith.constant 32 : index
        %parallel_loop3A_526 = tpu.vector_load %arg15[%parallel_loop3A_524, %parallel_loop3A_525] {strides = array<i32>} : memref<16x128xf32, #tpu.memory_space<vmem>>, vector<1x16xf32>,
        %parallel_loop3A_527 = vector.shape_cast %parallel_loop3A_526 : vector<1x16xf32> to vector<16xf32>
        %parallel_loop3A_528 = arith.mulf %parallel_loop3A_527, %parallel_loop3A_503 : vector<16xf32>
        %parallel_loop3A_529 = arith.index_cast %parallel_loop3A_268 : i32 to index
        %parallel_loop3A_530 = arith.constant 32 : index
        %parallel_loop3A_531 = tpu.vector_load %arg15[%parallel_loop3A_529, %parallel_loop3A_530] {strides = array<i32>} : memref<16x128xf32, #tpu.memory_space<vmem>>, vector<1x16xf32>,
        %parallel_loop3A_532 = vector.shape_cast %parallel_loop3A_531 : vector<1x16xf32> to vector<16xf32>
        %parallel_loop3A_533 = vector.shape_cast %parallel_loop3A_528 : vector<16xf32> to vector<1x16xf32>
        tpu.vector_store %arg15[%parallel_loop3A_529, %parallel_loop3A_530], %parallel_loop3A_533 {strides = array<i32>} : memref<16x128xf32, #tpu.memory_space<vmem>>, vector<1x16xf32>,
        %parallel_loop3A_534 = arith.index_cast %parallel_loop3A_268 : i32 to index
        %parallel_loop3A_535 = arith.constant 48 : index
        %parallel_loop3A_536 = tpu.vector_load %arg15[%parallel_loop3A_534, %parallel_loop3A_535] {strides = array<i32>} : memref<16x128xf32, #tpu.memory_space<vmem>>, vector<1x16xf32>,
        %parallel_loop3A_537 = vector.shape_cast %parallel_loop3A_536 : vector<1x16xf32> to vector<16xf32>
        %parallel_loop3A_538 = arith.mulf %parallel_loop3A_537, %parallel_loop3A_503 : vector<16xf32>
        %parallel_loop3A_539 = arith.index_cast %parallel_loop3A_268 : i32 to index
        %parallel_loop3A_540 = arith.constant 48 : index
        %parallel_loop3A_541 = tpu.vector_load %arg15[%parallel_loop3A_539, %parallel_loop3A_540] {strides = array<i32>} : memref<16x128xf32, #tpu.memory_space<vmem>>, vector<1x16xf32>,
        %parallel_loop3A_542 = vector.shape_cast %parallel_loop3A_541 : vector<1x16xf32> to vector<16xf32>
        %parallel_loop3A_543 = vector.shape_cast %parallel_loop3A_538 : vector<16xf32> to vector<1x16xf32>
        tpu.vector_store %arg15[%parallel_loop3A_539, %parallel_loop3A_540], %parallel_loop3A_543 {strides = array<i32>} : memref<16x128xf32, #tpu.memory_space<vmem>>, vector<1x16xf32>,
        %parallel_loop3A_544 = arith.index_cast %parallel_loop3A_268 : i32 to index
        %parallel_loop3A_545 = arith.constant 64 : index
        %parallel_loop3A_546 = tpu.vector_load %arg15[%parallel_loop3A_544, %parallel_loop3A_545] {strides = array<i32>} : memref<16x128xf32, #tpu.memory_space<vmem>>, vector<1x16xf32>,
        %parallel_loop3A_547 = vector.shape_cast %parallel_loop3A_546 : vector<1x16xf32> to vector<16xf32>
        %parallel_loop3A_548 = arith.mulf %parallel_loop3A_547, %parallel_loop3A_503 : vector<16xf32>
        %parallel_loop3A_549 = arith.index_cast %parallel_loop3A_268 : i32 to index
        %parallel_loop3A_550 = arith.constant 64 : index
        %parallel_loop3A_551 = tpu.vector_load %arg15[%parallel_loop3A_549, %parallel_loop3A_550] {strides = array<i32>} : memref<16x128xf32, #tpu.memory_space<vmem>>, vector<1x16xf32>,
        %parallel_loop3A_552 = vector.shape_cast %parallel_loop3A_551 : vector<1x16xf32> to vector<16xf32>
        %parallel_loop3A_553 = vector.shape_cast %parallel_loop3A_548 : vector<16xf32> to vector<1x16xf32>
        tpu.vector_store %arg15[%parallel_loop3A_549, %parallel_loop3A_550], %parallel_loop3A_553 {strides = array<i32>} : memref<16x128xf32, #tpu.memory_space<vmem>>, vector<1x16xf32>,
        %parallel_loop3A_554 = arith.index_cast %parallel_loop3A_268 : i32 to index
        %parallel_loop3A_555 = arith.constant 80 : index
        %parallel_loop3A_556 = tpu.vector_load %arg15[%parallel_loop3A_554, %parallel_loop3A_555] {strides = array<i32>} : memref<16x128xf32, #tpu.memory_space<vmem>>, vector<1x16xf32>,
        %parallel_loop3A_557 = vector.shape_cast %parallel_loop3A_556 : vector<1x16xf32> to vector<16xf32>
        %parallel_loop3A_558 = arith.mulf %parallel_loop3A_557, %parallel_loop3A_503 : vector<16xf32>
        %parallel_loop3A_559 = arith.index_cast %parallel_loop3A_268 : i32 to index
        %parallel_loop3A_560 = arith.constant 80 : index
        %parallel_loop3A_561 = tpu.vector_load %arg15[%parallel_loop3A_559, %parallel_loop3A_560] {strides = array<i32>} : memref<16x128xf32, #tpu.memory_space<vmem>>, vector<1x16xf32>,
        %parallel_loop3A_562 = vector.shape_cast %parallel_loop3A_561 : vector<1x16xf32> to vector<16xf32>
        %parallel_loop3A_563 = vector.shape_cast %parallel_loop3A_558 : vector<16xf32> to vector<1x16xf32>
        tpu.vector_store %arg15[%parallel_loop3A_559, %parallel_loop3A_560], %parallel_loop3A_563 {strides = array<i32>} : memref<16x128xf32, #tpu.memory_space<vmem>>, vector<1x16xf32>,
        %parallel_loop3A_564 = arith.index_cast %parallel_loop3A_268 : i32 to index
        %parallel_loop3A_565 = arith.constant 96 : index
        %parallel_loop3A_566 = tpu.vector_load %arg15[%parallel_loop3A_564, %parallel_loop3A_565] {strides = array<i32>} : memref<16x128xf32, #tpu.memory_space<vmem>>, vector<1x16xf32>,
        %parallel_loop3A_567 = vector.shape_cast %parallel_loop3A_566 : vector<1x16xf32> to vector<16xf32>
        %parallel_loop3A_568 = arith.mulf %parallel_loop3A_567, %parallel_loop3A_503 : vector<16xf32>
        %parallel_loop3A_569 = arith.index_cast %parallel_loop3A_268 : i32 to index
        %parallel_loop3A_570 = arith.constant 96 : index
        %parallel_loop3A_571 = tpu.vector_load %arg15[%parallel_loop3A_569, %parallel_loop3A_570] {strides = array<i32>} : memref<16x128xf32, #tpu.memory_space<vmem>>, vector<1x16xf32>,
        %parallel_loop3A_572 = vector.shape_cast %parallel_loop3A_571 : vector<1x16xf32> to vector<16xf32>
        %parallel_loop3A_573 = vector.shape_cast %parallel_loop3A_568 : vector<16xf32> to vector<1x16xf32>
        tpu.vector_store %arg15[%parallel_loop3A_569, %parallel_loop3A_570], %parallel_loop3A_573 {strides = array<i32>} : memref<16x128xf32, #tpu.memory_space<vmem>>, vector<1x16xf32>,
        %parallel_loop3A_574 = arith.index_cast %parallel_loop3A_268 : i32 to index
        %parallel_loop3A_575 = arith.constant 112 : index
        %parallel_loop3A_576 = tpu.vector_load %arg15[%parallel_loop3A_574, %parallel_loop3A_575] {strides = array<i32>} : memref<16x128xf32, #tpu.memory_space<vmem>>, vector<1x16xf32>,
        %parallel_loop3A_577 = vector.shape_cast %parallel_loop3A_576 : vector<1x16xf32> to vector<16xf32>
        %parallel_loop3A_578 = arith.mulf %parallel_loop3A_577, %parallel_loop3A_503 : vector<16xf32>
        %parallel_loop3A_579 = arith.index_cast %parallel_loop3A_268 : i32 to index
        %parallel_loop3A_580 = arith.constant 112 : index
        %parallel_loop3A_581 = tpu.vector_load %arg15[%parallel_loop3A_579, %parallel_loop3A_580] {strides = array<i32>} : memref<16x128xf32, #tpu.memory_space<vmem>>, vector<1x16xf32>,
        %parallel_loop3A_582 = vector.shape_cast %parallel_loop3A_581 : vector<1x16xf32> to vector<16xf32>
        %parallel_loop3A_583 = vector.shape_cast %parallel_loop3A_578 : vector<16xf32> to vector<1x16xf32>
        tpu.vector_store %arg15[%parallel_loop3A_579, %parallel_loop3A_580], %parallel_loop3A_583 {strides = array<i32>} : memref<16x128xf32, #tpu.memory_space<vmem>>, vector<1x16xf32>,
      } {sc.loop_unroll_factor = 2 : i64, sc.parallel_access}
      %get3A_175 = arith.constant 0 : index
      %get3A_176 = tpu.vector_load %arg9[%get3A_175] {strides = array<i32>} : memref<16xi32, #tpu.memory_space<vmem>>, vector<16xi32>,
      %get3A_177 = vector.shape_cast %get3A_176 : vector<16xi32> to vector<16xi32>
      %shift_right_logical3A_178 = arith.constant 3 : i32
      %shift_right_logical3A_179 = vector.broadcast %shift_right_logical3A_178 : i32 to vector<16xi32>
      %shift_right_logical3A_180 = arith.shrui %get3A_177, %shift_right_logical3A_179 : vector<16xi32>
      %add3A_181 = arith.constant 10240 : i32
      %add3A_182 = vector.broadcast %add3A_181 : i32 to vector<16xi32>
      %add3A_183 = arith.addi %add3A_182, %shift_right_logical3A_180 : vector<16xi32>
      %dma_start3A_184 = arith.constant 0 : i32
      %dma_start3A_185 = arith.constant 0 : i32
      %dma_start3A_186 = tpu.memref_slice %arg8[%dma_start3A_184, %dma_start3A_185] : memref<11520x128xf32, #tpu.memory_space<vmem_shared>> -> memref<11520x128xf32, #tpu.memory_space<vmem_shared>>
      tpu.enqueue_indirect_dma source(%arg15 : memref<16x128xf32, #tpu.memory_space<vmem>>) target(%dma_start3A_186 : memref<11520x128xf32, #tpu.memory_space<vmem_shared>>) offsets(%get3A_177 : vector<16xi32>) semaphore(%arg25 : memref<!tpu.dma_semaphore, #tpu.memory_space<semaphore_mem>>) {add = true}
      %dma_start3A_187 = arith.constant 0 : i32
      %dma_start3A_188 = arith.constant 0 : i32
      %dma_start3A_189 = tpu.memref_slice %arg8[%dma_start3A_187, %dma_start3A_188] : memref<11520x128xf32, #tpu.memory_space<vmem_shared>> -> memref<11520x128xf32, #tpu.memory_space<vmem_shared>>
      tpu.enqueue_indirect_dma source(%arg16 : memref<16x128xf32, #tpu.memory_space<vmem>>) target(%dma_start3A_189 : memref<11520x128xf32, #tpu.memory_space<vmem_shared>>) offsets(%add3A_183 : vector<16xi32>) semaphore(%arg26 : memref<!tpu.dma_semaphore, #tpu.memory_space<semaphore_mem>>) {add = true}
      %dma_wait3A_190 = arith.constant 0 : i32
      %dma_wait3A_191 = arith.constant 0 : i32
      %dma_wait3A_192 = tpu.memref_slice %arg8[%dma_wait3A_190, %dma_wait3A_191] : memref<11520x128xf32, #tpu.memory_space<vmem_shared>> -> memref<16x128xf32, #tpu.memory_space<vmem_shared>>
      %dma_wait3A_193 = arith.constant 0 : i32
      %dma_wait3A_194 = arith.constant 0 : i32
      %dma_wait3A_195 = tpu.memref_slice %arg8[%dma_wait3A_193, %dma_wait3A_194] : memref<11520x128xf32, #tpu.memory_space<vmem_shared>> -> memref<16x128xf32, #tpu.memory_space<vmem_shared>>
      tpu.wait_dma2 semaphore(%arg25 : memref<!tpu.dma_semaphore, #tpu.memory_space<semaphore_mem>>) src(%arg15 : memref<16x128xf32, #tpu.memory_space<vmem>>) dst(%dma_wait3A_195 : memref<16x128xf32, #tpu.memory_space<vmem_shared>>)
      %dma_wait3A_196 = arith.constant 0 : i32
      %dma_wait3A_197 = arith.constant 0 : i32
      %dma_wait3A_198 = tpu.memref_slice %arg8[%dma_wait3A_196, %dma_wait3A_197] : memref<11520x128xf32, #tpu.memory_space<vmem_shared>> -> memref<16x128xf32, #tpu.memory_space<vmem_shared>>
      %dma_wait3A_199 = arith.constant 0 : i32
      %dma_wait3A_200 = arith.constant 0 : i32
      %dma_wait3A_201 = tpu.memref_slice %arg8[%dma_wait3A_199, %dma_wait3A_200] : memref<11520x128xf32, #tpu.memory_space<vmem_shared>> -> memref<16x128xf32, #tpu.memory_space<vmem_shared>>
      tpu.wait_dma2 semaphore(%arg26 : memref<!tpu.dma_semaphore, #tpu.memory_space<semaphore_mem>>) src(%arg16 : memref<16x128xf32, #tpu.memory_space<vmem>>) dst(%dma_wait3A_201 : memref<16x128xf32, #tpu.memory_space<vmem_shared>>)
      %mul3A_202 = arith.constant 2 : i32
      %mul3A_203 = arith.muli %mul3A_202, %scan3A_120 : i32
      %add3A_204 = arith.constant 2 : i32
      %add3A_205 = arith.addi %mul3A_203, %add3A_204 : i32
      %mul3A_206 = arith.constant 16 : i32
      %mul3A_207 = arith.muli %add3A_205, %mul3A_206 : i32
      %add3A_208 = arith.addi %mul3A_2, %mul3A_207 : i32
      "tpu.region"() ({
        %run_scoped3A = tpu.sem_alloc : memref<!tpu.dma_semaphore, #tpu.memory_space<semaphore_mem>>
        %dma_start3A_268 = tpu.memref_slice %arg2[%add3A_208] : memref<320000xi32, #tpu.memory_space<hbm>> -> memref<16xi32, #tpu.memory_space<hbm>>
        %dma_start3A_269 = tpu.memref_slice %arg2[%add3A_208] : memref<320000xi32, #tpu.memory_space<hbm>> -> memref<16xi32, #tpu.memory_space<hbm>>
        tpu.enqueue_dma source(%dma_start3A_269 : memref<16xi32, #tpu.memory_space<hbm>>) target(%arg9 : memref<16xi32, #tpu.memory_space<vmem>>) target_semaphore(%run_scoped3A : memref<!tpu.dma_semaphore, #tpu.memory_space<semaphore_mem>>)
        %dma_wait3A_270 = tpu.memref_slice %arg2[%add3A_208] : memref<320000xi32, #tpu.memory_space<hbm>> -> memref<16xi32, #tpu.memory_space<hbm>>
        %dma_wait3A_271 = tpu.memref_slice %arg2[%add3A_208] : memref<320000xi32, #tpu.memory_space<hbm>> -> memref<16xi32, #tpu.memory_space<hbm>>
        tpu.wait_dma2 semaphore(%run_scoped3A : memref<!tpu.dma_semaphore, #tpu.memory_space<semaphore_mem>>) src(%dma_wait3A_271 : memref<16xi32, #tpu.memory_space<hbm>>) dst(%arg9 : memref<16xi32, #tpu.memory_space<vmem>>)
        tpu.yield
      }) : () -> ()
      "tpu.region"() ({
        %run_scoped3A = tpu.sem_alloc : memref<!tpu.dma_semaphore, #tpu.memory_space<semaphore_mem>>
        %dma_start3A_268 = tpu.memref_slice %arg3[%add3A_208] : memref<320000xi32, #tpu.memory_space<hbm>> -> memref<16xi32, #tpu.memory_space<hbm>>
        %dma_start3A_269 = tpu.memref_slice %arg3[%add3A_208] : memref<320000xi32, #tpu.memory_space<hbm>> -> memref<16xi32, #tpu.memory_space<hbm>>
        tpu.enqueue_dma source(%dma_start3A_269 : memref<16xi32, #tpu.memory_space<hbm>>) target(%arg10 : memref<16xi32, #tpu.memory_space<vmem>>) target_semaphore(%run_scoped3A : memref<!tpu.dma_semaphore, #tpu.memory_space<semaphore_mem>>)
        %dma_wait3A_270 = tpu.memref_slice %arg3[%add3A_208] : memref<320000xi32, #tpu.memory_space<hbm>> -> memref<16xi32, #tpu.memory_space<hbm>>
        %dma_wait3A_271 = tpu.memref_slice %arg3[%add3A_208] : memref<320000xi32, #tpu.memory_space<hbm>> -> memref<16xi32, #tpu.memory_space<hbm>>
        tpu.wait_dma2 semaphore(%run_scoped3A : memref<!tpu.dma_semaphore, #tpu.memory_space<semaphore_mem>>) src(%dma_wait3A_271 : memref<16xi32, #tpu.memory_space<hbm>>) dst(%arg10 : memref<16xi32, #tpu.memory_space<vmem>>)
        tpu.yield
      }) : () -> ()
      %get3A_209 = arith.constant 0 : index
      %get3A_210 = tpu.vector_load %arg9[%get3A_209] {strides = array<i32>} : memref<16xi32, #tpu.memory_space<vmem>>, vector<16xi32>,
      %get3A_211 = vector.shape_cast %get3A_210 : vector<16xi32> to vector<16xi32>
      %get3A_212 = arith.constant 0 : index
      %get3A_213 = tpu.vector_load %arg10[%get3A_212] {strides = array<i32>} : memref<16xi32, #tpu.memory_space<vmem>>, vector<16xi32>,
      %get3A_214 = vector.shape_cast %get3A_213 : vector<16xi32> to vector<16xi32>
      %dma_start3A_215 = arith.constant 0 : i32
      %dma_start3A_216 = arith.constant 0 : i32
      %dma_start3A_217 = tpu.memref_slice %arg4[%dma_start3A_215, %dma_start3A_216] : memref<10000x128xf32, #tpu.memory_space<hbm>> -> memref<10000x128xf32, #tpu.memory_space<hbm>>
      tpu.enqueue_indirect_dma source(%dma_start3A_217 : memref<10000x128xf32, #tpu.memory_space<hbm>>) target(%arg13 : memref<16x128xf32, #tpu.memory_space<vmem>>) offsets(%get3A_211 : vector<16xi32>) semaphore(%arg22 : memref<!tpu.dma_semaphore, #tpu.memory_space<semaphore_mem>>)
      %dma_start3A_218 = arith.constant 0 : i32
      %dma_start3A_219 = arith.constant 0 : i32
      %dma_start3A_220 = tpu.memref_slice %arg5[%dma_start3A_218, %dma_start3A_219] : memref<10000x128xf32, #tpu.memory_space<hbm>> -> memref<10000x128xf32, #tpu.memory_space<hbm>>
      tpu.enqueue_indirect_dma source(%dma_start3A_220 : memref<10000x128xf32, #tpu.memory_space<hbm>>) target(%arg14 : memref<16x128xf32, #tpu.memory_space<vmem>>) offsets(%get3A_214 : vector<16xi32>) semaphore(%arg23 : memref<!tpu.dma_semaphore, #tpu.memory_space<semaphore_mem>>)
      %dma_start3A_221 = arith.constant 0 : i32
      %dma_start3A_222 = arith.constant 0 : i32
      %dma_start3A_223 = tpu.memref_slice %arg6[%dma_start3A_221, %dma_start3A_222] : memref<10000x128xf32, #tpu.memory_space<hbm>> -> memref<10000x128xf32, #tpu.memory_space<hbm>>
      tpu.enqueue_indirect_dma source(%dma_start3A_223 : memref<10000x128xf32, #tpu.memory_space<hbm>>) target(%arg15 : memref<16x128xf32, #tpu.memory_space<vmem>>) offsets(%get3A_214 : vector<16xi32>) semaphore(%arg24 : memref<!tpu.dma_semaphore, #tpu.memory_space<semaphore_mem>>)
      %dma_wait3A_224 = arith.constant 0 : i32
      %dma_wait3A_225 = arith.constant 0 : i32
      %dma_wait3A_226 = tpu.memref_slice %arg4[%dma_wait3A_224, %dma_wait3A_225] : memref<10000x128xf32, #tpu.memory_space<hbm>> -> memref<16x128xf32, #tpu.memory_space<hbm>>
      %dma_wait3A_227 = arith.constant 0 : i32
      %dma_wait3A_228 = arith.constant 0 : i32
      %dma_wait3A_229 = tpu.memref_slice %arg4[%dma_wait3A_227, %dma_wait3A_228] : memref<10000x128xf32, #tpu.memory_space<hbm>> -> memref<16x128xf32, #tpu.memory_space<hbm>>
      tpu.wait_dma2 semaphore(%arg27 : memref<!tpu.dma_semaphore, #tpu.memory_space<semaphore_mem>>) src(%dma_wait3A_229 : memref<16x128xf32, #tpu.memory_space<hbm>>) dst(%arg17 : memref<16x128xf32, #tpu.memory_space<vmem>>)
      %dma_wait3A_230 = arith.constant 0 : i32
      %dma_wait3A_231 = arith.constant 0 : i32
      %dma_wait3A_232 = tpu.memref_slice %arg5[%dma_wait3A_230, %dma_wait3A_231] : memref<10000x128xf32, #tpu.memory_space<hbm>> -> memref<16x128xf32, #tpu.memory_space<hbm>>
      %dma_wait3A_233 = arith.constant 0 : i32
      %dma_wait3A_234 = arith.constant 0 : i32
      %dma_wait3A_235 = tpu.memref_slice %arg5[%dma_wait3A_233, %dma_wait3A_234] : memref<10000x128xf32, #tpu.memory_space<hbm>> -> memref<16x128xf32, #tpu.memory_space<hbm>>
      tpu.wait_dma2 semaphore(%arg28 : memref<!tpu.dma_semaphore, #tpu.memory_space<semaphore_mem>>) src(%dma_wait3A_235 : memref<16x128xf32, #tpu.memory_space<hbm>>) dst(%arg18 : memref<16x128xf32, #tpu.memory_space<vmem>>)
      %dma_wait3A_236 = arith.constant 0 : i32
      %dma_wait3A_237 = arith.constant 0 : i32
      %dma_wait3A_238 = tpu.memref_slice %arg6[%dma_wait3A_236, %dma_wait3A_237] : memref<10000x128xf32, #tpu.memory_space<hbm>> -> memref<16x128xf32, #tpu.memory_space<hbm>>
      %dma_wait3A_239 = arith.constant 0 : i32
      %dma_wait3A_240 = arith.constant 0 : i32
      %dma_wait3A_241 = tpu.memref_slice %arg6[%dma_wait3A_239, %dma_wait3A_240] : memref<10000x128xf32, #tpu.memory_space<hbm>> -> memref<16x128xf32, #tpu.memory_space<hbm>>
      tpu.wait_dma2 semaphore(%arg29 : memref<!tpu.dma_semaphore, #tpu.memory_space<semaphore_mem>>) src(%dma_wait3A_241 : memref<16x128xf32, #tpu.memory_space<hbm>>) dst(%arg19 : memref<16x128xf32, #tpu.memory_space<vmem>>)
      %get3A_242 = arith.constant 0 : index
      %get3A_243 = tpu.vector_load %arg11[%get3A_242] {strides = array<i32>} : memref<16xi32, #tpu.memory_space<vmem>>, vector<16xi32>,
      %get3A_244 = vector.shape_cast %get3A_243 : vector<16xi32> to vector<16xi32>
      %and3A_245 = arith.constant 7 : i32
      %and3A_246 = vector.broadcast %and3A_245 : i32 to vector<16xi32>
      %and3A_247 = arith.andi %get3A_244, %and3A_246 : vector<16xi32>
      %convert_element_type3A_248 = arith.sitofp %and3A_247 : vector<16xi32> to vector<16xf32>
      %parallel_loop3A_249 = arith.constant 0 : i32
      %parallel_loop3A_250 = arith.constant 16 : i32
      %parallel_loop3A_251 = arith.constant 1 : i32
      scf.for %parallel_loop3A_268 = %parallel_loop3A_249 to %parallel_loop3A_250 step %parallel_loop3A_251  : i32 {
        %parallel_loop3A_269 = arith.index_cast %parallel_loop3A_268 : i32 to index
        %parallel_loop3A_270 = arith.constant 0 : index
        %parallel_loop3A_271 = tpu.vector_load %arg17[%parallel_loop3A_269, %parallel_loop3A_270] {strides = array<i32>} : memref<16x128xf32, #tpu.memory_space<vmem>>, vector<1x16xf32>,
        %parallel_loop3A_272 = vector.shape_cast %parallel_loop3A_271 : vector<1x16xf32> to vector<16xf32>
        %parallel_loop3A_273 = arith.index_cast %parallel_loop3A_268 : i32 to index
        %parallel_loop3A_274 = arith.constant 0 : index
        %parallel_loop3A_275 = tpu.vector_load %arg18[%parallel_loop3A_273, %parallel_loop3A_274] {strides = array<i32>} : memref<16x128xf32, #tpu.memory_space<vmem>>, vector<1x16xf32>,
        %parallel_loop3A_276 = vector.shape_cast %parallel_loop3A_275 : vector<1x16xf32> to vector<16xf32>
        %parallel_loop3A_277 = arith.mulf %parallel_loop3A_272, %parallel_loop3A_276 : vector<16xf32>
        %parallel_loop3A_278 = arith.index_cast %parallel_loop3A_268 : i32 to index
        %parallel_loop3A_279 = arith.constant 16 : index
        %parallel_loop3A_280 = tpu.vector_load %arg17[%parallel_loop3A_278, %parallel_loop3A_279] {strides = array<i32>} : memref<16x128xf32, #tpu.memory_space<vmem>>, vector<1x16xf32>,
        %parallel_loop3A_281 = vector.shape_cast %parallel_loop3A_280 : vector<1x16xf32> to vector<16xf32>
        %parallel_loop3A_282 = arith.index_cast %parallel_loop3A_268 : i32 to index
        %parallel_loop3A_283 = arith.constant 16 : index
        %parallel_loop3A_284 = tpu.vector_load %arg18[%parallel_loop3A_282, %parallel_loop3A_283] {strides = array<i32>} : memref<16x128xf32, #tpu.memory_space<vmem>>, vector<1x16xf32>,
        %parallel_loop3A_285 = vector.shape_cast %parallel_loop3A_284 : vector<1x16xf32> to vector<16xf32>
        %parallel_loop3A_286 = arith.mulf %parallel_loop3A_281, %parallel_loop3A_285 : vector<16xf32>
        %parallel_loop3A_287 = arith.addf %parallel_loop3A_277, %parallel_loop3A_286 : vector<16xf32>
        %parallel_loop3A_288 = arith.index_cast %parallel_loop3A_268 : i32 to index
        %parallel_loop3A_289 = arith.constant 32 : index
        %parallel_loop3A_290 = tpu.vector_load %arg17[%parallel_loop3A_288, %parallel_loop3A_289] {strides = array<i32>} : memref<16x128xf32, #tpu.memory_space<vmem>>, vector<1x16xf32>,
        %parallel_loop3A_291 = vector.shape_cast %parallel_loop3A_290 : vector<1x16xf32> to vector<16xf32>
        %parallel_loop3A_292 = arith.index_cast %parallel_loop3A_268 : i32 to index
        %parallel_loop3A_293 = arith.constant 32 : index
        %parallel_loop3A_294 = tpu.vector_load %arg18[%parallel_loop3A_292, %parallel_loop3A_293] {strides = array<i32>} : memref<16x128xf32, #tpu.memory_space<vmem>>, vector<1x16xf32>,
        %parallel_loop3A_295 = vector.shape_cast %parallel_loop3A_294 : vector<1x16xf32> to vector<16xf32>
        %parallel_loop3A_296 = arith.mulf %parallel_loop3A_291, %parallel_loop3A_295 : vector<16xf32>
        %parallel_loop3A_297 = arith.addf %parallel_loop3A_287, %parallel_loop3A_296 : vector<16xf32>
        %parallel_loop3A_298 = arith.index_cast %parallel_loop3A_268 : i32 to index
        %parallel_loop3A_299 = arith.constant 48 : index
        %parallel_loop3A_300 = tpu.vector_load %arg17[%parallel_loop3A_298, %parallel_loop3A_299] {strides = array<i32>} : memref<16x128xf32, #tpu.memory_space<vmem>>, vector<1x16xf32>,
        %parallel_loop3A_301 = vector.shape_cast %parallel_loop3A_300 : vector<1x16xf32> to vector<16xf32>
        %parallel_loop3A_302 = arith.index_cast %parallel_loop3A_268 : i32 to index
        %parallel_loop3A_303 = arith.constant 48 : index
        %parallel_loop3A_304 = tpu.vector_load %arg18[%parallel_loop3A_302, %parallel_loop3A_303] {strides = array<i32>} : memref<16x128xf32, #tpu.memory_space<vmem>>, vector<1x16xf32>,
        %parallel_loop3A_305 = vector.shape_cast %parallel_loop3A_304 : vector<1x16xf32> to vector<16xf32>
        %parallel_loop3A_306 = arith.mulf %parallel_loop3A_301, %parallel_loop3A_305 : vector<16xf32>
        %parallel_loop3A_307 = arith.addf %parallel_loop3A_297, %parallel_loop3A_306 : vector<16xf32>
        %parallel_loop3A_308 = arith.index_cast %parallel_loop3A_268 : i32 to index
        %parallel_loop3A_309 = arith.constant 64 : index
        %parallel_loop3A_310 = tpu.vector_load %arg17[%parallel_loop3A_308, %parallel_loop3A_309] {strides = array<i32>} : memref<16x128xf32, #tpu.memory_space<vmem>>, vector<1x16xf32>,
        %parallel_loop3A_311 = vector.shape_cast %parallel_loop3A_310 : vector<1x16xf32> to vector<16xf32>
        %parallel_loop3A_312 = arith.index_cast %parallel_loop3A_268 : i32 to index
        %parallel_loop3A_313 = arith.constant 64 : index
        %parallel_loop3A_314 = tpu.vector_load %arg18[%parallel_loop3A_312, %parallel_loop3A_313] {strides = array<i32>} : memref<16x128xf32, #tpu.memory_space<vmem>>, vector<1x16xf32>,
        %parallel_loop3A_315 = vector.shape_cast %parallel_loop3A_314 : vector<1x16xf32> to vector<16xf32>
        %parallel_loop3A_316 = arith.mulf %parallel_loop3A_311, %parallel_loop3A_315 : vector<16xf32>
        %parallel_loop3A_317 = arith.addf %parallel_loop3A_307, %parallel_loop3A_316 : vector<16xf32>
        %parallel_loop3A_318 = arith.index_cast %parallel_loop3A_268 : i32 to index
        %parallel_loop3A_319 = arith.constant 80 : index
        %parallel_loop3A_320 = tpu.vector_load %arg17[%parallel_loop3A_318, %parallel_loop3A_319] {strides = array<i32>} : memref<16x128xf32, #tpu.memory_space<vmem>>, vector<1x16xf32>,
        %parallel_loop3A_321 = vector.shape_cast %parallel_loop3A_320 : vector<1x16xf32> to vector<16xf32>
        %parallel_loop3A_322 = arith.index_cast %parallel_loop3A_268 : i32 to index
        %parallel_loop3A_323 = arith.constant 80 : index
        %parallel_loop3A_324 = tpu.vector_load %arg18[%parallel_loop3A_322, %parallel_loop3A_323] {strides = array<i32>} : memref<16x128xf32, #tpu.memory_space<vmem>>, vector<1x16xf32>,
        %parallel_loop3A_325 = vector.shape_cast %parallel_loop3A_324 : vector<1x16xf32> to vector<16xf32>
        %parallel_loop3A_326 = arith.mulf %parallel_loop3A_321, %parallel_loop3A_325 : vector<16xf32>
        %parallel_loop3A_327 = arith.addf %parallel_loop3A_317, %parallel_loop3A_326 : vector<16xf32>
        %parallel_loop3A_328 = arith.index_cast %parallel_loop3A_268 : i32 to index
        %parallel_loop3A_329 = arith.constant 96 : index
        %parallel_loop3A_330 = tpu.vector_load %arg17[%parallel_loop3A_328, %parallel_loop3A_329] {strides = array<i32>} : memref<16x128xf32, #tpu.memory_space<vmem>>, vector<1x16xf32>,
        %parallel_loop3A_331 = vector.shape_cast %parallel_loop3A_330 : vector<1x16xf32> to vector<16xf32>
        %parallel_loop3A_332 = arith.index_cast %parallel_loop3A_268 : i32 to index
        %parallel_loop3A_333 = arith.constant 96 : index
        %parallel_loop3A_334 = tpu.vector_load %arg18[%parallel_loop3A_332, %parallel_loop3A_333] {strides = array<i32>} : memref<16x128xf32, #tpu.memory_space<vmem>>, vector<1x16xf32>,
        %parallel_loop3A_335 = vector.shape_cast %parallel_loop3A_334 : vector<1x16xf32> to vector<16xf32>
        %parallel_loop3A_336 = arith.mulf %parallel_loop3A_331, %parallel_loop3A_335 : vector<16xf32>
        %parallel_loop3A_337 = arith.addf %parallel_loop3A_327, %parallel_loop3A_336 : vector<16xf32>
        %parallel_loop3A_338 = arith.index_cast %parallel_loop3A_268 : i32 to index
        %parallel_loop3A_339 = arith.constant 112 : index
        %parallel_loop3A_340 = tpu.vector_load %arg17[%parallel_loop3A_338, %parallel_loop3A_339] {strides = array<i32>} : memref<16x128xf32, #tpu.memory_space<vmem>>, vector<1x16xf32>,
        %parallel_loop3A_341 = vector.shape_cast %parallel_loop3A_340 : vector<1x16xf32> to vector<16xf32>
        %parallel_loop3A_342 = arith.index_cast %parallel_loop3A_268 : i32 to index
        %parallel_loop3A_343 = arith.constant 112 : index
        %parallel_loop3A_344 = tpu.vector_load %arg18[%parallel_loop3A_342, %parallel_loop3A_343] {strides = array<i32>} : memref<16x128xf32, #tpu.memory_space<vmem>>, vector<1x16xf32>,
        %parallel_loop3A_345 = vector.shape_cast %parallel_loop3A_344 : vector<1x16xf32> to vector<16xf32>
        %parallel_loop3A_346 = arith.mulf %parallel_loop3A_341, %parallel_loop3A_345 : vector<16xf32>
        %parallel_loop3A_347 = arith.addf %parallel_loop3A_337, %parallel_loop3A_346 : vector<16xf32>
        %parallel_loop3A_348 = vector.shape_cast %and3A_7 : vector<16xi32> to vector<16x1xi32>
        %parallel_loop3A_349 = vector.shape_cast %parallel_loop3A_348 : vector<16x1xi32> to vector<16xi32>
        %parallel_loop3A_350 = tpu.dynamic_gather %parallel_loop3A_347[%parallel_loop3A_349] in [0] : vector<16xf32>, vector<16xi32> -> vector<16xf32>
        %parallel_loop3A_351 = arith.addf %parallel_loop3A_347, %parallel_loop3A_350 : vector<16xf32>
        %parallel_loop3A_352 = arith.constant 8 : i32
        %parallel_loop3A_353 = vector.broadcast %parallel_loop3A_352 : i32 to vector<16xi32>
        %parallel_loop3A_354 = arith.cmpi slt, %iota3A, %parallel_loop3A_353 : vector<16xi32>
        %parallel_loop3A_355 = arith.constant 0.000000e+00 : f32
        %parallel_loop3A_356 = vector.broadcast %parallel_loop3A_355 : f32 to vector<16xf32>
        %parallel_loop3A_357 = arith.select %parallel_loop3A_354, %parallel_loop3A_351, %parallel_loop3A_356 : vector<16xi1>, vector<16xf32>
        %parallel_loop3A_358 = math.exp %parallel_loop3A_357 : vector<16xf32>
        %parallel_loop3A_359 = arith.constant 8 : i32
        %parallel_loop3A_360 = vector.broadcast %parallel_loop3A_359 : i32 to vector<16xi32>
        %parallel_loop3A_361 = arith.cmpi slt, %iota3A, %parallel_loop3A_360 : vector<16xi32>
        %parallel_loop3A_362 = arith.constant 0.000000e+00 : f32
        %parallel_loop3A_363 = vector.broadcast %parallel_loop3A_362 : f32 to vector<16xf32>
        %parallel_loop3A_364 = arith.select %parallel_loop3A_361, %parallel_loop3A_358, %parallel_loop3A_363 : vector<16xi1>, vector<16xf32>
        %parallel_loop3A_365 = arith.constant 0 : i32
        %parallel_loop3A_366 = vector.broadcast %parallel_loop3A_365 : i32 to vector<16xi32>
        %parallel_loop3A_367 = arith.muli %iota3A, %parallel_loop3A_366 : vector<16xi32>
        %parallel_loop3A_368 = vector.broadcast %parallel_loop3A_268 : i32 to vector<16xi32>
        %parallel_loop3A_369 = arith.addi %parallel_loop3A_367, %parallel_loop3A_368 : vector<16xi32>
        %parallel_loop3A_370 = vector.shape_cast %parallel_loop3A_369 : vector<16xi32> to vector<16x1xi32>
        %parallel_loop3A_371 = vector.shape_cast %parallel_loop3A_370 : vector<16x1xi32> to vector<16xi32>
        %parallel_loop3A_372 = tpu.dynamic_gather %convert_element_type3A_248[%parallel_loop3A_371] in [0] : vector<16xf32>, vector<16xi32> -> vector<16xf32>
        %parallel_loop3A_373 = arith.constant 0.000000e+00 : f32
        %parallel_loop3A_374 = vector.broadcast %parallel_loop3A_373 : f32 to vector<16xf32>
        %parallel_loop3A_375 = arith.subf %parallel_loop3A_372, %parallel_loop3A_374 : vector<16xf32>
        %parallel_loop3A_376 = arith.mulf %parallel_loop3A_375, %parallel_loop3A_375 : vector<16xf32>
        %parallel_loop3A_377 = arith.constant 1.000000e+00 : f32
        %parallel_loop3A_378 = vector.broadcast %parallel_loop3A_377 : f32 to vector<16xf32>
        %parallel_loop3A_379 = arith.subf %parallel_loop3A_378, %parallel_loop3A_376 : vector<16xf32>
        %parallel_loop3A_380 = arith.constant 0.000000e+00 : f32
        %parallel_loop3A_381 = vector.broadcast %parallel_loop3A_380 : f32 to vector<16xf32>
        %parallel_loop3A_382 = arith.maximumf %parallel_loop3A_379, %parallel_loop3A_381 : vector<16xf32>
        %parallel_loop3A_383 = arith.mulf %parallel_loop3A_364, %parallel_loop3A_382 : vector<16xf32>
        %parallel_loop3A_384 = arith.index_cast %parallel_loop3A_268 : i32 to index
        %parallel_loop3A_385 = arith.constant 0 : index
        %parallel_loop3A_386 = tpu.vector_load %arg20[%parallel_loop3A_384, %parallel_loop3A_385] {strides = array<i32>} : memref<16x128xf32, #tpu.memory_space<vmem>>, vector<1x16xf32>,
        %parallel_loop3A_387 = vector.shape_cast %parallel_loop3A_386 : vector<1x16xf32> to vector<16xf32>
        %parallel_loop3A_388 = vector.shape_cast %parallel_loop3A_383 : vector<16xf32> to vector<1x16xf32>
        tpu.vector_store %arg20[%parallel_loop3A_384, %parallel_loop3A_385], %parallel_loop3A_388 {strides = array<i32>} : memref<16x128xf32, #tpu.memory_space<vmem>>, vector<1x16xf32>,
        %parallel_loop3A_389 = arith.constant 1.000000e+00 : f32
        %parallel_loop3A_390 = vector.broadcast %parallel_loop3A_389 : f32 to vector<16xf32>
        %parallel_loop3A_391 = arith.subf %parallel_loop3A_372, %parallel_loop3A_390 : vector<16xf32>
        %parallel_loop3A_392 = arith.mulf %parallel_loop3A_391, %parallel_loop3A_391 : vector<16xf32>
        %parallel_loop3A_393 = arith.constant 1.000000e+00 : f32
        %parallel_loop3A_394 = vector.broadcast %parallel_loop3A_393 : f32 to vector<16xf32>
        %parallel_loop3A_395 = arith.subf %parallel_loop3A_394, %parallel_loop3A_392 : vector<16xf32>
        %parallel_loop3A_396 = arith.constant 0.000000e+00 : f32
        %parallel_loop3A_397 = vector.broadcast %parallel_loop3A_396 : f32 to vector<16xf32>
        %parallel_loop3A_398 = arith.maximumf %parallel_loop3A_395, %parallel_loop3A_397 : vector<16xf32>
        %parallel_loop3A_399 = arith.mulf %parallel_loop3A_364, %parallel_loop3A_398 : vector<16xf32>
        %parallel_loop3A_400 = arith.index_cast %parallel_loop3A_268 : i32 to index
        %parallel_loop3A_401 = arith.constant 16 : index
        %parallel_loop3A_402 = tpu.vector_load %arg20[%parallel_loop3A_400, %parallel_loop3A_401] {strides = array<i32>} : memref<16x128xf32, #tpu.memory_space<vmem>>, vector<1x16xf32>,
        %parallel_loop3A_403 = vector.shape_cast %parallel_loop3A_402 : vector<1x16xf32> to vector<16xf32>
        %parallel_loop3A_404 = vector.shape_cast %parallel_loop3A_399 : vector<16xf32> to vector<1x16xf32>
        tpu.vector_store %arg20[%parallel_loop3A_400, %parallel_loop3A_401], %parallel_loop3A_404 {strides = array<i32>} : memref<16x128xf32, #tpu.memory_space<vmem>>, vector<1x16xf32>,
        %parallel_loop3A_405 = arith.constant 2.000000e+00 : f32
        %parallel_loop3A_406 = vector.broadcast %parallel_loop3A_405 : f32 to vector<16xf32>
        %parallel_loop3A_407 = arith.subf %parallel_loop3A_372, %parallel_loop3A_406 : vector<16xf32>
        %parallel_loop3A_408 = arith.mulf %parallel_loop3A_407, %parallel_loop3A_407 : vector<16xf32>
        %parallel_loop3A_409 = arith.constant 1.000000e+00 : f32
        %parallel_loop3A_410 = vector.broadcast %parallel_loop3A_409 : f32 to vector<16xf32>
        %parallel_loop3A_411 = arith.subf %parallel_loop3A_410, %parallel_loop3A_408 : vector<16xf32>
        %parallel_loop3A_412 = arith.constant 0.000000e+00 : f32
        %parallel_loop3A_413 = vector.broadcast %parallel_loop3A_412 : f32 to vector<16xf32>
        %parallel_loop3A_414 = arith.maximumf %parallel_loop3A_411, %parallel_loop3A_413 : vector<16xf32>
        %parallel_loop3A_415 = arith.mulf %parallel_loop3A_364, %parallel_loop3A_414 : vector<16xf32>
        %parallel_loop3A_416 = arith.index_cast %parallel_loop3A_268 : i32 to index
        %parallel_loop3A_417 = arith.constant 32 : index
        %parallel_loop3A_418 = tpu.vector_load %arg20[%parallel_loop3A_416, %parallel_loop3A_417] {strides = array<i32>} : memref<16x128xf32, #tpu.memory_space<vmem>>, vector<1x16xf32>,
        %parallel_loop3A_419 = vector.shape_cast %parallel_loop3A_418 : vector<1x16xf32> to vector<16xf32>
        %parallel_loop3A_420 = vector.shape_cast %parallel_loop3A_415 : vector<16xf32> to vector<1x16xf32>
        tpu.vector_store %arg20[%parallel_loop3A_416, %parallel_loop3A_417], %parallel_loop3A_420 {strides = array<i32>} : memref<16x128xf32, #tpu.memory_space<vmem>>, vector<1x16xf32>,
        %parallel_loop3A_421 = arith.constant 3.000000e+00 : f32
        %parallel_loop3A_422 = vector.broadcast %parallel_loop3A_421 : f32 to vector<16xf32>
        %parallel_loop3A_423 = arith.subf %parallel_loop3A_372, %parallel_loop3A_422 : vector<16xf32>
        %parallel_loop3A_424 = arith.mulf %parallel_loop3A_423, %parallel_loop3A_423 : vector<16xf32>
        %parallel_loop3A_425 = arith.constant 1.000000e+00 : f32
        %parallel_loop3A_426 = vector.broadcast %parallel_loop3A_425 : f32 to vector<16xf32>
        %parallel_loop3A_427 = arith.subf %parallel_loop3A_426, %parallel_loop3A_424 : vector<16xf32>
        %parallel_loop3A_428 = arith.constant 0.000000e+00 : f32
        %parallel_loop3A_429 = vector.broadcast %parallel_loop3A_428 : f32 to vector<16xf32>
        %parallel_loop3A_430 = arith.maximumf %parallel_loop3A_427, %parallel_loop3A_429 : vector<16xf32>
        %parallel_loop3A_431 = arith.mulf %parallel_loop3A_364, %parallel_loop3A_430 : vector<16xf32>
        %parallel_loop3A_432 = arith.index_cast %parallel_loop3A_268 : i32 to index
        %parallel_loop3A_433 = arith.constant 48 : index
        %parallel_loop3A_434 = tpu.vector_load %arg20[%parallel_loop3A_432, %parallel_loop3A_433] {strides = array<i32>} : memref<16x128xf32, #tpu.memory_space<vmem>>, vector<1x16xf32>,
        %parallel_loop3A_435 = vector.shape_cast %parallel_loop3A_434 : vector<1x16xf32> to vector<16xf32>
        %parallel_loop3A_436 = vector.shape_cast %parallel_loop3A_431 : vector<16xf32> to vector<1x16xf32>
        tpu.vector_store %arg20[%parallel_loop3A_432, %parallel_loop3A_433], %parallel_loop3A_436 {strides = array<i32>} : memref<16x128xf32, #tpu.memory_space<vmem>>, vector<1x16xf32>,
        %parallel_loop3A_437 = arith.constant 4.000000e+00 : f32
        %parallel_loop3A_438 = vector.broadcast %parallel_loop3A_437 : f32 to vector<16xf32>
        %parallel_loop3A_439 = arith.subf %parallel_loop3A_372, %parallel_loop3A_438 : vector<16xf32>
        %parallel_loop3A_440 = arith.mulf %parallel_loop3A_439, %parallel_loop3A_439 : vector<16xf32>
        %parallel_loop3A_441 = arith.constant 1.000000e+00 : f32
        %parallel_loop3A_442 = vector.broadcast %parallel_loop3A_441 : f32 to vector<16xf32>
        %parallel_loop3A_443 = arith.subf %parallel_loop3A_442, %parallel_loop3A_440 : vector<16xf32>
        %parallel_loop3A_444 = arith.constant 0.000000e+00 : f32
        %parallel_loop3A_445 = vector.broadcast %parallel_loop3A_444 : f32 to vector<16xf32>
        %parallel_loop3A_446 = arith.maximumf %parallel_loop3A_443, %parallel_loop3A_445 : vector<16xf32>
        %parallel_loop3A_447 = arith.mulf %parallel_loop3A_364, %parallel_loop3A_446 : vector<16xf32>
        %parallel_loop3A_448 = arith.index_cast %parallel_loop3A_268 : i32 to index
        %parallel_loop3A_449 = arith.constant 64 : index
        %parallel_loop3A_450 = tpu.vector_load %arg20[%parallel_loop3A_448, %parallel_loop3A_449] {strides = array<i32>} : memref<16x128xf32, #tpu.memory_space<vmem>>, vector<1x16xf32>,
        %parallel_loop3A_451 = vector.shape_cast %parallel_loop3A_450 : vector<1x16xf32> to vector<16xf32>
        %parallel_loop3A_452 = vector.shape_cast %parallel_loop3A_447 : vector<16xf32> to vector<1x16xf32>
        tpu.vector_store %arg20[%parallel_loop3A_448, %parallel_loop3A_449], %parallel_loop3A_452 {strides = array<i32>} : memref<16x128xf32, #tpu.memory_space<vmem>>, vector<1x16xf32>,
        %parallel_loop3A_453 = arith.constant 5.000000e+00 : f32
        %parallel_loop3A_454 = vector.broadcast %parallel_loop3A_453 : f32 to vector<16xf32>
        %parallel_loop3A_455 = arith.subf %parallel_loop3A_372, %parallel_loop3A_454 : vector<16xf32>
        %parallel_loop3A_456 = arith.mulf %parallel_loop3A_455, %parallel_loop3A_455 : vector<16xf32>
        %parallel_loop3A_457 = arith.constant 1.000000e+00 : f32
        %parallel_loop3A_458 = vector.broadcast %parallel_loop3A_457 : f32 to vector<16xf32>
        %parallel_loop3A_459 = arith.subf %parallel_loop3A_458, %parallel_loop3A_456 : vector<16xf32>
        %parallel_loop3A_460 = arith.constant 0.000000e+00 : f32
        %parallel_loop3A_461 = vector.broadcast %parallel_loop3A_460 : f32 to vector<16xf32>
        %parallel_loop3A_462 = arith.maximumf %parallel_loop3A_459, %parallel_loop3A_461 : vector<16xf32>
        %parallel_loop3A_463 = arith.mulf %parallel_loop3A_364, %parallel_loop3A_462 : vector<16xf32>
        %parallel_loop3A_464 = arith.index_cast %parallel_loop3A_268 : i32 to index
        %parallel_loop3A_465 = arith.constant 80 : index
        %parallel_loop3A_466 = tpu.vector_load %arg20[%parallel_loop3A_464, %parallel_loop3A_465] {strides = array<i32>} : memref<16x128xf32, #tpu.memory_space<vmem>>, vector<1x16xf32>,
        %parallel_loop3A_467 = vector.shape_cast %parallel_loop3A_466 : vector<1x16xf32> to vector<16xf32>
        %parallel_loop3A_468 = vector.shape_cast %parallel_loop3A_463 : vector<16xf32> to vector<1x16xf32>
        tpu.vector_store %arg20[%parallel_loop3A_464, %parallel_loop3A_465], %parallel_loop3A_468 {strides = array<i32>} : memref<16x128xf32, #tpu.memory_space<vmem>>, vector<1x16xf32>,
        %parallel_loop3A_469 = arith.constant 6.000000e+00 : f32
        %parallel_loop3A_470 = vector.broadcast %parallel_loop3A_469 : f32 to vector<16xf32>
        %parallel_loop3A_471 = arith.subf %parallel_loop3A_372, %parallel_loop3A_470 : vector<16xf32>
        %parallel_loop3A_472 = arith.mulf %parallel_loop3A_471, %parallel_loop3A_471 : vector<16xf32>
        %parallel_loop3A_473 = arith.constant 1.000000e+00 : f32
        %parallel_loop3A_474 = vector.broadcast %parallel_loop3A_473 : f32 to vector<16xf32>
        %parallel_loop3A_475 = arith.subf %parallel_loop3A_474, %parallel_loop3A_472 : vector<16xf32>
        %parallel_loop3A_476 = arith.constant 0.000000e+00 : f32
        %parallel_loop3A_477 = vector.broadcast %parallel_loop3A_476 : f32 to vector<16xf32>
        %parallel_loop3A_478 = arith.maximumf %parallel_loop3A_475, %parallel_loop3A_477 : vector<16xf32>
        %parallel_loop3A_479 = arith.mulf %parallel_loop3A_364, %parallel_loop3A_478 : vector<16xf32>
        %parallel_loop3A_480 = arith.index_cast %parallel_loop3A_268 : i32 to index
        %parallel_loop3A_481 = arith.constant 96 : index
        %parallel_loop3A_482 = tpu.vector_load %arg20[%parallel_loop3A_480, %parallel_loop3A_481] {strides = array<i32>} : memref<16x128xf32, #tpu.memory_space<vmem>>, vector<1x16xf32>,
        %parallel_loop3A_483 = vector.shape_cast %parallel_loop3A_482 : vector<1x16xf32> to vector<16xf32>
        %parallel_loop3A_484 = vector.shape_cast %parallel_loop3A_479 : vector<16xf32> to vector<1x16xf32>
        tpu.vector_store %arg20[%parallel_loop3A_480, %parallel_loop3A_481], %parallel_loop3A_484 {strides = array<i32>} : memref<16x128xf32, #tpu.memory_space<vmem>>, vector<1x16xf32>,
        %parallel_loop3A_485 = arith.constant 7.000000e+00 : f32
        %parallel_loop3A_486 = vector.broadcast %parallel_loop3A_485 : f32 to vector<16xf32>
        %parallel_loop3A_487 = arith.subf %parallel_loop3A_372, %parallel_loop3A_486 : vector<16xf32>
        %parallel_loop3A_488 = arith.mulf %parallel_loop3A_487, %parallel_loop3A_487 : vector<16xf32>
        %parallel_loop3A_489 = arith.constant 1.000000e+00 : f32
        %parallel_loop3A_490 = vector.broadcast %parallel_loop3A_489 : f32 to vector<16xf32>
        %parallel_loop3A_491 = arith.subf %parallel_loop3A_490, %parallel_loop3A_488 : vector<16xf32>
        %parallel_loop3A_492 = arith.constant 0.000000e+00 : f32
        %parallel_loop3A_493 = vector.broadcast %parallel_loop3A_492 : f32 to vector<16xf32>
        %parallel_loop3A_494 = arith.maximumf %parallel_loop3A_491, %parallel_loop3A_493 : vector<16xf32>
        %parallel_loop3A_495 = arith.mulf %parallel_loop3A_364, %parallel_loop3A_494 : vector<16xf32>
        %parallel_loop3A_496 = arith.index_cast %parallel_loop3A_268 : i32 to index
        %parallel_loop3A_497 = arith.constant 112 : index
        %parallel_loop3A_498 = tpu.vector_load %arg20[%parallel_loop3A_496, %parallel_loop3A_497] {strides = array<i32>} : memref<16x128xf32, #tpu.memory_space<vmem>>, vector<1x16xf32>,
        %parallel_loop3A_499 = vector.shape_cast %parallel_loop3A_498 : vector<1x16xf32> to vector<16xf32>
        %parallel_loop3A_500 = vector.shape_cast %parallel_loop3A_495 : vector<16xf32> to vector<1x16xf32>
        tpu.vector_store %arg20[%parallel_loop3A_496, %parallel_loop3A_497], %parallel_loop3A_500 {strides = array<i32>} : memref<16x128xf32, #tpu.memory_space<vmem>>, vector<1x16xf32>,
        %parallel_loop3A_501 = vector.shape_cast %and3A_10 : vector<16xi32> to vector<16x1xi32>
        %parallel_loop3A_502 = vector.shape_cast %parallel_loop3A_501 : vector<16x1xi32> to vector<16xi32>
        %parallel_loop3A_503 = tpu.dynamic_gather %parallel_loop3A_358[%parallel_loop3A_502] in [0] : vector<16xf32>, vector<16xi32> -> vector<16xf32>
        %parallel_loop3A_504 = arith.index_cast %parallel_loop3A_268 : i32 to index
        %parallel_loop3A_505 = arith.constant 0 : index
        %parallel_loop3A_506 = tpu.vector_load %arg19[%parallel_loop3A_504, %parallel_loop3A_505] {strides = array<i32>} : memref<16x128xf32, #tpu.memory_space<vmem>>, vector<1x16xf32>,
        %parallel_loop3A_507 = vector.shape_cast %parallel_loop3A_506 : vector<1x16xf32> to vector<16xf32>
        %parallel_loop3A_508 = arith.mulf %parallel_loop3A_507, %parallel_loop3A_503 : vector<16xf32>
        %parallel_loop3A_509 = arith.index_cast %parallel_loop3A_268 : i32 to index
        %parallel_loop3A_510 = arith.constant 0 : index
        %parallel_loop3A_511 = tpu.vector_load %arg19[%parallel_loop3A_509, %parallel_loop3A_510] {strides = array<i32>} : memref<16x128xf32, #tpu.memory_space<vmem>>, vector<1x16xf32>,
        %parallel_loop3A_512 = vector.shape_cast %parallel_loop3A_511 : vector<1x16xf32> to vector<16xf32>
        %parallel_loop3A_513 = vector.shape_cast %parallel_loop3A_508 : vector<16xf32> to vector<1x16xf32>
        tpu.vector_store %arg19[%parallel_loop3A_509, %parallel_loop3A_510], %parallel_loop3A_513 {strides = array<i32>} : memref<16x128xf32, #tpu.memory_space<vmem>>, vector<1x16xf32>,
        %parallel_loop3A_514 = arith.index_cast %parallel_loop3A_268 : i32 to index
        %parallel_loop3A_515 = arith.constant 16 : index
        %parallel_loop3A_516 = tpu.vector_load %arg19[%parallel_loop3A_514, %parallel_loop3A_515] {strides = array<i32>} : memref<16x128xf32, #tpu.memory_space<vmem>>, vector<1x16xf32>,
        %parallel_loop3A_517 = vector.shape_cast %parallel_loop3A_516 : vector<1x16xf32> to vector<16xf32>
        %parallel_loop3A_518 = arith.mulf %parallel_loop3A_517, %parallel_loop3A_503 : vector<16xf32>
        %parallel_loop3A_519 = arith.index_cast %parallel_loop3A_268 : i32 to index
        %parallel_loop3A_520 = arith.constant 16 : index
        %parallel_loop3A_521 = tpu.vector_load %arg19[%parallel_loop3A_519, %parallel_loop3A_520] {strides = array<i32>} : memref<16x128xf32, #tpu.memory_space<vmem>>, vector<1x16xf32>,
        %parallel_loop3A_522 = vector.shape_cast %parallel_loop3A_521 : vector<1x16xf32> to vector<16xf32>
        %parallel_loop3A_523 = vector.shape_cast %parallel_loop3A_518 : vector<16xf32> to vector<1x16xf32>
        tpu.vector_store %arg19[%parallel_loop3A_519, %parallel_loop3A_520], %parallel_loop3A_523 {strides = array<i32>} : memref<16x128xf32, #tpu.memory_space<vmem>>, vector<1x16xf32>,
        %parallel_loop3A_524 = arith.index_cast %parallel_loop3A_268 : i32 to index
        %parallel_loop3A_525 = arith.constant 32 : index
        %parallel_loop3A_526 = tpu.vector_load %arg19[%parallel_loop3A_524, %parallel_loop3A_525] {strides = array<i32>} : memref<16x128xf32, #tpu.memory_space<vmem>>, vector<1x16xf32>,
        %parallel_loop3A_527 = vector.shape_cast %parallel_loop3A_526 : vector<1x16xf32> to vector<16xf32>
        %parallel_loop3A_528 = arith.mulf %parallel_loop3A_527, %parallel_loop3A_503 : vector<16xf32>
        %parallel_loop3A_529 = arith.index_cast %parallel_loop3A_268 : i32 to index
        %parallel_loop3A_530 = arith.constant 32 : index
        %parallel_loop3A_531 = tpu.vector_load %arg19[%parallel_loop3A_529, %parallel_loop3A_530] {strides = array<i32>} : memref<16x128xf32, #tpu.memory_space<vmem>>, vector<1x16xf32>,
        %parallel_loop3A_532 = vector.shape_cast %parallel_loop3A_531 : vector<1x16xf32> to vector<16xf32>
        %parallel_loop3A_533 = vector.shape_cast %parallel_loop3A_528 : vector<16xf32> to vector<1x16xf32>
        tpu.vector_store %arg19[%parallel_loop3A_529, %parallel_loop3A_530], %parallel_loop3A_533 {strides = array<i32>} : memref<16x128xf32, #tpu.memory_space<vmem>>, vector<1x16xf32>,
        %parallel_loop3A_534 = arith.index_cast %parallel_loop3A_268 : i32 to index
        %parallel_loop3A_535 = arith.constant 48 : index
        %parallel_loop3A_536 = tpu.vector_load %arg19[%parallel_loop3A_534, %parallel_loop3A_535] {strides = array<i32>} : memref<16x128xf32, #tpu.memory_space<vmem>>, vector<1x16xf32>,
        %parallel_loop3A_537 = vector.shape_cast %parallel_loop3A_536 : vector<1x16xf32> to vector<16xf32>
        %parallel_loop3A_538 = arith.mulf %parallel_loop3A_537, %parallel_loop3A_503 : vector<16xf32>
        %parallel_loop3A_539 = arith.index_cast %parallel_loop3A_268 : i32 to index
        %parallel_loop3A_540 = arith.constant 48 : index
        %parallel_loop3A_541 = tpu.vector_load %arg19[%parallel_loop3A_539, %parallel_loop3A_540] {strides = array<i32>} : memref<16x128xf32, #tpu.memory_space<vmem>>, vector<1x16xf32>,
        %parallel_loop3A_542 = vector.shape_cast %parallel_loop3A_541 : vector<1x16xf32> to vector<16xf32>
        %parallel_loop3A_543 = vector.shape_cast %parallel_loop3A_538 : vector<16xf32> to vector<1x16xf32>
        tpu.vector_store %arg19[%parallel_loop3A_539, %parallel_loop3A_540], %parallel_loop3A_543 {strides = array<i32>} : memref<16x128xf32, #tpu.memory_space<vmem>>, vector<1x16xf32>,
        %parallel_loop3A_544 = arith.index_cast %parallel_loop3A_268 : i32 to index
        %parallel_loop3A_545 = arith.constant 64 : index
        %parallel_loop3A_546 = tpu.vector_load %arg19[%parallel_loop3A_544, %parallel_loop3A_545] {strides = array<i32>} : memref<16x128xf32, #tpu.memory_space<vmem>>, vector<1x16xf32>,
        %parallel_loop3A_547 = vector.shape_cast %parallel_loop3A_546 : vector<1x16xf32> to vector<16xf32>
        %parallel_loop3A_548 = arith.mulf %parallel_loop3A_547, %parallel_loop3A_503 : vector<16xf32>
        %parallel_loop3A_549 = arith.index_cast %parallel_loop3A_268 : i32 to index
        %parallel_loop3A_550 = arith.constant 64 : index
        %parallel_loop3A_551 = tpu.vector_load %arg19[%parallel_loop3A_549, %parallel_loop3A_550] {strides = array<i32>} : memref<16x128xf32, #tpu.memory_space<vmem>>, vector<1x16xf32>,
        %parallel_loop3A_552 = vector.shape_cast %parallel_loop3A_551 : vector<1x16xf32> to vector<16xf32>
        %parallel_loop3A_553 = vector.shape_cast %parallel_loop3A_548 : vector<16xf32> to vector<1x16xf32>
        tpu.vector_store %arg19[%parallel_loop3A_549, %parallel_loop3A_550], %parallel_loop3A_553 {strides = array<i32>} : memref<16x128xf32, #tpu.memory_space<vmem>>, vector<1x16xf32>,
        %parallel_loop3A_554 = arith.index_cast %parallel_loop3A_268 : i32 to index
        %parallel_loop3A_555 = arith.constant 80 : index
        %parallel_loop3A_556 = tpu.vector_load %arg19[%parallel_loop3A_554, %parallel_loop3A_555] {strides = array<i32>} : memref<16x128xf32, #tpu.memory_space<vmem>>, vector<1x16xf32>,
        %parallel_loop3A_557 = vector.shape_cast %parallel_loop3A_556 : vector<1x16xf32> to vector<16xf32>
        %parallel_loop3A_558 = arith.mulf %parallel_loop3A_557, %parallel_loop3A_503 : vector<16xf32>
        %parallel_loop3A_559 = arith.index_cast %parallel_loop3A_268 : i32 to index
        %parallel_loop3A_560 = arith.constant 80 : index
        %parallel_loop3A_561 = tpu.vector_load %arg19[%parallel_loop3A_559, %parallel_loop3A_560] {strides = array<i32>} : memref<16x128xf32, #tpu.memory_space<vmem>>, vector<1x16xf32>,
        %parallel_loop3A_562 = vector.shape_cast %parallel_loop3A_561 : vector<1x16xf32> to vector<16xf32>
        %parallel_loop3A_563 = vector.shape_cast %parallel_loop3A_558 : vector<16xf32> to vector<1x16xf32>
        tpu.vector_store %arg19[%parallel_loop3A_559, %parallel_loop3A_560], %parallel_loop3A_563 {strides = array<i32>} : memref<16x128xf32, #tpu.memory_space<vmem>>, vector<1x16xf32>,
        %parallel_loop3A_564 = arith.index_cast %parallel_loop3A_268 : i32 to index
        %parallel_loop3A_565 = arith.constant 96 : index
        %parallel_loop3A_566 = tpu.vector_load %arg19[%parallel_loop3A_564, %parallel_loop3A_565] {strides = array<i32>} : memref<16x128xf32, #tpu.memory_space<vmem>>, vector<1x16xf32>,
        %parallel_loop3A_567 = vector.shape_cast %parallel_loop3A_566 : vector<1x16xf32> to vector<16xf32>
        %parallel_loop3A_568 = arith.mulf %parallel_loop3A_567, %parallel_loop3A_503 : vector<16xf32>
        %parallel_loop3A_569 = arith.index_cast %parallel_loop3A_268 : i32 to index
        %parallel_loop3A_570 = arith.constant 96 : index
        %parallel_loop3A_571 = tpu.vector_load %arg19[%parallel_loop3A_569, %parallel_loop3A_570] {strides = array<i32>} : memref<16x128xf32, #tpu.memory_space<vmem>>, vector<1x16xf32>,
        %parallel_loop3A_572 = vector.shape_cast %parallel_loop3A_571 : vector<1x16xf32> to vector<16xf32>
        %parallel_loop3A_573 = vector.shape_cast %parallel_loop3A_568 : vector<16xf32> to vector<1x16xf32>
        tpu.vector_store %arg19[%parallel_loop3A_569, %parallel_loop3A_570], %parallel_loop3A_573 {strides = array<i32>} : memref<16x128xf32, #tpu.memory_space<vmem>>, vector<1x16xf32>,
        %parallel_loop3A_574 = arith.index_cast %parallel_loop3A_268 : i32 to index
        %parallel_loop3A_575 = arith.constant 112 : index
        %parallel_loop3A_576 = tpu.vector_load %arg19[%parallel_loop3A_574, %parallel_loop3A_575] {strides = array<i32>} : memref<16x128xf32, #tpu.memory_space<vmem>>, vector<1x16xf32>,
        %parallel_loop3A_577 = vector.shape_cast %parallel_loop3A_576 : vector<1x16xf32> to vector<16xf32>
        %parallel_loop3A_578 = arith.mulf %parallel_loop3A_577, %parallel_loop3A_503 : vector<16xf32>
        %parallel_loop3A_579 = arith.index_cast %parallel_loop3A_268 : i32 to index
        %parallel_loop3A_580 = arith.constant 112 : index
        %parallel_loop3A_581 = tpu.vector_load %arg19[%parallel_loop3A_579, %parallel_loop3A_580] {strides = array<i32>} : memref<16x128xf32, #tpu.memory_space<vmem>>, vector<1x16xf32>,
        %parallel_loop3A_582 = vector.shape_cast %parallel_loop3A_581 : vector<1x16xf32> to vector<16xf32>
        %parallel_loop3A_583 = vector.shape_cast %parallel_loop3A_578 : vector<16xf32> to vector<1x16xf32>
        tpu.vector_store %arg19[%parallel_loop3A_579, %parallel_loop3A_580], %parallel_loop3A_583 {strides = array<i32>} : memref<16x128xf32, #tpu.memory_space<vmem>>, vector<1x16xf32>,
      } {sc.loop_unroll_factor = 2 : i64, sc.parallel_access}
      %get3A_252 = arith.constant 0 : index
      %get3A_253 = tpu.vector_load %arg11[%get3A_252] {strides = array<i32>} : memref<16xi32, #tpu.memory_space<vmem>>, vector<16xi32>,
      %get3A_254 = vector.shape_cast %get3A_253 : vector<16xi32> to vector<16xi32>
      %shift_right_logical3A_255 = arith.constant 3 : i32
      %shift_right_logical3A_256 = vector.broadcast %shift_right_logical3A_255 : i32 to vector<16xi32>
      %shift_right_logical3A_257 = arith.shrui %get3A_254, %shift_right_logical3A_256 : vector<16xi32>
      %add3A_258 = arith.constant 10240 : i32
      %add3A_259 = vector.broadcast %add3A_258 : i32 to vector<16xi32>
      %add3A_260 = arith.addi %add3A_259, %shift_right_logical3A_257 : vector<16xi32>
      %dma_start3A_261 = arith.constant 0 : i32
      %dma_start3A_262 = arith.constant 0 : i32
      %dma_start3A_263 = tpu.memref_slice %arg8[%dma_start3A_261, %dma_start3A_262] : memref<11520x128xf32, #tpu.memory_space<vmem_shared>> -> memref<11520x128xf32, #tpu.memory_space<vmem_shared>>
      tpu.enqueue_indirect_dma source(%arg19 : memref<16x128xf32, #tpu.memory_space<vmem>>) target(%dma_start3A_263 : memref<11520x128xf32, #tpu.memory_space<vmem_shared>>) offsets(%get3A_254 : vector<16xi32>) semaphore(%arg30 : memref<!tpu.dma_semaphore, #tpu.memory_space<semaphore_mem>>) {add = true}
      %dma_start3A_264 = arith.constant 0 : i32
      %dma_start3A_265 = arith.constant 0 : i32
      %dma_start3A_266 = tpu.memref_slice %arg8[%dma_start3A_264, %dma_start3A_265] : memref<11520x128xf32, #tpu.memory_space<vmem_shared>> -> memref<11520x128xf32, #tpu.memory_space<vmem_shared>>
      tpu.enqueue_indirect_dma source(%arg20 : memref<16x128xf32, #tpu.memory_space<vmem>>) target(%dma_start3A_266 : memref<11520x128xf32, #tpu.memory_space<vmem_shared>>) offsets(%add3A_260 : vector<16xi32>) semaphore(%arg31 : memref<!tpu.dma_semaphore, #tpu.memory_space<semaphore_mem>>) {add = true}
      %scan3A_267 = arith.constant 0 : i32
      scf.yield %scan3A_267 : i32
    }
    %scan3A_48 = arith.constant 312 : i32
    %dma_wait3A = arith.constant 0 : i32
    %dma_wait3A_49 = arith.constant 0 : i32
    %dma_wait3A_50 = tpu.memref_slice %arg8[%dma_wait3A, %dma_wait3A_49] : memref<11520x128xf32, #tpu.memory_space<vmem_shared>> -> memref<16x128xf32, #tpu.memory_space<vmem_shared>>
    %dma_wait3A_51 = arith.constant 0 : i32
    %dma_wait3A_52 = arith.constant 0 : i32
    %dma_wait3A_53 = tpu.memref_slice %arg8[%dma_wait3A_51, %dma_wait3A_52] : memref<11520x128xf32, #tpu.memory_space<vmem_shared>> -> memref<16x128xf32, #tpu.memory_space<vmem_shared>>
    tpu.wait_dma2 semaphore(%arg30 : memref<!tpu.dma_semaphore, #tpu.memory_space<semaphore_mem>>) src(%arg19 : memref<16x128xf32, #tpu.memory_space<vmem>>) dst(%dma_wait3A_53 : memref<16x128xf32, #tpu.memory_space<vmem_shared>>)
    %dma_wait3A_54 = arith.constant 0 : i32
    %dma_wait3A_55 = arith.constant 0 : i32
    %dma_wait3A_56 = tpu.memref_slice %arg8[%dma_wait3A_54, %dma_wait3A_55] : memref<11520x128xf32, #tpu.memory_space<vmem_shared>> -> memref<16x128xf32, #tpu.memory_space<vmem_shared>>
    %dma_wait3A_57 = arith.constant 0 : i32
    %dma_wait3A_58 = arith.constant 0 : i32
    %dma_wait3A_59 = tpu.memref_slice %arg8[%dma_wait3A_57, %dma_wait3A_58] : memref<11520x128xf32, #tpu.memory_space<vmem_shared>> -> memref<16x128xf32, #tpu.memory_space<vmem_shared>>
    tpu.wait_dma2 semaphore(%arg31 : memref<!tpu.dma_semaphore, #tpu.memory_space<semaphore_mem>>) src(%arg20 : memref<16x128xf32, #tpu.memory_space<vmem>>) dst(%dma_wait3A_59 : memref<16x128xf32, #tpu.memory_space<vmem_shared>>)
    %dma_wait3A_60 = arith.constant 0 : i32
    %dma_wait3A_61 = arith.constant 0 : i32
    %dma_wait3A_62 = tpu.memref_slice %arg4[%dma_wait3A_60, %dma_wait3A_61] : memref<10000x128xf32, #tpu.memory_space<hbm>> -> memref<16x128xf32, #tpu.memory_space<hbm>>
    %dma_wait3A_63 = arith.constant 0 : i32
    %dma_wait3A_64 = arith.constant 0 : i32
    %dma_wait3A_65 = tpu.memref_slice %arg4[%dma_wait3A_63, %dma_wait3A_64] : memref<10000x128xf32, #tpu.memory_space<hbm>> -> memref<16x128xf32, #tpu.memory_space<hbm>>
    tpu.wait_dma2 semaphore(%arg22 : memref<!tpu.dma_semaphore, #tpu.memory_space<semaphore_mem>>) src(%dma_wait3A_65 : memref<16x128xf32, #tpu.memory_space<hbm>>) dst(%arg13 : memref<16x128xf32, #tpu.memory_space<vmem>>)
    %dma_wait3A_66 = arith.constant 0 : i32
    %dma_wait3A_67 = arith.constant 0 : i32
    %dma_wait3A_68 = tpu.memref_slice %arg5[%dma_wait3A_66, %dma_wait3A_67] : memref<10000x128xf32, #tpu.memory_space<hbm>> -> memref<16x128xf32, #tpu.memory_space<hbm>>
    %dma_wait3A_69 = arith.constant 0 : i32
    %dma_wait3A_70 = arith.constant 0 : i32
    %dma_wait3A_71 = tpu.memref_slice %arg5[%dma_wait3A_69, %dma_wait3A_70] : memref<10000x128xf32, #tpu.memory_space<hbm>> -> memref<16x128xf32, #tpu.memory_space<hbm>>
    tpu.wait_dma2 semaphore(%arg23 : memref<!tpu.dma_semaphore, #tpu.memory_space<semaphore_mem>>) src(%dma_wait3A_71 : memref<16x128xf32, #tpu.memory_space<hbm>>) dst(%arg14 : memref<16x128xf32, #tpu.memory_space<vmem>>)
    %dma_wait3A_72 = arith.constant 0 : i32
    %dma_wait3A_73 = arith.constant 0 : i32
    %dma_wait3A_74 = tpu.memref_slice %arg6[%dma_wait3A_72, %dma_wait3A_73] : memref<10000x128xf32, #tpu.memory_space<hbm>> -> memref<16x128xf32, #tpu.memory_space<hbm>>
    %dma_wait3A_75 = arith.constant 0 : i32
    %dma_wait3A_76 = arith.constant 0 : i32
    %dma_wait3A_77 = tpu.memref_slice %arg6[%dma_wait3A_75, %dma_wait3A_76] : memref<10000x128xf32, #tpu.memory_space<hbm>> -> memref<16x128xf32, #tpu.memory_space<hbm>>
    tpu.wait_dma2 semaphore(%arg24 : memref<!tpu.dma_semaphore, #tpu.memory_space<semaphore_mem>>) src(%dma_wait3A_77 : memref<16x128xf32, #tpu.memory_space<hbm>>) dst(%arg15 : memref<16x128xf32, #tpu.memory_space<vmem>>)
    %get3A_78 = arith.constant 0 : index
    %get3A_79 = tpu.vector_load %arg9[%get3A_78] {strides = array<i32>} : memref<16xi32, #tpu.memory_space<vmem>>, vector<16xi32>,
    %get3A_80 = vector.shape_cast %get3A_79 : vector<16xi32> to vector<16xi32>
    %and3A_81 = arith.constant 7 : i32
    %and3A_82 = vector.broadcast %and3A_81 : i32 to vector<16xi32>
    %and3A_83 = arith.andi %get3A_80, %and3A_82 : vector<16xi32>
    %convert_element_type3A = arith.sitofp %and3A_83 : vector<16xi32> to vector<16xf32>
    %parallel_loop3A = arith.constant 0 : i32
    %parallel_loop3A_84 = arith.constant 16 : i32
    %parallel_loop3A_85 = arith.constant 1 : i32
    scf.for %parallel_loop3A_120 = %parallel_loop3A to %parallel_loop3A_84 step %parallel_loop3A_85  : i32 {
      %parallel_loop3A_121 = arith.index_cast %parallel_loop3A_120 : i32 to index
      %parallel_loop3A_122 = arith.constant 0 : index
      %parallel_loop3A_123 = tpu.vector_load %arg13[%parallel_loop3A_121, %parallel_loop3A_122] {strides = array<i32>} : memref<16x128xf32, #tpu.memory_space<vmem>>, vector<1x16xf32>,
      %parallel_loop3A_124 = vector.shape_cast %parallel_loop3A_123 : vector<1x16xf32> to vector<16xf32>
      %parallel_loop3A_125 = arith.index_cast %parallel_loop3A_120 : i32 to index
      %parallel_loop3A_126 = arith.constant 0 : index
      %parallel_loop3A_127 = tpu.vector_load %arg14[%parallel_loop3A_125, %parallel_loop3A_126] {strides = array<i32>} : memref<16x128xf32, #tpu.memory_space<vmem>>, vector<1x16xf32>,
      %parallel_loop3A_128 = vector.shape_cast %parallel_loop3A_127 : vector<1x16xf32> to vector<16xf32>
      %parallel_loop3A_129 = arith.mulf %parallel_loop3A_124, %parallel_loop3A_128 : vector<16xf32>
      %parallel_loop3A_130 = arith.index_cast %parallel_loop3A_120 : i32 to index
      %parallel_loop3A_131 = arith.constant 16 : index
      %parallel_loop3A_132 = tpu.vector_load %arg13[%parallel_loop3A_130, %parallel_loop3A_131] {strides = array<i32>} : memref<16x128xf32, #tpu.memory_space<vmem>>, vector<1x16xf32>,
      %parallel_loop3A_133 = vector.shape_cast %parallel_loop3A_132 : vector<1x16xf32> to vector<16xf32>
      %parallel_loop3A_134 = arith.index_cast %parallel_loop3A_120 : i32 to index
      %parallel_loop3A_135 = arith.constant 16 : index
      %parallel_loop3A_136 = tpu.vector_load %arg14[%parallel_loop3A_134, %parallel_loop3A_135] {strides = array<i32>} : memref<16x128xf32, #tpu.memory_space<vmem>>, vector<1x16xf32>,
      %parallel_loop3A_137 = vector.shape_cast %parallel_loop3A_136 : vector<1x16xf32> to vector<16xf32>
      %parallel_loop3A_138 = arith.mulf %parallel_loop3A_133, %parallel_loop3A_137 : vector<16xf32>
      %parallel_loop3A_139 = arith.addf %parallel_loop3A_129, %parallel_loop3A_138 : vector<16xf32>
      %parallel_loop3A_140 = arith.index_cast %parallel_loop3A_120 : i32 to index
      %parallel_loop3A_141 = arith.constant 32 : index
      %parallel_loop3A_142 = tpu.vector_load %arg13[%parallel_loop3A_140, %parallel_loop3A_141] {strides = array<i32>} : memref<16x128xf32, #tpu.memory_space<vmem>>, vector<1x16xf32>,
      %parallel_loop3A_143 = vector.shape_cast %parallel_loop3A_142 : vector<1x16xf32> to vector<16xf32>
      %parallel_loop3A_144 = arith.index_cast %parallel_loop3A_120 : i32 to index
      %parallel_loop3A_145 = arith.constant 32 : index
      %parallel_loop3A_146 = tpu.vector_load %arg14[%parallel_loop3A_144, %parallel_loop3A_145] {strides = array<i32>} : memref<16x128xf32, #tpu.memory_space<vmem>>, vector<1x16xf32>,
      %parallel_loop3A_147 = vector.shape_cast %parallel_loop3A_146 : vector<1x16xf32> to vector<16xf32>
      %parallel_loop3A_148 = arith.mulf %parallel_loop3A_143, %parallel_loop3A_147 : vector<16xf32>
      %parallel_loop3A_149 = arith.addf %parallel_loop3A_139, %parallel_loop3A_148 : vector<16xf32>
      %parallel_loop3A_150 = arith.index_cast %parallel_loop3A_120 : i32 to index
      %parallel_loop3A_151 = arith.constant 48 : index
      %parallel_loop3A_152 = tpu.vector_load %arg13[%parallel_loop3A_150, %parallel_loop3A_151] {strides = array<i32>} : memref<16x128xf32, #tpu.memory_space<vmem>>, vector<1x16xf32>,
      %parallel_loop3A_153 = vector.shape_cast %parallel_loop3A_152 : vector<1x16xf32> to vector<16xf32>
      %parallel_loop3A_154 = arith.index_cast %parallel_loop3A_120 : i32 to index
      %parallel_loop3A_155 = arith.constant 48 : index
      %parallel_loop3A_156 = tpu.vector_load %arg14[%parallel_loop3A_154, %parallel_loop3A_155] {strides = array<i32>} : memref<16x128xf32, #tpu.memory_space<vmem>>, vector<1x16xf32>,
      %parallel_loop3A_157 = vector.shape_cast %parallel_loop3A_156 : vector<1x16xf32> to vector<16xf32>
      %parallel_loop3A_158 = arith.mulf %parallel_loop3A_153, %parallel_loop3A_157 : vector<16xf32>
      %parallel_loop3A_159 = arith.addf %parallel_loop3A_149, %parallel_loop3A_158 : vector<16xf32>
      %parallel_loop3A_160 = arith.index_cast %parallel_loop3A_120 : i32 to index
      %parallel_loop3A_161 = arith.constant 64 : index
      %parallel_loop3A_162 = tpu.vector_load %arg13[%parallel_loop3A_160, %parallel_loop3A_161] {strides = array<i32>} : memref<16x128xf32, #tpu.memory_space<vmem>>, vector<1x16xf32>,
      %parallel_loop3A_163 = vector.shape_cast %parallel_loop3A_162 : vector<1x16xf32> to vector<16xf32>
      %parallel_loop3A_164 = arith.index_cast %parallel_loop3A_120 : i32 to index
      %parallel_loop3A_165 = arith.constant 64 : index
      %parallel_loop3A_166 = tpu.vector_load %arg14[%parallel_loop3A_164, %parallel_loop3A_165] {strides = array<i32>} : memref<16x128xf32, #tpu.memory_space<vmem>>, vector<1x16xf32>,
      %parallel_loop3A_167 = vector.shape_cast %parallel_loop3A_166 : vector<1x16xf32> to vector<16xf32>
      %parallel_loop3A_168 = arith.mulf %parallel_loop3A_163, %parallel_loop3A_167 : vector<16xf32>
      %parallel_loop3A_169 = arith.addf %parallel_loop3A_159, %parallel_loop3A_168 : vector<16xf32>
      %parallel_loop3A_170 = arith.index_cast %parallel_loop3A_120 : i32 to index
      %parallel_loop3A_171 = arith.constant 80 : index
      %parallel_loop3A_172 = tpu.vector_load %arg13[%parallel_loop3A_170, %parallel_loop3A_171] {strides = array<i32>} : memref<16x128xf32, #tpu.memory_space<vmem>>, vector<1x16xf32>,
      %parallel_loop3A_173 = vector.shape_cast %parallel_loop3A_172 : vector<1x16xf32> to vector<16xf32>
      %parallel_loop3A_174 = arith.index_cast %parallel_loop3A_120 : i32 to index
      %parallel_loop3A_175 = arith.constant 80 : index
      %parallel_loop3A_176 = tpu.vector_load %arg14[%parallel_loop3A_174, %parallel_loop3A_175] {strides = array<i32>} : memref<16x128xf32, #tpu.memory_space<vmem>>, vector<1x16xf32>,
      %parallel_loop3A_177 = vector.shape_cast %parallel_loop3A_176 : vector<1x16xf32> to vector<16xf32>
      %parallel_loop3A_178 = arith.mulf %parallel_loop3A_173, %parallel_loop3A_177 : vector<16xf32>
      %parallel_loop3A_179 = arith.addf %parallel_loop3A_169, %parallel_loop3A_178 : vector<16xf32>
      %parallel_loop3A_180 = arith.index_cast %parallel_loop3A_120 : i32 to index
      %parallel_loop3A_181 = arith.constant 96 : index
      %parallel_loop3A_182 = tpu.vector_load %arg13[%parallel_loop3A_180, %parallel_loop3A_181] {strides = array<i32>} : memref<16x128xf32, #tpu.memory_space<vmem>>, vector<1x16xf32>,
      %parallel_loop3A_183 = vector.shape_cast %parallel_loop3A_182 : vector<1x16xf32> to vector<16xf32>
      %parallel_loop3A_184 = arith.index_cast %parallel_loop3A_120 : i32 to index
      %parallel_loop3A_185 = arith.constant 96 : index
      %parallel_loop3A_186 = tpu.vector_load %arg14[%parallel_loop3A_184, %parallel_loop3A_185] {strides = array<i32>} : memref<16x128xf32, #tpu.memory_space<vmem>>, vector<1x16xf32>,
      %parallel_loop3A_187 = vector.shape_cast %parallel_loop3A_186 : vector<1x16xf32> to vector<16xf32>
      %parallel_loop3A_188 = arith.mulf %parallel_loop3A_183, %parallel_loop3A_187 : vector<16xf32>
      %parallel_loop3A_189 = arith.addf %parallel_loop3A_179, %parallel_loop3A_188 : vector<16xf32>
      %parallel_loop3A_190 = arith.index_cast %parallel_loop3A_120 : i32 to index
      %parallel_loop3A_191 = arith.constant 112 : index
      %parallel_loop3A_192 = tpu.vector_load %arg13[%parallel_loop3A_190, %parallel_loop3A_191] {strides = array<i32>} : memref<16x128xf32, #tpu.memory_space<vmem>>, vector<1x16xf32>,
      %parallel_loop3A_193 = vector.shape_cast %parallel_loop3A_192 : vector<1x16xf32> to vector<16xf32>
      %parallel_loop3A_194 = arith.index_cast %parallel_loop3A_120 : i32 to index
      %parallel_loop3A_195 = arith.constant 112 : index
      %parallel_loop3A_196 = tpu.vector_load %arg14[%parallel_loop3A_194, %parallel_loop3A_195] {strides = array<i32>} : memref<16x128xf32, #tpu.memory_space<vmem>>, vector<1x16xf32>,
      %parallel_loop3A_197 = vector.shape_cast %parallel_loop3A_196 : vector<1x16xf32> to vector<16xf32>
      %parallel_loop3A_198 = arith.mulf %parallel_loop3A_193, %parallel_loop3A_197 : vector<16xf32>
      %parallel_loop3A_199 = arith.addf %parallel_loop3A_189, %parallel_loop3A_198 : vector<16xf32>
      %parallel_loop3A_200 = vector.shape_cast %and3A_7 : vector<16xi32> to vector<16x1xi32>
      %parallel_loop3A_201 = vector.shape_cast %parallel_loop3A_200 : vector<16x1xi32> to vector<16xi32>
      %parallel_loop3A_202 = tpu.dynamic_gather %parallel_loop3A_199[%parallel_loop3A_201] in [0] : vector<16xf32>, vector<16xi32> -> vector<16xf32>
      %parallel_loop3A_203 = arith.addf %parallel_loop3A_199, %parallel_loop3A_202 : vector<16xf32>
      %parallel_loop3A_204 = arith.constant 8 : i32
      %parallel_loop3A_205 = vector.broadcast %parallel_loop3A_204 : i32 to vector<16xi32>
      %parallel_loop3A_206 = arith.cmpi slt, %iota3A, %parallel_loop3A_205 : vector<16xi32>
      %parallel_loop3A_207 = arith.constant 0.000000e+00 : f32
      %parallel_loop3A_208 = vector.broadcast %parallel_loop3A_207 : f32 to vector<16xf32>
      %parallel_loop3A_209 = arith.select %parallel_loop3A_206, %parallel_loop3A_203, %parallel_loop3A_208 : vector<16xi1>, vector<16xf32>
      %parallel_loop3A_210 = math.exp %parallel_loop3A_209 : vector<16xf32>
      %parallel_loop3A_211 = arith.constant 8 : i32
      %parallel_loop3A_212 = vector.broadcast %parallel_loop3A_211 : i32 to vector<16xi32>
      %parallel_loop3A_213 = arith.cmpi slt, %iota3A, %parallel_loop3A_212 : vector<16xi32>
      %parallel_loop3A_214 = arith.constant 0.000000e+00 : f32
      %parallel_loop3A_215 = vector.broadcast %parallel_loop3A_214 : f32 to vector<16xf32>
      %parallel_loop3A_216 = arith.select %parallel_loop3A_213, %parallel_loop3A_210, %parallel_loop3A_215 : vector<16xi1>, vector<16xf32>
      %parallel_loop3A_217 = arith.constant 0 : i32
      %parallel_loop3A_218 = vector.broadcast %parallel_loop3A_217 : i32 to vector<16xi32>
      %parallel_loop3A_219 = arith.muli %iota3A, %parallel_loop3A_218 : vector<16xi32>
      %parallel_loop3A_220 = vector.broadcast %parallel_loop3A_120 : i32 to vector<16xi32>
      %parallel_loop3A_221 = arith.addi %parallel_loop3A_219, %parallel_loop3A_220 : vector<16xi32>
      %parallel_loop3A_222 = vector.shape_cast %parallel_loop3A_221 : vector<16xi32> to vector<16x1xi32>
      %parallel_loop3A_223 = vector.shape_cast %parallel_loop3A_222 : vector<16x1xi32> to vector<16xi32>
      %parallel_loop3A_224 = tpu.dynamic_gather %convert_element_type3A[%parallel_loop3A_223] in [0] : vector<16xf32>, vector<16xi32> -> vector<16xf32>
      %parallel_loop3A_225 = arith.constant 0.000000e+00 : f32
      %parallel_loop3A_226 = vector.broadcast %parallel_loop3A_225 : f32 to vector<16xf32>
      %parallel_loop3A_227 = arith.subf %parallel_loop3A_224, %parallel_loop3A_226 : vector<16xf32>
      %parallel_loop3A_228 = arith.mulf %parallel_loop3A_227, %parallel_loop3A_227 : vector<16xf32>
      %parallel_loop3A_229 = arith.constant 1.000000e+00 : f32
      %parallel_loop3A_230 = vector.broadcast %parallel_loop3A_229 : f32 to vector<16xf32>
      %parallel_loop3A_231 = arith.subf %parallel_loop3A_230, %parallel_loop3A_228 : vector<16xf32>
      %parallel_loop3A_232 = arith.constant 0.000000e+00 : f32
      %parallel_loop3A_233 = vector.broadcast %parallel_loop3A_232 : f32 to vector<16xf32>
      %parallel_loop3A_234 = arith.maximumf %parallel_loop3A_231, %parallel_loop3A_233 : vector<16xf32>
      %parallel_loop3A_235 = arith.mulf %parallel_loop3A_216, %parallel_loop3A_234 : vector<16xf32>
      %parallel_loop3A_236 = arith.index_cast %parallel_loop3A_120 : i32 to index
      %parallel_loop3A_237 = arith.constant 0 : index
      %parallel_loop3A_238 = tpu.vector_load %arg16[%parallel_loop3A_236, %parallel_loop3A_237] {strides = array<i32>} : memref<16x128xf32, #tpu.memory_space<vmem>>, vector<1x16xf32>,
      %parallel_loop3A_239 = vector.shape_cast %parallel_loop3A_238 : vector<1x16xf32> to vector<16xf32>
      %parallel_loop3A_240 = vector.shape_cast %parallel_loop3A_235 : vector<16xf32> to vector<1x16xf32>
      tpu.vector_store %arg16[%parallel_loop3A_236, %parallel_loop3A_237], %parallel_loop3A_240 {strides = array<i32>} : memref<16x128xf32, #tpu.memory_space<vmem>>, vector<1x16xf32>,
      %parallel_loop3A_241 = arith.constant 1.000000e+00 : f32
      %parallel_loop3A_242 = vector.broadcast %parallel_loop3A_241 : f32 to vector<16xf32>
      %parallel_loop3A_243 = arith.subf %parallel_loop3A_224, %parallel_loop3A_242 : vector<16xf32>
      %parallel_loop3A_244 = arith.mulf %parallel_loop3A_243, %parallel_loop3A_243 : vector<16xf32>
      %parallel_loop3A_245 = arith.constant 1.000000e+00 : f32
      %parallel_loop3A_246 = vector.broadcast %parallel_loop3A_245 : f32 to vector<16xf32>
      %parallel_loop3A_247 = arith.subf %parallel_loop3A_246, %parallel_loop3A_244 : vector<16xf32>
      %parallel_loop3A_248 = arith.constant 0.000000e+00 : f32
      %parallel_loop3A_249 = vector.broadcast %parallel_loop3A_248 : f32 to vector<16xf32>
      %parallel_loop3A_250 = arith.maximumf %parallel_loop3A_247, %parallel_loop3A_249 : vector<16xf32>
      %parallel_loop3A_251 = arith.mulf %parallel_loop3A_216, %parallel_loop3A_250 : vector<16xf32>
      %parallel_loop3A_252 = arith.index_cast %parallel_loop3A_120 : i32 to index
      %parallel_loop3A_253 = arith.constant 16 : index
      %parallel_loop3A_254 = tpu.vector_load %arg16[%parallel_loop3A_252, %parallel_loop3A_253] {strides = array<i32>} : memref<16x128xf32, #tpu.memory_space<vmem>>, vector<1x16xf32>,
      %parallel_loop3A_255 = vector.shape_cast %parallel_loop3A_254 : vector<1x16xf32> to vector<16xf32>
      %parallel_loop3A_256 = vector.shape_cast %parallel_loop3A_251 : vector<16xf32> to vector<1x16xf32>
      tpu.vector_store %arg16[%parallel_loop3A_252, %parallel_loop3A_253], %parallel_loop3A_256 {strides = array<i32>} : memref<16x128xf32, #tpu.memory_space<vmem>>, vector<1x16xf32>,
      %parallel_loop3A_257 = arith.constant 2.000000e+00 : f32
      %parallel_loop3A_258 = vector.broadcast %parallel_loop3A_257 : f32 to vector<16xf32>
      %parallel_loop3A_259 = arith.subf %parallel_loop3A_224, %parallel_loop3A_258 : vector<16xf32>
      %parallel_loop3A_260 = arith.mulf %parallel_loop3A_259, %parallel_loop3A_259 : vector<16xf32>
      %parallel_loop3A_261 = arith.constant 1.000000e+00 : f32
      %parallel_loop3A_262 = vector.broadcast %parallel_loop3A_261 : f32 to vector<16xf32>
      %parallel_loop3A_263 = arith.subf %parallel_loop3A_262, %parallel_loop3A_260 : vector<16xf32>
      %parallel_loop3A_264 = arith.constant 0.000000e+00 : f32
      %parallel_loop3A_265 = vector.broadcast %parallel_loop3A_264 : f32 to vector<16xf32>
      %parallel_loop3A_266 = arith.maximumf %parallel_loop3A_263, %parallel_loop3A_265 : vector<16xf32>
      %parallel_loop3A_267 = arith.mulf %parallel_loop3A_216, %parallel_loop3A_266 : vector<16xf32>
      %parallel_loop3A_268 = arith.index_cast %parallel_loop3A_120 : i32 to index
      %parallel_loop3A_269 = arith.constant 32 : index
      %parallel_loop3A_270 = tpu.vector_load %arg16[%parallel_loop3A_268, %parallel_loop3A_269] {strides = array<i32>} : memref<16x128xf32, #tpu.memory_space<vmem>>, vector<1x16xf32>,
      %parallel_loop3A_271 = vector.shape_cast %parallel_loop3A_270 : vector<1x16xf32> to vector<16xf32>
      %parallel_loop3A_272 = vector.shape_cast %parallel_loop3A_267 : vector<16xf32> to vector<1x16xf32>
      tpu.vector_store %arg16[%parallel_loop3A_268, %parallel_loop3A_269], %parallel_loop3A_272 {strides = array<i32>} : memref<16x128xf32, #tpu.memory_space<vmem>>, vector<1x16xf32>,
      %parallel_loop3A_273 = arith.constant 3.000000e+00 : f32
      %parallel_loop3A_274 = vector.broadcast %parallel_loop3A_273 : f32 to vector<16xf32>
      %parallel_loop3A_275 = arith.subf %parallel_loop3A_224, %parallel_loop3A_274 : vector<16xf32>
      %parallel_loop3A_276 = arith.mulf %parallel_loop3A_275, %parallel_loop3A_275 : vector<16xf32>
      %parallel_loop3A_277 = arith.constant 1.000000e+00 : f32
      %parallel_loop3A_278 = vector.broadcast %parallel_loop3A_277 : f32 to vector<16xf32>
      %parallel_loop3A_279 = arith.subf %parallel_loop3A_278, %parallel_loop3A_276 : vector<16xf32>
      %parallel_loop3A_280 = arith.constant 0.000000e+00 : f32
      %parallel_loop3A_281 = vector.broadcast %parallel_loop3A_280 : f32 to vector<16xf32>
      %parallel_loop3A_282 = arith.maximumf %parallel_loop3A_279, %parallel_loop3A_281 : vector<16xf32>
      %parallel_loop3A_283 = arith.mulf %parallel_loop3A_216, %parallel_loop3A_282 : vector<16xf32>
      %parallel_loop3A_284 = arith.index_cast %parallel_loop3A_120 : i32 to index
      %parallel_loop3A_285 = arith.constant 48 : index
      %parallel_loop3A_286 = tpu.vector_load %arg16[%parallel_loop3A_284, %parallel_loop3A_285] {strides = array<i32>} : memref<16x128xf32, #tpu.memory_space<vmem>>, vector<1x16xf32>,
      %parallel_loop3A_287 = vector.shape_cast %parallel_loop3A_286 : vector<1x16xf32> to vector<16xf32>
      %parallel_loop3A_288 = vector.shape_cast %parallel_loop3A_283 : vector<16xf32> to vector<1x16xf32>
      tpu.vector_store %arg16[%parallel_loop3A_284, %parallel_loop3A_285], %parallel_loop3A_288 {strides = array<i32>} : memref<16x128xf32, #tpu.memory_space<vmem>>, vector<1x16xf32>,
      %parallel_loop3A_289 = arith.constant 4.000000e+00 : f32
      %parallel_loop3A_290 = vector.broadcast %parallel_loop3A_289 : f32 to vector<16xf32>
      %parallel_loop3A_291 = arith.subf %parallel_loop3A_224, %parallel_loop3A_290 : vector<16xf32>
      %parallel_loop3A_292 = arith.mulf %parallel_loop3A_291, %parallel_loop3A_291 : vector<16xf32>
      %parallel_loop3A_293 = arith.constant 1.000000e+00 : f32
      %parallel_loop3A_294 = vector.broadcast %parallel_loop3A_293 : f32 to vector<16xf32>
      %parallel_loop3A_295 = arith.subf %parallel_loop3A_294, %parallel_loop3A_292 : vector<16xf32>
      %parallel_loop3A_296 = arith.constant 0.000000e+00 : f32
      %parallel_loop3A_297 = vector.broadcast %parallel_loop3A_296 : f32 to vector<16xf32>
      %parallel_loop3A_298 = arith.maximumf %parallel_loop3A_295, %parallel_loop3A_297 : vector<16xf32>
      %parallel_loop3A_299 = arith.mulf %parallel_loop3A_216, %parallel_loop3A_298 : vector<16xf32>
      %parallel_loop3A_300 = arith.index_cast %parallel_loop3A_120 : i32 to index
      %parallel_loop3A_301 = arith.constant 64 : index
      %parallel_loop3A_302 = tpu.vector_load %arg16[%parallel_loop3A_300, %parallel_loop3A_301] {strides = array<i32>} : memref<16x128xf32, #tpu.memory_space<vmem>>, vector<1x16xf32>,
      %parallel_loop3A_303 = vector.shape_cast %parallel_loop3A_302 : vector<1x16xf32> to vector<16xf32>
      %parallel_loop3A_304 = vector.shape_cast %parallel_loop3A_299 : vector<16xf32> to vector<1x16xf32>
      tpu.vector_store %arg16[%parallel_loop3A_300, %parallel_loop3A_301], %parallel_loop3A_304 {strides = array<i32>} : memref<16x128xf32, #tpu.memory_space<vmem>>, vector<1x16xf32>,
      %parallel_loop3A_305 = arith.constant 5.000000e+00 : f32
      %parallel_loop3A_306 = vector.broadcast %parallel_loop3A_305 : f32 to vector<16xf32>
      %parallel_loop3A_307 = arith.subf %parallel_loop3A_224, %parallel_loop3A_306 : vector<16xf32>
      %parallel_loop3A_308 = arith.mulf %parallel_loop3A_307, %parallel_loop3A_307 : vector<16xf32>
      %parallel_loop3A_309 = arith.constant 1.000000e+00 : f32
      %parallel_loop3A_310 = vector.broadcast %parallel_loop3A_309 : f32 to vector<16xf32>
      %parallel_loop3A_311 = arith.subf %parallel_loop3A_310, %parallel_loop3A_308 : vector<16xf32>
      %parallel_loop3A_312 = arith.constant 0.000000e+00 : f32
      %parallel_loop3A_313 = vector.broadcast %parallel_loop3A_312 : f32 to vector<16xf32>
      %parallel_loop3A_314 = arith.maximumf %parallel_loop3A_311, %parallel_loop3A_313 : vector<16xf32>
      %parallel_loop3A_315 = arith.mulf %parallel_loop3A_216, %parallel_loop3A_314 : vector<16xf32>
      %parallel_loop3A_316 = arith.index_cast %parallel_loop3A_120 : i32 to index
      %parallel_loop3A_317 = arith.constant 80 : index
      %parallel_loop3A_318 = tpu.vector_load %arg16[%parallel_loop3A_316, %parallel_loop3A_317] {strides = array<i32>} : memref<16x128xf32, #tpu.memory_space<vmem>>, vector<1x16xf32>,
      %parallel_loop3A_319 = vector.shape_cast %parallel_loop3A_318 : vector<1x16xf32> to vector<16xf32>
      %parallel_loop3A_320 = vector.shape_cast %parallel_loop3A_315 : vector<16xf32> to vector<1x16xf32>
      tpu.vector_store %arg16[%parallel_loop3A_316, %parallel_loop3A_317], %parallel_loop3A_320 {strides = array<i32>} : memref<16x128xf32, #tpu.memory_space<vmem>>, vector<1x16xf32>,
      %parallel_loop3A_321 = arith.constant 6.000000e+00 : f32
      %parallel_loop3A_322 = vector.broadcast %parallel_loop3A_321 : f32 to vector<16xf32>
      %parallel_loop3A_323 = arith.subf %parallel_loop3A_224, %parallel_loop3A_322 : vector<16xf32>
      %parallel_loop3A_324 = arith.mulf %parallel_loop3A_323, %parallel_loop3A_323 : vector<16xf32>
      %parallel_loop3A_325 = arith.constant 1.000000e+00 : f32
      %parallel_loop3A_326 = vector.broadcast %parallel_loop3A_325 : f32 to vector<16xf32>
      %parallel_loop3A_327 = arith.subf %parallel_loop3A_326, %parallel_loop3A_324 : vector<16xf32>
      %parallel_loop3A_328 = arith.constant 0.000000e+00 : f32
      %parallel_loop3A_329 = vector.broadcast %parallel_loop3A_328 : f32 to vector<16xf32>
      %parallel_loop3A_330 = arith.maximumf %parallel_loop3A_327, %parallel_loop3A_329 : vector<16xf32>
      %parallel_loop3A_331 = arith.mulf %parallel_loop3A_216, %parallel_loop3A_330 : vector<16xf32>
      %parallel_loop3A_332 = arith.index_cast %parallel_loop3A_120 : i32 to index
      %parallel_loop3A_333 = arith.constant 96 : index
      %parallel_loop3A_334 = tpu.vector_load %arg16[%parallel_loop3A_332, %parallel_loop3A_333] {strides = array<i32>} : memref<16x128xf32, #tpu.memory_space<vmem>>, vector<1x16xf32>,
      %parallel_loop3A_335 = vector.shape_cast %parallel_loop3A_334 : vector<1x16xf32> to vector<16xf32>
      %parallel_loop3A_336 = vector.shape_cast %parallel_loop3A_331 : vector<16xf32> to vector<1x16xf32>
      tpu.vector_store %arg16[%parallel_loop3A_332, %parallel_loop3A_333], %parallel_loop3A_336 {strides = array<i32>} : memref<16x128xf32, #tpu.memory_space<vmem>>, vector<1x16xf32>,
      %parallel_loop3A_337 = arith.constant 7.000000e+00 : f32
      %parallel_loop3A_338 = vector.broadcast %parallel_loop3A_337 : f32 to vector<16xf32>
      %parallel_loop3A_339 = arith.subf %parallel_loop3A_224, %parallel_loop3A_338 : vector<16xf32>
      %parallel_loop3A_340 = arith.mulf %parallel_loop3A_339, %parallel_loop3A_339 : vector<16xf32>
      %parallel_loop3A_341 = arith.constant 1.000000e+00 : f32
      %parallel_loop3A_342 = vector.broadcast %parallel_loop3A_341 : f32 to vector<16xf32>
      %parallel_loop3A_343 = arith.subf %parallel_loop3A_342, %parallel_loop3A_340 : vector<16xf32>
      %parallel_loop3A_344 = arith.constant 0.000000e+00 : f32
      %parallel_loop3A_345 = vector.broadcast %parallel_loop3A_344 : f32 to vector<16xf32>
      %parallel_loop3A_346 = arith.maximumf %parallel_loop3A_343, %parallel_loop3A_345 : vector<16xf32>
      %parallel_loop3A_347 = arith.mulf %parallel_loop3A_216, %parallel_loop3A_346 : vector<16xf32>
      %parallel_loop3A_348 = arith.index_cast %parallel_loop3A_120 : i32 to index
      %parallel_loop3A_349 = arith.constant 112 : index
      %parallel_loop3A_350 = tpu.vector_load %arg16[%parallel_loop3A_348, %parallel_loop3A_349] {strides = array<i32>} : memref<16x128xf32, #tpu.memory_space<vmem>>, vector<1x16xf32>,
      %parallel_loop3A_351 = vector.shape_cast %parallel_loop3A_350 : vector<1x16xf32> to vector<16xf32>
      %parallel_loop3A_352 = vector.shape_cast %parallel_loop3A_347 : vector<16xf32> to vector<1x16xf32>
      tpu.vector_store %arg16[%parallel_loop3A_348, %parallel_loop3A_349], %parallel_loop3A_352 {strides = array<i32>} : memref<16x128xf32, #tpu.memory_space<vmem>>, vector<1x16xf32>,
      %parallel_loop3A_353 = vector.shape_cast %and3A_10 : vector<16xi32> to vector<16x1xi32>
      %parallel_loop3A_354 = vector.shape_cast %parallel_loop3A_353 : vector<16x1xi32> to vector<16xi32>
      %parallel_loop3A_355 = tpu.dynamic_gather %parallel_loop3A_210[%parallel_loop3A_354] in [0] : vector<16xf32>, vector<16xi32> -> vector<16xf32>
      %parallel_loop3A_356 = arith.index_cast %parallel_loop3A_120 : i32 to index
      %parallel_loop3A_357 = arith.constant 0 : index
      %parallel_loop3A_358 = tpu.vector_load %arg15[%parallel_loop3A_356, %parallel_loop3A_357] {strides = array<i32>} : memref<16x128xf32, #tpu.memory_space<vmem>>, vector<1x16xf32>,
      %parallel_loop3A_359 = vector.shape_cast %parallel_loop3A_358 : vector<1x16xf32> to vector<16xf32>
      %parallel_loop3A_360 = arith.mulf %parallel_loop3A_359, %parallel_loop3A_355 : vector<16xf32>
      %parallel_loop3A_361 = arith.index_cast %parallel_loop3A_120 : i32 to index
      %parallel_loop3A_362 = arith.constant 0 : index
      %parallel_loop3A_363 = tpu.vector_load %arg15[%parallel_loop3A_361, %parallel_loop3A_362] {strides = array<i32>} : memref<16x128xf32, #tpu.memory_space<vmem>>, vector<1x16xf32>,
      %parallel_loop3A_364 = vector.shape_cast %parallel_loop3A_363 : vector<1x16xf32> to vector<16xf32>
      %parallel_loop3A_365 = vector.shape_cast %parallel_loop3A_360 : vector<16xf32> to vector<1x16xf32>
      tpu.vector_store %arg15[%parallel_loop3A_361, %parallel_loop3A_362], %parallel_loop3A_365 {strides = array<i32>} : memref<16x128xf32, #tpu.memory_space<vmem>>, vector<1x16xf32>,
      %parallel_loop3A_366 = arith.index_cast %parallel_loop3A_120 : i32 to index
      %parallel_loop3A_367 = arith.constant 16 : index
      %parallel_loop3A_368 = tpu.vector_load %arg15[%parallel_loop3A_366, %parallel_loop3A_367] {strides = array<i32>} : memref<16x128xf32, #tpu.memory_space<vmem>>, vector<1x16xf32>,
      %parallel_loop3A_369 = vector.shape_cast %parallel_loop3A_368 : vector<1x16xf32> to vector<16xf32>
      %parallel_loop3A_370 = arith.mulf %parallel_loop3A_369, %parallel_loop3A_355 : vector<16xf32>
      %parallel_loop3A_371 = arith.index_cast %parallel_loop3A_120 : i32 to index
      %parallel_loop3A_372 = arith.constant 16 : index
      %parallel_loop3A_373 = tpu.vector_load %arg15[%parallel_loop3A_371, %parallel_loop3A_372] {strides = array<i32>} : memref<16x128xf32, #tpu.memory_space<vmem>>, vector<1x16xf32>,
      %parallel_loop3A_374 = vector.shape_cast %parallel_loop3A_373 : vector<1x16xf32> to vector<16xf32>
      %parallel_loop3A_375 = vector.shape_cast %parallel_loop3A_370 : vector<16xf32> to vector<1x16xf32>
      tpu.vector_store %arg15[%parallel_loop3A_371, %parallel_loop3A_372], %parallel_loop3A_375 {strides = array<i32>} : memref<16x128xf32, #tpu.memory_space<vmem>>, vector<1x16xf32>,
      %parallel_loop3A_376 = arith.index_cast %parallel_loop3A_120 : i32 to index
      %parallel_loop3A_377 = arith.constant 32 : index
      %parallel_loop3A_378 = tpu.vector_load %arg15[%parallel_loop3A_376, %parallel_loop3A_377] {strides = array<i32>} : memref<16x128xf32, #tpu.memory_space<vmem>>, vector<1x16xf32>,
      %parallel_loop3A_379 = vector.shape_cast %parallel_loop3A_378 : vector<1x16xf32> to vector<16xf32>
      %parallel_loop3A_380 = arith.mulf %parallel_loop3A_379, %parallel_loop3A_355 : vector<16xf32>
      %parallel_loop3A_381 = arith.index_cast %parallel_loop3A_120 : i32 to index
      %parallel_loop3A_382 = arith.constant 32 : index
      %parallel_loop3A_383 = tpu.vector_load %arg15[%parallel_loop3A_381, %parallel_loop3A_382] {strides = array<i32>} : memref<16x128xf32, #tpu.memory_space<vmem>>, vector<1x16xf32>,
      %parallel_loop3A_384 = vector.shape_cast %parallel_loop3A_383 : vector<1x16xf32> to vector<16xf32>
      %parallel_loop3A_385 = vector.shape_cast %parallel_loop3A_380 : vector<16xf32> to vector<1x16xf32>
      tpu.vector_store %arg15[%parallel_loop3A_381, %parallel_loop3A_382], %parallel_loop3A_385 {strides = array<i32>} : memref<16x128xf32, #tpu.memory_space<vmem>>, vector<1x16xf32>,
      %parallel_loop3A_386 = arith.index_cast %parallel_loop3A_120 : i32 to index
      %parallel_loop3A_387 = arith.constant 48 : index
      %parallel_loop3A_388 = tpu.vector_load %arg15[%parallel_loop3A_386, %parallel_loop3A_387] {strides = array<i32>} : memref<16x128xf32, #tpu.memory_space<vmem>>, vector<1x16xf32>,
      %parallel_loop3A_389 = vector.shape_cast %parallel_loop3A_388 : vector<1x16xf32> to vector<16xf32>
      %parallel_loop3A_390 = arith.mulf %parallel_loop3A_389, %parallel_loop3A_355 : vector<16xf32>
      %parallel_loop3A_391 = arith.index_cast %parallel_loop3A_120 : i32 to index
      %parallel_loop3A_392 = arith.constant 48 : index
      %parallel_loop3A_393 = tpu.vector_load %arg15[%parallel_loop3A_391, %parallel_loop3A_392] {strides = array<i32>} : memref<16x128xf32, #tpu.memory_space<vmem>>, vector<1x16xf32>,
      %parallel_loop3A_394 = vector.shape_cast %parallel_loop3A_393 : vector<1x16xf32> to vector<16xf32>
      %parallel_loop3A_395 = vector.shape_cast %parallel_loop3A_390 : vector<16xf32> to vector<1x16xf32>
      tpu.vector_store %arg15[%parallel_loop3A_391, %parallel_loop3A_392], %parallel_loop3A_395 {strides = array<i32>} : memref<16x128xf32, #tpu.memory_space<vmem>>, vector<1x16xf32>,
      %parallel_loop3A_396 = arith.index_cast %parallel_loop3A_120 : i32 to index
      %parallel_loop3A_397 = arith.constant 64 : index
      %parallel_loop3A_398 = tpu.vector_load %arg15[%parallel_loop3A_396, %parallel_loop3A_397] {strides = array<i32>} : memref<16x128xf32, #tpu.memory_space<vmem>>, vector<1x16xf32>,
      %parallel_loop3A_399 = vector.shape_cast %parallel_loop3A_398 : vector<1x16xf32> to vector<16xf32>
      %parallel_loop3A_400 = arith.mulf %parallel_loop3A_399, %parallel_loop3A_355 : vector<16xf32>
      %parallel_loop3A_401 = arith.index_cast %parallel_loop3A_120 : i32 to index
      %parallel_loop3A_402 = arith.constant 64 : index
      %parallel_loop3A_403 = tpu.vector_load %arg15[%parallel_loop3A_401, %parallel_loop3A_402] {strides = array<i32>} : memref<16x128xf32, #tpu.memory_space<vmem>>, vector<1x16xf32>,
      %parallel_loop3A_404 = vector.shape_cast %parallel_loop3A_403 : vector<1x16xf32> to vector<16xf32>
      %parallel_loop3A_405 = vector.shape_cast %parallel_loop3A_400 : vector<16xf32> to vector<1x16xf32>
      tpu.vector_store %arg15[%parallel_loop3A_401, %parallel_loop3A_402], %parallel_loop3A_405 {strides = array<i32>} : memref<16x128xf32, #tpu.memory_space<vmem>>, vector<1x16xf32>,
      %parallel_loop3A_406 = arith.index_cast %parallel_loop3A_120 : i32 to index
      %parallel_loop3A_407 = arith.constant 80 : index
      %parallel_loop3A_408 = tpu.vector_load %arg15[%parallel_loop3A_406, %parallel_loop3A_407] {strides = array<i32>} : memref<16x128xf32, #tpu.memory_space<vmem>>, vector<1x16xf32>,
      %parallel_loop3A_409 = vector.shape_cast %parallel_loop3A_408 : vector<1x16xf32> to vector<16xf32>
      %parallel_loop3A_410 = arith.mulf %parallel_loop3A_409, %parallel_loop3A_355 : vector<16xf32>
      %parallel_loop3A_411 = arith.index_cast %parallel_loop3A_120 : i32 to index
      %parallel_loop3A_412 = arith.constant 80 : index
      %parallel_loop3A_413 = tpu.vector_load %arg15[%parallel_loop3A_411, %parallel_loop3A_412] {strides = array<i32>} : memref<16x128xf32, #tpu.memory_space<vmem>>, vector<1x16xf32>,
      %parallel_loop3A_414 = vector.shape_cast %parallel_loop3A_413 : vector<1x16xf32> to vector<16xf32>
      %parallel_loop3A_415 = vector.shape_cast %parallel_loop3A_410 : vector<16xf32> to vector<1x16xf32>
      tpu.vector_store %arg15[%parallel_loop3A_411, %parallel_loop3A_412], %parallel_loop3A_415 {strides = array<i32>} : memref<16x128xf32, #tpu.memory_space<vmem>>, vector<1x16xf32>,
      %parallel_loop3A_416 = arith.index_cast %parallel_loop3A_120 : i32 to index
      %parallel_loop3A_417 = arith.constant 96 : index
      %parallel_loop3A_418 = tpu.vector_load %arg15[%parallel_loop3A_416, %parallel_loop3A_417] {strides = array<i32>} : memref<16x128xf32, #tpu.memory_space<vmem>>, vector<1x16xf32>,
      %parallel_loop3A_419 = vector.shape_cast %parallel_loop3A_418 : vector<1x16xf32> to vector<16xf32>
      %parallel_loop3A_420 = arith.mulf %parallel_loop3A_419, %parallel_loop3A_355 : vector<16xf32>
      %parallel_loop3A_421 = arith.index_cast %parallel_loop3A_120 : i32 to index
      %parallel_loop3A_422 = arith.constant 96 : index
      %parallel_loop3A_423 = tpu.vector_load %arg15[%parallel_loop3A_421, %parallel_loop3A_422] {strides = array<i32>} : memref<16x128xf32, #tpu.memory_space<vmem>>, vector<1x16xf32>,
      %parallel_loop3A_424 = vector.shape_cast %parallel_loop3A_423 : vector<1x16xf32> to vector<16xf32>
      %parallel_loop3A_425 = vector.shape_cast %parallel_loop3A_420 : vector<16xf32> to vector<1x16xf32>
      tpu.vector_store %arg15[%parallel_loop3A_421, %parallel_loop3A_422], %parallel_loop3A_425 {strides = array<i32>} : memref<16x128xf32, #tpu.memory_space<vmem>>, vector<1x16xf32>,
      %parallel_loop3A_426 = arith.index_cast %parallel_loop3A_120 : i32 to index
      %parallel_loop3A_427 = arith.constant 112 : index
      %parallel_loop3A_428 = tpu.vector_load %arg15[%parallel_loop3A_426, %parallel_loop3A_427] {strides = array<i32>} : memref<16x128xf32, #tpu.memory_space<vmem>>, vector<1x16xf32>,
      %parallel_loop3A_429 = vector.shape_cast %parallel_loop3A_428 : vector<1x16xf32> to vector<16xf32>
      %parallel_loop3A_430 = arith.mulf %parallel_loop3A_429, %parallel_loop3A_355 : vector<16xf32>
      %parallel_loop3A_431 = arith.index_cast %parallel_loop3A_120 : i32 to index
      %parallel_loop3A_432 = arith.constant 112 : index
      %parallel_loop3A_433 = tpu.vector_load %arg15[%parallel_loop3A_431, %parallel_loop3A_432] {strides = array<i32>} : memref<16x128xf32, #tpu.memory_space<vmem>>, vector<1x16xf32>,
      %parallel_loop3A_434 = vector.shape_cast %parallel_loop3A_433 : vector<1x16xf32> to vector<16xf32>
      %parallel_loop3A_435 = vector.shape_cast %parallel_loop3A_430 : vector<16xf32> to vector<1x16xf32>
      tpu.vector_store %arg15[%parallel_loop3A_431, %parallel_loop3A_432], %parallel_loop3A_435 {strides = array<i32>} : memref<16x128xf32, #tpu.memory_space<vmem>>, vector<1x16xf32>,
    } {sc.loop_unroll_factor = 2 : i64, sc.parallel_access}
    %get3A_86 = arith.constant 0 : index
    %get3A_87 = tpu.vector_load %arg9[%get3A_86] {strides = array<i32>} : memref<16xi32, #tpu.memory_space<vmem>>, vector<16xi32>,
    %get3A_88 = vector.shape_cast %get3A_87 : vector<16xi32> to vector<16xi32>
    %shift_right_logical3A = arith.constant 3 : i32
    %shift_right_logical3A_89 = vector.broadcast %shift_right_logical3A : i32 to vector<16xi32>
    %shift_right_logical3A_90 = arith.shrui %get3A_88, %shift_right_logical3A_89 : vector<16xi32>
    %add3A_91 = arith.constant 10240 : i32
    %add3A_92 = vector.broadcast %add3A_91 : i32 to vector<16xi32>
    %add3A_93 = arith.addi %add3A_92, %shift_right_logical3A_90 : vector<16xi32>
    %dma_start3A_94 = arith.constant 0 : i32
    %dma_start3A_95 = arith.constant 0 : i32
    %dma_start3A_96 = tpu.memref_slice %arg8[%dma_start3A_94, %dma_start3A_95] : memref<11520x128xf32, #tpu.memory_space<vmem_shared>> -> memref<11520x128xf32, #tpu.memory_space<vmem_shared>>
    tpu.enqueue_indirect_dma source(%arg15 : memref<16x128xf32, #tpu.memory_space<vmem>>) target(%dma_start3A_96 : memref<11520x128xf32, #tpu.memory_space<vmem_shared>>) offsets(%get3A_88 : vector<16xi32>) semaphore(%arg25 : memref<!tpu.dma_semaphore, #tpu.memory_space<semaphore_mem>>) {add = true}
    %dma_start3A_97 = arith.constant 0 : i32
    %dma_start3A_98 = arith.constant 0 : i32
    %dma_start3A_99 = tpu.memref_slice %arg8[%dma_start3A_97, %dma_start3A_98] : memref<11520x128xf32, #tpu.memory_space<vmem_shared>> -> memref<11520x128xf32, #tpu.memory_space<vmem_shared>>
    tpu.enqueue_indirect_dma source(%arg16 : memref<16x128xf32, #tpu.memory_space<vmem>>) target(%dma_start3A_99 : memref<11520x128xf32, #tpu.memory_space<vmem_shared>>) offsets(%add3A_93 : vector<16xi32>) semaphore(%arg26 : memref<!tpu.dma_semaphore, #tpu.memory_space<semaphore_mem>>) {add = true}
    %dma_wait3A_100 = arith.constant 0 : i32
    %dma_wait3A_101 = arith.constant 0 : i32
    %dma_wait3A_102 = tpu.memref_slice %arg8[%dma_wait3A_100, %dma_wait3A_101] : memref<11520x128xf32, #tpu.memory_space<vmem_shared>> -> memref<16x128xf32, #tpu.memory_space<vmem_shared>>
    %dma_wait3A_103 = arith.constant 0 : i32
    %dma_wait3A_104 = arith.constant 0 : i32
    %dma_wait3A_105 = tpu.memref_slice %arg8[%dma_wait3A_103, %dma_wait3A_104] : memref<11520x128xf32, #tpu.memory_space<vmem_shared>> -> memref<16x128xf32, #tpu.memory_space<vmem_shared>>
    tpu.wait_dma2 semaphore(%arg25 : memref<!tpu.dma_semaphore, #tpu.memory_space<semaphore_mem>>) src(%arg15 : memref<16x128xf32, #tpu.memory_space<vmem>>) dst(%dma_wait3A_105 : memref<16x128xf32, #tpu.memory_space<vmem_shared>>)
    %dma_wait3A_106 = arith.constant 0 : i32
    %dma_wait3A_107 = arith.constant 0 : i32
    %dma_wait3A_108 = tpu.memref_slice %arg8[%dma_wait3A_106, %dma_wait3A_107] : memref<11520x128xf32, #tpu.memory_space<vmem_shared>> -> memref<16x128xf32, #tpu.memory_space<vmem_shared>>
    %dma_wait3A_109 = arith.constant 0 : i32
    %dma_wait3A_110 = arith.constant 0 : i32
    %dma_wait3A_111 = tpu.memref_slice %arg8[%dma_wait3A_109, %dma_wait3A_110] : memref<11520x128xf32, #tpu.memory_space<vmem_shared>> -> memref<16x128xf32, #tpu.memory_space<vmem_shared>>
    tpu.wait_dma2 semaphore(%arg26 : memref<!tpu.dma_semaphore, #tpu.memory_space<semaphore_mem>>) src(%arg16 : memref<16x128xf32, #tpu.memory_space<vmem>>) dst(%dma_wait3A_111 : memref<16x128xf32, #tpu.memory_space<vmem_shared>>)
    %barrier3A_112 = arith.constant 0 : index
    tpu.barrier barrier_id(%barrier3A_112)
    %scan3A_113 = arith.constant 0 : i32
    %scan3A_114 = arith.constant 0 : i32
    %scan3A_115 = arith.constant 45 : i32
    %scan3A_116 = arith.addi %scan3A_114, %scan3A_115 : i32
    %scan3A_117 = arith.constant 1 : i32
    %scan3A_118 = scf.for %scan3A_120 = %scan3A_114 to %scan3A_116 step %scan3A_117 iter_args(%scan3A_121 = %scan3A_113) -> (i32)  : i32 {
      %mul3A_122 = arith.constant 16 : i32
      %mul3A_123 = arith.muli %scan3A_120, %mul3A_122 : i32
      %add3A_124 = arith.addi %mul3A_19, %mul3A_123 : i32
      %mul3A_125 = arith.constant 16 : i32
      %mul3A_126 = arith.muli %scan3A_120, %mul3A_125 : i32
      %add3A_127 = arith.addi %mul3A_19, %mul3A_126 : i32
      "tpu.region"() ({
        %run_scoped3A = tpu.sem_alloc : memref<!tpu.dma_semaphore, #tpu.memory_space<semaphore_mem>>
        %dma_start3A_129 = arith.constant 0 : i32
        %dma_start3A_130 = tpu.memref_slice %arg7[%arg0, %add3A_127, %dma_start3A_129] : memref<2x11520x128xf32, #tpu.memory_space<hbm>> -> memref<1x16x128xf32, #tpu.memory_space<hbm>>
        %dma_start3A_131 = tpu.memref_squeeze %dma_start3A_130 : memref<1x16x128xf32, #tpu.memory_space<hbm>> -> memref<16x128xf32, #tpu.memory_space<hbm>>
        %dma_start3A_132 = arith.constant 0 : i32
        %dma_start3A_133 = tpu.memref_slice %arg8[%add3A_124, %dma_start3A_132] : memref<11520x128xf32, #tpu.memory_space<vmem_shared>> -> memref<16x128xf32, #tpu.memory_space<vmem_shared>>
        tpu.enqueue_dma source(%dma_start3A_133 : memref<16x128xf32, #tpu.memory_space<vmem_shared>>) target(%dma_start3A_131 : memref<16x128xf32, #tpu.memory_space<hbm>>) target_semaphore(%run_scoped3A : memref<!tpu.dma_semaphore, #tpu.memory_space<semaphore_mem>>)
        %dma_wait3A_134 = arith.constant 0 : i32
        %dma_wait3A_135 = tpu.memref_slice %arg7[%arg0, %add3A_127, %dma_wait3A_134] : memref<2x11520x128xf32, #tpu.memory_space<hbm>> -> memref<1x16x128xf32, #tpu.memory_space<hbm>>
        %dma_wait3A_136 = tpu.memref_squeeze %dma_wait3A_135 : memref<1x16x128xf32, #tpu.memory_space<hbm>> -> memref<16x128xf32, #tpu.memory_space<hbm>>
        %dma_wait3A_137 = arith.constant 0 : i32
        %dma_wait3A_138 = tpu.memref_slice %arg8[%add3A_124, %dma_wait3A_137] : memref<11520x128xf32, #tpu.memory_space<vmem_shared>> -> memref<16x128xf32, #tpu.memory_space<vmem_shared>>
        tpu.wait_dma2 semaphore(%run_scoped3A : memref<!tpu.dma_semaphore, #tpu.memory_space<semaphore_mem>>) src(%dma_wait3A_138 : memref<16x128xf32, #tpu.memory_space<vmem_shared>>) dst(%dma_wait3A_136 : memref<16x128xf32, #tpu.memory_space<hbm>>)
        tpu.yield
      }) : () -> ()
      %scan3A_128 = arith.constant 0 : i32
      scf.yield %scan3A_128 : i32
    }
    %scan3A_119 = arith.constant 45 : i32
    return
  }
}

#map = affine_map<(d0, d1) -> (0, 0, 0)>
#map1 = affine_map<(d0, d1) -> (0, 0)>
module attributes {stable_mosaic.version = 14 : i64} {
  func.func @_norm_body(%arg0: i32, %arg1: i32, %arg2: memref<2x11520x128xf32, #tpu.memory_space<hbm>>, %arg3: memref<10240x128xf32, #tpu.memory_space<hbm>>, %arg4: memref<64x128xf32, #tpu.memory_space<vmem>>, %arg5: memref<64x128xf32, #tpu.memory_space<vmem>>, %arg6: memref<8x128xf32, #tpu.memory_space<vmem>>, %arg7: memref<8x128xf32, #tpu.memory_space<vmem>>, %arg8: memref<64x128xf32, #tpu.memory_space<vmem>>, %arg9: memref<!tpu.dma_semaphore, #tpu.memory_space<semaphore_mem>>, %arg10: memref<!tpu.dma_semaphore, #tpu.memory_space<semaphore_mem>>, %arg11: memref<!tpu.dma_semaphore, #tpu.memory_space<semaphore_mem>>, %arg12: memref<!tpu.dma_semaphore, #tpu.memory_space<semaphore_mem>>) attributes {dimension_semantics = [#tpu.dimension_semantics<core_parallel>, #tpu.dimension_semantics<subcore_parallel>], iteration_bounds = array<i64: 2, 16>, scalar_prefetch = 0 : i64, scratch_operands = 9 : i64, tpu.core_type = #tpu.core_type<sc_vector_subcore>, window_params = [{transform_indices = #map}, {transform_indices = #map1}]} {
    %mul3A = arith.constant 2 : i32
    %mul3A_0 = arith.muli %arg1, %mul3A : i32
    %add3A = arith.addi %mul3A_0, %arg0 : i32
    %mul3A_1 = arith.constant 320 : i32
    %mul3A_2 = arith.muli %add3A, %mul3A_1 : i32
    %iota3A = tpu.iota {dimensions = array<i32: 0>} : vector<16xi32>
    %and3A = arith.constant 7 : i32
    %and3A_3 = vector.broadcast %and3A : i32 to vector<16xi32>
    %and3A_4 = arith.andi %iota3A, %and3A_3 : vector<16xi32>
    %scan3A = arith.constant 0 : i32
    %scan3A_5 = arith.constant 0 : i32
    %scan3A_6 = arith.constant 5 : i32
    %scan3A_7 = arith.addi %scan3A_5, %scan3A_6 : i32
    %scan3A_8 = arith.constant 1 : i32
    %scan3A_9 = scf.for %scan3A_11 = %scan3A_5 to %scan3A_7 step %scan3A_8 iter_args(%scan3A_12 = %scan3A) -> (i32)  : i32 {
      %mul3A_13 = arith.constant 64 : i32
      %mul3A_14 = arith.muli %scan3A_11, %mul3A_13 : i32
      %add3A_15 = arith.addi %mul3A_2, %mul3A_14 : i32
      %multiple_of3A = tpu.assume_multiple %add3A_15, 64 : i32
      %mul3A_16 = arith.constant 40 : i32
      %mul3A_17 = arith.muli %add3A, %mul3A_16 : i32
      %add3A_18 = arith.constant 10240 : i32
      %add3A_19 = arith.addi %add3A_18, %mul3A_17 : i32
      %mul3A_20 = arith.constant 8 : i32
      %mul3A_21 = arith.muli %scan3A_11, %mul3A_20 : i32
      %add3A_22 = arith.addi %add3A_19, %mul3A_21 : i32
      %multiple_of3A_23 = tpu.assume_multiple %add3A_22, 8 : i32
      %dma_start3A = arith.constant 0 : i32
      %dma_start3A_24 = arith.constant 0 : i32
      %dma_start3A_25 = tpu.memref_slice %arg2[%dma_start3A, %multiple_of3A, %dma_start3A_24] : memref<2x11520x128xf32, #tpu.memory_space<hbm>> -> memref<1x64x128xf32, #tpu.memory_space<hbm>>
      %dma_start3A_26 = tpu.memref_squeeze %dma_start3A_25 : memref<1x64x128xf32, #tpu.memory_space<hbm>> -> memref<64x128xf32, #tpu.memory_space<hbm>>
      %dma_start3A_27 = arith.constant 0 : i32
      %dma_start3A_28 = tpu.memref_slice %arg2[%dma_start3A, %multiple_of3A, %dma_start3A_27] : memref<2x11520x128xf32, #tpu.memory_space<hbm>> -> memref<1x64x128xf32, #tpu.memory_space<hbm>>
      %dma_start3A_29 = tpu.memref_squeeze %dma_start3A_28 : memref<1x64x128xf32, #tpu.memory_space<hbm>> -> memref<64x128xf32, #tpu.memory_space<hbm>>
      tpu.enqueue_dma source(%dma_start3A_29 : memref<64x128xf32, #tpu.memory_space<hbm>>) target(%arg4 : memref<64x128xf32, #tpu.memory_space<vmem>>) target_semaphore(%arg9 : memref<!tpu.dma_semaphore, #tpu.memory_space<semaphore_mem>>)
      %dma_start3A_30 = arith.constant 1 : i32
      %dma_start3A_31 = arith.constant 0 : i32
      %dma_start3A_32 = tpu.memref_slice %arg2[%dma_start3A_30, %multiple_of3A, %dma_start3A_31] : memref<2x11520x128xf32, #tpu.memory_space<hbm>> -> memref<1x64x128xf32, #tpu.memory_space<hbm>>
      %dma_start3A_33 = tpu.memref_squeeze %dma_start3A_32 : memref<1x64x128xf32, #tpu.memory_space<hbm>> -> memref<64x128xf32, #tpu.memory_space<hbm>>
      %dma_start3A_34 = arith.constant 0 : i32
      %dma_start3A_35 = tpu.memref_slice %arg2[%dma_start3A_30, %multiple_of3A, %dma_start3A_34] : memref<2x11520x128xf32, #tpu.memory_space<hbm>> -> memref<1x64x128xf32, #tpu.memory_space<hbm>>
      %dma_start3A_36 = tpu.memref_squeeze %dma_start3A_35 : memref<1x64x128xf32, #tpu.memory_space<hbm>> -> memref<64x128xf32, #tpu.memory_space<hbm>>
      tpu.enqueue_dma source(%dma_start3A_36 : memref<64x128xf32, #tpu.memory_space<hbm>>) target(%arg5 : memref<64x128xf32, #tpu.memory_space<vmem>>) target_semaphore(%arg10 : memref<!tpu.dma_semaphore, #tpu.memory_space<semaphore_mem>>)
      %dma_start3A_37 = arith.constant 0 : i32
      %dma_start3A_38 = arith.constant 0 : i32
      %dma_start3A_39 = tpu.memref_slice %arg2[%dma_start3A_37, %multiple_of3A_23, %dma_start3A_38] : memref<2x11520x128xf32, #tpu.memory_space<hbm>> -> memref<1x8x128xf32, #tpu.memory_space<hbm>>
      %dma_start3A_40 = tpu.memref_squeeze %dma_start3A_39 : memref<1x8x128xf32, #tpu.memory_space<hbm>> -> memref<8x128xf32, #tpu.memory_space<hbm>>
      %dma_start3A_41 = arith.constant 0 : i32
      %dma_start3A_42 = tpu.memref_slice %arg2[%dma_start3A_37, %multiple_of3A_23, %dma_start3A_41] : memref<2x11520x128xf32, #tpu.memory_space<hbm>> -> memref<1x8x128xf32, #tpu.memory_space<hbm>>
      %dma_start3A_43 = tpu.memref_squeeze %dma_start3A_42 : memref<1x8x128xf32, #tpu.memory_space<hbm>> -> memref<8x128xf32, #tpu.memory_space<hbm>>
      tpu.enqueue_dma source(%dma_start3A_43 : memref<8x128xf32, #tpu.memory_space<hbm>>) target(%arg6 : memref<8x128xf32, #tpu.memory_space<vmem>>) target_semaphore(%arg11 : memref<!tpu.dma_semaphore, #tpu.memory_space<semaphore_mem>>)
      %dma_start3A_44 = arith.constant 1 : i32
      %dma_start3A_45 = arith.constant 0 : i32
      %dma_start3A_46 = tpu.memref_slice %arg2[%dma_start3A_44, %multiple_of3A_23, %dma_start3A_45] : memref<2x11520x128xf32, #tpu.memory_space<hbm>> -> memref<1x8x128xf32, #tpu.memory_space<hbm>>
      %dma_start3A_47 = tpu.memref_squeeze %dma_start3A_46 : memref<1x8x128xf32, #tpu.memory_space<hbm>> -> memref<8x128xf32, #tpu.memory_space<hbm>>
      %dma_start3A_48 = arith.constant 0 : i32
      %dma_start3A_49 = tpu.memref_slice %arg2[%dma_start3A_44, %multiple_of3A_23, %dma_start3A_48] : memref<2x11520x128xf32, #tpu.memory_space<hbm>> -> memref<1x8x128xf32, #tpu.memory_space<hbm>>
      %dma_start3A_50 = tpu.memref_squeeze %dma_start3A_49 : memref<1x8x128xf32, #tpu.memory_space<hbm>> -> memref<8x128xf32, #tpu.memory_space<hbm>>
      tpu.enqueue_dma source(%dma_start3A_50 : memref<8x128xf32, #tpu.memory_space<hbm>>) target(%arg7 : memref<8x128xf32, #tpu.memory_space<vmem>>) target_semaphore(%arg12 : memref<!tpu.dma_semaphore, #tpu.memory_space<semaphore_mem>>)
      %dma_wait3A = arith.constant 0 : i32
      %dma_wait3A_51 = arith.constant 0 : i32
      %dma_wait3A_52 = tpu.memref_slice %arg2[%dma_wait3A, %multiple_of3A, %dma_wait3A_51] : memref<2x11520x128xf32, #tpu.memory_space<hbm>> -> memref<1x64x128xf32, #tpu.memory_space<hbm>>
      %dma_wait3A_53 = tpu.memref_squeeze %dma_wait3A_52 : memref<1x64x128xf32, #tpu.memory_space<hbm>> -> memref<64x128xf32, #tpu.memory_space<hbm>>
      %dma_wait3A_54 = arith.constant 0 : i32
      %dma_wait3A_55 = tpu.memref_slice %arg2[%dma_wait3A, %multiple_of3A, %dma_wait3A_54] : memref<2x11520x128xf32, #tpu.memory_space<hbm>> -> memref<1x64x128xf32, #tpu.memory_space<hbm>>
      %dma_wait3A_56 = tpu.memref_squeeze %dma_wait3A_55 : memref<1x64x128xf32, #tpu.memory_space<hbm>> -> memref<64x128xf32, #tpu.memory_space<hbm>>
      tpu.wait_dma2 semaphore(%arg9 : memref<!tpu.dma_semaphore, #tpu.memory_space<semaphore_mem>>) src(%dma_wait3A_56 : memref<64x128xf32, #tpu.memory_space<hbm>>) dst(%arg4 : memref<64x128xf32, #tpu.memory_space<vmem>>)
      %dma_wait3A_57 = arith.constant 1 : i32
      %dma_wait3A_58 = arith.constant 0 : i32
      %dma_wait3A_59 = tpu.memref_slice %arg2[%dma_wait3A_57, %multiple_of3A, %dma_wait3A_58] : memref<2x11520x128xf32, #tpu.memory_space<hbm>> -> memref<1x64x128xf32, #tpu.memory_space<hbm>>
      %dma_wait3A_60 = tpu.memref_squeeze %dma_wait3A_59 : memref<1x64x128xf32, #tpu.memory_space<hbm>> -> memref<64x128xf32, #tpu.memory_space<hbm>>
      %dma_wait3A_61 = arith.constant 0 : i32
      %dma_wait3A_62 = tpu.memref_slice %arg2[%dma_wait3A_57, %multiple_of3A, %dma_wait3A_61] : memref<2x11520x128xf32, #tpu.memory_space<hbm>> -> memref<1x64x128xf32, #tpu.memory_space<hbm>>
      %dma_wait3A_63 = tpu.memref_squeeze %dma_wait3A_62 : memref<1x64x128xf32, #tpu.memory_space<hbm>> -> memref<64x128xf32, #tpu.memory_space<hbm>>
      tpu.wait_dma2 semaphore(%arg10 : memref<!tpu.dma_semaphore, #tpu.memory_space<semaphore_mem>>) src(%dma_wait3A_63 : memref<64x128xf32, #tpu.memory_space<hbm>>) dst(%arg5 : memref<64x128xf32, #tpu.memory_space<vmem>>)
      %dma_wait3A_64 = arith.constant 0 : i32
      %dma_wait3A_65 = arith.constant 0 : i32
      %dma_wait3A_66 = tpu.memref_slice %arg2[%dma_wait3A_64, %multiple_of3A_23, %dma_wait3A_65] : memref<2x11520x128xf32, #tpu.memory_space<hbm>> -> memref<1x8x128xf32, #tpu.memory_space<hbm>>
      %dma_wait3A_67 = tpu.memref_squeeze %dma_wait3A_66 : memref<1x8x128xf32, #tpu.memory_space<hbm>> -> memref<8x128xf32, #tpu.memory_space<hbm>>
      %dma_wait3A_68 = arith.constant 0 : i32
      %dma_wait3A_69 = tpu.memref_slice %arg2[%dma_wait3A_64, %multiple_of3A_23, %dma_wait3A_68] : memref<2x11520x128xf32, #tpu.memory_space<hbm>> -> memref<1x8x128xf32, #tpu.memory_space<hbm>>
      %dma_wait3A_70 = tpu.memref_squeeze %dma_wait3A_69 : memref<1x8x128xf32, #tpu.memory_space<hbm>> -> memref<8x128xf32, #tpu.memory_space<hbm>>
      tpu.wait_dma2 semaphore(%arg11 : memref<!tpu.dma_semaphore, #tpu.memory_space<semaphore_mem>>) src(%dma_wait3A_70 : memref<8x128xf32, #tpu.memory_space<hbm>>) dst(%arg6 : memref<8x128xf32, #tpu.memory_space<vmem>>)
      %dma_wait3A_71 = arith.constant 1 : i32
      %dma_wait3A_72 = arith.constant 0 : i32
      %dma_wait3A_73 = tpu.memref_slice %arg2[%dma_wait3A_71, %multiple_of3A_23, %dma_wait3A_72] : memref<2x11520x128xf32, #tpu.memory_space<hbm>> -> memref<1x8x128xf32, #tpu.memory_space<hbm>>
      %dma_wait3A_74 = tpu.memref_squeeze %dma_wait3A_73 : memref<1x8x128xf32, #tpu.memory_space<hbm>> -> memref<8x128xf32, #tpu.memory_space<hbm>>
      %dma_wait3A_75 = arith.constant 0 : i32
      %dma_wait3A_76 = tpu.memref_slice %arg2[%dma_wait3A_71, %multiple_of3A_23, %dma_wait3A_75] : memref<2x11520x128xf32, #tpu.memory_space<hbm>> -> memref<1x8x128xf32, #tpu.memory_space<hbm>>
      %dma_wait3A_77 = tpu.memref_squeeze %dma_wait3A_76 : memref<1x8x128xf32, #tpu.memory_space<hbm>> -> memref<8x128xf32, #tpu.memory_space<hbm>>
      tpu.wait_dma2 semaphore(%arg12 : memref<!tpu.dma_semaphore, #tpu.memory_space<semaphore_mem>>) src(%dma_wait3A_77 : memref<8x128xf32, #tpu.memory_space<hbm>>) dst(%arg7 : memref<8x128xf32, #tpu.memory_space<vmem>>)
      %scan3A_78 = arith.constant 0 : i32
      %scan3A_79 = arith.constant 0 : i32
      %scan3A_80 = arith.constant 8 : i32
      %scan3A_81 = arith.addi %scan3A_79, %scan3A_80 : i32
      %scan3A_82 = arith.constant 1 : i32
      %scan3A_83 = scf.for %scan3A_86 = %scan3A_79 to %scan3A_81 step %scan3A_82 iter_args(%scan3A_87 = %scan3A_78) -> (i32)  : i32 {
        %get3A = arith.index_cast %scan3A_86 : i32 to index
        %get3A_88 = arith.constant 0 : index
        %get3A_89 = tpu.vector_load %arg6[%get3A, %get3A_88] {strides = array<i32>} : memref<8x128xf32, #tpu.memory_space<vmem>>, vector<1x16xf32>,
        %get3A_90 = vector.shape_cast %get3A_89 : vector<1x16xf32> to vector<16xf32>
        %get3A_91 = arith.index_cast %scan3A_86 : i32 to index
        %get3A_92 = arith.constant 0 : index
        %get3A_93 = tpu.vector_load %arg7[%get3A_91, %get3A_92] {strides = array<i32>} : memref<8x128xf32, #tpu.memory_space<vmem>>, vector<1x16xf32>,
        %get3A_94 = vector.shape_cast %get3A_93 : vector<1x16xf32> to vector<16xf32>
        %add3A_95 = arith.addf %get3A_90, %get3A_94 : vector<16xf32>
        %max3A = arith.constant 1.000000e-30 : f32
        %max3A_96 = vector.broadcast %max3A : f32 to vector<16xf32>
        %max3A_97 = arith.maximumf %add3A_95, %max3A_96 : vector<16xf32>
        %div3A = arith.constant 1.000000e+00 : f32
        %div3A_98 = vector.broadcast %div3A : f32 to vector<16xf32>
        %div3A_99 = arith.divf %div3A_98, %max3A_97 : vector<16xf32>
        %broadcast_in_dim3A = vector.shape_cast %and3A_4 : vector<16xi32> to vector<16x1xi32>
        %gather3A = vector.shape_cast %broadcast_in_dim3A : vector<16x1xi32> to vector<16xi32>
        %gather3A_100 = tpu.dynamic_gather %div3A_99[%gather3A] in [0] : vector<16xf32>, vector<16xi32> -> vector<16xf32>
        %mul3A_101 = arith.constant 8 : i32
        %mul3A_102 = arith.muli %scan3A_86, %mul3A_101 : i32
        %add3A_103 = arith.constant 0 : i32
        %add3A_104 = arith.addi %mul3A_102, %add3A_103 : i32
        %get3A_105 = arith.index_cast %add3A_104 : i32 to index
        %get3A_106 = arith.constant 0 : index
        %get3A_107 = tpu.vector_load %arg4[%get3A_105, %get3A_106] {strides = array<i32>} : memref<64x128xf32, #tpu.memory_space<vmem>>, vector<1x16xf32>,
        %get3A_108 = vector.shape_cast %get3A_107 : vector<1x16xf32> to vector<16xf32>
        %get3A_109 = arith.index_cast %add3A_104 : i32 to index
        %get3A_110 = arith.constant 0 : index
        %get3A_111 = tpu.vector_load %arg5[%get3A_109, %get3A_110] {strides = array<i32>} : memref<64x128xf32, #tpu.memory_space<vmem>>, vector<1x16xf32>,
        %get3A_112 = vector.shape_cast %get3A_111 : vector<1x16xf32> to vector<16xf32>
        %add3A_113 = arith.addf %get3A_108, %get3A_112 : vector<16xf32>
        %mul3A_114 = arith.mulf %add3A_113, %gather3A_100 : vector<16xf32>
        %swap3A = arith.index_cast %add3A_104 : i32 to index
        %swap3A_115 = arith.constant 0 : index
        %swap3A_116 = tpu.vector_load %arg8[%swap3A, %swap3A_115] {strides = array<i32>} : memref<64x128xf32, #tpu.memory_space<vmem>>, vector<1x16xf32>,
        %swap3A_117 = vector.shape_cast %swap3A_116 : vector<1x16xf32> to vector<16xf32>
        %swap3A_118 = vector.shape_cast %mul3A_114 : vector<16xf32> to vector<1x16xf32>
        tpu.vector_store %arg8[%swap3A, %swap3A_115], %swap3A_118 {strides = array<i32>} : memref<64x128xf32, #tpu.memory_space<vmem>>, vector<1x16xf32>,
        %get3A_119 = arith.index_cast %add3A_104 : i32 to index
        %get3A_120 = arith.constant 16 : index
        %get3A_121 = tpu.vector_load %arg4[%get3A_119, %get3A_120] {strides = array<i32>} : memref<64x128xf32, #tpu.memory_space<vmem>>, vector<1x16xf32>,
        %get3A_122 = vector.shape_cast %get3A_121 : vector<1x16xf32> to vector<16xf32>
        %get3A_123 = arith.index_cast %add3A_104 : i32 to index
        %get3A_124 = arith.constant 16 : index
        %get3A_125 = tpu.vector_load %arg5[%get3A_123, %get3A_124] {strides = array<i32>} : memref<64x128xf32, #tpu.memory_space<vmem>>, vector<1x16xf32>,
        %get3A_126 = vector.shape_cast %get3A_125 : vector<1x16xf32> to vector<16xf32>
        %add3A_127 = arith.addf %get3A_122, %get3A_126 : vector<16xf32>
        %mul3A_128 = arith.mulf %add3A_127, %gather3A_100 : vector<16xf32>
        %swap3A_129 = arith.index_cast %add3A_104 : i32 to index
        %swap3A_130 = arith.constant 16 : index
        %swap3A_131 = tpu.vector_load %arg8[%swap3A_129, %swap3A_130] {strides = array<i32>} : memref<64x128xf32, #tpu.memory_space<vmem>>, vector<1x16xf32>,
        %swap3A_132 = vector.shape_cast %swap3A_131 : vector<1x16xf32> to vector<16xf32>
        %swap3A_133 = vector.shape_cast %mul3A_128 : vector<16xf32> to vector<1x16xf32>
        tpu.vector_store %arg8[%swap3A_129, %swap3A_130], %swap3A_133 {strides = array<i32>} : memref<64x128xf32, #tpu.memory_space<vmem>>, vector<1x16xf32>,
        %get3A_134 = arith.index_cast %add3A_104 : i32 to index
        %get3A_135 = arith.constant 32 : index
        %get3A_136 = tpu.vector_load %arg4[%get3A_134, %get3A_135] {strides = array<i32>} : memref<64x128xf32, #tpu.memory_space<vmem>>, vector<1x16xf32>,
        %get3A_137 = vector.shape_cast %get3A_136 : vector<1x16xf32> to vector<16xf32>
        %get3A_138 = arith.index_cast %add3A_104 : i32 to index
        %get3A_139 = arith.constant 32 : index
        %get3A_140 = tpu.vector_load %arg5[%get3A_138, %get3A_139] {strides = array<i32>} : memref<64x128xf32, #tpu.memory_space<vmem>>, vector<1x16xf32>,
        %get3A_141 = vector.shape_cast %get3A_140 : vector<1x16xf32> to vector<16xf32>
        %add3A_142 = arith.addf %get3A_137, %get3A_141 : vector<16xf32>
        %mul3A_143 = arith.mulf %add3A_142, %gather3A_100 : vector<16xf32>
        %swap3A_144 = arith.index_cast %add3A_104 : i32 to index
        %swap3A_145 = arith.constant 32 : index
        %swap3A_146 = tpu.vector_load %arg8[%swap3A_144, %swap3A_145] {strides = array<i32>} : memref<64x128xf32, #tpu.memory_space<vmem>>, vector<1x16xf32>,
        %swap3A_147 = vector.shape_cast %swap3A_146 : vector<1x16xf32> to vector<16xf32>
        %swap3A_148 = vector.shape_cast %mul3A_143 : vector<16xf32> to vector<1x16xf32>
        tpu.vector_store %arg8[%swap3A_144, %swap3A_145], %swap3A_148 {strides = array<i32>} : memref<64x128xf32, #tpu.memory_space<vmem>>, vector<1x16xf32>,
        %get3A_149 = arith.index_cast %add3A_104 : i32 to index
        %get3A_150 = arith.constant 48 : index
        %get3A_151 = tpu.vector_load %arg4[%get3A_149, %get3A_150] {strides = array<i32>} : memref<64x128xf32, #tpu.memory_space<vmem>>, vector<1x16xf32>,
        %get3A_152 = vector.shape_cast %get3A_151 : vector<1x16xf32> to vector<16xf32>
        %get3A_153 = arith.index_cast %add3A_104 : i32 to index
        %get3A_154 = arith.constant 48 : index
        %get3A_155 = tpu.vector_load %arg5[%get3A_153, %get3A_154] {strides = array<i32>} : memref<64x128xf32, #tpu.memory_space<vmem>>, vector<1x16xf32>,
        %get3A_156 = vector.shape_cast %get3A_155 : vector<1x16xf32> to vector<16xf32>
        %add3A_157 = arith.addf %get3A_152, %get3A_156 : vector<16xf32>
        %mul3A_158 = arith.mulf %add3A_157, %gather3A_100 : vector<16xf32>
        %swap3A_159 = arith.index_cast %add3A_104 : i32 to index
        %swap3A_160 = arith.constant 48 : index
        %swap3A_161 = tpu.vector_load %arg8[%swap3A_159, %swap3A_160] {strides = array<i32>} : memref<64x128xf32, #tpu.memory_space<vmem>>, vector<1x16xf32>,
        %swap3A_162 = vector.shape_cast %swap3A_161 : vector<1x16xf32> to vector<16xf32>
        %swap3A_163 = vector.shape_cast %mul3A_158 : vector<16xf32> to vector<1x16xf32>
        tpu.vector_store %arg8[%swap3A_159, %swap3A_160], %swap3A_163 {strides = array<i32>} : memref<64x128xf32, #tpu.memory_space<vmem>>, vector<1x16xf32>,
        %get3A_164 = arith.index_cast %add3A_104 : i32 to index
        %get3A_165 = arith.constant 64 : index
        %get3A_166 = tpu.vector_load %arg4[%get3A_164, %get3A_165] {strides = array<i32>} : memref<64x128xf32, #tpu.memory_space<vmem>>, vector<1x16xf32>,
        %get3A_167 = vector.shape_cast %get3A_166 : vector<1x16xf32> to vector<16xf32>
        %get3A_168 = arith.index_cast %add3A_104 : i32 to index
        %get3A_169 = arith.constant 64 : index
        %get3A_170 = tpu.vector_load %arg5[%get3A_168, %get3A_169] {strides = array<i32>} : memref<64x128xf32, #tpu.memory_space<vmem>>, vector<1x16xf32>,
        %get3A_171 = vector.shape_cast %get3A_170 : vector<1x16xf32> to vector<16xf32>
        %add3A_172 = arith.addf %get3A_167, %get3A_171 : vector<16xf32>
        %mul3A_173 = arith.mulf %add3A_172, %gather3A_100 : vector<16xf32>
        %swap3A_174 = arith.index_cast %add3A_104 : i32 to index
        %swap3A_175 = arith.constant 64 : index
        %swap3A_176 = tpu.vector_load %arg8[%swap3A_174, %swap3A_175] {strides = array<i32>} : memref<64x128xf32, #tpu.memory_space<vmem>>, vector<1x16xf32>,
        %swap3A_177 = vector.shape_cast %swap3A_176 : vector<1x16xf32> to vector<16xf32>
        %swap3A_178 = vector.shape_cast %mul3A_173 : vector<16xf32> to vector<1x16xf32>
        tpu.vector_store %arg8[%swap3A_174, %swap3A_175], %swap3A_178 {strides = array<i32>} : memref<64x128xf32, #tpu.memory_space<vmem>>, vector<1x16xf32>,
        %get3A_179 = arith.index_cast %add3A_104 : i32 to index
        %get3A_180 = arith.constant 80 : index
        %get3A_181 = tpu.vector_load %arg4[%get3A_179, %get3A_180] {strides = array<i32>} : memref<64x128xf32, #tpu.memory_space<vmem>>, vector<1x16xf32>,
        %get3A_182 = vector.shape_cast %get3A_181 : vector<1x16xf32> to vector<16xf32>
        %get3A_183 = arith.index_cast %add3A_104 : i32 to index
        %get3A_184 = arith.constant 80 : index
        %get3A_185 = tpu.vector_load %arg5[%get3A_183, %get3A_184] {strides = array<i32>} : memref<64x128xf32, #tpu.memory_space<vmem>>, vector<1x16xf32>,
        %get3A_186 = vector.shape_cast %get3A_185 : vector<1x16xf32> to vector<16xf32>
        %add3A_187 = arith.addf %get3A_182, %get3A_186 : vector<16xf32>
        %mul3A_188 = arith.mulf %add3A_187, %gather3A_100 : vector<16xf32>
        %swap3A_189 = arith.index_cast %add3A_104 : i32 to index
        %swap3A_190 = arith.constant 80 : index
        %swap3A_191 = tpu.vector_load %arg8[%swap3A_189, %swap3A_190] {strides = array<i32>} : memref<64x128xf32, #tpu.memory_space<vmem>>, vector<1x16xf32>,
        %swap3A_192 = vector.shape_cast %swap3A_191 : vector<1x16xf32> to vector<16xf32>
        %swap3A_193 = vector.shape_cast %mul3A_188 : vector<16xf32> to vector<1x16xf32>
        tpu.vector_store %arg8[%swap3A_189, %swap3A_190], %swap3A_193 {strides = array<i32>} : memref<64x128xf32, #tpu.memory_space<vmem>>, vector<1x16xf32>,
        %get3A_194 = arith.index_cast %add3A_104 : i32 to index
        %get3A_195 = arith.constant 96 : index
        %get3A_196 = tpu.vector_load %arg4[%get3A_194, %get3A_195] {strides = array<i32>} : memref<64x128xf32, #tpu.memory_space<vmem>>, vector<1x16xf32>,
        %get3A_197 = vector.shape_cast %get3A_196 : vector<1x16xf32> to vector<16xf32>
        %get3A_198 = arith.index_cast %add3A_104 : i32 to index
        %get3A_199 = arith.constant 96 : index
        %get3A_200 = tpu.vector_load %arg5[%get3A_198, %get3A_199] {strides = array<i32>} : memref<64x128xf32, #tpu.memory_space<vmem>>, vector<1x16xf32>,
        %get3A_201 = vector.shape_cast %get3A_200 : vector<1x16xf32> to vector<16xf32>
        %add3A_202 = arith.addf %get3A_197, %get3A_201 : vector<16xf32>
        %mul3A_203 = arith.mulf %add3A_202, %gather3A_100 : vector<16xf32>
        %swap3A_204 = arith.index_cast %add3A_104 : i32 to index
        %swap3A_205 = arith.constant 96 : index
        %swap3A_206 = tpu.vector_load %arg8[%swap3A_204, %swap3A_205] {strides = array<i32>} : memref<64x128xf32, #tpu.memory_space<vmem>>, vector<1x16xf32>,
        %swap3A_207 = vector.shape_cast %swap3A_206 : vector<1x16xf32> to vector<16xf32>
        %swap3A_208 = vector.shape_cast %mul3A_203 : vector<16xf32> to vector<1x16xf32>
        tpu.vector_store %arg8[%swap3A_204, %swap3A_205], %swap3A_208 {strides = array<i32>} : memref<64x128xf32, #tpu.memory_space<vmem>>, vector<1x16xf32>,
        %get3A_209 = arith.index_cast %add3A_104 : i32 to index
        %get3A_210 = arith.constant 112 : index
        %get3A_211 = tpu.vector_load %arg4[%get3A_209, %get3A_210] {strides = array<i32>} : memref<64x128xf32, #tpu.memory_space<vmem>>, vector<1x16xf32>,
        %get3A_212 = vector.shape_cast %get3A_211 : vector<1x16xf32> to vector<16xf32>
        %get3A_213 = arith.index_cast %add3A_104 : i32 to index
        %get3A_214 = arith.constant 112 : index
        %get3A_215 = tpu.vector_load %arg5[%get3A_213, %get3A_214] {strides = array<i32>} : memref<64x128xf32, #tpu.memory_space<vmem>>, vector<1x16xf32>,
        %get3A_216 = vector.shape_cast %get3A_215 : vector<1x16xf32> to vector<16xf32>
        %add3A_217 = arith.addf %get3A_212, %get3A_216 : vector<16xf32>
        %mul3A_218 = arith.mulf %add3A_217, %gather3A_100 : vector<16xf32>
        %swap3A_219 = arith.index_cast %add3A_104 : i32 to index
        %swap3A_220 = arith.constant 112 : index
        %swap3A_221 = tpu.vector_load %arg8[%swap3A_219, %swap3A_220] {strides = array<i32>} : memref<64x128xf32, #tpu.memory_space<vmem>>, vector<1x16xf32>,
        %swap3A_222 = vector.shape_cast %swap3A_221 : vector<1x16xf32> to vector<16xf32>
        %swap3A_223 = vector.shape_cast %mul3A_218 : vector<16xf32> to vector<1x16xf32>
        tpu.vector_store %arg8[%swap3A_219, %swap3A_220], %swap3A_223 {strides = array<i32>} : memref<64x128xf32, #tpu.memory_space<vmem>>, vector<1x16xf32>,
        %get3A_224 = arith.index_cast %scan3A_86 : i32 to index
        %get3A_225 = arith.constant 16 : index
        %get3A_226 = tpu.vector_load %arg6[%get3A_224, %get3A_225] {strides = array<i32>} : memref<8x128xf32, #tpu.memory_space<vmem>>, vector<1x16xf32>,
        %get3A_227 = vector.shape_cast %get3A_226 : vector<1x16xf32> to vector<16xf32>
        %get3A_228 = arith.index_cast %scan3A_86 : i32 to index
        %get3A_229 = arith.constant 16 : index
        %get3A_230 = tpu.vector_load %arg7[%get3A_228, %get3A_229] {strides = array<i32>} : memref<8x128xf32, #tpu.memory_space<vmem>>, vector<1x16xf32>,
        %get3A_231 = vector.shape_cast %get3A_230 : vector<1x16xf32> to vector<16xf32>
        %add3A_232 = arith.addf %get3A_227, %get3A_231 : vector<16xf32>
        %max3A_233 = arith.constant 1.000000e-30 : f32
        %max3A_234 = vector.broadcast %max3A_233 : f32 to vector<16xf32>
        %max3A_235 = arith.maximumf %add3A_232, %max3A_234 : vector<16xf32>
        %div3A_236 = arith.constant 1.000000e+00 : f32
        %div3A_237 = vector.broadcast %div3A_236 : f32 to vector<16xf32>
        %div3A_238 = arith.divf %div3A_237, %max3A_235 : vector<16xf32>
        %broadcast_in_dim3A_239 = vector.shape_cast %and3A_4 : vector<16xi32> to vector<16x1xi32>
        %gather3A_240 = vector.shape_cast %broadcast_in_dim3A_239 : vector<16x1xi32> to vector<16xi32>
        %gather3A_241 = tpu.dynamic_gather %div3A_238[%gather3A_240] in [0] : vector<16xf32>, vector<16xi32> -> vector<16xf32>
        %mul3A_242 = arith.constant 8 : i32
        %mul3A_243 = arith.muli %scan3A_86, %mul3A_242 : i32
        %add3A_244 = arith.constant 1 : i32
        %add3A_245 = arith.addi %mul3A_243, %add3A_244 : i32
        %get3A_246 = arith.index_cast %add3A_245 : i32 to index
        %get3A_247 = arith.constant 0 : index
        %get3A_248 = tpu.vector_load %arg4[%get3A_246, %get3A_247] {strides = array<i32>} : memref<64x128xf32, #tpu.memory_space<vmem>>, vector<1x16xf32>,
        %get3A_249 = vector.shape_cast %get3A_248 : vector<1x16xf32> to vector<16xf32>
        %get3A_250 = arith.index_cast %add3A_245 : i32 to index
        %get3A_251 = arith.constant 0 : index
        %get3A_252 = tpu.vector_load %arg5[%get3A_250, %get3A_251] {strides = array<i32>} : memref<64x128xf32, #tpu.memory_space<vmem>>, vector<1x16xf32>,
        %get3A_253 = vector.shape_cast %get3A_252 : vector<1x16xf32> to vector<16xf32>
        %add3A_254 = arith.addf %get3A_249, %get3A_253 : vector<16xf32>
        %mul3A_255 = arith.mulf %add3A_254, %gather3A_241 : vector<16xf32>
        %swap3A_256 = arith.index_cast %add3A_245 : i32 to index
        %swap3A_257 = arith.constant 0 : index
        %swap3A_258 = tpu.vector_load %arg8[%swap3A_256, %swap3A_257] {strides = array<i32>} : memref<64x128xf32, #tpu.memory_space<vmem>>, vector<1x16xf32>,
        %swap3A_259 = vector.shape_cast %swap3A_258 : vector<1x16xf32> to vector<16xf32>
        %swap3A_260 = vector.shape_cast %mul3A_255 : vector<16xf32> to vector<1x16xf32>
        tpu.vector_store %arg8[%swap3A_256, %swap3A_257], %swap3A_260 {strides = array<i32>} : memref<64x128xf32, #tpu.memory_space<vmem>>, vector<1x16xf32>,
        %get3A_261 = arith.index_cast %add3A_245 : i32 to index
        %get3A_262 = arith.constant 16 : index
        %get3A_263 = tpu.vector_load %arg4[%get3A_261, %get3A_262] {strides = array<i32>} : memref<64x128xf32, #tpu.memory_space<vmem>>, vector<1x16xf32>,
        %get3A_264 = vector.shape_cast %get3A_263 : vector<1x16xf32> to vector<16xf32>
        %get3A_265 = arith.index_cast %add3A_245 : i32 to index
        %get3A_266 = arith.constant 16 : index
        %get3A_267 = tpu.vector_load %arg5[%get3A_265, %get3A_266] {strides = array<i32>} : memref<64x128xf32, #tpu.memory_space<vmem>>, vector<1x16xf32>,
        %get3A_268 = vector.shape_cast %get3A_267 : vector<1x16xf32> to vector<16xf32>
        %add3A_269 = arith.addf %get3A_264, %get3A_268 : vector<16xf32>
        %mul3A_270 = arith.mulf %add3A_269, %gather3A_241 : vector<16xf32>
        %swap3A_271 = arith.index_cast %add3A_245 : i32 to index
        %swap3A_272 = arith.constant 16 : index
        %swap3A_273 = tpu.vector_load %arg8[%swap3A_271, %swap3A_272] {strides = array<i32>} : memref<64x128xf32, #tpu.memory_space<vmem>>, vector<1x16xf32>,
        %swap3A_274 = vector.shape_cast %swap3A_273 : vector<1x16xf32> to vector<16xf32>
        %swap3A_275 = vector.shape_cast %mul3A_270 : vector<16xf32> to vector<1x16xf32>
        tpu.vector_store %arg8[%swap3A_271, %swap3A_272], %swap3A_275 {strides = array<i32>} : memref<64x128xf32, #tpu.memory_space<vmem>>, vector<1x16xf32>,
        %get3A_276 = arith.index_cast %add3A_245 : i32 to index
        %get3A_277 = arith.constant 32 : index
        %get3A_278 = tpu.vector_load %arg4[%get3A_276, %get3A_277] {strides = array<i32>} : memref<64x128xf32, #tpu.memory_space<vmem>>, vector<1x16xf32>,
        %get3A_279 = vector.shape_cast %get3A_278 : vector<1x16xf32> to vector<16xf32>
        %get3A_280 = arith.index_cast %add3A_245 : i32 to index
        %get3A_281 = arith.constant 32 : index
        %get3A_282 = tpu.vector_load %arg5[%get3A_280, %get3A_281] {strides = array<i32>} : memref<64x128xf32, #tpu.memory_space<vmem>>, vector<1x16xf32>,
        %get3A_283 = vector.shape_cast %get3A_282 : vector<1x16xf32> to vector<16xf32>
        %add3A_284 = arith.addf %get3A_279, %get3A_283 : vector<16xf32>
        %mul3A_285 = arith.mulf %add3A_284, %gather3A_241 : vector<16xf32>
        %swap3A_286 = arith.index_cast %add3A_245 : i32 to index
        %swap3A_287 = arith.constant 32 : index
        %swap3A_288 = tpu.vector_load %arg8[%swap3A_286, %swap3A_287] {strides = array<i32>} : memref<64x128xf32, #tpu.memory_space<vmem>>, vector<1x16xf32>,
        %swap3A_289 = vector.shape_cast %swap3A_288 : vector<1x16xf32> to vector<16xf32>
        %swap3A_290 = vector.shape_cast %mul3A_285 : vector<16xf32> to vector<1x16xf32>
        tpu.vector_store %arg8[%swap3A_286, %swap3A_287], %swap3A_290 {strides = array<i32>} : memref<64x128xf32, #tpu.memory_space<vmem>>, vector<1x16xf32>,
        %get3A_291 = arith.index_cast %add3A_245 : i32 to index
        %get3A_292 = arith.constant 48 : index
        %get3A_293 = tpu.vector_load %arg4[%get3A_291, %get3A_292] {strides = array<i32>} : memref<64x128xf32, #tpu.memory_space<vmem>>, vector<1x16xf32>,
        %get3A_294 = vector.shape_cast %get3A_293 : vector<1x16xf32> to vector<16xf32>
        %get3A_295 = arith.index_cast %add3A_245 : i32 to index
        %get3A_296 = arith.constant 48 : index
        %get3A_297 = tpu.vector_load %arg5[%get3A_295, %get3A_296] {strides = array<i32>} : memref<64x128xf32, #tpu.memory_space<vmem>>, vector<1x16xf32>,
        %get3A_298 = vector.shape_cast %get3A_297 : vector<1x16xf32> to vector<16xf32>
        %add3A_299 = arith.addf %get3A_294, %get3A_298 : vector<16xf32>
        %mul3A_300 = arith.mulf %add3A_299, %gather3A_241 : vector<16xf32>
        %swap3A_301 = arith.index_cast %add3A_245 : i32 to index
        %swap3A_302 = arith.constant 48 : index
        %swap3A_303 = tpu.vector_load %arg8[%swap3A_301, %swap3A_302] {strides = array<i32>} : memref<64x128xf32, #tpu.memory_space<vmem>>, vector<1x16xf32>,
        %swap3A_304 = vector.shape_cast %swap3A_303 : vector<1x16xf32> to vector<16xf32>
        %swap3A_305 = vector.shape_cast %mul3A_300 : vector<16xf32> to vector<1x16xf32>
        tpu.vector_store %arg8[%swap3A_301, %swap3A_302], %swap3A_305 {strides = array<i32>} : memref<64x128xf32, #tpu.memory_space<vmem>>, vector<1x16xf32>,
        %get3A_306 = arith.index_cast %add3A_245 : i32 to index
        %get3A_307 = arith.constant 64 : index
        %get3A_308 = tpu.vector_load %arg4[%get3A_306, %get3A_307] {strides = array<i32>} : memref<64x128xf32, #tpu.memory_space<vmem>>, vector<1x16xf32>,
        %get3A_309 = vector.shape_cast %get3A_308 : vector<1x16xf32> to vector<16xf32>
        %get3A_310 = arith.index_cast %add3A_245 : i32 to index
        %get3A_311 = arith.constant 64 : index
        %get3A_312 = tpu.vector_load %arg5[%get3A_310, %get3A_311] {strides = array<i32>} : memref<64x128xf32, #tpu.memory_space<vmem>>, vector<1x16xf32>,
        %get3A_313 = vector.shape_cast %get3A_312 : vector<1x16xf32> to vector<16xf32>
        %add3A_314 = arith.addf %get3A_309, %get3A_313 : vector<16xf32>
        %mul3A_315 = arith.mulf %add3A_314, %gather3A_241 : vector<16xf32>
        %swap3A_316 = arith.index_cast %add3A_245 : i32 to index
        %swap3A_317 = arith.constant 64 : index
        %swap3A_318 = tpu.vector_load %arg8[%swap3A_316, %swap3A_317] {strides = array<i32>} : memref<64x128xf32, #tpu.memory_space<vmem>>, vector<1x16xf32>,
        %swap3A_319 = vector.shape_cast %swap3A_318 : vector<1x16xf32> to vector<16xf32>
        %swap3A_320 = vector.shape_cast %mul3A_315 : vector<16xf32> to vector<1x16xf32>
        tpu.vector_store %arg8[%swap3A_316, %swap3A_317], %swap3A_320 {strides = array<i32>} : memref<64x128xf32, #tpu.memory_space<vmem>>, vector<1x16xf32>,
        %get3A_321 = arith.index_cast %add3A_245 : i32 to index
        %get3A_322 = arith.constant 80 : index
        %get3A_323 = tpu.vector_load %arg4[%get3A_321, %get3A_322] {strides = array<i32>} : memref<64x128xf32, #tpu.memory_space<vmem>>, vector<1x16xf32>,
        %get3A_324 = vector.shape_cast %get3A_323 : vector<1x16xf32> to vector<16xf32>
        %get3A_325 = arith.index_cast %add3A_245 : i32 to index
        %get3A_326 = arith.constant 80 : index
        %get3A_327 = tpu.vector_load %arg5[%get3A_325, %get3A_326] {strides = array<i32>} : memref<64x128xf32, #tpu.memory_space<vmem>>, vector<1x16xf32>,
        %get3A_328 = vector.shape_cast %get3A_327 : vector<1x16xf32> to vector<16xf32>
        %add3A_329 = arith.addf %get3A_324, %get3A_328 : vector<16xf32>
        %mul3A_330 = arith.mulf %add3A_329, %gather3A_241 : vector<16xf32>
        %swap3A_331 = arith.index_cast %add3A_245 : i32 to index
        %swap3A_332 = arith.constant 80 : index
        %swap3A_333 = tpu.vector_load %arg8[%swap3A_331, %swap3A_332] {strides = array<i32>} : memref<64x128xf32, #tpu.memory_space<vmem>>, vector<1x16xf32>,
        %swap3A_334 = vector.shape_cast %swap3A_333 : vector<1x16xf32> to vector<16xf32>
        %swap3A_335 = vector.shape_cast %mul3A_330 : vector<16xf32> to vector<1x16xf32>
        tpu.vector_store %arg8[%swap3A_331, %swap3A_332], %swap3A_335 {strides = array<i32>} : memref<64x128xf32, #tpu.memory_space<vmem>>, vector<1x16xf32>,
        %get3A_336 = arith.index_cast %add3A_245 : i32 to index
        %get3A_337 = arith.constant 96 : index
        %get3A_338 = tpu.vector_load %arg4[%get3A_336, %get3A_337] {strides = array<i32>} : memref<64x128xf32, #tpu.memory_space<vmem>>, vector<1x16xf32>,
        %get3A_339 = vector.shape_cast %get3A_338 : vector<1x16xf32> to vector<16xf32>
        %get3A_340 = arith.index_cast %add3A_245 : i32 to index
        %get3A_341 = arith.constant 96 : index
        %get3A_342 = tpu.vector_load %arg5[%get3A_340, %get3A_341] {strides = array<i32>} : memref<64x128xf32, #tpu.memory_space<vmem>>, vector<1x16xf32>,
        %get3A_343 = vector.shape_cast %get3A_342 : vector<1x16xf32> to vector<16xf32>
        %add3A_344 = arith.addf %get3A_339, %get3A_343 : vector<16xf32>
        %mul3A_345 = arith.mulf %add3A_344, %gather3A_241 : vector<16xf32>
        %swap3A_346 = arith.index_cast %add3A_245 : i32 to index
        %swap3A_347 = arith.constant 96 : index
        %swap3A_348 = tpu.vector_load %arg8[%swap3A_346, %swap3A_347] {strides = array<i32>} : memref<64x128xf32, #tpu.memory_space<vmem>>, vector<1x16xf32>,
        %swap3A_349 = vector.shape_cast %swap3A_348 : vector<1x16xf32> to vector<16xf32>
        %swap3A_350 = vector.shape_cast %mul3A_345 : vector<16xf32> to vector<1x16xf32>
        tpu.vector_store %arg8[%swap3A_346, %swap3A_347], %swap3A_350 {strides = array<i32>} : memref<64x128xf32, #tpu.memory_space<vmem>>, vector<1x16xf32>,
        %get3A_351 = arith.index_cast %add3A_245 : i32 to index
        %get3A_352 = arith.constant 112 : index
        %get3A_353 = tpu.vector_load %arg4[%get3A_351, %get3A_352] {strides = array<i32>} : memref<64x128xf32, #tpu.memory_space<vmem>>, vector<1x16xf32>,
        %get3A_354 = vector.shape_cast %get3A_353 : vector<1x16xf32> to vector<16xf32>
        %get3A_355 = arith.index_cast %add3A_245 : i32 to index
        %get3A_356 = arith.constant 112 : index
        %get3A_357 = tpu.vector_load %arg5[%get3A_355, %get3A_356] {strides = array<i32>} : memref<64x128xf32, #tpu.memory_space<vmem>>, vector<1x16xf32>,
        %get3A_358 = vector.shape_cast %get3A_357 : vector<1x16xf32> to vector<16xf32>
        %add3A_359 = arith.addf %get3A_354, %get3A_358 : vector<16xf32>
        %mul3A_360 = arith.mulf %add3A_359, %gather3A_241 : vector<16xf32>
        %swap3A_361 = arith.index_cast %add3A_245 : i32 to index
        %swap3A_362 = arith.constant 112 : index
        %swap3A_363 = tpu.vector_load %arg8[%swap3A_361, %swap3A_362] {strides = array<i32>} : memref<64x128xf32, #tpu.memory_space<vmem>>, vector<1x16xf32>,
        %swap3A_364 = vector.shape_cast %swap3A_363 : vector<1x16xf32> to vector<16xf32>
        %swap3A_365 = vector.shape_cast %mul3A_360 : vector<16xf32> to vector<1x16xf32>
        tpu.vector_store %arg8[%swap3A_361, %swap3A_362], %swap3A_365 {strides = array<i32>} : memref<64x128xf32, #tpu.memory_space<vmem>>, vector<1x16xf32>,
        %get3A_366 = arith.index_cast %scan3A_86 : i32 to index
        %get3A_367 = arith.constant 32 : index
        %get3A_368 = tpu.vector_load %arg6[%get3A_366, %get3A_367] {strides = array<i32>} : memref<8x128xf32, #tpu.memory_space<vmem>>, vector<1x16xf32>,
        %get3A_369 = vector.shape_cast %get3A_368 : vector<1x16xf32> to vector<16xf32>
        %get3A_370 = arith.index_cast %scan3A_86 : i32 to index
        %get3A_371 = arith.constant 32 : index
        %get3A_372 = tpu.vector_load %arg7[%get3A_370, %get3A_371] {strides = array<i32>} : memref<8x128xf32, #tpu.memory_space<vmem>>, vector<1x16xf32>,
        %get3A_373 = vector.shape_cast %get3A_372 : vector<1x16xf32> to vector<16xf32>
        %add3A_374 = arith.addf %get3A_369, %get3A_373 : vector<16xf32>
        %max3A_375 = arith.constant 1.000000e-30 : f32
        %max3A_376 = vector.broadcast %max3A_375 : f32 to vector<16xf32>
        %max3A_377 = arith.maximumf %add3A_374, %max3A_376 : vector<16xf32>
        %div3A_378 = arith.constant 1.000000e+00 : f32
        %div3A_379 = vector.broadcast %div3A_378 : f32 to vector<16xf32>
        %div3A_380 = arith.divf %div3A_379, %max3A_377 : vector<16xf32>
        %broadcast_in_dim3A_381 = vector.shape_cast %and3A_4 : vector<16xi32> to vector<16x1xi32>
        %gather3A_382 = vector.shape_cast %broadcast_in_dim3A_381 : vector<16x1xi32> to vector<16xi32>
        %gather3A_383 = tpu.dynamic_gather %div3A_380[%gather3A_382] in [0] : vector<16xf32>, vector<16xi32> -> vector<16xf32>
        %mul3A_384 = arith.constant 8 : i32
        %mul3A_385 = arith.muli %scan3A_86, %mul3A_384 : i32
        %add3A_386 = arith.constant 2 : i32
        %add3A_387 = arith.addi %mul3A_385, %add3A_386 : i32
        %get3A_388 = arith.index_cast %add3A_387 : i32 to index
        %get3A_389 = arith.constant 0 : index
        %get3A_390 = tpu.vector_load %arg4[%get3A_388, %get3A_389] {strides = array<i32>} : memref<64x128xf32, #tpu.memory_space<vmem>>, vector<1x16xf32>,
        %get3A_391 = vector.shape_cast %get3A_390 : vector<1x16xf32> to vector<16xf32>
        %get3A_392 = arith.index_cast %add3A_387 : i32 to index
        %get3A_393 = arith.constant 0 : index
        %get3A_394 = tpu.vector_load %arg5[%get3A_392, %get3A_393] {strides = array<i32>} : memref<64x128xf32, #tpu.memory_space<vmem>>, vector<1x16xf32>,
        %get3A_395 = vector.shape_cast %get3A_394 : vector<1x16xf32> to vector<16xf32>
        %add3A_396 = arith.addf %get3A_391, %get3A_395 : vector<16xf32>
        %mul3A_397 = arith.mulf %add3A_396, %gather3A_383 : vector<16xf32>
        %swap3A_398 = arith.index_cast %add3A_387 : i32 to index
        %swap3A_399 = arith.constant 0 : index
        %swap3A_400 = tpu.vector_load %arg8[%swap3A_398, %swap3A_399] {strides = array<i32>} : memref<64x128xf32, #tpu.memory_space<vmem>>, vector<1x16xf32>,
        %swap3A_401 = vector.shape_cast %swap3A_400 : vector<1x16xf32> to vector<16xf32>
        %swap3A_402 = vector.shape_cast %mul3A_397 : vector<16xf32> to vector<1x16xf32>
        tpu.vector_store %arg8[%swap3A_398, %swap3A_399], %swap3A_402 {strides = array<i32>} : memref<64x128xf32, #tpu.memory_space<vmem>>, vector<1x16xf32>,
        %get3A_403 = arith.index_cast %add3A_387 : i32 to index
        %get3A_404 = arith.constant 16 : index
        %get3A_405 = tpu.vector_load %arg4[%get3A_403, %get3A_404] {strides = array<i32>} : memref<64x128xf32, #tpu.memory_space<vmem>>, vector<1x16xf32>,
        %get3A_406 = vector.shape_cast %get3A_405 : vector<1x16xf32> to vector<16xf32>
        %get3A_407 = arith.index_cast %add3A_387 : i32 to index
        %get3A_408 = arith.constant 16 : index
        %get3A_409 = tpu.vector_load %arg5[%get3A_407, %get3A_408] {strides = array<i32>} : memref<64x128xf32, #tpu.memory_space<vmem>>, vector<1x16xf32>,
        %get3A_410 = vector.shape_cast %get3A_409 : vector<1x16xf32> to vector<16xf32>
        %add3A_411 = arith.addf %get3A_406, %get3A_410 : vector<16xf32>
        %mul3A_412 = arith.mulf %add3A_411, %gather3A_383 : vector<16xf32>
        %swap3A_413 = arith.index_cast %add3A_387 : i32 to index
        %swap3A_414 = arith.constant 16 : index
        %swap3A_415 = tpu.vector_load %arg8[%swap3A_413, %swap3A_414] {strides = array<i32>} : memref<64x128xf32, #tpu.memory_space<vmem>>, vector<1x16xf32>,
        %swap3A_416 = vector.shape_cast %swap3A_415 : vector<1x16xf32> to vector<16xf32>
        %swap3A_417 = vector.shape_cast %mul3A_412 : vector<16xf32> to vector<1x16xf32>
        tpu.vector_store %arg8[%swap3A_413, %swap3A_414], %swap3A_417 {strides = array<i32>} : memref<64x128xf32, #tpu.memory_space<vmem>>, vector<1x16xf32>,
        %get3A_418 = arith.index_cast %add3A_387 : i32 to index
        %get3A_419 = arith.constant 32 : index
        %get3A_420 = tpu.vector_load %arg4[%get3A_418, %get3A_419] {strides = array<i32>} : memref<64x128xf32, #tpu.memory_space<vmem>>, vector<1x16xf32>,
        %get3A_421 = vector.shape_cast %get3A_420 : vector<1x16xf32> to vector<16xf32>
        %get3A_422 = arith.index_cast %add3A_387 : i32 to index
        %get3A_423 = arith.constant 32 : index
        %get3A_424 = tpu.vector_load %arg5[%get3A_422, %get3A_423] {strides = array<i32>} : memref<64x128xf32, #tpu.memory_space<vmem>>, vector<1x16xf32>,
        %get3A_425 = vector.shape_cast %get3A_424 : vector<1x16xf32> to vector<16xf32>
        %add3A_426 = arith.addf %get3A_421, %get3A_425 : vector<16xf32>
        %mul3A_427 = arith.mulf %add3A_426, %gather3A_383 : vector<16xf32>
        %swap3A_428 = arith.index_cast %add3A_387 : i32 to index
        %swap3A_429 = arith.constant 32 : index
        %swap3A_430 = tpu.vector_load %arg8[%swap3A_428, %swap3A_429] {strides = array<i32>} : memref<64x128xf32, #tpu.memory_space<vmem>>, vector<1x16xf32>,
        %swap3A_431 = vector.shape_cast %swap3A_430 : vector<1x16xf32> to vector<16xf32>
        %swap3A_432 = vector.shape_cast %mul3A_427 : vector<16xf32> to vector<1x16xf32>
        tpu.vector_store %arg8[%swap3A_428, %swap3A_429], %swap3A_432 {strides = array<i32>} : memref<64x128xf32, #tpu.memory_space<vmem>>, vector<1x16xf32>,
        %get3A_433 = arith.index_cast %add3A_387 : i32 to index
        %get3A_434 = arith.constant 48 : index
        %get3A_435 = tpu.vector_load %arg4[%get3A_433, %get3A_434] {strides = array<i32>} : memref<64x128xf32, #tpu.memory_space<vmem>>, vector<1x16xf32>,
        %get3A_436 = vector.shape_cast %get3A_435 : vector<1x16xf32> to vector<16xf32>
        %get3A_437 = arith.index_cast %add3A_387 : i32 to index
        %get3A_438 = arith.constant 48 : index
        %get3A_439 = tpu.vector_load %arg5[%get3A_437, %get3A_438] {strides = array<i32>} : memref<64x128xf32, #tpu.memory_space<vmem>>, vector<1x16xf32>,
        %get3A_440 = vector.shape_cast %get3A_439 : vector<1x16xf32> to vector<16xf32>
        %add3A_441 = arith.addf %get3A_436, %get3A_440 : vector<16xf32>
        %mul3A_442 = arith.mulf %add3A_441, %gather3A_383 : vector<16xf32>
        %swap3A_443 = arith.index_cast %add3A_387 : i32 to index
        %swap3A_444 = arith.constant 48 : index
        %swap3A_445 = tpu.vector_load %arg8[%swap3A_443, %swap3A_444] {strides = array<i32>} : memref<64x128xf32, #tpu.memory_space<vmem>>, vector<1x16xf32>,
        %swap3A_446 = vector.shape_cast %swap3A_445 : vector<1x16xf32> to vector<16xf32>
        %swap3A_447 = vector.shape_cast %mul3A_442 : vector<16xf32> to vector<1x16xf32>
        tpu.vector_store %arg8[%swap3A_443, %swap3A_444], %swap3A_447 {strides = array<i32>} : memref<64x128xf32, #tpu.memory_space<vmem>>, vector<1x16xf32>,
        %get3A_448 = arith.index_cast %add3A_387 : i32 to index
        %get3A_449 = arith.constant 64 : index
        %get3A_450 = tpu.vector_load %arg4[%get3A_448, %get3A_449] {strides = array<i32>} : memref<64x128xf32, #tpu.memory_space<vmem>>, vector<1x16xf32>,
        %get3A_451 = vector.shape_cast %get3A_450 : vector<1x16xf32> to vector<16xf32>
        %get3A_452 = arith.index_cast %add3A_387 : i32 to index
        %get3A_453 = arith.constant 64 : index
        %get3A_454 = tpu.vector_load %arg5[%get3A_452, %get3A_453] {strides = array<i32>} : memref<64x128xf32, #tpu.memory_space<vmem>>, vector<1x16xf32>,
        %get3A_455 = vector.shape_cast %get3A_454 : vector<1x16xf32> to vector<16xf32>
        %add3A_456 = arith.addf %get3A_451, %get3A_455 : vector<16xf32>
        %mul3A_457 = arith.mulf %add3A_456, %gather3A_383 : vector<16xf32>
        %swap3A_458 = arith.index_cast %add3A_387 : i32 to index
        %swap3A_459 = arith.constant 64 : index
        %swap3A_460 = tpu.vector_load %arg8[%swap3A_458, %swap3A_459] {strides = array<i32>} : memref<64x128xf32, #tpu.memory_space<vmem>>, vector<1x16xf32>,
        %swap3A_461 = vector.shape_cast %swap3A_460 : vector<1x16xf32> to vector<16xf32>
        %swap3A_462 = vector.shape_cast %mul3A_457 : vector<16xf32> to vector<1x16xf32>
        tpu.vector_store %arg8[%swap3A_458, %swap3A_459], %swap3A_462 {strides = array<i32>} : memref<64x128xf32, #tpu.memory_space<vmem>>, vector<1x16xf32>,
        %get3A_463 = arith.index_cast %add3A_387 : i32 to index
        %get3A_464 = arith.constant 80 : index
        %get3A_465 = tpu.vector_load %arg4[%get3A_463, %get3A_464] {strides = array<i32>} : memref<64x128xf32, #tpu.memory_space<vmem>>, vector<1x16xf32>,
        %get3A_466 = vector.shape_cast %get3A_465 : vector<1x16xf32> to vector<16xf32>
        %get3A_467 = arith.index_cast %add3A_387 : i32 to index
        %get3A_468 = arith.constant 80 : index
        %get3A_469 = tpu.vector_load %arg5[%get3A_467, %get3A_468] {strides = array<i32>} : memref<64x128xf32, #tpu.memory_space<vmem>>, vector<1x16xf32>,
        %get3A_470 = vector.shape_cast %get3A_469 : vector<1x16xf32> to vector<16xf32>
        %add3A_471 = arith.addf %get3A_466, %get3A_470 : vector<16xf32>
        %mul3A_472 = arith.mulf %add3A_471, %gather3A_383 : vector<16xf32>
        %swap3A_473 = arith.index_cast %add3A_387 : i32 to index
        %swap3A_474 = arith.constant 80 : index
        %swap3A_475 = tpu.vector_load %arg8[%swap3A_473, %swap3A_474] {strides = array<i32>} : memref<64x128xf32, #tpu.memory_space<vmem>>, vector<1x16xf32>,
        %swap3A_476 = vector.shape_cast %swap3A_475 : vector<1x16xf32> to vector<16xf32>
        %swap3A_477 = vector.shape_cast %mul3A_472 : vector<16xf32> to vector<1x16xf32>
        tpu.vector_store %arg8[%swap3A_473, %swap3A_474], %swap3A_477 {strides = array<i32>} : memref<64x128xf32, #tpu.memory_space<vmem>>, vector<1x16xf32>,
        %get3A_478 = arith.index_cast %add3A_387 : i32 to index
        %get3A_479 = arith.constant 96 : index
        %get3A_480 = tpu.vector_load %arg4[%get3A_478, %get3A_479] {strides = array<i32>} : memref<64x128xf32, #tpu.memory_space<vmem>>, vector<1x16xf32>,
        %get3A_481 = vector.shape_cast %get3A_480 : vector<1x16xf32> to vector<16xf32>
        %get3A_482 = arith.index_cast %add3A_387 : i32 to index
        %get3A_483 = arith.constant 96 : index
        %get3A_484 = tpu.vector_load %arg5[%get3A_482, %get3A_483] {strides = array<i32>} : memref<64x128xf32, #tpu.memory_space<vmem>>, vector<1x16xf32>,
        %get3A_485 = vector.shape_cast %get3A_484 : vector<1x16xf32> to vector<16xf32>
        %add3A_486 = arith.addf %get3A_481, %get3A_485 : vector<16xf32>
        %mul3A_487 = arith.mulf %add3A_486, %gather3A_383 : vector<16xf32>
        %swap3A_488 = arith.index_cast %add3A_387 : i32 to index
        %swap3A_489 = arith.constant 96 : index
        %swap3A_490 = tpu.vector_load %arg8[%swap3A_488, %swap3A_489] {strides = array<i32>} : memref<64x128xf32, #tpu.memory_space<vmem>>, vector<1x16xf32>,
        %swap3A_491 = vector.shape_cast %swap3A_490 : vector<1x16xf32> to vector<16xf32>
        %swap3A_492 = vector.shape_cast %mul3A_487 : vector<16xf32> to vector<1x16xf32>
        tpu.vector_store %arg8[%swap3A_488, %swap3A_489], %swap3A_492 {strides = array<i32>} : memref<64x128xf32, #tpu.memory_space<vmem>>, vector<1x16xf32>,
        %get3A_493 = arith.index_cast %add3A_387 : i32 to index
        %get3A_494 = arith.constant 112 : index
        %get3A_495 = tpu.vector_load %arg4[%get3A_493, %get3A_494] {strides = array<i32>} : memref<64x128xf32, #tpu.memory_space<vmem>>, vector<1x16xf32>,
        %get3A_496 = vector.shape_cast %get3A_495 : vector<1x16xf32> to vector<16xf32>
        %get3A_497 = arith.index_cast %add3A_387 : i32 to index
        %get3A_498 = arith.constant 112 : index
        %get3A_499 = tpu.vector_load %arg5[%get3A_497, %get3A_498] {strides = array<i32>} : memref<64x128xf32, #tpu.memory_space<vmem>>, vector<1x16xf32>,
        %get3A_500 = vector.shape_cast %get3A_499 : vector<1x16xf32> to vector<16xf32>
        %add3A_501 = arith.addf %get3A_496, %get3A_500 : vector<16xf32>
        %mul3A_502 = arith.mulf %add3A_501, %gather3A_383 : vector<16xf32>
        %swap3A_503 = arith.index_cast %add3A_387 : i32 to index
        %swap3A_504 = arith.constant 112 : index
        %swap3A_505 = tpu.vector_load %arg8[%swap3A_503, %swap3A_504] {strides = array<i32>} : memref<64x128xf32, #tpu.memory_space<vmem>>, vector<1x16xf32>,
        %swap3A_506 = vector.shape_cast %swap3A_505 : vector<1x16xf32> to vector<16xf32>
        %swap3A_507 = vector.shape_cast %mul3A_502 : vector<16xf32> to vector<1x16xf32>
        tpu.vector_store %arg8[%swap3A_503, %swap3A_504], %swap3A_507 {strides = array<i32>} : memref<64x128xf32, #tpu.memory_space<vmem>>, vector<1x16xf32>,
        %get3A_508 = arith.index_cast %scan3A_86 : i32 to index
        %get3A_509 = arith.constant 48 : index
        %get3A_510 = tpu.vector_load %arg6[%get3A_508, %get3A_509] {strides = array<i32>} : memref<8x128xf32, #tpu.memory_space<vmem>>, vector<1x16xf32>,
        %get3A_511 = vector.shape_cast %get3A_510 : vector<1x16xf32> to vector<16xf32>
        %get3A_512 = arith.index_cast %scan3A_86 : i32 to index
        %get3A_513 = arith.constant 48 : index
        %get3A_514 = tpu.vector_load %arg7[%get3A_512, %get3A_513] {strides = array<i32>} : memref<8x128xf32, #tpu.memory_space<vmem>>, vector<1x16xf32>,
        %get3A_515 = vector.shape_cast %get3A_514 : vector<1x16xf32> to vector<16xf32>
        %add3A_516 = arith.addf %get3A_511, %get3A_515 : vector<16xf32>
        %max3A_517 = arith.constant 1.000000e-30 : f32
        %max3A_518 = vector.broadcast %max3A_517 : f32 to vector<16xf32>
        %max3A_519 = arith.maximumf %add3A_516, %max3A_518 : vector<16xf32>
        %div3A_520 = arith.constant 1.000000e+00 : f32
        %div3A_521 = vector.broadcast %div3A_520 : f32 to vector<16xf32>
        %div3A_522 = arith.divf %div3A_521, %max3A_519 : vector<16xf32>
        %broadcast_in_dim3A_523 = vector.shape_cast %and3A_4 : vector<16xi32> to vector<16x1xi32>
        %gather3A_524 = vector.shape_cast %broadcast_in_dim3A_523 : vector<16x1xi32> to vector<16xi32>
        %gather3A_525 = tpu.dynamic_gather %div3A_522[%gather3A_524] in [0] : vector<16xf32>, vector<16xi32> -> vector<16xf32>
        %mul3A_526 = arith.constant 8 : i32
        %mul3A_527 = arith.muli %scan3A_86, %mul3A_526 : i32
        %add3A_528 = arith.constant 3 : i32
        %add3A_529 = arith.addi %mul3A_527, %add3A_528 : i32
        %get3A_530 = arith.index_cast %add3A_529 : i32 to index
        %get3A_531 = arith.constant 0 : index
        %get3A_532 = tpu.vector_load %arg4[%get3A_530, %get3A_531] {strides = array<i32>} : memref<64x128xf32, #tpu.memory_space<vmem>>, vector<1x16xf32>,
        %get3A_533 = vector.shape_cast %get3A_532 : vector<1x16xf32> to vector<16xf32>
        %get3A_534 = arith.index_cast %add3A_529 : i32 to index
        %get3A_535 = arith.constant 0 : index
        %get3A_536 = tpu.vector_load %arg5[%get3A_534, %get3A_535] {strides = array<i32>} : memref<64x128xf32, #tpu.memory_space<vmem>>, vector<1x16xf32>,
        %get3A_537 = vector.shape_cast %get3A_536 : vector<1x16xf32> to vector<16xf32>
        %add3A_538 = arith.addf %get3A_533, %get3A_537 : vector<16xf32>
        %mul3A_539 = arith.mulf %add3A_538, %gather3A_525 : vector<16xf32>
        %swap3A_540 = arith.index_cast %add3A_529 : i32 to index
        %swap3A_541 = arith.constant 0 : index
        %swap3A_542 = tpu.vector_load %arg8[%swap3A_540, %swap3A_541] {strides = array<i32>} : memref<64x128xf32, #tpu.memory_space<vmem>>, vector<1x16xf32>,
        %swap3A_543 = vector.shape_cast %swap3A_542 : vector<1x16xf32> to vector<16xf32>
        %swap3A_544 = vector.shape_cast %mul3A_539 : vector<16xf32> to vector<1x16xf32>
        tpu.vector_store %arg8[%swap3A_540, %swap3A_541], %swap3A_544 {strides = array<i32>} : memref<64x128xf32, #tpu.memory_space<vmem>>, vector<1x16xf32>,
        %get3A_545 = arith.index_cast %add3A_529 : i32 to index
        %get3A_546 = arith.constant 16 : index
        %get3A_547 = tpu.vector_load %arg4[%get3A_545, %get3A_546] {strides = array<i32>} : memref<64x128xf32, #tpu.memory_space<vmem>>, vector<1x16xf32>,
        %get3A_548 = vector.shape_cast %get3A_547 : vector<1x16xf32> to vector<16xf32>
        %get3A_549 = arith.index_cast %add3A_529 : i32 to index
        %get3A_550 = arith.constant 16 : index
        %get3A_551 = tpu.vector_load %arg5[%get3A_549, %get3A_550] {strides = array<i32>} : memref<64x128xf32, #tpu.memory_space<vmem>>, vector<1x16xf32>,
        %get3A_552 = vector.shape_cast %get3A_551 : vector<1x16xf32> to vector<16xf32>
        %add3A_553 = arith.addf %get3A_548, %get3A_552 : vector<16xf32>
        %mul3A_554 = arith.mulf %add3A_553, %gather3A_525 : vector<16xf32>
        %swap3A_555 = arith.index_cast %add3A_529 : i32 to index
        %swap3A_556 = arith.constant 16 : index
        %swap3A_557 = tpu.vector_load %arg8[%swap3A_555, %swap3A_556] {strides = array<i32>} : memref<64x128xf32, #tpu.memory_space<vmem>>, vector<1x16xf32>,
        %swap3A_558 = vector.shape_cast %swap3A_557 : vector<1x16xf32> to vector<16xf32>
        %swap3A_559 = vector.shape_cast %mul3A_554 : vector<16xf32> to vector<1x16xf32>
        tpu.vector_store %arg8[%swap3A_555, %swap3A_556], %swap3A_559 {strides = array<i32>} : memref<64x128xf32, #tpu.memory_space<vmem>>, vector<1x16xf32>,
        %get3A_560 = arith.index_cast %add3A_529 : i32 to index
        %get3A_561 = arith.constant 32 : index
        %get3A_562 = tpu.vector_load %arg4[%get3A_560, %get3A_561] {strides = array<i32>} : memref<64x128xf32, #tpu.memory_space<vmem>>, vector<1x16xf32>,
        %get3A_563 = vector.shape_cast %get3A_562 : vector<1x16xf32> to vector<16xf32>
        %get3A_564 = arith.index_cast %add3A_529 : i32 to index
        %get3A_565 = arith.constant 32 : index
        %get3A_566 = tpu.vector_load %arg5[%get3A_564, %get3A_565] {strides = array<i32>} : memref<64x128xf32, #tpu.memory_space<vmem>>, vector<1x16xf32>,
        %get3A_567 = vector.shape_cast %get3A_566 : vector<1x16xf32> to vector<16xf32>
        %add3A_568 = arith.addf %get3A_563, %get3A_567 : vector<16xf32>
        %mul3A_569 = arith.mulf %add3A_568, %gather3A_525 : vector<16xf32>
        %swap3A_570 = arith.index_cast %add3A_529 : i32 to index
        %swap3A_571 = arith.constant 32 : index
        %swap3A_572 = tpu.vector_load %arg8[%swap3A_570, %swap3A_571] {strides = array<i32>} : memref<64x128xf32, #tpu.memory_space<vmem>>, vector<1x16xf32>,
        %swap3A_573 = vector.shape_cast %swap3A_572 : vector<1x16xf32> to vector<16xf32>
        %swap3A_574 = vector.shape_cast %mul3A_569 : vector<16xf32> to vector<1x16xf32>
        tpu.vector_store %arg8[%swap3A_570, %swap3A_571], %swap3A_574 {strides = array<i32>} : memref<64x128xf32, #tpu.memory_space<vmem>>, vector<1x16xf32>,
        %get3A_575 = arith.index_cast %add3A_529 : i32 to index
        %get3A_576 = arith.constant 48 : index
        %get3A_577 = tpu.vector_load %arg4[%get3A_575, %get3A_576] {strides = array<i32>} : memref<64x128xf32, #tpu.memory_space<vmem>>, vector<1x16xf32>,
        %get3A_578 = vector.shape_cast %get3A_577 : vector<1x16xf32> to vector<16xf32>
        %get3A_579 = arith.index_cast %add3A_529 : i32 to index
        %get3A_580 = arith.constant 48 : index
        %get3A_581 = tpu.vector_load %arg5[%get3A_579, %get3A_580] {strides = array<i32>} : memref<64x128xf32, #tpu.memory_space<vmem>>, vector<1x16xf32>,
        %get3A_582 = vector.shape_cast %get3A_581 : vector<1x16xf32> to vector<16xf32>
        %add3A_583 = arith.addf %get3A_578, %get3A_582 : vector<16xf32>
        %mul3A_584 = arith.mulf %add3A_583, %gather3A_525 : vector<16xf32>
        %swap3A_585 = arith.index_cast %add3A_529 : i32 to index
        %swap3A_586 = arith.constant 48 : index
        %swap3A_587 = tpu.vector_load %arg8[%swap3A_585, %swap3A_586] {strides = array<i32>} : memref<64x128xf32, #tpu.memory_space<vmem>>, vector<1x16xf32>,
        %swap3A_588 = vector.shape_cast %swap3A_587 : vector<1x16xf32> to vector<16xf32>
        %swap3A_589 = vector.shape_cast %mul3A_584 : vector<16xf32> to vector<1x16xf32>
        tpu.vector_store %arg8[%swap3A_585, %swap3A_586], %swap3A_589 {strides = array<i32>} : memref<64x128xf32, #tpu.memory_space<vmem>>, vector<1x16xf32>,
        %get3A_590 = arith.index_cast %add3A_529 : i32 to index
        %get3A_591 = arith.constant 64 : index
        %get3A_592 = tpu.vector_load %arg4[%get3A_590, %get3A_591] {strides = array<i32>} : memref<64x128xf32, #tpu.memory_space<vmem>>, vector<1x16xf32>,
        %get3A_593 = vector.shape_cast %get3A_592 : vector<1x16xf32> to vector<16xf32>
        %get3A_594 = arith.index_cast %add3A_529 : i32 to index
        %get3A_595 = arith.constant 64 : index
        %get3A_596 = tpu.vector_load %arg5[%get3A_594, %get3A_595] {strides = array<i32>} : memref<64x128xf32, #tpu.memory_space<vmem>>, vector<1x16xf32>,
        %get3A_597 = vector.shape_cast %get3A_596 : vector<1x16xf32> to vector<16xf32>
        %add3A_598 = arith.addf %get3A_593, %get3A_597 : vector<16xf32>
        %mul3A_599 = arith.mulf %add3A_598, %gather3A_525 : vector<16xf32>
        %swap3A_600 = arith.index_cast %add3A_529 : i32 to index
        %swap3A_601 = arith.constant 64 : index
        %swap3A_602 = tpu.vector_load %arg8[%swap3A_600, %swap3A_601] {strides = array<i32>} : memref<64x128xf32, #tpu.memory_space<vmem>>, vector<1x16xf32>,
        %swap3A_603 = vector.shape_cast %swap3A_602 : vector<1x16xf32> to vector<16xf32>
        %swap3A_604 = vector.shape_cast %mul3A_599 : vector<16xf32> to vector<1x16xf32>
        tpu.vector_store %arg8[%swap3A_600, %swap3A_601], %swap3A_604 {strides = array<i32>} : memref<64x128xf32, #tpu.memory_space<vmem>>, vector<1x16xf32>,
        %get3A_605 = arith.index_cast %add3A_529 : i32 to index
        %get3A_606 = arith.constant 80 : index
        %get3A_607 = tpu.vector_load %arg4[%get3A_605, %get3A_606] {strides = array<i32>} : memref<64x128xf32, #tpu.memory_space<vmem>>, vector<1x16xf32>,
        %get3A_608 = vector.shape_cast %get3A_607 : vector<1x16xf32> to vector<16xf32>
        %get3A_609 = arith.index_cast %add3A_529 : i32 to index
        %get3A_610 = arith.constant 80 : index
        %get3A_611 = tpu.vector_load %arg5[%get3A_609, %get3A_610] {strides = array<i32>} : memref<64x128xf32, #tpu.memory_space<vmem>>, vector<1x16xf32>,
        %get3A_612 = vector.shape_cast %get3A_611 : vector<1x16xf32> to vector<16xf32>
        %add3A_613 = arith.addf %get3A_608, %get3A_612 : vector<16xf32>
        %mul3A_614 = arith.mulf %add3A_613, %gather3A_525 : vector<16xf32>
        %swap3A_615 = arith.index_cast %add3A_529 : i32 to index
        %swap3A_616 = arith.constant 80 : index
        %swap3A_617 = tpu.vector_load %arg8[%swap3A_615, %swap3A_616] {strides = array<i32>} : memref<64x128xf32, #tpu.memory_space<vmem>>, vector<1x16xf32>,
        %swap3A_618 = vector.shape_cast %swap3A_617 : vector<1x16xf32> to vector<16xf32>
        %swap3A_619 = vector.shape_cast %mul3A_614 : vector<16xf32> to vector<1x16xf32>
        tpu.vector_store %arg8[%swap3A_615, %swap3A_616], %swap3A_619 {strides = array<i32>} : memref<64x128xf32, #tpu.memory_space<vmem>>, vector<1x16xf32>,
        %get3A_620 = arith.index_cast %add3A_529 : i32 to index
        %get3A_621 = arith.constant 96 : index
        %get3A_622 = tpu.vector_load %arg4[%get3A_620, %get3A_621] {strides = array<i32>} : memref<64x128xf32, #tpu.memory_space<vmem>>, vector<1x16xf32>,
        %get3A_623 = vector.shape_cast %get3A_622 : vector<1x16xf32> to vector<16xf32>
        %get3A_624 = arith.index_cast %add3A_529 : i32 to index
        %get3A_625 = arith.constant 96 : index
        %get3A_626 = tpu.vector_load %arg5[%get3A_624, %get3A_625] {strides = array<i32>} : memref<64x128xf32, #tpu.memory_space<vmem>>, vector<1x16xf32>,
        %get3A_627 = vector.shape_cast %get3A_626 : vector<1x16xf32> to vector<16xf32>
        %add3A_628 = arith.addf %get3A_623, %get3A_627 : vector<16xf32>
        %mul3A_629 = arith.mulf %add3A_628, %gather3A_525 : vector<16xf32>
        %swap3A_630 = arith.index_cast %add3A_529 : i32 to index
        %swap3A_631 = arith.constant 96 : index
        %swap3A_632 = tpu.vector_load %arg8[%swap3A_630, %swap3A_631] {strides = array<i32>} : memref<64x128xf32, #tpu.memory_space<vmem>>, vector<1x16xf32>,
        %swap3A_633 = vector.shape_cast %swap3A_632 : vector<1x16xf32> to vector<16xf32>
        %swap3A_634 = vector.shape_cast %mul3A_629 : vector<16xf32> to vector<1x16xf32>
        tpu.vector_store %arg8[%swap3A_630, %swap3A_631], %swap3A_634 {strides = array<i32>} : memref<64x128xf32, #tpu.memory_space<vmem>>, vector<1x16xf32>,
        %get3A_635 = arith.index_cast %add3A_529 : i32 to index
        %get3A_636 = arith.constant 112 : index
        %get3A_637 = tpu.vector_load %arg4[%get3A_635, %get3A_636] {strides = array<i32>} : memref<64x128xf32, #tpu.memory_space<vmem>>, vector<1x16xf32>,
        %get3A_638 = vector.shape_cast %get3A_637 : vector<1x16xf32> to vector<16xf32>
        %get3A_639 = arith.index_cast %add3A_529 : i32 to index
        %get3A_640 = arith.constant 112 : index
        %get3A_641 = tpu.vector_load %arg5[%get3A_639, %get3A_640] {strides = array<i32>} : memref<64x128xf32, #tpu.memory_space<vmem>>, vector<1x16xf32>,
        %get3A_642 = vector.shape_cast %get3A_641 : vector<1x16xf32> to vector<16xf32>
        %add3A_643 = arith.addf %get3A_638, %get3A_642 : vector<16xf32>
        %mul3A_644 = arith.mulf %add3A_643, %gather3A_525 : vector<16xf32>
        %swap3A_645 = arith.index_cast %add3A_529 : i32 to index
        %swap3A_646 = arith.constant 112 : index
        %swap3A_647 = tpu.vector_load %arg8[%swap3A_645, %swap3A_646] {strides = array<i32>} : memref<64x128xf32, #tpu.memory_space<vmem>>, vector<1x16xf32>,
        %swap3A_648 = vector.shape_cast %swap3A_647 : vector<1x16xf32> to vector<16xf32>
        %swap3A_649 = vector.shape_cast %mul3A_644 : vector<16xf32> to vector<1x16xf32>
        tpu.vector_store %arg8[%swap3A_645, %swap3A_646], %swap3A_649 {strides = array<i32>} : memref<64x128xf32, #tpu.memory_space<vmem>>, vector<1x16xf32>,
        %get3A_650 = arith.index_cast %scan3A_86 : i32 to index
        %get3A_651 = arith.constant 64 : index
        %get3A_652 = tpu.vector_load %arg6[%get3A_650, %get3A_651] {strides = array<i32>} : memref<8x128xf32, #tpu.memory_space<vmem>>, vector<1x16xf32>,
        %get3A_653 = vector.shape_cast %get3A_652 : vector<1x16xf32> to vector<16xf32>
        %get3A_654 = arith.index_cast %scan3A_86 : i32 to index
        %get3A_655 = arith.constant 64 : index
        %get3A_656 = tpu.vector_load %arg7[%get3A_654, %get3A_655] {strides = array<i32>} : memref<8x128xf32, #tpu.memory_space<vmem>>, vector<1x16xf32>,
        %get3A_657 = vector.shape_cast %get3A_656 : vector<1x16xf32> to vector<16xf32>
        %add3A_658 = arith.addf %get3A_653, %get3A_657 : vector<16xf32>
        %max3A_659 = arith.constant 1.000000e-30 : f32
        %max3A_660 = vector.broadcast %max3A_659 : f32 to vector<16xf32>
        %max3A_661 = arith.maximumf %add3A_658, %max3A_660 : vector<16xf32>
        %div3A_662 = arith.constant 1.000000e+00 : f32
        %div3A_663 = vector.broadcast %div3A_662 : f32 to vector<16xf32>
        %div3A_664 = arith.divf %div3A_663, %max3A_661 : vector<16xf32>
        %broadcast_in_dim3A_665 = vector.shape_cast %and3A_4 : vector<16xi32> to vector<16x1xi32>
        %gather3A_666 = vector.shape_cast %broadcast_in_dim3A_665 : vector<16x1xi32> to vector<16xi32>
        %gather3A_667 = tpu.dynamic_gather %div3A_664[%gather3A_666] in [0] : vector<16xf32>, vector<16xi32> -> vector<16xf32>
        %mul3A_668 = arith.constant 8 : i32
        %mul3A_669 = arith.muli %scan3A_86, %mul3A_668 : i32
        %add3A_670 = arith.constant 4 : i32
        %add3A_671 = arith.addi %mul3A_669, %add3A_670 : i32
        %get3A_672 = arith.index_cast %add3A_671 : i32 to index
        %get3A_673 = arith.constant 0 : index
        %get3A_674 = tpu.vector_load %arg4[%get3A_672, %get3A_673] {strides = array<i32>} : memref<64x128xf32, #tpu.memory_space<vmem>>, vector<1x16xf32>,
        %get3A_675 = vector.shape_cast %get3A_674 : vector<1x16xf32> to vector<16xf32>
        %get3A_676 = arith.index_cast %add3A_671 : i32 to index
        %get3A_677 = arith.constant 0 : index
        %get3A_678 = tpu.vector_load %arg5[%get3A_676, %get3A_677] {strides = array<i32>} : memref<64x128xf32, #tpu.memory_space<vmem>>, vector<1x16xf32>,
        %get3A_679 = vector.shape_cast %get3A_678 : vector<1x16xf32> to vector<16xf32>
        %add3A_680 = arith.addf %get3A_675, %get3A_679 : vector<16xf32>
        %mul3A_681 = arith.mulf %add3A_680, %gather3A_667 : vector<16xf32>
        %swap3A_682 = arith.index_cast %add3A_671 : i32 to index
        %swap3A_683 = arith.constant 0 : index
        %swap3A_684 = tpu.vector_load %arg8[%swap3A_682, %swap3A_683] {strides = array<i32>} : memref<64x128xf32, #tpu.memory_space<vmem>>, vector<1x16xf32>,
        %swap3A_685 = vector.shape_cast %swap3A_684 : vector<1x16xf32> to vector<16xf32>
        %swap3A_686 = vector.shape_cast %mul3A_681 : vector<16xf32> to vector<1x16xf32>
        tpu.vector_store %arg8[%swap3A_682, %swap3A_683], %swap3A_686 {strides = array<i32>} : memref<64x128xf32, #tpu.memory_space<vmem>>, vector<1x16xf32>,
        %get3A_687 = arith.index_cast %add3A_671 : i32 to index
        %get3A_688 = arith.constant 16 : index
        %get3A_689 = tpu.vector_load %arg4[%get3A_687, %get3A_688] {strides = array<i32>} : memref<64x128xf32, #tpu.memory_space<vmem>>, vector<1x16xf32>,
        %get3A_690 = vector.shape_cast %get3A_689 : vector<1x16xf32> to vector<16xf32>
        %get3A_691 = arith.index_cast %add3A_671 : i32 to index
        %get3A_692 = arith.constant 16 : index
        %get3A_693 = tpu.vector_load %arg5[%get3A_691, %get3A_692] {strides = array<i32>} : memref<64x128xf32, #tpu.memory_space<vmem>>, vector<1x16xf32>,
        %get3A_694 = vector.shape_cast %get3A_693 : vector<1x16xf32> to vector<16xf32>
        %add3A_695 = arith.addf %get3A_690, %get3A_694 : vector<16xf32>
        %mul3A_696 = arith.mulf %add3A_695, %gather3A_667 : vector<16xf32>
        %swap3A_697 = arith.index_cast %add3A_671 : i32 to index
        %swap3A_698 = arith.constant 16 : index
        %swap3A_699 = tpu.vector_load %arg8[%swap3A_697, %swap3A_698] {strides = array<i32>} : memref<64x128xf32, #tpu.memory_space<vmem>>, vector<1x16xf32>,
        %swap3A_700 = vector.shape_cast %swap3A_699 : vector<1x16xf32> to vector<16xf32>
        %swap3A_701 = vector.shape_cast %mul3A_696 : vector<16xf32> to vector<1x16xf32>
        tpu.vector_store %arg8[%swap3A_697, %swap3A_698], %swap3A_701 {strides = array<i32>} : memref<64x128xf32, #tpu.memory_space<vmem>>, vector<1x16xf32>,
        %get3A_702 = arith.index_cast %add3A_671 : i32 to index
        %get3A_703 = arith.constant 32 : index
        %get3A_704 = tpu.vector_load %arg4[%get3A_702, %get3A_703] {strides = array<i32>} : memref<64x128xf32, #tpu.memory_space<vmem>>, vector<1x16xf32>,
        %get3A_705 = vector.shape_cast %get3A_704 : vector<1x16xf32> to vector<16xf32>
        %get3A_706 = arith.index_cast %add3A_671 : i32 to index
        %get3A_707 = arith.constant 32 : index
        %get3A_708 = tpu.vector_load %arg5[%get3A_706, %get3A_707] {strides = array<i32>} : memref<64x128xf32, #tpu.memory_space<vmem>>, vector<1x16xf32>,
        %get3A_709 = vector.shape_cast %get3A_708 : vector<1x16xf32> to vector<16xf32>
        %add3A_710 = arith.addf %get3A_705, %get3A_709 : vector<16xf32>
        %mul3A_711 = arith.mulf %add3A_710, %gather3A_667 : vector<16xf32>
        %swap3A_712 = arith.index_cast %add3A_671 : i32 to index
        %swap3A_713 = arith.constant 32 : index
        %swap3A_714 = tpu.vector_load %arg8[%swap3A_712, %swap3A_713] {strides = array<i32>} : memref<64x128xf32, #tpu.memory_space<vmem>>, vector<1x16xf32>,
        %swap3A_715 = vector.shape_cast %swap3A_714 : vector<1x16xf32> to vector<16xf32>
        %swap3A_716 = vector.shape_cast %mul3A_711 : vector<16xf32> to vector<1x16xf32>
        tpu.vector_store %arg8[%swap3A_712, %swap3A_713], %swap3A_716 {strides = array<i32>} : memref<64x128xf32, #tpu.memory_space<vmem>>, vector<1x16xf32>,
        %get3A_717 = arith.index_cast %add3A_671 : i32 to index
        %get3A_718 = arith.constant 48 : index
        %get3A_719 = tpu.vector_load %arg4[%get3A_717, %get3A_718] {strides = array<i32>} : memref<64x128xf32, #tpu.memory_space<vmem>>, vector<1x16xf32>,
        %get3A_720 = vector.shape_cast %get3A_719 : vector<1x16xf32> to vector<16xf32>
        %get3A_721 = arith.index_cast %add3A_671 : i32 to index
        %get3A_722 = arith.constant 48 : index
        %get3A_723 = tpu.vector_load %arg5[%get3A_721, %get3A_722] {strides = array<i32>} : memref<64x128xf32, #tpu.memory_space<vmem>>, vector<1x16xf32>,
        %get3A_724 = vector.shape_cast %get3A_723 : vector<1x16xf32> to vector<16xf32>
        %add3A_725 = arith.addf %get3A_720, %get3A_724 : vector<16xf32>
        %mul3A_726 = arith.mulf %add3A_725, %gather3A_667 : vector<16xf32>
        %swap3A_727 = arith.index_cast %add3A_671 : i32 to index
        %swap3A_728 = arith.constant 48 : index
        %swap3A_729 = tpu.vector_load %arg8[%swap3A_727, %swap3A_728] {strides = array<i32>} : memref<64x128xf32, #tpu.memory_space<vmem>>, vector<1x16xf32>,
        %swap3A_730 = vector.shape_cast %swap3A_729 : vector<1x16xf32> to vector<16xf32>
        %swap3A_731 = vector.shape_cast %mul3A_726 : vector<16xf32> to vector<1x16xf32>
        tpu.vector_store %arg8[%swap3A_727, %swap3A_728], %swap3A_731 {strides = array<i32>} : memref<64x128xf32, #tpu.memory_space<vmem>>, vector<1x16xf32>,
        %get3A_732 = arith.index_cast %add3A_671 : i32 to index
        %get3A_733 = arith.constant 64 : index
        %get3A_734 = tpu.vector_load %arg4[%get3A_732, %get3A_733] {strides = array<i32>} : memref<64x128xf32, #tpu.memory_space<vmem>>, vector<1x16xf32>,
        %get3A_735 = vector.shape_cast %get3A_734 : vector<1x16xf32> to vector<16xf32>
        %get3A_736 = arith.index_cast %add3A_671 : i32 to index
        %get3A_737 = arith.constant 64 : index
        %get3A_738 = tpu.vector_load %arg5[%get3A_736, %get3A_737] {strides = array<i32>} : memref<64x128xf32, #tpu.memory_space<vmem>>, vector<1x16xf32>,
        %get3A_739 = vector.shape_cast %get3A_738 : vector<1x16xf32> to vector<16xf32>
        %add3A_740 = arith.addf %get3A_735, %get3A_739 : vector<16xf32>
        %mul3A_741 = arith.mulf %add3A_740, %gather3A_667 : vector<16xf32>
        %swap3A_742 = arith.index_cast %add3A_671 : i32 to index
        %swap3A_743 = arith.constant 64 : index
        %swap3A_744 = tpu.vector_load %arg8[%swap3A_742, %swap3A_743] {strides = array<i32>} : memref<64x128xf32, #tpu.memory_space<vmem>>, vector<1x16xf32>,
        %swap3A_745 = vector.shape_cast %swap3A_744 : vector<1x16xf32> to vector<16xf32>
        %swap3A_746 = vector.shape_cast %mul3A_741 : vector<16xf32> to vector<1x16xf32>
        tpu.vector_store %arg8[%swap3A_742, %swap3A_743], %swap3A_746 {strides = array<i32>} : memref<64x128xf32, #tpu.memory_space<vmem>>, vector<1x16xf32>,
        %get3A_747 = arith.index_cast %add3A_671 : i32 to index
        %get3A_748 = arith.constant 80 : index
        %get3A_749 = tpu.vector_load %arg4[%get3A_747, %get3A_748] {strides = array<i32>} : memref<64x128xf32, #tpu.memory_space<vmem>>, vector<1x16xf32>,
        %get3A_750 = vector.shape_cast %get3A_749 : vector<1x16xf32> to vector<16xf32>
        %get3A_751 = arith.index_cast %add3A_671 : i32 to index
        %get3A_752 = arith.constant 80 : index
        %get3A_753 = tpu.vector_load %arg5[%get3A_751, %get3A_752] {strides = array<i32>} : memref<64x128xf32, #tpu.memory_space<vmem>>, vector<1x16xf32>,
        %get3A_754 = vector.shape_cast %get3A_753 : vector<1x16xf32> to vector<16xf32>
        %add3A_755 = arith.addf %get3A_750, %get3A_754 : vector<16xf32>
        %mul3A_756 = arith.mulf %add3A_755, %gather3A_667 : vector<16xf32>
        %swap3A_757 = arith.index_cast %add3A_671 : i32 to index
        %swap3A_758 = arith.constant 80 : index
        %swap3A_759 = tpu.vector_load %arg8[%swap3A_757, %swap3A_758] {strides = array<i32>} : memref<64x128xf32, #tpu.memory_space<vmem>>, vector<1x16xf32>,
        %swap3A_760 = vector.shape_cast %swap3A_759 : vector<1x16xf32> to vector<16xf32>
        %swap3A_761 = vector.shape_cast %mul3A_756 : vector<16xf32> to vector<1x16xf32>
        tpu.vector_store %arg8[%swap3A_757, %swap3A_758], %swap3A_761 {strides = array<i32>} : memref<64x128xf32, #tpu.memory_space<vmem>>, vector<1x16xf32>,
        %get3A_762 = arith.index_cast %add3A_671 : i32 to index
        %get3A_763 = arith.constant 96 : index
        %get3A_764 = tpu.vector_load %arg4[%get3A_762, %get3A_763] {strides = array<i32>} : memref<64x128xf32, #tpu.memory_space<vmem>>, vector<1x16xf32>,
        %get3A_765 = vector.shape_cast %get3A_764 : vector<1x16xf32> to vector<16xf32>
        %get3A_766 = arith.index_cast %add3A_671 : i32 to index
        %get3A_767 = arith.constant 96 : index
        %get3A_768 = tpu.vector_load %arg5[%get3A_766, %get3A_767] {strides = array<i32>} : memref<64x128xf32, #tpu.memory_space<vmem>>, vector<1x16xf32>,
        %get3A_769 = vector.shape_cast %get3A_768 : vector<1x16xf32> to vector<16xf32>
        %add3A_770 = arith.addf %get3A_765, %get3A_769 : vector<16xf32>
        %mul3A_771 = arith.mulf %add3A_770, %gather3A_667 : vector<16xf32>
        %swap3A_772 = arith.index_cast %add3A_671 : i32 to index
        %swap3A_773 = arith.constant 96 : index
        %swap3A_774 = tpu.vector_load %arg8[%swap3A_772, %swap3A_773] {strides = array<i32>} : memref<64x128xf32, #tpu.memory_space<vmem>>, vector<1x16xf32>,
        %swap3A_775 = vector.shape_cast %swap3A_774 : vector<1x16xf32> to vector<16xf32>
        %swap3A_776 = vector.shape_cast %mul3A_771 : vector<16xf32> to vector<1x16xf32>
        tpu.vector_store %arg8[%swap3A_772, %swap3A_773], %swap3A_776 {strides = array<i32>} : memref<64x128xf32, #tpu.memory_space<vmem>>, vector<1x16xf32>,
        %get3A_777 = arith.index_cast %add3A_671 : i32 to index
        %get3A_778 = arith.constant 112 : index
        %get3A_779 = tpu.vector_load %arg4[%get3A_777, %get3A_778] {strides = array<i32>} : memref<64x128xf32, #tpu.memory_space<vmem>>, vector<1x16xf32>,
        %get3A_780 = vector.shape_cast %get3A_779 : vector<1x16xf32> to vector<16xf32>
        %get3A_781 = arith.index_cast %add3A_671 : i32 to index
        %get3A_782 = arith.constant 112 : index
        %get3A_783 = tpu.vector_load %arg5[%get3A_781, %get3A_782] {strides = array<i32>} : memref<64x128xf32, #tpu.memory_space<vmem>>, vector<1x16xf32>,
        %get3A_784 = vector.shape_cast %get3A_783 : vector<1x16xf32> to vector<16xf32>
        %add3A_785 = arith.addf %get3A_780, %get3A_784 : vector<16xf32>
        %mul3A_786 = arith.mulf %add3A_785, %gather3A_667 : vector<16xf32>
        %swap3A_787 = arith.index_cast %add3A_671 : i32 to index
        %swap3A_788 = arith.constant 112 : index
        %swap3A_789 = tpu.vector_load %arg8[%swap3A_787, %swap3A_788] {strides = array<i32>} : memref<64x128xf32, #tpu.memory_space<vmem>>, vector<1x16xf32>,
        %swap3A_790 = vector.shape_cast %swap3A_789 : vector<1x16xf32> to vector<16xf32>
        %swap3A_791 = vector.shape_cast %mul3A_786 : vector<16xf32> to vector<1x16xf32>
        tpu.vector_store %arg8[%swap3A_787, %swap3A_788], %swap3A_791 {strides = array<i32>} : memref<64x128xf32, #tpu.memory_space<vmem>>, vector<1x16xf32>,
        %get3A_792 = arith.index_cast %scan3A_86 : i32 to index
        %get3A_793 = arith.constant 80 : index
        %get3A_794 = tpu.vector_load %arg6[%get3A_792, %get3A_793] {strides = array<i32>} : memref<8x128xf32, #tpu.memory_space<vmem>>, vector<1x16xf32>,
        %get3A_795 = vector.shape_cast %get3A_794 : vector<1x16xf32> to vector<16xf32>
        %get3A_796 = arith.index_cast %scan3A_86 : i32 to index
        %get3A_797 = arith.constant 80 : index
        %get3A_798 = tpu.vector_load %arg7[%get3A_796, %get3A_797] {strides = array<i32>} : memref<8x128xf32, #tpu.memory_space<vmem>>, vector<1x16xf32>,
        %get3A_799 = vector.shape_cast %get3A_798 : vector<1x16xf32> to vector<16xf32>
        %add3A_800 = arith.addf %get3A_795, %get3A_799 : vector<16xf32>
        %max3A_801 = arith.constant 1.000000e-30 : f32
        %max3A_802 = vector.broadcast %max3A_801 : f32 to vector<16xf32>
        %max3A_803 = arith.maximumf %add3A_800, %max3A_802 : vector<16xf32>
        %div3A_804 = arith.constant 1.000000e+00 : f32
        %div3A_805 = vector.broadcast %div3A_804 : f32 to vector<16xf32>
        %div3A_806 = arith.divf %div3A_805, %max3A_803 : vector<16xf32>
        %broadcast_in_dim3A_807 = vector.shape_cast %and3A_4 : vector<16xi32> to vector<16x1xi32>
        %gather3A_808 = vector.shape_cast %broadcast_in_dim3A_807 : vector<16x1xi32> to vector<16xi32>
        %gather3A_809 = tpu.dynamic_gather %div3A_806[%gather3A_808] in [0] : vector<16xf32>, vector<16xi32> -> vector<16xf32>
        %mul3A_810 = arith.constant 8 : i32
        %mul3A_811 = arith.muli %scan3A_86, %mul3A_810 : i32
        %add3A_812 = arith.constant 5 : i32
        %add3A_813 = arith.addi %mul3A_811, %add3A_812 : i32
        %get3A_814 = arith.index_cast %add3A_813 : i32 to index
        %get3A_815 = arith.constant 0 : index
        %get3A_816 = tpu.vector_load %arg4[%get3A_814, %get3A_815] {strides = array<i32>} : memref<64x128xf32, #tpu.memory_space<vmem>>, vector<1x16xf32>,
        %get3A_817 = vector.shape_cast %get3A_816 : vector<1x16xf32> to vector<16xf32>
        %get3A_818 = arith.index_cast %add3A_813 : i32 to index
        %get3A_819 = arith.constant 0 : index
        %get3A_820 = tpu.vector_load %arg5[%get3A_818, %get3A_819] {strides = array<i32>} : memref<64x128xf32, #tpu.memory_space<vmem>>, vector<1x16xf32>,
        %get3A_821 = vector.shape_cast %get3A_820 : vector<1x16xf32> to vector<16xf32>
        %add3A_822 = arith.addf %get3A_817, %get3A_821 : vector<16xf32>
        %mul3A_823 = arith.mulf %add3A_822, %gather3A_809 : vector<16xf32>
        %swap3A_824 = arith.index_cast %add3A_813 : i32 to index
        %swap3A_825 = arith.constant 0 : index
        %swap3A_826 = tpu.vector_load %arg8[%swap3A_824, %swap3A_825] {strides = array<i32>} : memref<64x128xf32, #tpu.memory_space<vmem>>, vector<1x16xf32>,
        %swap3A_827 = vector.shape_cast %swap3A_826 : vector<1x16xf32> to vector<16xf32>
        %swap3A_828 = vector.shape_cast %mul3A_823 : vector<16xf32> to vector<1x16xf32>
        tpu.vector_store %arg8[%swap3A_824, %swap3A_825], %swap3A_828 {strides = array<i32>} : memref<64x128xf32, #tpu.memory_space<vmem>>, vector<1x16xf32>,
        %get3A_829 = arith.index_cast %add3A_813 : i32 to index
        %get3A_830 = arith.constant 16 : index
        %get3A_831 = tpu.vector_load %arg4[%get3A_829, %get3A_830] {strides = array<i32>} : memref<64x128xf32, #tpu.memory_space<vmem>>, vector<1x16xf32>,
        %get3A_832 = vector.shape_cast %get3A_831 : vector<1x16xf32> to vector<16xf32>
        %get3A_833 = arith.index_cast %add3A_813 : i32 to index
        %get3A_834 = arith.constant 16 : index
        %get3A_835 = tpu.vector_load %arg5[%get3A_833, %get3A_834] {strides = array<i32>} : memref<64x128xf32, #tpu.memory_space<vmem>>, vector<1x16xf32>,
        %get3A_836 = vector.shape_cast %get3A_835 : vector<1x16xf32> to vector<16xf32>
        %add3A_837 = arith.addf %get3A_832, %get3A_836 : vector<16xf32>
        %mul3A_838 = arith.mulf %add3A_837, %gather3A_809 : vector<16xf32>
        %swap3A_839 = arith.index_cast %add3A_813 : i32 to index
        %swap3A_840 = arith.constant 16 : index
        %swap3A_841 = tpu.vector_load %arg8[%swap3A_839, %swap3A_840] {strides = array<i32>} : memref<64x128xf32, #tpu.memory_space<vmem>>, vector<1x16xf32>,
        %swap3A_842 = vector.shape_cast %swap3A_841 : vector<1x16xf32> to vector<16xf32>
        %swap3A_843 = vector.shape_cast %mul3A_838 : vector<16xf32> to vector<1x16xf32>
        tpu.vector_store %arg8[%swap3A_839, %swap3A_840], %swap3A_843 {strides = array<i32>} : memref<64x128xf32, #tpu.memory_space<vmem>>, vector<1x16xf32>,
        %get3A_844 = arith.index_cast %add3A_813 : i32 to index
        %get3A_845 = arith.constant 32 : index
        %get3A_846 = tpu.vector_load %arg4[%get3A_844, %get3A_845] {strides = array<i32>} : memref<64x128xf32, #tpu.memory_space<vmem>>, vector<1x16xf32>,
        %get3A_847 = vector.shape_cast %get3A_846 : vector<1x16xf32> to vector<16xf32>
        %get3A_848 = arith.index_cast %add3A_813 : i32 to index
        %get3A_849 = arith.constant 32 : index
        %get3A_850 = tpu.vector_load %arg5[%get3A_848, %get3A_849] {strides = array<i32>} : memref<64x128xf32, #tpu.memory_space<vmem>>, vector<1x16xf32>,
        %get3A_851 = vector.shape_cast %get3A_850 : vector<1x16xf32> to vector<16xf32>
        %add3A_852 = arith.addf %get3A_847, %get3A_851 : vector<16xf32>
        %mul3A_853 = arith.mulf %add3A_852, %gather3A_809 : vector<16xf32>
        %swap3A_854 = arith.index_cast %add3A_813 : i32 to index
        %swap3A_855 = arith.constant 32 : index
        %swap3A_856 = tpu.vector_load %arg8[%swap3A_854, %swap3A_855] {strides = array<i32>} : memref<64x128xf32, #tpu.memory_space<vmem>>, vector<1x16xf32>,
        %swap3A_857 = vector.shape_cast %swap3A_856 : vector<1x16xf32> to vector<16xf32>
        %swap3A_858 = vector.shape_cast %mul3A_853 : vector<16xf32> to vector<1x16xf32>
        tpu.vector_store %arg8[%swap3A_854, %swap3A_855], %swap3A_858 {strides = array<i32>} : memref<64x128xf32, #tpu.memory_space<vmem>>, vector<1x16xf32>,
        %get3A_859 = arith.index_cast %add3A_813 : i32 to index
        %get3A_860 = arith.constant 48 : index
        %get3A_861 = tpu.vector_load %arg4[%get3A_859, %get3A_860] {strides = array<i32>} : memref<64x128xf32, #tpu.memory_space<vmem>>, vector<1x16xf32>,
        %get3A_862 = vector.shape_cast %get3A_861 : vector<1x16xf32> to vector<16xf32>
        %get3A_863 = arith.index_cast %add3A_813 : i32 to index
        %get3A_864 = arith.constant 48 : index
        %get3A_865 = tpu.vector_load %arg5[%get3A_863, %get3A_864] {strides = array<i32>} : memref<64x128xf32, #tpu.memory_space<vmem>>, vector<1x16xf32>,
        %get3A_866 = vector.shape_cast %get3A_865 : vector<1x16xf32> to vector<16xf32>
        %add3A_867 = arith.addf %get3A_862, %get3A_866 : vector<16xf32>
        %mul3A_868 = arith.mulf %add3A_867, %gather3A_809 : vector<16xf32>
        %swap3A_869 = arith.index_cast %add3A_813 : i32 to index
        %swap3A_870 = arith.constant 48 : index
        %swap3A_871 = tpu.vector_load %arg8[%swap3A_869, %swap3A_870] {strides = array<i32>} : memref<64x128xf32, #tpu.memory_space<vmem>>, vector<1x16xf32>,
        %swap3A_872 = vector.shape_cast %swap3A_871 : vector<1x16xf32> to vector<16xf32>
        %swap3A_873 = vector.shape_cast %mul3A_868 : vector<16xf32> to vector<1x16xf32>
        tpu.vector_store %arg8[%swap3A_869, %swap3A_870], %swap3A_873 {strides = array<i32>} : memref<64x128xf32, #tpu.memory_space<vmem>>, vector<1x16xf32>,
        %get3A_874 = arith.index_cast %add3A_813 : i32 to index
        %get3A_875 = arith.constant 64 : index
        %get3A_876 = tpu.vector_load %arg4[%get3A_874, %get3A_875] {strides = array<i32>} : memref<64x128xf32, #tpu.memory_space<vmem>>, vector<1x16xf32>,
        %get3A_877 = vector.shape_cast %get3A_876 : vector<1x16xf32> to vector<16xf32>
        %get3A_878 = arith.index_cast %add3A_813 : i32 to index
        %get3A_879 = arith.constant 64 : index
        %get3A_880 = tpu.vector_load %arg5[%get3A_878, %get3A_879] {strides = array<i32>} : memref<64x128xf32, #tpu.memory_space<vmem>>, vector<1x16xf32>,
        %get3A_881 = vector.shape_cast %get3A_880 : vector<1x16xf32> to vector<16xf32>
        %add3A_882 = arith.addf %get3A_877, %get3A_881 : vector<16xf32>
        %mul3A_883 = arith.mulf %add3A_882, %gather3A_809 : vector<16xf32>
        %swap3A_884 = arith.index_cast %add3A_813 : i32 to index
        %swap3A_885 = arith.constant 64 : index
        %swap3A_886 = tpu.vector_load %arg8[%swap3A_884, %swap3A_885] {strides = array<i32>} : memref<64x128xf32, #tpu.memory_space<vmem>>, vector<1x16xf32>,
        %swap3A_887 = vector.shape_cast %swap3A_886 : vector<1x16xf32> to vector<16xf32>
        %swap3A_888 = vector.shape_cast %mul3A_883 : vector<16xf32> to vector<1x16xf32>
        tpu.vector_store %arg8[%swap3A_884, %swap3A_885], %swap3A_888 {strides = array<i32>} : memref<64x128xf32, #tpu.memory_space<vmem>>, vector<1x16xf32>,
        %get3A_889 = arith.index_cast %add3A_813 : i32 to index
        %get3A_890 = arith.constant 80 : index
        %get3A_891 = tpu.vector_load %arg4[%get3A_889, %get3A_890] {strides = array<i32>} : memref<64x128xf32, #tpu.memory_space<vmem>>, vector<1x16xf32>,
        %get3A_892 = vector.shape_cast %get3A_891 : vector<1x16xf32> to vector<16xf32>
        %get3A_893 = arith.index_cast %add3A_813 : i32 to index
        %get3A_894 = arith.constant 80 : index
        %get3A_895 = tpu.vector_load %arg5[%get3A_893, %get3A_894] {strides = array<i32>} : memref<64x128xf32, #tpu.memory_space<vmem>>, vector<1x16xf32>,
        %get3A_896 = vector.shape_cast %get3A_895 : vector<1x16xf32> to vector<16xf32>
        %add3A_897 = arith.addf %get3A_892, %get3A_896 : vector<16xf32>
        %mul3A_898 = arith.mulf %add3A_897, %gather3A_809 : vector<16xf32>
        %swap3A_899 = arith.index_cast %add3A_813 : i32 to index
        %swap3A_900 = arith.constant 80 : index
        %swap3A_901 = tpu.vector_load %arg8[%swap3A_899, %swap3A_900] {strides = array<i32>} : memref<64x128xf32, #tpu.memory_space<vmem>>, vector<1x16xf32>,
        %swap3A_902 = vector.shape_cast %swap3A_901 : vector<1x16xf32> to vector<16xf32>
        %swap3A_903 = vector.shape_cast %mul3A_898 : vector<16xf32> to vector<1x16xf32>
        tpu.vector_store %arg8[%swap3A_899, %swap3A_900], %swap3A_903 {strides = array<i32>} : memref<64x128xf32, #tpu.memory_space<vmem>>, vector<1x16xf32>,
        %get3A_904 = arith.index_cast %add3A_813 : i32 to index
        %get3A_905 = arith.constant 96 : index
        %get3A_906 = tpu.vector_load %arg4[%get3A_904, %get3A_905] {strides = array<i32>} : memref<64x128xf32, #tpu.memory_space<vmem>>, vector<1x16xf32>,
        %get3A_907 = vector.shape_cast %get3A_906 : vector<1x16xf32> to vector<16xf32>
        %get3A_908 = arith.index_cast %add3A_813 : i32 to index
        %get3A_909 = arith.constant 96 : index
        %get3A_910 = tpu.vector_load %arg5[%get3A_908, %get3A_909] {strides = array<i32>} : memref<64x128xf32, #tpu.memory_space<vmem>>, vector<1x16xf32>,
        %get3A_911 = vector.shape_cast %get3A_910 : vector<1x16xf32> to vector<16xf32>
        %add3A_912 = arith.addf %get3A_907, %get3A_911 : vector<16xf32>
        %mul3A_913 = arith.mulf %add3A_912, %gather3A_809 : vector<16xf32>
        %swap3A_914 = arith.index_cast %add3A_813 : i32 to index
        %swap3A_915 = arith.constant 96 : index
        %swap3A_916 = tpu.vector_load %arg8[%swap3A_914, %swap3A_915] {strides = array<i32>} : memref<64x128xf32, #tpu.memory_space<vmem>>, vector<1x16xf32>,
        %swap3A_917 = vector.shape_cast %swap3A_916 : vector<1x16xf32> to vector<16xf32>
        %swap3A_918 = vector.shape_cast %mul3A_913 : vector<16xf32> to vector<1x16xf32>
        tpu.vector_store %arg8[%swap3A_914, %swap3A_915], %swap3A_918 {strides = array<i32>} : memref<64x128xf32, #tpu.memory_space<vmem>>, vector<1x16xf32>,
        %get3A_919 = arith.index_cast %add3A_813 : i32 to index
        %get3A_920 = arith.constant 112 : index
        %get3A_921 = tpu.vector_load %arg4[%get3A_919, %get3A_920] {strides = array<i32>} : memref<64x128xf32, #tpu.memory_space<vmem>>, vector<1x16xf32>,
        %get3A_922 = vector.shape_cast %get3A_921 : vector<1x16xf32> to vector<16xf32>
        %get3A_923 = arith.index_cast %add3A_813 : i32 to index
        %get3A_924 = arith.constant 112 : index
        %get3A_925 = tpu.vector_load %arg5[%get3A_923, %get3A_924] {strides = array<i32>} : memref<64x128xf32, #tpu.memory_space<vmem>>, vector<1x16xf32>,
        %get3A_926 = vector.shape_cast %get3A_925 : vector<1x16xf32> to vector<16xf32>
        %add3A_927 = arith.addf %get3A_922, %get3A_926 : vector<16xf32>
        %mul3A_928 = arith.mulf %add3A_927, %gather3A_809 : vector<16xf32>
        %swap3A_929 = arith.index_cast %add3A_813 : i32 to index
        %swap3A_930 = arith.constant 112 : index
        %swap3A_931 = tpu.vector_load %arg8[%swap3A_929, %swap3A_930] {strides = array<i32>} : memref<64x128xf32, #tpu.memory_space<vmem>>, vector<1x16xf32>,
        %swap3A_932 = vector.shape_cast %swap3A_931 : vector<1x16xf32> to vector<16xf32>
        %swap3A_933 = vector.shape_cast %mul3A_928 : vector<16xf32> to vector<1x16xf32>
        tpu.vector_store %arg8[%swap3A_929, %swap3A_930], %swap3A_933 {strides = array<i32>} : memref<64x128xf32, #tpu.memory_space<vmem>>, vector<1x16xf32>,
        %get3A_934 = arith.index_cast %scan3A_86 : i32 to index
        %get3A_935 = arith.constant 96 : index
        %get3A_936 = tpu.vector_load %arg6[%get3A_934, %get3A_935] {strides = array<i32>} : memref<8x128xf32, #tpu.memory_space<vmem>>, vector<1x16xf32>,
        %get3A_937 = vector.shape_cast %get3A_936 : vector<1x16xf32> to vector<16xf32>
        %get3A_938 = arith.index_cast %scan3A_86 : i32 to index
        %get3A_939 = arith.constant 96 : index
        %get3A_940 = tpu.vector_load %arg7[%get3A_938, %get3A_939] {strides = array<i32>} : memref<8x128xf32, #tpu.memory_space<vmem>>, vector<1x16xf32>,
        %get3A_941 = vector.shape_cast %get3A_940 : vector<1x16xf32> to vector<16xf32>
        %add3A_942 = arith.addf %get3A_937, %get3A_941 : vector<16xf32>
        %max3A_943 = arith.constant 1.000000e-30 : f32
        %max3A_944 = vector.broadcast %max3A_943 : f32 to vector<16xf32>
        %max3A_945 = arith.maximumf %add3A_942, %max3A_944 : vector<16xf32>
        %div3A_946 = arith.constant 1.000000e+00 : f32
        %div3A_947 = vector.broadcast %div3A_946 : f32 to vector<16xf32>
        %div3A_948 = arith.divf %div3A_947, %max3A_945 : vector<16xf32>
        %broadcast_in_dim3A_949 = vector.shape_cast %and3A_4 : vector<16xi32> to vector<16x1xi32>
        %gather3A_950 = vector.shape_cast %broadcast_in_dim3A_949 : vector<16x1xi32> to vector<16xi32>
        %gather3A_951 = tpu.dynamic_gather %div3A_948[%gather3A_950] in [0] : vector<16xf32>, vector<16xi32> -> vector<16xf32>
        %mul3A_952 = arith.constant 8 : i32
        %mul3A_953 = arith.muli %scan3A_86, %mul3A_952 : i32
        %add3A_954 = arith.constant 6 : i32
        %add3A_955 = arith.addi %mul3A_953, %add3A_954 : i32
        %get3A_956 = arith.index_cast %add3A_955 : i32 to index
        %get3A_957 = arith.constant 0 : index
        %get3A_958 = tpu.vector_load %arg4[%get3A_956, %get3A_957] {strides = array<i32>} : memref<64x128xf32, #tpu.memory_space<vmem>>, vector<1x16xf32>,
        %get3A_959 = vector.shape_cast %get3A_958 : vector<1x16xf32> to vector<16xf32>
        %get3A_960 = arith.index_cast %add3A_955 : i32 to index
        %get3A_961 = arith.constant 0 : index
        %get3A_962 = tpu.vector_load %arg5[%get3A_960, %get3A_961] {strides = array<i32>} : memref<64x128xf32, #tpu.memory_space<vmem>>, vector<1x16xf32>,
        %get3A_963 = vector.shape_cast %get3A_962 : vector<1x16xf32> to vector<16xf32>
        %add3A_964 = arith.addf %get3A_959, %get3A_963 : vector<16xf32>
        %mul3A_965 = arith.mulf %add3A_964, %gather3A_951 : vector<16xf32>
        %swap3A_966 = arith.index_cast %add3A_955 : i32 to index
        %swap3A_967 = arith.constant 0 : index
        %swap3A_968 = tpu.vector_load %arg8[%swap3A_966, %swap3A_967] {strides = array<i32>} : memref<64x128xf32, #tpu.memory_space<vmem>>, vector<1x16xf32>,
        %swap3A_969 = vector.shape_cast %swap3A_968 : vector<1x16xf32> to vector<16xf32>
        %swap3A_970 = vector.shape_cast %mul3A_965 : vector<16xf32> to vector<1x16xf32>
        tpu.vector_store %arg8[%swap3A_966, %swap3A_967], %swap3A_970 {strides = array<i32>} : memref<64x128xf32, #tpu.memory_space<vmem>>, vector<1x16xf32>,
        %get3A_971 = arith.index_cast %add3A_955 : i32 to index
        %get3A_972 = arith.constant 16 : index
        %get3A_973 = tpu.vector_load %arg4[%get3A_971, %get3A_972] {strides = array<i32>} : memref<64x128xf32, #tpu.memory_space<vmem>>, vector<1x16xf32>,
        %get3A_974 = vector.shape_cast %get3A_973 : vector<1x16xf32> to vector<16xf32>
        %get3A_975 = arith.index_cast %add3A_955 : i32 to index
        %get3A_976 = arith.constant 16 : index
        %get3A_977 = tpu.vector_load %arg5[%get3A_975, %get3A_976] {strides = array<i32>} : memref<64x128xf32, #tpu.memory_space<vmem>>, vector<1x16xf32>,
        %get3A_978 = vector.shape_cast %get3A_977 : vector<1x16xf32> to vector<16xf32>
        %add3A_979 = arith.addf %get3A_974, %get3A_978 : vector<16xf32>
        %mul3A_980 = arith.mulf %add3A_979, %gather3A_951 : vector<16xf32>
        %swap3A_981 = arith.index_cast %add3A_955 : i32 to index
        %swap3A_982 = arith.constant 16 : index
        %swap3A_983 = tpu.vector_load %arg8[%swap3A_981, %swap3A_982] {strides = array<i32>} : memref<64x128xf32, #tpu.memory_space<vmem>>, vector<1x16xf32>,
        %swap3A_984 = vector.shape_cast %swap3A_983 : vector<1x16xf32> to vector<16xf32>
        %swap3A_985 = vector.shape_cast %mul3A_980 : vector<16xf32> to vector<1x16xf32>
        tpu.vector_store %arg8[%swap3A_981, %swap3A_982], %swap3A_985 {strides = array<i32>} : memref<64x128xf32, #tpu.memory_space<vmem>>, vector<1x16xf32>,
        %get3A_986 = arith.index_cast %add3A_955 : i32 to index
        %get3A_987 = arith.constant 32 : index
        %get3A_988 = tpu.vector_load %arg4[%get3A_986, %get3A_987] {strides = array<i32>} : memref<64x128xf32, #tpu.memory_space<vmem>>, vector<1x16xf32>,
        %get3A_989 = vector.shape_cast %get3A_988 : vector<1x16xf32> to vector<16xf32>
        %get3A_990 = arith.index_cast %add3A_955 : i32 to index
        %get3A_991 = arith.constant 32 : index
        %get3A_992 = tpu.vector_load %arg5[%get3A_990, %get3A_991] {strides = array<i32>} : memref<64x128xf32, #tpu.memory_space<vmem>>, vector<1x16xf32>,
        %get3A_993 = vector.shape_cast %get3A_992 : vector<1x16xf32> to vector<16xf32>
        %add3A_994 = arith.addf %get3A_989, %get3A_993 : vector<16xf32>
        %mul3A_995 = arith.mulf %add3A_994, %gather3A_951 : vector<16xf32>
        %swap3A_996 = arith.index_cast %add3A_955 : i32 to index
        %swap3A_997 = arith.constant 32 : index
        %swap3A_998 = tpu.vector_load %arg8[%swap3A_996, %swap3A_997] {strides = array<i32>} : memref<64x128xf32, #tpu.memory_space<vmem>>, vector<1x16xf32>,
        %swap3A_999 = vector.shape_cast %swap3A_998 : vector<1x16xf32> to vector<16xf32>
        %swap3A_1000 = vector.shape_cast %mul3A_995 : vector<16xf32> to vector<1x16xf32>
        tpu.vector_store %arg8[%swap3A_996, %swap3A_997], %swap3A_1000 {strides = array<i32>} : memref<64x128xf32, #tpu.memory_space<vmem>>, vector<1x16xf32>,
        %get3A_1001 = arith.index_cast %add3A_955 : i32 to index
        %get3A_1002 = arith.constant 48 : index
        %get3A_1003 = tpu.vector_load %arg4[%get3A_1001, %get3A_1002] {strides = array<i32>} : memref<64x128xf32, #tpu.memory_space<vmem>>, vector<1x16xf32>,
        %get3A_1004 = vector.shape_cast %get3A_1003 : vector<1x16xf32> to vector<16xf32>
        %get3A_1005 = arith.index_cast %add3A_955 : i32 to index
        %get3A_1006 = arith.constant 48 : index
        %get3A_1007 = tpu.vector_load %arg5[%get3A_1005, %get3A_1006] {strides = array<i32>} : memref<64x128xf32, #tpu.memory_space<vmem>>, vector<1x16xf32>,
        %get3A_1008 = vector.shape_cast %get3A_1007 : vector<1x16xf32> to vector<16xf32>
        %add3A_1009 = arith.addf %get3A_1004, %get3A_1008 : vector<16xf32>
        %mul3A_1010 = arith.mulf %add3A_1009, %gather3A_951 : vector<16xf32>
        %swap3A_1011 = arith.index_cast %add3A_955 : i32 to index
        %swap3A_1012 = arith.constant 48 : index
        %swap3A_1013 = tpu.vector_load %arg8[%swap3A_1011, %swap3A_1012] {strides = array<i32>} : memref<64x128xf32, #tpu.memory_space<vmem>>, vector<1x16xf32>,
        %swap3A_1014 = vector.shape_cast %swap3A_1013 : vector<1x16xf32> to vector<16xf32>
        %swap3A_1015 = vector.shape_cast %mul3A_1010 : vector<16xf32> to vector<1x16xf32>
        tpu.vector_store %arg8[%swap3A_1011, %swap3A_1012], %swap3A_1015 {strides = array<i32>} : memref<64x128xf32, #tpu.memory_space<vmem>>, vector<1x16xf32>,
        %get3A_1016 = arith.index_cast %add3A_955 : i32 to index
        %get3A_1017 = arith.constant 64 : index
        %get3A_1018 = tpu.vector_load %arg4[%get3A_1016, %get3A_1017] {strides = array<i32>} : memref<64x128xf32, #tpu.memory_space<vmem>>, vector<1x16xf32>,
        %get3A_1019 = vector.shape_cast %get3A_1018 : vector<1x16xf32> to vector<16xf32>
        %get3A_1020 = arith.index_cast %add3A_955 : i32 to index
        %get3A_1021 = arith.constant 64 : index
        %get3A_1022 = tpu.vector_load %arg5[%get3A_1020, %get3A_1021] {strides = array<i32>} : memref<64x128xf32, #tpu.memory_space<vmem>>, vector<1x16xf32>,
        %get3A_1023 = vector.shape_cast %get3A_1022 : vector<1x16xf32> to vector<16xf32>
        %add3A_1024 = arith.addf %get3A_1019, %get3A_1023 : vector<16xf32>
        %mul3A_1025 = arith.mulf %add3A_1024, %gather3A_951 : vector<16xf32>
        %swap3A_1026 = arith.index_cast %add3A_955 : i32 to index
        %swap3A_1027 = arith.constant 64 : index
        %swap3A_1028 = tpu.vector_load %arg8[%swap3A_1026, %swap3A_1027] {strides = array<i32>} : memref<64x128xf32, #tpu.memory_space<vmem>>, vector<1x16xf32>,
        %swap3A_1029 = vector.shape_cast %swap3A_1028 : vector<1x16xf32> to vector<16xf32>
        %swap3A_1030 = vector.shape_cast %mul3A_1025 : vector<16xf32> to vector<1x16xf32>
        tpu.vector_store %arg8[%swap3A_1026, %swap3A_1027], %swap3A_1030 {strides = array<i32>} : memref<64x128xf32, #tpu.memory_space<vmem>>, vector<1x16xf32>,
        %get3A_1031 = arith.index_cast %add3A_955 : i32 to index
        %get3A_1032 = arith.constant 80 : index
        %get3A_1033 = tpu.vector_load %arg4[%get3A_1031, %get3A_1032] {strides = array<i32>} : memref<64x128xf32, #tpu.memory_space<vmem>>, vector<1x16xf32>,
        %get3A_1034 = vector.shape_cast %get3A_1033 : vector<1x16xf32> to vector<16xf32>
        %get3A_1035 = arith.index_cast %add3A_955 : i32 to index
        %get3A_1036 = arith.constant 80 : index
        %get3A_1037 = tpu.vector_load %arg5[%get3A_1035, %get3A_1036] {strides = array<i32>} : memref<64x128xf32, #tpu.memory_space<vmem>>, vector<1x16xf32>,
        %get3A_1038 = vector.shape_cast %get3A_1037 : vector<1x16xf32> to vector<16xf32>
        %add3A_1039 = arith.addf %get3A_1034, %get3A_1038 : vector<16xf32>
        %mul3A_1040 = arith.mulf %add3A_1039, %gather3A_951 : vector<16xf32>
        %swap3A_1041 = arith.index_cast %add3A_955 : i32 to index
        %swap3A_1042 = arith.constant 80 : index
        %swap3A_1043 = tpu.vector_load %arg8[%swap3A_1041, %swap3A_1042] {strides = array<i32>} : memref<64x128xf32, #tpu.memory_space<vmem>>, vector<1x16xf32>,
        %swap3A_1044 = vector.shape_cast %swap3A_1043 : vector<1x16xf32> to vector<16xf32>
        %swap3A_1045 = vector.shape_cast %mul3A_1040 : vector<16xf32> to vector<1x16xf32>
        tpu.vector_store %arg8[%swap3A_1041, %swap3A_1042], %swap3A_1045 {strides = array<i32>} : memref<64x128xf32, #tpu.memory_space<vmem>>, vector<1x16xf32>,
        %get3A_1046 = arith.index_cast %add3A_955 : i32 to index
        %get3A_1047 = arith.constant 96 : index
        %get3A_1048 = tpu.vector_load %arg4[%get3A_1046, %get3A_1047] {strides = array<i32>} : memref<64x128xf32, #tpu.memory_space<vmem>>, vector<1x16xf32>,
        %get3A_1049 = vector.shape_cast %get3A_1048 : vector<1x16xf32> to vector<16xf32>
        %get3A_1050 = arith.index_cast %add3A_955 : i32 to index
        %get3A_1051 = arith.constant 96 : index
        %get3A_1052 = tpu.vector_load %arg5[%get3A_1050, %get3A_1051] {strides = array<i32>} : memref<64x128xf32, #tpu.memory_space<vmem>>, vector<1x16xf32>,
        %get3A_1053 = vector.shape_cast %get3A_1052 : vector<1x16xf32> to vector<16xf32>
        %add3A_1054 = arith.addf %get3A_1049, %get3A_1053 : vector<16xf32>
        %mul3A_1055 = arith.mulf %add3A_1054, %gather3A_951 : vector<16xf32>
        %swap3A_1056 = arith.index_cast %add3A_955 : i32 to index
        %swap3A_1057 = arith.constant 96 : index
        %swap3A_1058 = tpu.vector_load %arg8[%swap3A_1056, %swap3A_1057] {strides = array<i32>} : memref<64x128xf32, #tpu.memory_space<vmem>>, vector<1x16xf32>,
        %swap3A_1059 = vector.shape_cast %swap3A_1058 : vector<1x16xf32> to vector<16xf32>
        %swap3A_1060 = vector.shape_cast %mul3A_1055 : vector<16xf32> to vector<1x16xf32>
        tpu.vector_store %arg8[%swap3A_1056, %swap3A_1057], %swap3A_1060 {strides = array<i32>} : memref<64x128xf32, #tpu.memory_space<vmem>>, vector<1x16xf32>,
        %get3A_1061 = arith.index_cast %add3A_955 : i32 to index
        %get3A_1062 = arith.constant 112 : index
        %get3A_1063 = tpu.vector_load %arg4[%get3A_1061, %get3A_1062] {strides = array<i32>} : memref<64x128xf32, #tpu.memory_space<vmem>>, vector<1x16xf32>,
        %get3A_1064 = vector.shape_cast %get3A_1063 : vector<1x16xf32> to vector<16xf32>
        %get3A_1065 = arith.index_cast %add3A_955 : i32 to index
        %get3A_1066 = arith.constant 112 : index
        %get3A_1067 = tpu.vector_load %arg5[%get3A_1065, %get3A_1066] {strides = array<i32>} : memref<64x128xf32, #tpu.memory_space<vmem>>, vector<1x16xf32>,
        %get3A_1068 = vector.shape_cast %get3A_1067 : vector<1x16xf32> to vector<16xf32>
        %add3A_1069 = arith.addf %get3A_1064, %get3A_1068 : vector<16xf32>
        %mul3A_1070 = arith.mulf %add3A_1069, %gather3A_951 : vector<16xf32>
        %swap3A_1071 = arith.index_cast %add3A_955 : i32 to index
        %swap3A_1072 = arith.constant 112 : index
        %swap3A_1073 = tpu.vector_load %arg8[%swap3A_1071, %swap3A_1072] {strides = array<i32>} : memref<64x128xf32, #tpu.memory_space<vmem>>, vector<1x16xf32>,
        %swap3A_1074 = vector.shape_cast %swap3A_1073 : vector<1x16xf32> to vector<16xf32>
        %swap3A_1075 = vector.shape_cast %mul3A_1070 : vector<16xf32> to vector<1x16xf32>
        tpu.vector_store %arg8[%swap3A_1071, %swap3A_1072], %swap3A_1075 {strides = array<i32>} : memref<64x128xf32, #tpu.memory_space<vmem>>, vector<1x16xf32>,
        %get3A_1076 = arith.index_cast %scan3A_86 : i32 to index
        %get3A_1077 = arith.constant 112 : index
        %get3A_1078 = tpu.vector_load %arg6[%get3A_1076, %get3A_1077] {strides = array<i32>} : memref<8x128xf32, #tpu.memory_space<vmem>>, vector<1x16xf32>,
        %get3A_1079 = vector.shape_cast %get3A_1078 : vector<1x16xf32> to vector<16xf32>
        %get3A_1080 = arith.index_cast %scan3A_86 : i32 to index
        %get3A_1081 = arith.constant 112 : index
        %get3A_1082 = tpu.vector_load %arg7[%get3A_1080, %get3A_1081] {strides = array<i32>} : memref<8x128xf32, #tpu.memory_space<vmem>>, vector<1x16xf32>,
        %get3A_1083 = vector.shape_cast %get3A_1082 : vector<1x16xf32> to vector<16xf32>
        %add3A_1084 = arith.addf %get3A_1079, %get3A_1083 : vector<16xf32>
        %max3A_1085 = arith.constant 1.000000e-30 : f32
        %max3A_1086 = vector.broadcast %max3A_1085 : f32 to vector<16xf32>
        %max3A_1087 = arith.maximumf %add3A_1084, %max3A_1086 : vector<16xf32>
        %div3A_1088 = arith.constant 1.000000e+00 : f32
        %div3A_1089 = vector.broadcast %div3A_1088 : f32 to vector<16xf32>
        %div3A_1090 = arith.divf %div3A_1089, %max3A_1087 : vector<16xf32>
        %broadcast_in_dim3A_1091 = vector.shape_cast %and3A_4 : vector<16xi32> to vector<16x1xi32>
        %gather3A_1092 = vector.shape_cast %broadcast_in_dim3A_1091 : vector<16x1xi32> to vector<16xi32>
        %gather3A_1093 = tpu.dynamic_gather %div3A_1090[%gather3A_1092] in [0] : vector<16xf32>, vector<16xi32> -> vector<16xf32>
        %mul3A_1094 = arith.constant 8 : i32
        %mul3A_1095 = arith.muli %scan3A_86, %mul3A_1094 : i32
        %add3A_1096 = arith.constant 7 : i32
        %add3A_1097 = arith.addi %mul3A_1095, %add3A_1096 : i32
        %get3A_1098 = arith.index_cast %add3A_1097 : i32 to index
        %get3A_1099 = arith.constant 0 : index
        %get3A_1100 = tpu.vector_load %arg4[%get3A_1098, %get3A_1099] {strides = array<i32>} : memref<64x128xf32, #tpu.memory_space<vmem>>, vector<1x16xf32>,
        %get3A_1101 = vector.shape_cast %get3A_1100 : vector<1x16xf32> to vector<16xf32>
        %get3A_1102 = arith.index_cast %add3A_1097 : i32 to index
        %get3A_1103 = arith.constant 0 : index
        %get3A_1104 = tpu.vector_load %arg5[%get3A_1102, %get3A_1103] {strides = array<i32>} : memref<64x128xf32, #tpu.memory_space<vmem>>, vector<1x16xf32>,
        %get3A_1105 = vector.shape_cast %get3A_1104 : vector<1x16xf32> to vector<16xf32>
        %add3A_1106 = arith.addf %get3A_1101, %get3A_1105 : vector<16xf32>
        %mul3A_1107 = arith.mulf %add3A_1106, %gather3A_1093 : vector<16xf32>
        %swap3A_1108 = arith.index_cast %add3A_1097 : i32 to index
        %swap3A_1109 = arith.constant 0 : index
        %swap3A_1110 = tpu.vector_load %arg8[%swap3A_1108, %swap3A_1109] {strides = array<i32>} : memref<64x128xf32, #tpu.memory_space<vmem>>, vector<1x16xf32>,
        %swap3A_1111 = vector.shape_cast %swap3A_1110 : vector<1x16xf32> to vector<16xf32>
        %swap3A_1112 = vector.shape_cast %mul3A_1107 : vector<16xf32> to vector<1x16xf32>
        tpu.vector_store %arg8[%swap3A_1108, %swap3A_1109], %swap3A_1112 {strides = array<i32>} : memref<64x128xf32, #tpu.memory_space<vmem>>, vector<1x16xf32>,
        %get3A_1113 = arith.index_cast %add3A_1097 : i32 to index
        %get3A_1114 = arith.constant 16 : index
        %get3A_1115 = tpu.vector_load %arg4[%get3A_1113, %get3A_1114] {strides = array<i32>} : memref<64x128xf32, #tpu.memory_space<vmem>>, vector<1x16xf32>,
        %get3A_1116 = vector.shape_cast %get3A_1115 : vector<1x16xf32> to vector<16xf32>
        %get3A_1117 = arith.index_cast %add3A_1097 : i32 to index
        %get3A_1118 = arith.constant 16 : index
        %get3A_1119 = tpu.vector_load %arg5[%get3A_1117, %get3A_1118] {strides = array<i32>} : memref<64x128xf32, #tpu.memory_space<vmem>>, vector<1x16xf32>,
        %get3A_1120 = vector.shape_cast %get3A_1119 : vector<1x16xf32> to vector<16xf32>
        %add3A_1121 = arith.addf %get3A_1116, %get3A_1120 : vector<16xf32>
        %mul3A_1122 = arith.mulf %add3A_1121, %gather3A_1093 : vector<16xf32>
        %swap3A_1123 = arith.index_cast %add3A_1097 : i32 to index
        %swap3A_1124 = arith.constant 16 : index
        %swap3A_1125 = tpu.vector_load %arg8[%swap3A_1123, %swap3A_1124] {strides = array<i32>} : memref<64x128xf32, #tpu.memory_space<vmem>>, vector<1x16xf32>,
        %swap3A_1126 = vector.shape_cast %swap3A_1125 : vector<1x16xf32> to vector<16xf32>
        %swap3A_1127 = vector.shape_cast %mul3A_1122 : vector<16xf32> to vector<1x16xf32>
        tpu.vector_store %arg8[%swap3A_1123, %swap3A_1124], %swap3A_1127 {strides = array<i32>} : memref<64x128xf32, #tpu.memory_space<vmem>>, vector<1x16xf32>,
        %get3A_1128 = arith.index_cast %add3A_1097 : i32 to index
        %get3A_1129 = arith.constant 32 : index
        %get3A_1130 = tpu.vector_load %arg4[%get3A_1128, %get3A_1129] {strides = array<i32>} : memref<64x128xf32, #tpu.memory_space<vmem>>, vector<1x16xf32>,
        %get3A_1131 = vector.shape_cast %get3A_1130 : vector<1x16xf32> to vector<16xf32>
        %get3A_1132 = arith.index_cast %add3A_1097 : i32 to index
        %get3A_1133 = arith.constant 32 : index
        %get3A_1134 = tpu.vector_load %arg5[%get3A_1132, %get3A_1133] {strides = array<i32>} : memref<64x128xf32, #tpu.memory_space<vmem>>, vector<1x16xf32>,
        %get3A_1135 = vector.shape_cast %get3A_1134 : vector<1x16xf32> to vector<16xf32>
        %add3A_1136 = arith.addf %get3A_1131, %get3A_1135 : vector<16xf32>
        %mul3A_1137 = arith.mulf %add3A_1136, %gather3A_1093 : vector<16xf32>
        %swap3A_1138 = arith.index_cast %add3A_1097 : i32 to index
        %swap3A_1139 = arith.constant 32 : index
        %swap3A_1140 = tpu.vector_load %arg8[%swap3A_1138, %swap3A_1139] {strides = array<i32>} : memref<64x128xf32, #tpu.memory_space<vmem>>, vector<1x16xf32>,
        %swap3A_1141 = vector.shape_cast %swap3A_1140 : vector<1x16xf32> to vector<16xf32>
        %swap3A_1142 = vector.shape_cast %mul3A_1137 : vector<16xf32> to vector<1x16xf32>
        tpu.vector_store %arg8[%swap3A_1138, %swap3A_1139], %swap3A_1142 {strides = array<i32>} : memref<64x128xf32, #tpu.memory_space<vmem>>, vector<1x16xf32>,
        %get3A_1143 = arith.index_cast %add3A_1097 : i32 to index
        %get3A_1144 = arith.constant 48 : index
        %get3A_1145 = tpu.vector_load %arg4[%get3A_1143, %get3A_1144] {strides = array<i32>} : memref<64x128xf32, #tpu.memory_space<vmem>>, vector<1x16xf32>,
        %get3A_1146 = vector.shape_cast %get3A_1145 : vector<1x16xf32> to vector<16xf32>
        %get3A_1147 = arith.index_cast %add3A_1097 : i32 to index
        %get3A_1148 = arith.constant 48 : index
        %get3A_1149 = tpu.vector_load %arg5[%get3A_1147, %get3A_1148] {strides = array<i32>} : memref<64x128xf32, #tpu.memory_space<vmem>>, vector<1x16xf32>,
        %get3A_1150 = vector.shape_cast %get3A_1149 : vector<1x16xf32> to vector<16xf32>
        %add3A_1151 = arith.addf %get3A_1146, %get3A_1150 : vector<16xf32>
        %mul3A_1152 = arith.mulf %add3A_1151, %gather3A_1093 : vector<16xf32>
        %swap3A_1153 = arith.index_cast %add3A_1097 : i32 to index
        %swap3A_1154 = arith.constant 48 : index
        %swap3A_1155 = tpu.vector_load %arg8[%swap3A_1153, %swap3A_1154] {strides = array<i32>} : memref<64x128xf32, #tpu.memory_space<vmem>>, vector<1x16xf32>,
        %swap3A_1156 = vector.shape_cast %swap3A_1155 : vector<1x16xf32> to vector<16xf32>
        %swap3A_1157 = vector.shape_cast %mul3A_1152 : vector<16xf32> to vector<1x16xf32>
        tpu.vector_store %arg8[%swap3A_1153, %swap3A_1154], %swap3A_1157 {strides = array<i32>} : memref<64x128xf32, #tpu.memory_space<vmem>>, vector<1x16xf32>,
        %get3A_1158 = arith.index_cast %add3A_1097 : i32 to index
        %get3A_1159 = arith.constant 64 : index
        %get3A_1160 = tpu.vector_load %arg4[%get3A_1158, %get3A_1159] {strides = array<i32>} : memref<64x128xf32, #tpu.memory_space<vmem>>, vector<1x16xf32>,
        %get3A_1161 = vector.shape_cast %get3A_1160 : vector<1x16xf32> to vector<16xf32>
        %get3A_1162 = arith.index_cast %add3A_1097 : i32 to index
        %get3A_1163 = arith.constant 64 : index
        %get3A_1164 = tpu.vector_load %arg5[%get3A_1162, %get3A_1163] {strides = array<i32>} : memref<64x128xf32, #tpu.memory_space<vmem>>, vector<1x16xf32>,
        %get3A_1165 = vector.shape_cast %get3A_1164 : vector<1x16xf32> to vector<16xf32>
        %add3A_1166 = arith.addf %get3A_1161, %get3A_1165 : vector<16xf32>
        %mul3A_1167 = arith.mulf %add3A_1166, %gather3A_1093 : vector<16xf32>
        %swap3A_1168 = arith.index_cast %add3A_1097 : i32 to index
        %swap3A_1169 = arith.constant 64 : index
        %swap3A_1170 = tpu.vector_load %arg8[%swap3A_1168, %swap3A_1169] {strides = array<i32>} : memref<64x128xf32, #tpu.memory_space<vmem>>, vector<1x16xf32>,
        %swap3A_1171 = vector.shape_cast %swap3A_1170 : vector<1x16xf32> to vector<16xf32>
        %swap3A_1172 = vector.shape_cast %mul3A_1167 : vector<16xf32> to vector<1x16xf32>
        tpu.vector_store %arg8[%swap3A_1168, %swap3A_1169], %swap3A_1172 {strides = array<i32>} : memref<64x128xf32, #tpu.memory_space<vmem>>, vector<1x16xf32>,
        %get3A_1173 = arith.index_cast %add3A_1097 : i32 to index
        %get3A_1174 = arith.constant 80 : index
        %get3A_1175 = tpu.vector_load %arg4[%get3A_1173, %get3A_1174] {strides = array<i32>} : memref<64x128xf32, #tpu.memory_space<vmem>>, vector<1x16xf32>,
        %get3A_1176 = vector.shape_cast %get3A_1175 : vector<1x16xf32> to vector<16xf32>
        %get3A_1177 = arith.index_cast %add3A_1097 : i32 to index
        %get3A_1178 = arith.constant 80 : index
        %get3A_1179 = tpu.vector_load %arg5[%get3A_1177, %get3A_1178] {strides = array<i32>} : memref<64x128xf32, #tpu.memory_space<vmem>>, vector<1x16xf32>,
        %get3A_1180 = vector.shape_cast %get3A_1179 : vector<1x16xf32> to vector<16xf32>
        %add3A_1181 = arith.addf %get3A_1176, %get3A_1180 : vector<16xf32>
        %mul3A_1182 = arith.mulf %add3A_1181, %gather3A_1093 : vector<16xf32>
        %swap3A_1183 = arith.index_cast %add3A_1097 : i32 to index
        %swap3A_1184 = arith.constant 80 : index
        %swap3A_1185 = tpu.vector_load %arg8[%swap3A_1183, %swap3A_1184] {strides = array<i32>} : memref<64x128xf32, #tpu.memory_space<vmem>>, vector<1x16xf32>,
        %swap3A_1186 = vector.shape_cast %swap3A_1185 : vector<1x16xf32> to vector<16xf32>
        %swap3A_1187 = vector.shape_cast %mul3A_1182 : vector<16xf32> to vector<1x16xf32>
        tpu.vector_store %arg8[%swap3A_1183, %swap3A_1184], %swap3A_1187 {strides = array<i32>} : memref<64x128xf32, #tpu.memory_space<vmem>>, vector<1x16xf32>,
        %get3A_1188 = arith.index_cast %add3A_1097 : i32 to index
        %get3A_1189 = arith.constant 96 : index
        %get3A_1190 = tpu.vector_load %arg4[%get3A_1188, %get3A_1189] {strides = array<i32>} : memref<64x128xf32, #tpu.memory_space<vmem>>, vector<1x16xf32>,
        %get3A_1191 = vector.shape_cast %get3A_1190 : vector<1x16xf32> to vector<16xf32>
        %get3A_1192 = arith.index_cast %add3A_1097 : i32 to index
        %get3A_1193 = arith.constant 96 : index
        %get3A_1194 = tpu.vector_load %arg5[%get3A_1192, %get3A_1193] {strides = array<i32>} : memref<64x128xf32, #tpu.memory_space<vmem>>, vector<1x16xf32>,
        %get3A_1195 = vector.shape_cast %get3A_1194 : vector<1x16xf32> to vector<16xf32>
        %add3A_1196 = arith.addf %get3A_1191, %get3A_1195 : vector<16xf32>
        %mul3A_1197 = arith.mulf %add3A_1196, %gather3A_1093 : vector<16xf32>
        %swap3A_1198 = arith.index_cast %add3A_1097 : i32 to index
        %swap3A_1199 = arith.constant 96 : index
        %swap3A_1200 = tpu.vector_load %arg8[%swap3A_1198, %swap3A_1199] {strides = array<i32>} : memref<64x128xf32, #tpu.memory_space<vmem>>, vector<1x16xf32>,
        %swap3A_1201 = vector.shape_cast %swap3A_1200 : vector<1x16xf32> to vector<16xf32>
        %swap3A_1202 = vector.shape_cast %mul3A_1197 : vector<16xf32> to vector<1x16xf32>
        tpu.vector_store %arg8[%swap3A_1198, %swap3A_1199], %swap3A_1202 {strides = array<i32>} : memref<64x128xf32, #tpu.memory_space<vmem>>, vector<1x16xf32>,
        %get3A_1203 = arith.index_cast %add3A_1097 : i32 to index
        %get3A_1204 = arith.constant 112 : index
        %get3A_1205 = tpu.vector_load %arg4[%get3A_1203, %get3A_1204] {strides = array<i32>} : memref<64x128xf32, #tpu.memory_space<vmem>>, vector<1x16xf32>,
        %get3A_1206 = vector.shape_cast %get3A_1205 : vector<1x16xf32> to vector<16xf32>
        %get3A_1207 = arith.index_cast %add3A_1097 : i32 to index
        %get3A_1208 = arith.constant 112 : index
        %get3A_1209 = tpu.vector_load %arg5[%get3A_1207, %get3A_1208] {strides = array<i32>} : memref<64x128xf32, #tpu.memory_space<vmem>>, vector<1x16xf32>,
        %get3A_1210 = vector.shape_cast %get3A_1209 : vector<1x16xf32> to vector<16xf32>
        %add3A_1211 = arith.addf %get3A_1206, %get3A_1210 : vector<16xf32>
        %mul3A_1212 = arith.mulf %add3A_1211, %gather3A_1093 : vector<16xf32>
        %swap3A_1213 = arith.index_cast %add3A_1097 : i32 to index
        %swap3A_1214 = arith.constant 112 : index
        %swap3A_1215 = tpu.vector_load %arg8[%swap3A_1213, %swap3A_1214] {strides = array<i32>} : memref<64x128xf32, #tpu.memory_space<vmem>>, vector<1x16xf32>,
        %swap3A_1216 = vector.shape_cast %swap3A_1215 : vector<1x16xf32> to vector<16xf32>
        %swap3A_1217 = vector.shape_cast %mul3A_1212 : vector<16xf32> to vector<1x16xf32>
        tpu.vector_store %arg8[%swap3A_1213, %swap3A_1214], %swap3A_1217 {strides = array<i32>} : memref<64x128xf32, #tpu.memory_space<vmem>>, vector<1x16xf32>,
        %scan3A_1218 = arith.constant 0 : i32
        scf.yield %scan3A_1218 : i32
      }
      %scan3A_84 = arith.constant 8 : i32
      "tpu.region"() ({
        %run_scoped3A = tpu.sem_alloc : memref<!tpu.dma_semaphore, #tpu.memory_space<semaphore_mem>>
        %dma_start3A_86 = arith.constant 0 : i32
        %dma_start3A_87 = tpu.memref_slice %arg3[%multiple_of3A, %dma_start3A_86] : memref<10240x128xf32, #tpu.memory_space<hbm>> -> memref<64x128xf32, #tpu.memory_space<hbm>>
        %dma_start3A_88 = arith.constant 0 : i32
        %dma_start3A_89 = tpu.memref_slice %arg3[%multiple_of3A, %dma_start3A_88] : memref<10240x128xf32, #tpu.memory_space<hbm>> -> memref<64x128xf32, #tpu.memory_space<hbm>>
        tpu.enqueue_dma source(%arg8 : memref<64x128xf32, #tpu.memory_space<vmem>>) target(%dma_start3A_89 : memref<64x128xf32, #tpu.memory_space<hbm>>) target_semaphore(%run_scoped3A : memref<!tpu.dma_semaphore, #tpu.memory_space<semaphore_mem>>)
        %dma_wait3A_90 = arith.constant 0 : i32
        %dma_wait3A_91 = tpu.memref_slice %arg3[%multiple_of3A, %dma_wait3A_90] : memref<10240x128xf32, #tpu.memory_space<hbm>> -> memref<64x128xf32, #tpu.memory_space<hbm>>
        %dma_wait3A_92 = arith.constant 0 : i32
        %dma_wait3A_93 = tpu.memref_slice %arg3[%multiple_of3A, %dma_wait3A_92] : memref<10240x128xf32, #tpu.memory_space<hbm>> -> memref<64x128xf32, #tpu.memory_space<hbm>>
        tpu.wait_dma2 semaphore(%run_scoped3A : memref<!tpu.dma_semaphore, #tpu.memory_space<semaphore_mem>>) src(%arg8 : memref<64x128xf32, #tpu.memory_space<vmem>>) dst(%dma_wait3A_93 : memref<64x128xf32, #tpu.memory_space<hbm>>)
        tpu.yield
      }) : () -> ()
      %scan3A_85 = arith.constant 0 : i32
      scf.yield %scan3A_85 : i32
    }
    %scan3A_10 = arith.constant 5 : i32
    return
  }
}

module attributes {stable_mosaic.version = 14 : i64} {
  func.func @_epi_body(%arg0: memref<10240x128xf32, #tpu.memory_space<vmem>>, %arg1: memref<10000x128xf32, #tpu.memory_space<vmem>>, %arg2: memref<128x128xf32, #tpu.memory_space<vmem>>, %arg3: memref<1x128xf32, #tpu.memory_space<vmem>>, %arg4: memref<128x256xf32, #tpu.memory_space<vmem>>, %arg5: memref<1x256xf32, #tpu.memory_space<vmem>>, %arg6: memref<256x128xf32, #tpu.memory_space<vmem>>, %arg7: memref<1x128xf32, #tpu.memory_space<vmem>>, %arg8: memref<1x128xf32, #tpu.memory_space<vmem>>, %arg9: memref<1x128xf32, #tpu.memory_space<vmem>>, %arg10: memref<1x128xf32, #tpu.memory_space<vmem>>, %arg11: memref<1x128xf32, #tpu.memory_space<vmem>>, %arg12: memref<10000x128xf32, #tpu.memory_space<vmem>>) attributes {dimension_semantics = [], scalar_prefetch = 0 : i64, scratch_operands = 0 : i64, tpu.core_type = #tpu.core_type<tc>} {
    %get3A = arith.constant 0 : index
    %get3A_0 = arith.constant 0 : index
    %get3A_1 = vector.load %arg0[%get3A, %get3A_0] : memref<10240x128xf32, #tpu.memory_space<vmem>>, vector<10000x128xf32>
    %get3A_2 = arith.constant 0 : index
    %get3A_3 = arith.constant 0 : index
    %get3A_4 = vector.load %arg2[%get3A_2, %get3A_3] : memref<128x128xf32, #tpu.memory_space<vmem>>, vector<128x128xf32>
    %dot_general3A = arith.constant dense<0.000000e+00> : vector<10000x128xf32>
    %dot_general3A_5 = tpu.matmul %get3A_1, %get3A_4, %dot_general3A {dimension_numbers = #tpu.dot_dimension_numbers<[1], [0], [0], [1], [0, 0, 1, 1], [], []>, transpose_lhs_hint = false} : vector<10000x128xf32>, vector<128x128xf32>, vector<10000x128xf32> -> vector<10000x128xf32>
    %get3A_6 = arith.constant 0 : index
    %get3A_7 = arith.constant 0 : index
    %get3A_8 = vector.load %arg3[%get3A_6, %get3A_7] : memref<1x128xf32, #tpu.memory_space<vmem>>, vector<1x128xf32>
    %add3A = vector.broadcast %get3A_8 : vector<1x128xf32> to vector<10000x128xf32>
    %add3A_9 = arith.addf %dot_general3A_5, %add3A : vector<10000x128xf32>
    %get3A_10 = arith.constant 0 : index
    %get3A_11 = arith.constant 0 : index
    %get3A_12 = vector.load %arg1[%get3A_10, %get3A_11] : memref<10000x128xf32, #tpu.memory_space<vmem>>, vector<10000x128xf32>
    %add3A_13 = arith.addf %add3A_9, %get3A_12 : vector<10000x128xf32>
    %get3A_14 = arith.constant 0 : index
    %get3A_15 = arith.constant 0 : index
    %get3A_16 = vector.load %arg8[%get3A_14, %get3A_15] : memref<1x128xf32, #tpu.memory_space<vmem>>, vector<1x128xf32>
    %get3A_17 = arith.constant 0 : index
    %get3A_18 = arith.constant 0 : index
    %get3A_19 = vector.load %arg9[%get3A_17, %get3A_18] : memref<1x128xf32, #tpu.memory_space<vmem>>, vector<1x128xf32>
    %reduce_sum3A = arith.constant dense<0.000000e+00> : vector<128xf32>
    %reduce_sum3A_20 = vector.multi_reduction <add>, %add3A_13, %reduce_sum3A [0] : vector<10000x128xf32> to vector<128xf32>
    %div3A = arith.constant 1.000000e+04 : f32
    %div3A_21 = vector.broadcast %div3A : f32 to vector<128xf32>
    %div3A_22 = arith.divf %reduce_sum3A_20, %div3A_21 : vector<128xf32>
    %broadcast_in_dim3A = vector.shape_cast %div3A_22 : vector<128xf32> to vector<1x128xf32>
    %sub3A = vector.broadcast %broadcast_in_dim3A : vector<1x128xf32> to vector<10000x128xf32>
    %sub3A_23 = arith.subf %add3A_13, %sub3A : vector<10000x128xf32>
    %integer_pow3A = arith.mulf %sub3A_23, %sub3A_23 : vector<10000x128xf32>
    %reduce_sum3A_24 = arith.constant dense<0.000000e+00> : vector<128xf32>
    %reduce_sum3A_25 = vector.multi_reduction <add>, %integer_pow3A, %reduce_sum3A_24 [0] : vector<10000x128xf32> to vector<128xf32>
    %div3A_26 = arith.constant 1.000000e+04 : f32
    %div3A_27 = vector.broadcast %div3A_26 : f32 to vector<128xf32>
    %div3A_28 = arith.divf %reduce_sum3A_25, %div3A_27 : vector<128xf32>
    %broadcast_in_dim3A_29 = vector.shape_cast %div3A_22 : vector<128xf32> to vector<1x128xf32>
    %sub3A_30 = vector.broadcast %broadcast_in_dim3A_29 : vector<1x128xf32> to vector<10000x128xf32>
    %sub3A_31 = arith.subf %add3A_13, %sub3A_30 : vector<10000x128xf32>
    %add3A_32 = arith.constant 9.99999974E-6 : f32
    %add3A_33 = vector.broadcast %add3A_32 : f32 to vector<128xf32>
    %add3A_34 = arith.addf %div3A_28, %add3A_33 : vector<128xf32>
    %sqrt3A = math.sqrt %add3A_34 : vector<128xf32>
    %broadcast_in_dim3A_35 = vector.shape_cast %sqrt3A : vector<128xf32> to vector<1x128xf32>
    %div3A_36 = vector.broadcast %broadcast_in_dim3A_35 : vector<1x128xf32> to vector<10000x128xf32>
    %div3A_37 = arith.divf %sub3A_31, %div3A_36 : vector<10000x128xf32>
    %mul3A = vector.broadcast %get3A_16 : vector<1x128xf32> to vector<10000x128xf32>
    %mul3A_38 = arith.mulf %div3A_37, %mul3A : vector<10000x128xf32>
    %add3A_39 = vector.broadcast %get3A_19 : vector<1x128xf32> to vector<10000x128xf32>
    %add3A_40 = arith.addf %mul3A_38, %add3A_39 : vector<10000x128xf32>
    %mul3A_41 = arith.constant 5.000000e-01 : f32
    %mul3A_42 = vector.broadcast %mul3A_41 : f32 to vector<10000x128xf32>
    %mul3A_43 = arith.mulf %mul3A_42, %add3A_40 : vector<10000x128xf32>
    %mul3A_44 = arith.constant 0.707106769 : f32
    %mul3A_45 = vector.broadcast %mul3A_44 : f32 to vector<10000x128xf32>
    %mul3A_46 = arith.mulf %add3A_40, %mul3A_45 : vector<10000x128xf32>
    %erf3A = math.erf %mul3A_46 : vector<10000x128xf32>
    %add3A_47 = arith.constant 1.000000e+00 : f32
    %add3A_48 = vector.broadcast %add3A_47 : f32 to vector<10000x128xf32>
    %add3A_49 = arith.addf %add3A_48, %erf3A : vector<10000x128xf32>
    %mul3A_50 = arith.mulf %mul3A_43, %add3A_49 : vector<10000x128xf32>
    %get3A_51 = arith.constant 0 : index
    %get3A_52 = arith.constant 0 : index
    %get3A_53 = vector.load %arg4[%get3A_51, %get3A_52] : memref<128x256xf32, #tpu.memory_space<vmem>>, vector<128x256xf32>
    %dot_general3A_54 = arith.constant dense<0.000000e+00> : vector<10000x256xf32>
    %dot_general3A_55 = tpu.matmul %mul3A_50, %get3A_53, %dot_general3A_54 {dimension_numbers = #tpu.dot_dimension_numbers<[1], [0], [0], [1], [0, 0, 1, 1], [], []>, transpose_lhs_hint = false} : vector<10000x128xf32>, vector<128x256xf32>, vector<10000x256xf32> -> vector<10000x256xf32>
    %get3A_56 = arith.constant 0 : index
    %get3A_57 = arith.constant 0 : index
    %get3A_58 = vector.load %arg5[%get3A_56, %get3A_57] : memref<1x256xf32, #tpu.memory_space<vmem>>, vector<1x256xf32>
    %add3A_59 = vector.broadcast %get3A_58 : vector<1x256xf32> to vector<10000x256xf32>
    %add3A_60 = arith.addf %dot_general3A_55, %add3A_59 : vector<10000x256xf32>
    %mul3A_61 = arith.constant 5.000000e-01 : f32
    %mul3A_62 = vector.broadcast %mul3A_61 : f32 to vector<10000x256xf32>
    %mul3A_63 = arith.mulf %mul3A_62, %add3A_60 : vector<10000x256xf32>
    %mul3A_64 = arith.constant 0.707106769 : f32
    %mul3A_65 = vector.broadcast %mul3A_64 : f32 to vector<10000x256xf32>
    %mul3A_66 = arith.mulf %add3A_60, %mul3A_65 : vector<10000x256xf32>
    %erf3A_67 = math.erf %mul3A_66 : vector<10000x256xf32>
    %add3A_68 = arith.constant 1.000000e+00 : f32
    %add3A_69 = vector.broadcast %add3A_68 : f32 to vector<10000x256xf32>
    %add3A_70 = arith.addf %add3A_69, %erf3A_67 : vector<10000x256xf32>
    %mul3A_71 = arith.mulf %mul3A_63, %add3A_70 : vector<10000x256xf32>
    %get3A_72 = arith.constant 0 : index
    %get3A_73 = arith.constant 0 : index
    %get3A_74 = vector.load %arg6[%get3A_72, %get3A_73] : memref<256x128xf32, #tpu.memory_space<vmem>>, vector<256x128xf32>
    %dot_general3A_75 = arith.constant dense<0.000000e+00> : vector<10000x128xf32>
    %dot_general3A_76 = tpu.matmul %mul3A_71, %get3A_74, %dot_general3A_75 {dimension_numbers = #tpu.dot_dimension_numbers<[1], [0], [0], [1], [0, 0, 1, 1], [], []>, transpose_lhs_hint = false} : vector<10000x256xf32>, vector<256x128xf32>, vector<10000x128xf32> -> vector<10000x128xf32>
    %get3A_77 = arith.constant 0 : index
    %get3A_78 = arith.constant 0 : index
    %get3A_79 = vector.load %arg7[%get3A_77, %get3A_78] : memref<1x128xf32, #tpu.memory_space<vmem>>, vector<1x128xf32>
    %add3A_80 = vector.broadcast %get3A_79 : vector<1x128xf32> to vector<10000x128xf32>
    %add3A_81 = arith.addf %dot_general3A_76, %add3A_80 : vector<10000x128xf32>
    %add3A_82 = arith.addf %mul3A_50, %add3A_81 : vector<10000x128xf32>
    %get3A_83 = arith.constant 0 : index
    %get3A_84 = arith.constant 0 : index
    %get3A_85 = vector.load %arg10[%get3A_83, %get3A_84] : memref<1x128xf32, #tpu.memory_space<vmem>>, vector<1x128xf32>
    %get3A_86 = arith.constant 0 : index
    %get3A_87 = arith.constant 0 : index
    %get3A_88 = vector.load %arg11[%get3A_86, %get3A_87] : memref<1x128xf32, #tpu.memory_space<vmem>>, vector<1x128xf32>
    %reduce_sum3A_89 = arith.constant dense<0.000000e+00> : vector<128xf32>
    %reduce_sum3A_90 = vector.multi_reduction <add>, %add3A_82, %reduce_sum3A_89 [0] : vector<10000x128xf32> to vector<128xf32>
    %div3A_91 = arith.constant 1.000000e+04 : f32
    %div3A_92 = vector.broadcast %div3A_91 : f32 to vector<128xf32>
    %div3A_93 = arith.divf %reduce_sum3A_90, %div3A_92 : vector<128xf32>
    %broadcast_in_dim3A_94 = vector.shape_cast %div3A_93 : vector<128xf32> to vector<1x128xf32>
    %sub3A_95 = vector.broadcast %broadcast_in_dim3A_94 : vector<1x128xf32> to vector<10000x128xf32>
    %sub3A_96 = arith.subf %add3A_82, %sub3A_95 : vector<10000x128xf32>
    %integer_pow3A_97 = arith.mulf %sub3A_96, %sub3A_96 : vector<10000x128xf32>
    %reduce_sum3A_98 = arith.constant dense<0.000000e+00> : vector<128xf32>
    %reduce_sum3A_99 = vector.multi_reduction <add>, %integer_pow3A_97, %reduce_sum3A_98 [0] : vector<10000x128xf32> to vector<128xf32>
    %div3A_100 = arith.constant 1.000000e+04 : f32
    %div3A_101 = vector.broadcast %div3A_100 : f32 to vector<128xf32>
    %div3A_102 = arith.divf %reduce_sum3A_99, %div3A_101 : vector<128xf32>
    %broadcast_in_dim3A_103 = vector.shape_cast %div3A_93 : vector<128xf32> to vector<1x128xf32>
    %sub3A_104 = vector.broadcast %broadcast_in_dim3A_103 : vector<1x128xf32> to vector<10000x128xf32>
    %sub3A_105 = arith.subf %add3A_82, %sub3A_104 : vector<10000x128xf32>
    %add3A_106 = arith.constant 9.99999974E-6 : f32
    %add3A_107 = vector.broadcast %add3A_106 : f32 to vector<128xf32>
    %add3A_108 = arith.addf %div3A_102, %add3A_107 : vector<128xf32>
    %sqrt3A_109 = math.sqrt %add3A_108 : vector<128xf32>
    %broadcast_in_dim3A_110 = vector.shape_cast %sqrt3A_109 : vector<128xf32> to vector<1x128xf32>
    %div3A_111 = vector.broadcast %broadcast_in_dim3A_110 : vector<1x128xf32> to vector<10000x128xf32>
    %div3A_112 = arith.divf %sub3A_105, %div3A_111 : vector<10000x128xf32>
    %mul3A_113 = vector.broadcast %get3A_85 : vector<1x128xf32> to vector<10000x128xf32>
    %mul3A_114 = arith.mulf %div3A_112, %mul3A_113 : vector<10000x128xf32>
    %add3A_115 = vector.broadcast %get3A_88 : vector<1x128xf32> to vector<10000x128xf32>
    %add3A_116 = arith.addf %mul3A_114, %add3A_115 : vector<10000x128xf32>
    %swap3A = arith.constant 0 : index
    %swap3A_117 = arith.constant 0 : index
    %swap3A_118 = vector.load %arg12[%swap3A, %swap3A_117] : memref<10000x128xf32, #tpu.memory_space<vmem>>, vector<10000x128xf32>
    tpu.vector_store %arg12[%swap3A, %swap3A_117], %add3A_116 {strides = array<i32>} : memref<10000x128xf32, #tpu.memory_space<vmem>>, vector<10000x128xf32>,
    return
  }
}

module attributes {stable_mosaic.version = 14 : i64} {
  func.func @_qkv_body(%arg0: memref<10000x128xf32, #tpu.memory_space<vmem>>, %arg1: memref<128x128xf32, #tpu.memory_space<vmem>>, %arg2: memref<1x128xf32, #tpu.memory_space<vmem>>, %arg3: memref<128x128xf32, #tpu.memory_space<vmem>>, %arg4: memref<1x128xf32, #tpu.memory_space<vmem>>, %arg5: memref<128x128xf32, #tpu.memory_space<vmem>>, %arg6: memref<1x128xf32, #tpu.memory_space<vmem>>, %arg7: memref<10000x128xf32, #tpu.memory_space<vmem>>, %arg8: memref<10000x128xf32, #tpu.memory_space<vmem>>, %arg9: memref<10000x128xf32, #tpu.memory_space<vmem>>) attributes {dimension_semantics = [], scalar_prefetch = 0 : i64, scratch_operands = 0 : i64, tpu.core_type = #tpu.core_type<tc>} {
    %get3A = arith.constant 0 : index
    %get3A_0 = arith.constant 0 : index
    %get3A_1 = vector.load %arg0[%get3A, %get3A_0] : memref<10000x128xf32, #tpu.memory_space<vmem>>, vector<10000x128xf32>
    %get3A_2 = arith.constant 0 : index
    %get3A_3 = arith.constant 0 : index
    %get3A_4 = vector.load %arg1[%get3A_2, %get3A_3] : memref<128x128xf32, #tpu.memory_space<vmem>>, vector<128x128xf32>
    %dot_general3A = arith.constant dense<0.000000e+00> : vector<10000x128xf32>
    %dot_general3A_5 = tpu.matmul %get3A_1, %get3A_4, %dot_general3A {dimension_numbers = #tpu.dot_dimension_numbers<[1], [0], [0], [1], [0, 0, 1, 1], [], []>, transpose_lhs_hint = false} : vector<10000x128xf32>, vector<128x128xf32>, vector<10000x128xf32> -> vector<10000x128xf32>
    %get3A_6 = arith.constant 0 : index
    %get3A_7 = arith.constant 0 : index
    %get3A_8 = vector.load %arg2[%get3A_6, %get3A_7] : memref<1x128xf32, #tpu.memory_space<vmem>>, vector<1x128xf32>
    %add3A = vector.broadcast %get3A_8 : vector<1x128xf32> to vector<10000x128xf32>
    %add3A_9 = arith.addf %dot_general3A_5, %add3A : vector<10000x128xf32>
    %mul3A = arith.constant 2.500000e-01 : f32
    %mul3A_10 = vector.broadcast %mul3A : f32 to vector<10000x128xf32>
    %mul3A_11 = arith.mulf %add3A_9, %mul3A_10 : vector<10000x128xf32>
    %swap3A = arith.constant 0 : index
    %swap3A_12 = arith.constant 0 : index
    %swap3A_13 = vector.load %arg7[%swap3A, %swap3A_12] : memref<10000x128xf32, #tpu.memory_space<vmem>>, vector<10000x128xf32>
    tpu.vector_store %arg7[%swap3A, %swap3A_12], %mul3A_11 {strides = array<i32>} : memref<10000x128xf32, #tpu.memory_space<vmem>>, vector<10000x128xf32>,
    %get3A_14 = arith.constant 0 : index
    %get3A_15 = arith.constant 0 : index
    %get3A_16 = vector.load %arg3[%get3A_14, %get3A_15] : memref<128x128xf32, #tpu.memory_space<vmem>>, vector<128x128xf32>
    %dot_general3A_17 = arith.constant dense<0.000000e+00> : vector<10000x128xf32>
    %dot_general3A_18 = tpu.matmul %get3A_1, %get3A_16, %dot_general3A_17 {dimension_numbers = #tpu.dot_dimension_numbers<[1], [0], [0], [1], [0, 0, 1, 1], [], []>, transpose_lhs_hint = false} : vector<10000x128xf32>, vector<128x128xf32>, vector<10000x128xf32> -> vector<10000x128xf32>
    %get3A_19 = arith.constant 0 : index
    %get3A_20 = arith.constant 0 : index
    %get3A_21 = vector.load %arg4[%get3A_19, %get3A_20] : memref<1x128xf32, #tpu.memory_space<vmem>>, vector<1x128xf32>
    %add3A_22 = vector.broadcast %get3A_21 : vector<1x128xf32> to vector<10000x128xf32>
    %add3A_23 = arith.addf %dot_general3A_18, %add3A_22 : vector<10000x128xf32>
    %swap3A_24 = arith.constant 0 : index
    %swap3A_25 = arith.constant 0 : index
    %swap3A_26 = vector.load %arg8[%swap3A_24, %swap3A_25] : memref<10000x128xf32, #tpu.memory_space<vmem>>, vector<10000x128xf32>
    tpu.vector_store %arg8[%swap3A_24, %swap3A_25], %add3A_23 {strides = array<i32>} : memref<10000x128xf32, #tpu.memory_space<vmem>>, vector<10000x128xf32>,
    %get3A_27 = arith.constant 0 : index
    %get3A_28 = arith.constant 0 : index
    %get3A_29 = vector.load %arg5[%get3A_27, %get3A_28] : memref<128x128xf32, #tpu.memory_space<vmem>>, vector<128x128xf32>
    %dot_general3A_30 = arith.constant dense<0.000000e+00> : vector<10000x128xf32>
    %dot_general3A_31 = tpu.matmul %get3A_1, %get3A_29, %dot_general3A_30 {dimension_numbers = #tpu.dot_dimension_numbers<[1], [0], [0], [1], [0, 0, 1, 1], [], []>, transpose_lhs_hint = false} : vector<10000x128xf32>, vector<128x128xf32>, vector<10000x128xf32> -> vector<10000x128xf32>
    %get3A_32 = arith.constant 0 : index
    %get3A_33 = arith.constant 0 : index
    %get3A_34 = vector.load %arg6[%get3A_32, %get3A_33] : memref<1x128xf32, #tpu.memory_space<vmem>>, vector<1x128xf32>
    %add3A_35 = vector.broadcast %get3A_34 : vector<1x128xf32> to vector<10000x128xf32>
    %add3A_36 = arith.addf %dot_general3A_31, %add3A_35 : vector<10000x128xf32>
    %swap3A_37 = arith.constant 0 : index
    %swap3A_38 = arith.constant 0 : index
    %swap3A_39 = vector.load %arg9[%swap3A_37, %swap3A_38] : memref<10000x128xf32, #tpu.memory_space<vmem>>, vector<10000x128xf32>
    tpu.vector_store %arg9[%swap3A_37, %swap3A_38], %add3A_36 {strides = array<i32>} : memref<10000x128xf32, #tpu.memory_space<vmem>>, vector<10000x128xf32>,
    return
  }
}

</mosaic_0001>

<sc_bundles>
// kernel: kernel.6.cloned.1.call-start
scs
__scs_entry_jumppad:
0x0: {  	(pc) =	sbr.rel $0x88, $3  }
0x1: {  	(tag) =	ssettag $0x0;
	lr =	simm.s32 $0x1  }
0x2: {  	[smem:$0x3F8F] =	sst lr;
	_ =	strace $0xD0000000  }
0x3: {  	_ = 	snop  }
0x4: {  	_ = 	snop  }
0x5: {  	_ = 	snop  }
0x6: {  	_ = 	snop  }
0x7: {  	_ = 	snop  }
__scs_overlays_trampoline_lowered:
0x8: {  	[smem:$0x3F9E] =	sst s0  }
0x9: {  	[smem:$0x3F9F] =	sst s1  }
0xa: {  	[smem:$0x3FA0] =	sst s2  }
0xb: {  	[smem:$0x3FA1] =	sst s3  }
0xc: {  	[smem:$0x3FA2] =	sst s4  }
0xd: {  	[smem:$0x3FA3] =	sst s5  }
0xe: {  	[smem:$0x3FA4] =	sst s6  }
0xf: {  	[smem:$0x3FA5] =	sst s7  }
0x10: {  	[smem:$0x3FA6] =	sst s8  }
0x11: {  	[smem:$0x3FA7] =	sst s9;
	s0 =	simm.s32 @!p0 $0x0  }
0x12: {  	s1 =	sld [smem:$0x3F8D];
	s0 =	simm.s32 @p0 $0x1  }
0x13: {  	[smem:$0x3FA8] =	sst s0;
	s0 =	simm.s32 @!p1 $0x0  }
0x14: {  	s2 =	sld [smem:$0x3F8C];
	s0 =	simm.s32 @p1 $0x1  }
0x15: {  	[smem:$0x3FA9] =	sst s0;
	s0 =	simm.s32 @!p2 $0x0  }
0x16: {  	s3 =	sld [smem:$0x3FDB];
	s0 =	simm.s32 @p2 $0x1  }
0x17: {  	s4 =	simm.s32 $0x1BF5;
	[smem:$0x3FAB] =	sst s0  }
0x18: {  	s0 =	sld [smem:$0x3F8E];
	_ =	swait.ge [sflag:s4], $0x0  }
0x19: {  	s7 =	sld [smem:$0x3F8F]  }
0x1a: {  	s8 =	sadd.s32 $0xFFFFE003, lr  }
0x1b: {  	s9 =	sadd.s32 $0xFFFFFEF7, lr;
	s5 =	simm.s32 $0xFFFFFFFF;
	p2 =	slt.u32 s8, $0xFFFFF086  }
0x1c: {  	p1 =	slt.u32 s9, $0xF7A;
	s5 =	simm.s32 @!p2 $0x0  }
0x1d: {  	s5 =	simm.s32 @p1 $0x1;
	p0 =	seq.s32 s7, s2  }
0x1e: {  	s7 =	smul.u32 @!p0 $0xF7A, s2;
	p2 =	seq.s32 @!p0 s5, $0x0  }
0x1f: {  	s9 =	smul.u32 $0xF7A, s1;
	s8 =	simm.s32 @!p0 $0x1BF5;
	p2 =	por !p2, p0  }
0x20: {  	[sflag:s8] =	ssyncset.s32 @!p0 $0xFFFFF086;
	s6 =	sadd.s32 @!p0 s3, s7;
	s7 =	simm.s32 @!p0 $0x108  }
0x21: {  	s3 =	sadd.s32 s3, s9;
	s6 =	sadd.s32 @!p0 $0x88, s6;
	s7 =	simm.s32 @p2 $0x1082  }
0x22: {  	[simem:s7], [sflag:s8] =	dma.local @!p0 [hbm:s6], $0xF7A  }
0x23: {  	s9 =	sor.u32 $0xD0000000, s2;
	s6 =	simm.s32 $0x108;
	_ =	swait.ge @!p0 [sflag:s8], $0x0  }
0x24: {  	s3 =	sadd.s32 $0x88, s3;
	s6 =	simm.s32 @!p1 $0x1082;
	[sflag:s4] =	ssyncset.s32 $0xFFFFF086  }
0x25: {  	[simem:s6], [sflag:s4] =	dma.local [hbm:s3], $0xF7A  }
0x26: {  	[smem:$0x3F8F] =	sst s1;
	(tag) =	ssettag s2;
	_ =	strace s9  }
0x27: {  	s1 =	sld [smem:$0x3F9F]  }
0x28: {  	s2 =	sld [smem:$0x3FA0]  }
0x29: {  	s4 =	sld [smem:$0x3FA2]  }
0x2a: {  	p0 =	seq.s32 s5, $0x0;
	s5 =	sld [smem:$0x3FA3]  }
0x2b: {  	s6 =	sld [smem:$0x3FA4]  }
0x2c: {  	s7 =	sld [smem:$0x3FA5]  }
0x2d: {  	s3 =	simm.s32 $0x108;
	s8 =	sld [smem:$0x3FA6]  }
0x2e: {  	s3 =	simm.s32 @!p0 $0x1082;
	s9 =	sld [smem:$0x3FA7]  }
0x2f: {  	lr =	sadd.s32 s0, s3;
	s0 =	sld [smem:$0x3F9E]  }
0x30: {  	s3 =	sld [smem:$0x3FA1]  }
0x31: {  	[smem:$0x3FAA] =	sst s10  }
0x32: {  	s10 =	sld [smem:$0x3FA8];
	_ =	sdelay $0x3  }
0x33: {  	p0 =	seq.s32 s10, $0x1;
	s10 =	sld [smem:$0x3FAA];
	_ =	sdelay $0x3  }
0x34: {  	[smem:$0x3FAA] =	sst s10  }
0x35: {  	s10 =	sld [smem:$0x3FA9];
	_ =	sdelay $0x3  }
0x36: {  	p1 =	seq.s32 s10, $0x1;
	s10 =	sld [smem:$0x3FAA];
	_ =	sdelay $0x3  }
0x37: {  	[smem:$0x3FAA] =	sst s10  }
0x38: {  	s10 =	sld [smem:$0x3FAB]  }
0x39: {  	_ = 	snop;
	(pc) =	sbr.ind lr, $3  }
0x3a: {  	_ = 	snop  }
0x3b: {  	_ = 	snop  }
0x3c: {  	p2 =	seq.s32 s10, $0x1;
	s10 =	sld [smem:$0x3FAA]  }
0x3d: {  	_ =	shalt  }
0x3e: {  	_ =	shalt  }
0x3f: {  	_ =	shalt  }
0x40: {  	_ =	shalt  }
0x41: {  	_ =	shalt  }
0x42: {  	_ =	shalt  }
0x43: {  	_ =	shalt  }
0x44: {  	_ =	shalt  }
0x45: {  	_ =	shalt  }
0x46: {  	_ =	shalt  }
0x47: {  	_ =	shalt  }
0x48: {  	_ =	shalt  }
0x49: {  	_ =	shalt  }
0x4a: {  	_ =	shalt  }
0x4b: {  	_ =	shalt  }
0x4c: {  	_ =	shalt  }
0x4d: {  	_ =	shalt  }
0x4e: {  	_ =	shalt  }
0x4f: {  	_ =	shalt  }
0x50: {  	_ =	shalt  }
0x51: {  	_ =	shalt  }
0x52: {  	_ =	shalt  }
0x53: {  	_ =	shalt  }
0x54: {  	_ =	shalt  }
0x55: {  	_ =	shalt  }
0x56: {  	_ =	shalt  }
0x57: {  	_ =	shalt  }
0x58: {  	_ =	shalt  }
0x59: {  	_ =	shalt  }
0x5a: {  	_ =	shalt  }
0x5b: {  	_ =	shalt  }
0x5c: {  	_ =	shalt  }
0x5d: {  	_ =	shalt  }
0x5e: {  	_ =	shalt  }
0x5f: {  	_ =	shalt  }
0x60: {  	_ =	shalt  }
0x61: {  	_ =	shalt  }
0x62: {  	_ =	shalt  }
0x63: {  	_ =	shalt  }
0x64: {  	_ =	shalt  }
0x65: {  	_ =	shalt  }
0x66: {  	_ =	shalt  }
0x67: {  	_ =	shalt  }
0x68: {  	_ =	shalt  }
0x69: {  	_ =	shalt  }
0x6a: {  	_ =	shalt  }
0x6b: {  	_ =	shalt  }
0x6c: {  	_ =	shalt  }
0x6d: {  	_ =	shalt  }
0x6e: {  	_ =	shalt  }
0x6f: {  	_ =	shalt  }
0x70: {  	_ =	shalt  }
0x71: {  	_ =	shalt  }
0x72: {  	_ =	shalt  }
0x73: {  	_ =	shalt  }
0x74: {  	_ =	shalt  }
0x75: {  	_ =	shalt  }
0x76: {  	_ =	shalt  }
0x77: {  	_ =	shalt  }
0x78: {  	_ =	shalt  }
0x79: {  	_ =	shalt  }
0x7a: {  	_ =	shalt  }
0x7b: {  	_ =	shalt  }
0x7c: {  	_ =	shalt  }
0x7d: {  	_ =	shalt  }
0x7e: {  	_ =	shalt  }
0x7f: {  	_ =	shalt  }
0x80: {  	_ =	shalt  }
0x81: {  	_ =	shalt  }
0x82: {  	_ =	shalt  }
0x83: {  	_ =	shalt  }
0x84: {  	_ =	shalt  }
0x85: {  	_ =	shalt  }
0x86: {  	_ =	shalt  }
0x87: {  	_ =	shalt  }
.Lfunc_end0:
.L_simem_size_0:
called_computation_lowered:
.L_overlay_start_0:
0x88: {  	s2 =	sld [smem:$0x3FD9]  }
0x89: {  	s3 =	sld [smem:$0x3FFE];
	_ =	sdelay $0x1  }
0x8a: {  	s1 =	srdreg.scid  }
0x8b: {  	s0 =	sand.u32 $0x1, s1  }
0x8c: {  	s17 =	sshll.u32 s0, $0xA;
	s2 =	sadd.s32 s3, s2  }
0x8d: {  	s2 =	sadd.s32 s2, s17  }
0x8e: {  	[smem:$0x3FB6] =	sst s2  }
0x8f: {  	_ = 	snop  }
0x90: {  	s2 =	sld [smem:$0x3FD0];
	(tm) =	ssettm $0x1  }
0x91: {  	s18 =	sld [smem:$0x3FFB];
	_ =	sdelay $0x3  }
0x92: {  	_ =	strace s18  }
0x93: {  	s3 =	sld [smem:$0x3FFC];
	_ =	sdelay $0x3  }
0x94: {  	_ =	strace s3  }
0x95: {  	s3 =	sld [smem:$0x3FFD];
	_ =	sdelay $0x3  }
0x96: {  	_ =	strace s3  }
0x97: {  	_ =	strace $0x8FFFFFFF  }
0x98: {  	s19 =	sld [smem:$0x3FDB];
	_ =	sdelay $0x1  }
0x99: {  	s4 =	simm.s32 $_scs_section_size  }
0x9a: {  	s5 =	simm.s32 $_size__tile_overlayer_lowered;
	s6 =	simm.s32 $_tile_overlayer_lowered  }
0x9b: {  	s22 =	simm.s32 $0x1BFF;
	s21 =	sshll.u32 s6, $0x1;
	s3 =	sadd.s32 s4, s19  }
0x9c: {  	s7 =	simm.s32 $0x0;
	s20 =	sshll.u32 s5, $0x1;
	s5 =	sadd.s32 s21, s3  }
0x9d: {  	[timem:s7], [sflag:s22] =	dma.local [hbm:s5], s20  }
0x9e: {  	_ =	swait.ge [sflag:s22], s20  }
0x9f: {  	s4 =	ssub.s32 $0x0, s20;
	[sflag:s22] =	ssyncset.done $0x0  }
0xa0: {  	[sflag:s22] =	ssyncadd.s32 s4;
	_ =	sdelay $0x1  }
0xa1: {  	s23 =	simm.s32 $0x1B8B  }
0xa2: {  	_ =	swait.ge [sflag:s23], $0x1  }
0xa3: {  	[sflag:s23] =	ssyncset.done $0x0  }
0xa4: {  	s25 =	simm.s32 $0x1B8E;
	s24 =	sld [smem:$0x3FFE];
	[sflag:s23] =	ssyncadd.s32 $0xFFFFFFFF  }
0xa5: {  	s26 =	simm.s32 $execute0_lowered;
	[smem:$0x3FD2] =	sst s25  }
0xa6: {  	s5 =	sshll.u32 s26, $0x1;
	_ =	strace $0x80000046;
	[dreg:$0x1] =	wrdreg $0xFFFFFFFF  }
0xa7: {  	s28 =	simm.s32 $_size_execute0_lowered;
	s3 =	sadd.s32 s3, s5;
	[dreg:$0x0] =	wrdreg $0x0  }
0xa8: {  	s5 =	sshll.u32 s28, $0x1;
	[dreg:$0x2] =	wrdreg s3  }
0xa9: {  	[dreg:$0x3] =	wrdreg s5  }
0xaa: {  	[dreg:$0x4] =	wrdreg $0xC0  }
0xab: {  	_ =	task [dreg:s7], $0x5FFFF  }
0xac: {  	[dreg:$0x1] =	wrdreg $0xFFFFFFFF  }
0xad: {  	[dreg:$0x0] =	wrdreg $0x60  }
0xae: {  	[dreg:$0x2] =	wrdreg s24  }
0xaf: {  	[dreg:$0x3] =	wrdreg s2  }
0xb0: {  	[dreg:$0x4] =	wrdreg $0x0  }
0xb1: {  	[dreg:$0x5] =	wrdreg $0x9  }
0xb2: {  	_ =	task.clear_ibuf [dreg:s7], $0x6FFFF;
	_ =	strace $0x90000046  }
0xb3: {  	s29 =	simm.s32 $0x9;
	_ =	strace $0x80000048  }
0xb4: {  	_ =	swait.ge [sflag:s29], $0x1  }
0xb5: {  	[sflag:s29] =	ssyncadd.s32 $0xFFFFFFFF  }
0xb6: {  	_ =	strace $0x90000048  }
0xb7: {  	_ =	sfence  }
0xb8: {  	s30 =	sld [smem:$0x0];
	_ =	sdelay $0x2  }
0xb9: {  	s31 =	sshll.u32 s1, $0xD;
	s1 =	sshrl.u32 s1, $0x2  }
0xba: {  	s3 =	sand.u32 $0x4000, s31;
	s1 =	sadd.s32 s1, s30  }
0xbb: {  	s0 =	sor.u32 s3, s0;
	s1 =	sshll.u32 s1, $0x11  }
0xbc: {  	s0 =	sor.u32 s1, s0  }
0xbd: {  	s0 =	sadd.s32 $0x8F2B, s0  }
0xbe: {  	[sflag:s0] =	ssyncadd.remote.s32 $0x1  }
0xbf: {  	_ =	sfence.sel $0xFFFF  }
0xc0: {  	[dreg:$0x0] =	wrdreg $0xFFFFFFFF;
	(pc) =	sbr.abs _section_cstart, $3  }
0xc1: {  	[dreg:$0x1] =	wrdreg $0xFFFFFFFF  }
0xc2: {  	_ =	task.clear_ibuf [dreg:s7], $0x2FFFF;
	_ =	strace $0x9FFFFFFF  }
0xc3: {  	(tm) =	ssettm $0x7FFFFFFF  }
tec
execute0_lowered:
.L_overlay_start_1:
0x0: {  	(tag) =	ssettag $0x1  }
0x1: {  	s0 =	rddreg [dreg:$0x0]  }
0x2: {  	s28 =	rddreg [dreg:$0x1]  }
0x3: {  	s2 =	rddreg [dreg:$0x2];
	s11 =	simm.s32 $0x0  }
0x4: {  	s1 =	srdreg.scid;
	s10 =	stileid.u32;
	s16 =	simm.s32 $0x1AA00  }
0x5: {  	s17 =	simm.s32 $0xB;
	s14 =	simm.s32 $0x17A00;
	s12 =	simm.s32 $0x19A00  }
0x6: {  	s29 =	simm.s32 $0x1;
	s30 =	simm.s32 $0x2;
	s31 =	simm.s32 $0x3  }
0x7: {  	[smem:$0x7FF] =	sst s11;
	s1 =	sand.u32 $0x1, s1;
	s5 =	sadd.s32 $0xCA00, s0  }
0x8: {  	s6 =	sadd.s32 $0x2C00, s0;
	s4 =	smul.u32 $0x16800, s10;
	s7 =	sadd.s32 $0x16800, s0  }
0x9: {  	s8 =	sadd.s32 $0x3DA00, s0;
	s9 =	sshll.u32 s10, $0x1;
	s21 =	smul.u32 $0x5A000, s10  }
0xa: {  	s3 =	smul.u32 $0x168000, s1;
	s20 =	sor.u32 s1, s9;
	s1 =	ssub.s32 $0x2, s1  }
0xb: {  	v0 =	vimm.s32 $0xFEDCBA98;
	s10 =	simm.s32 $0x5;
	s22 =	sshrl.u32 s1, $0x1;
	s9 =	sshrl.u32 s21, $0x2  }
0xc: {  	v1 =	vimm.s32 $0x76543210;
	v0 =	vunpack.c.l.s4.s8 v0;
	s3 =	sadd.s32 s4, s3;
	s4 =	smul.u32 $0x2710, s20;
	s1 =	ssub.s32 s1, s22  }
0xd: {  	v1 =	vunpack.c.l.s4.s8 v1;
	_ =	strace $0x80000047;
	s9 =	sadd.s32 s9, s2;
	s1 =	smax.u32 s1, $0x1  }
0xe: {  	v0 =	vunpack.c.0.s8.s32 v0;
	s3 =	sshrl.u32 s3, $0x3;
	s25 =	sadd.s32 $0x10, s4;
	[dreg:$0x9] =	wrdreg s1  }
0xf: {  	v1 =	vunpack.c.0.s8.s32 v1;
	s23 =	sshrl.u32 s4, $0x3;
	s26 =	sadd.s32 $0x20, s4;
	[dreg:$0x7] =	wrdreg s25  }
0x10: {  	v2 =	vand.u32 $0xF, v0;
	s0 =	sadd.s32 s3, s0;
	s24 =	sadd.s32 s5, s23;
	[dreg:$0x8] =	wrdreg s26  }
0x11: {  	vm0 =	vmmov $0xffff;
	s4 =	simm.s32 $0x4;
	v1 =	vcombine.low v2, v1;
	v2 =	vlaneseq.u32;
	s3 =	sadd.s32 s6, s23;
	[dreg:$0x5] =	wrdreg s24  }
0x12: {  	vm1 =	vmmov $0xff;
	v0 =	vimm.f32 $0.0e+00;
	s15 =	sadd.s32 $0x64C00, s0;
	v2 =	vand.u32 $0x7, v2;
	[dreg:$0x6] =	wrdreg s3;
	s3 =	simm.s32 $0x8  }
.LBB2_1:
0x13: {  	s0 =	simm.s32 $0x0;
	s1 =	simm.s32 $0x200  }
.LBB2_2:
0x14: {  	p0 =	sne.s32 s1, $0x1E00;
	[tilespmem:s0+$0x1AA70] =	vst v0  }
0x15: {  	[tilespmem:s0+$0x1AA00] =	vst v0  }
0x16: {  	[tilespmem:s0+$0x1AA10] =	vst v0  }
.Ltmp0:
0x17: {  	[tilespmem:s0+$0x1AA20] =	vst v0;
	(pc) =	sbr.rel @p0 .LBB2_2-.Ltmp0, $4  }
0x18: {  	[tilespmem:s0+$0x1AA30] =	vst v0  }
0x19: {  	[tilespmem:s0+$0x1AA40] =	vst v0  }
0x1a: {  	[tilespmem:s0+$0x1AA50] =	vst v0  }
0x1b: {  	[tilespmem:s0+$0x1AA60] =	vst v0;
	s0 =	sshra.s32 s1, $0x2;
	s1 =	sadd.s32 $0x200, s1  }
0x1c: {  	[tilespmem:s0+$0x1AA70] =	vst v0  }
0x1d: {  	[tilespmem:s0+$0x1AA00] =	vst v0  }
0x1e: {  	[tilespmem:s0+$0x1AA10] =	vst v0  }
0x1f: {  	[tilespmem:s0+$0x1AA20] =	vst v0  }
0x20: {  	[tilespmem:s0+$0x1AA30] =	vst v0  }
0x21: {  	[tilespmem:s0+$0x1AA40] =	vst v0  }
0x22: {  	[tilespmem:s0+$0x1AA50] =	vst v0  }
0x23: {  	[dreg:$0x4] =	wrdreg s11;
	[tilespmem:s0+$0x1AA60] =	vst v0;
	s26 =	sadd.s32 $0x0, s9  }
0x24: {  	[spmem:s26] =	stream.linear.scatter [tilespmem:s16], [sflag:$0xB], $0x800, $0x38;
	[tilespmem:$0x1B200] =	vst v63  }
0x25: {  	s0 =	simm.s32 $0x2000;
	_ =	swait.ge [sflag:s17], $0x800  }
.LBB2_4:
0x26: {  	s1 =	sshra.s32 s0, $0x2;
	[sflag:s17] =	ssyncset.done $0x0;
	p0 =	sne.s32 s0, $0x58000  }
.Ltmp1:
0x27: {  	s1 =	sadd.s32 s1, s9;
	[sflag:s17] =	ssyncadd.s32 $0xFFFFF800;
	(pc) =	sbr.rel @p0 .LBB2_4-.Ltmp1, $3  }
0x28: {  	[spmem:s1] =	stream.linear.scatter [tilespmem:s16], [sflag:$0xB], $0x800, $0x38;
	[tilespmem:$0x1B200] =	vst v63  }
0x29: {  	s0 =	sadd.s32 $0x2000, s0;
	_ =	sdelay $0x1  }
0x2a: {  	_ =	swait.ge [sflag:s17], $0x800  }
0x2b: {  	[sflag:s17] =	ssyncset.done $0x0  }
0x2c: {  	[sflag:s17] =	ssyncadd.s32 $0xFFFFF800  }
0x2d: {  	[bflag:$0x0] =	sbarrier.arrive $0xFFFF  }
0x2e: {  	s24 =	simm.s32 $0x0;
	s1 =	simm.s32 $0x16800;
	s0 =	rddreg [dreg:$0x5]  }
0x2f: {  	[tilespmem:s1], [sflag:$0xB] =	stream.linear.gather [hbm4b:s0+s24], $0x10, $0x38;
	[tilespmem:$0x1B200] =	vst v63  }
0x30: {  	_ =	swait.ge [sflag:s17], $0x10  }
0x31: {  	[sflag:s17] =	ssyncset.done $0x0  }
0x32: {  	s23 =	simm.s32 $0x16880;
	s22 =	rddreg [dreg:$0x6];
	[sflag:s17] =	ssyncadd.s32 $0xFFFFFFF0  }
0x33: {  	[tilespmem:s23], [sflag:$0xB] =	stream.linear.gather [hbm4b:s22+s24], $0x10, $0x38;
	[tilespmem:$0x1B200] =	vst v63  }
0x34: {  	_ =	swait.ge [sflag:s17], $0x10  }
0x35: {  	[sflag:s17] =	ssyncset.done $0x0  }
0x36: {  	[sflag:s17] =	ssyncadd.s32 $0xFFFFFFF0  }
0x37: {  	v3 =	vld [tilespmem:$0x16800];
	_ =	sdelay $0x1  }
0x38: {  	v4 =	vld [tilespmem:$0x16880];
	_ =	sdelay $0x4  }
0x39: {  	s25 =	simm.s32 $0x16A00  }
0x3a: {  	[tilespmem:s25], [sflag:$0x1] =	stream.indirect_vreg.gather [hbm4b:s28+s24], $0x80, v3, vm0, $0xb8;
	[tilespmem:$0x1B200] =	vst v63  }
0x3b: {  	s26 =	simm.s32 $0x17200  }
0x3c: {  	[tilespmem:s26], [sflag:$0x2] =	stream.indirect_vreg.gather [hbm4b:s7+s24], $0x80, v4, vm0, $0xb8;
	[tilespmem:$0x1B200] =	vst v63  }
0x3d: {  	s25 =	simm.s32 $0x0  }
0x3e: {  	[tilespmem:s14], [sflag:$0x3] =	stream.indirect_vreg.gather [hbm4b:s8+s24], $0x80, v4, vm0, $0xb8;
	[tilespmem:$0x1B200] =	vst v63  }
.LBB2_6:
0x3f: {  	p0 =	seq.s32 s25, $0x0  }
0x40: {  	s0 =	simm.s32 @!p0 $0x9  }
0x41: {  	_ =	swait.ge @!p0 [sflag:s0], $0x800  }
0x42: {  	[sflag:s0] =	ssyncset.done @!p0 $0x0  }
0x43: {  	[sflag:s0] =	ssyncadd.s32 @!p0 $0xFFFFF800;
	s0 =	simm.s32 @!p0 $0xA  }
0x44: {  	_ =	swait.ge @!p0 [sflag:s0], $0x800  }
0x45: {  	s26 =	sshll.u32 s25, $0x5;
	s1 =	rddreg [dreg:$0x7]  }
0x46: {  	s1 =	sadd.s32 s26, s1  }
0x47: {  	[sflag:s0] =	ssyncset.done @!p0 $0x0;
	s1 =	sshrl.u32 s1, $0x3  }
0x48: {  	s11 =	simm.s32 $0x16900;
	[sflag:s0] =	ssyncadd.s32 @!p0 $0xFFFFF800;
	s13 =	sadd.s32 s5, s1  }
0x49: {  	[tilespmem:s11], [sflag:$0xB] =	stream.linear.gather [hbm4b:s13+s24], $0x10, $0x38;
	[tilespmem:$0x1B200] =	vst v63  }
0x4a: {  	_ =	swait.ge [sflag:s17], $0x10  }
0x4b: {  	[sflag:s17] =	ssyncset.done $0x0  }
0x4c: {  	s18 =	simm.s32 $0x16980;
	s14 =	sadd.s32 s6, s1;
	[sflag:s17] =	ssyncadd.s32 $0xFFFFFFF0  }
0x4d: {  	[tilespmem:s18], [sflag:$0xB] =	stream.linear.gather [hbm4b:s14+s24], $0x10, $0x38;
	[tilespmem:$0x1B200] =	vst v63  }
0x4e: {  	_ =	swait.ge [sflag:s17], $0x10  }
0x4f: {  	[sflag:s17] =	ssyncset.done $0x0  }
0x50: {  	[sflag:s17] =	ssyncadd.s32 $0xFFFFFFF0  }
0x51: {  	v3 =	vld [tilespmem:$0x16900];
	_ =	sdelay $0x1  }
0x52: {  	v4 =	vld [tilespmem:$0x16980];
	_ =	sdelay $0x4  }
0x53: {  	s19 =	simm.s32 $0x18A00  }
0x54: {  	[tilespmem:s19], [sflag:$0x6] =	stream.indirect_vreg.gather [hbm4b:s28+s24], $0x80, v3, vm0, $0xb8;
	[tilespmem:$0x1B200] =	vst v63  }
0x55: {  	s20 =	simm.s32 $0x19200  }
0x56: {  	[tilespmem:s20], [sflag:$0x7] =	stream.indirect_vreg.gather [hbm4b:s7+s24], $0x80, v4, vm0, $0xb8;
	[tilespmem:$0x1B200] =	vst v63  }
0x57: {  	_ = 	snop  }
0x58: {  	[tilespmem:s12], [sflag:$0x8] =	stream.indirect_vreg.gather [hbm4b:s8+s24], $0x80, v4, vm0, $0xb8;
	[tilespmem:$0x1B200] =	vst v63  }
0x59: {  	_ =	swait.ge [sflag:s29], $0x800  }
0x5a: {  	[sflag:s29] =	ssyncset.done $0x0  }
0x5b: {  	[sflag:s29] =	ssyncadd.s32 $0xFFFFF800  }
0x5c: {  	_ =	swait.ge [sflag:s30], $0x800  }
0x5d: {  	[sflag:s30] =	ssyncset.done $0x0  }
0x5e: {  	[sflag:s30] =	ssyncadd.s32 $0xFFFFF800  }
0x5f: {  	_ =	swait.ge [sflag:s31], $0x800  }
0x60: {  	[sflag:s31] =	ssyncset.done $0x0  }
0x61: {  	[sflag:s31] =	ssyncadd.s32 $0xFFFFF800  }
0x62: {  	s21 =	simm.s32 $0x16A80;
	v3 =	vld [tilespmem:$0x16800]  }
0x63: {  	s22 =	simm.s32 $0x17280;
	v4 =	vld [tilespmem:s21+$0x30]  }
0x64: {  	v5 =	vld [tilespmem:s22+$0x70]  }
0x65: {  	v7 =	vld [tilespmem:s22+$0x30]  }
0x66: {  	v8 =	vld [tilespmem:s21+$0xFFFFFFF0]  }
0x67: {  	v9 =	vld [tilespmem:s22+$0xFFFFFFF0]  }
0x68: {  	v10 =	vld [tilespmem:s22+$0xFFFFFFE0]  }
0x69: {  	v13 =	vld [tilespmem:s22+$0xFFFFFFC0]  }
0x6a: {  	v15 =	vld [tilespmem:s22+$0xFFFFFFB0]  }
0x6b: {  	v18 =	vld [tilespmem:s22+$0xFFFFFFA0]  }
0x6c: {  	v19 =	vld [tilespmem:s21+$0xFFFFFFA0]  }
0x6d: {  	v22 =	vld [tilespmem:s22+$0x10]  }
0x6e: {  	v24 =	vld [tilespmem:s22+$0xFFFFFF90]  }
0x6f: {  	v26 =	vld [tilespmem:s21+$0xFFFFFF90]  }
0x70: {  	v28 =	vld [tilespmem:s21+$0x10]  }
0x71: {  	v30 =	vld [tilespmem:s22+$0x0]  }
0x72: {  	v32 =	vld [tilespmem:s21+$0x0]  }
0x73: {  	v16 =	vld [tilespmem:s21+$0xFFFFFFB0]  }
0x74: {  	v14 =	vld [tilespmem:s21+$0xFFFFFFC0]  }
0x75: {  	v11 =	vld [tilespmem:s21+$0xFFFFFFE0];
	v3 =	vand.u32 $0x7, v3;
	v24 =	vmul.f32 v24, v26;
	v18 =	vmul.f32 v18, v19  }
0x76: {  	s23 =	simm.s32 $0x1;
	v6 =	vld [tilespmem:s21+$0x70];
	v22 =	vmul.f32 v22, v28;
	v3 =	vcvt.s32.f32 v3  }
0x77: {  	v17 =	vmov s23;
	v20 =	vld [tilespmem:s21+$0xFFFFFF80];
	v28 =	vmul.f32 v30, v32;
	v4 =	vmul.f32 v7, v4  }
0x78: {  	v15 =	vmul.f32 v15, v16;
	v21 =	vperm.xlane v3, v17;
	v17 =	vld [tilespmem:s22+$0xFFFFFF80]  }
0x79: {  	v8 =	vmul.f32 v9, v8;
	v13 =	vmul.f32 v13, v14;
	v22 =	vadd.f32 v22, v28  }
0x7a: {  	v35 =	vld [tilespmem:s22+$0x20];
	v10 =	vmul.f32 v10, v11;
	v23 =	vadd.f32 $-7.000000000e+00, v21;
	v27 =	vadd.f32 $-5.000000000e+00, v21  }
0x7b: {  	v36 =	vld [tilespmem:s21+$0x20];
	v6 =	vmul.f32 v5, v6;
	v25 =	vadd.f32 $-2.000000000e+00, v21;
	v29 =	vadd.f32 $-4.000000000e+00, v21  }
0x7c: {  	v60 =	vld [tilespmem:s22+$0x40];
	v33 =	vadd.f32 $-6.000000000e+00, v21;
	v23 =	vmul.f32 v23, v23;
	v27 =	vmul.f32 v27, v27  }
0x7d: {  	v7 =	vld [tilespmem:s21+$0x40];
	v34 =	vadd.f32 $-3.000000000e+00, v21;
	v25 =	vmul.f32 v25, v25;
	v20 =	vmul.f32 v17, v20  }
0x7e: {  	v29 =	vmul.f32 v29, v29;
	v26 =	vsub.f32 $1.000000000e+00, v27;
	v27 =	vmul.f32 v33, v33  }
0x7f: {  	v19 =	vld [tilespmem:s22+$0xFFFFFFD0];
	v59 =	vmul.f32 v34, v34;
	v31 =	vsub.f32 $1.000000000e+00, v23;
	v20 =	vadd.f32 v24, v20  }
0x80: {  	v23 =	vmul.f32 v21, v21;
	v25 =	vsub.f32 $1.000000000e+00, v25;
	v24 =	vsub.f32 $1.000000000e+00, v27;
	v27 =	vld [tilespmem:s21+$0xFFFFFFD0]  }
0x81: {  	v9 =	vld [tilespmem:s21+$0x50];
	v16 =	vadd.f32 v18, v20;
	v18 =	vadd.f32 $-1.000000000e+00, v21;
	v21 =	vmul.f32 v35, v36  }
0x82: {  	s11 =	smov.u32 s28;
	s28 =	simm.s32 $0x3;
	v7 =	vmul.f32 v60, v7;
	v17 =	vsub.f32 $1.000000000e+00, v29;
	v28 =	vsub.f32 $1.000000000e+00, v59;
	v20 =	vld [tilespmem:s22+$0x50]  }
0x83: {  	v12 =	vld [tilespmem:s22+$0x60];
	v14 =	vadd.f32 v15, v16;
	v16 =	vmov s28;
	v21 =	vadd.f32 v21, v22  }
0x84: {  	v48 =	vmax.f32 v31, $0.0e+00;
	v15 =	vld [tilespmem:s21+$0x60];
	v18 =	vmul.f32 v18, v18;
	v16 =	vperm.xlane v3, v16  }
0x85: {  	s20 =	simm.s32 $0x16B80;
	v13 =	vadd.f32 v13, v14;
	v14 =	vmul.f32 v19, v27;
	v4 =	vadd.f32 v4, v21  }
0x86: {  	v37 =	vld [tilespmem:s20+$0x50];
	v42 =	vmax.f32 v25, $0.0e+00;
	v18 =	vsub.f32 $1.000000000e+00, v18;
	v5 =	vadd.f32 $-7.000000000e+00, v16  }
0x87: {  	v39 =	vld [tilespmem:s20+$0x40];
	v9 =	vmul.f32 v20, v9;
	v11 =	vadd.f32 v14, v13;
	v4 =	vadd.f32 v7, v4  }
0x88: {  	v40 =	vld [tilespmem:s20+$0xFFFFFFA0];
	v32 =	vmax.f32 v17, $0.0e+00;
	v20 =	vadd.f32 $-6.000000000e+00, v16;
	v13 =	vadd.f32 $-2.000000000e+00, v16  }
0x89: {  	v30 =	vld [tilespmem:s20+$0xFFFFFFE0];
	v7 =	vmul.f32 v12, v15;
	v10 =	vadd.f32 v10, v11;
	v9 =	vadd.f32 v9, v4  }
0x8a: {  	v25 =	vmax.f32 v24, $0.0e+00;
	v19 =	vld [tilespmem:s20+$0xFFFFFFF0];
	v27 =	vadd.f32 $-3.000000000e+00, v16;
	v14 =	vadd.f32 $-5.000000000e+00, v16  }
0x8b: {  	s21 =	simm.s32 $0x17380;
	v12 =	vld [tilespmem:s20+$0x30];
	v13 =	vmul.f32 v13, v13;
	v10 =	vadd.f32 v8, v10;
	v7 =	vadd.f32 v7, v9  }
0x8c: {  	v62 =	vadd.f32 $-1.000000000e+00, v16;
	v5 =	vmul.f32 v5, v5;
	v15 =	vld [tilespmem:s21+$0x30];
	v14 =	vmul.f32 v14, v14  }
0x8d: {  	v4 =	vsub.f32 $1.000000000e+00, v13;
	v13 =	vld [tilespmem:s21+$0xFFFFFFF0];
	v21 =	vperm.xlane v10, v1;
	v29 =	vadd.f32 v6, v7  }
0x8e: {  	v22 =	vld [tilespmem:s21+$0xFFFFFFE0];
	v9 =	vadd.f32 $-4.000000000e+00, v16;
	v8 =	vmul.f32 v16, v16;
	v16 =	vmov s24  }
0x8f: {  	v58 =	vld [tilespmem:s21+$0xFFFFFFA0];
	v57 =	vperm.xlane v3, v16;
	v10 =	vadd.f32 v10, v21;
	v21 =	vperm.xlane v29, v1  }
0x90: {  	v11 =	vld [tilespmem:s21+$0x70];
	v6 =	vmul.f32 v9, v9;
	v7 =	vmul.f32 v20, v20;
	v9 =	vsub.f32 $1.000000000e+00, v14  }
0x91: {  	v20 =	vld [tilespmem:s20+$0x70];
	v14 =	vmul.f32 v27, v27;
	v15 =	vmul.f32 v15, v12;
	v21 =	vadd.f32 v29, v21  }
0x92: {  	v27 =	vld [tilespmem:s21+$0x60];
	v44 =	vadd.f32 $-3.000000000e+00, v57;
	v12 =	vmul.f32 v13, v19;
	v10 =	vnsel vm1, $0x0, v10  }
0x93: {  	v19 =	vld [tilespmem:s21+$0xFFFFFFC0];
	v61 =	vmul.f32 $1.442695020e+00, v10;
	v10 =	vsub.f32 $1.000000000e+00, v14;
	v14 =	vnsel vm1, $0x0, v21  }
0x94: {  	v41 =	vmax.f32 v18, $0.0e+00;
	v13 =	vmul.f32 v22, v30;
	v22 =	vld [tilespmem:s20+$0xFFFFFFC0];
	v30 =	vmul.f32 $1.442695020e+00, v14  }
0x95: {  	v5 =	vsub.f32 $1.000000000e+00, v5;
	v49 =	vmul.f32 v44, v44;
	v29 =	vld [tilespmem:s20+$0x60];
	(erf) = vpow2.f32 v61  }
0x96: {  	v47 =	vld [tilespmem:s20+$0x20];
	v24 =	vadd.f32 $-2.000000000e+00, v57;
	v6 =	vsub.f32 $1.000000000e+00, v6;
	(erf) = vpow2.f32 v30  }
0x97: {  	v52 =	vld [tilespmem:s20+$0x10];
	v34 =	vmul.f32 v58, v40;
	v7 =	vsub.f32 $1.000000000e+00, v7;
	v36 =	vsub.f32 $1.000000000e+00, v49  }
0x98: {  	v21 =	vmax.f32 v26, $0.0e+00;
	v26 =	vld [tilespmem:s20+$0xFFFFFFB0];
	v14 =	vmul.f32 v11, v20;
	v11 =	vsub.f32 $1.000000000e+00, v23  }
0x99: {  	v20 =	vld [tilespmem:s21+$0xFFFFFFB0];
	v23 =	vmax.f32 v28, $0.0e+00;
	v19 =	vmul.f32 v19, v22;
	v22 =	vadd.f32 $-6.000000000e+00, v57  }
0x9a: {  	v38 =	vld [tilespmem:s21+$0x40];
	v16 =	vmul.f32 v27, v29;
	v29 =	vadd.f32 $-1.000000000e+00, v57;
	v27 =	vadd.f32 $-4.000000000e+00, v57  }
0x9b: {  	v45 =	vld [tilespmem:s21+$0x20];
	v43 =	vmax.f32 v11, $0.0e+00;
	v11 =	vmul.f32 v62, v62;
	v30 =	vmul.f32 v57, v57  }
0x9c: {  	v50 =	vld [tilespmem:s21+$0x10];
	v28 =	vadd.f32 $-7.000000000e+00, v57;
	v60 =	vmul.f32 v22, v22;
	v59 =	vmul.f32 v27, v27  }
0x9d: {  	v63 =	vld [tilespmem:s21+$0x50];
	v46 =	vsub.f32 $1.000000000e+00, v30;
	v29 =	vmul.f32 v29, v29;
	v30 =	vadd.f32 $-5.000000000e+00, v57  }
0x9e: {  	v22 =	vmul.f32 v20, v26;
	v26 =	vmul.f32 v28, v28;
	v28 =	vsub.f32 $1.000000000e+00, v60;
	v18 =	vpop (erf)  }
0x9f: {  	v31 =	vld [tilespmem:s21+$0xFFFFFF80];
	v61 =	vsub.f32 $1.000000000e+00, v59;
	v53 =	vsub.f32 $1.000000000e+00, v29;
	v29 =	vmul.f32 v38, v39;
	v17 =	vpop (erf)  }
0xa0: {  	v40 =	vld [tilespmem:s21+$0x0];
	v39 =	vmul.f32 v45, v47;
	v47 =	vmul.f32 v24, v24;
	v35 =	vnsel vm1, $0x0, v17  }
0xa1: {  	v44 =	vld [tilespmem:s20+$0xFFFFFF90];
	v33 =	vmax.f32 v46, $0.0e+00;
	v46 =	vmul.f32 v50, v52;
	v62 =	vmul.f32 v35, v41  }
0xa2: {  	s12 =	simm.s32 $0x18280;
	v27 =	vld [tilespmem:s20+$0xFFFFFF80];
	v51 =	vsub.f32 $1.000000000e+00, v26;
	v26 =	vmul.f32 v63, v37;
	v63 =	vmul.f32 v35, v42  }
0xa3: {  	v54 =	vmax.f32 v61, $0.0e+00;
	v20 =	vnsel vm1, $0x0, v18;
	v41 =	vld [tilespmem:s20+$0x0];
	v43 =	vmul.f32 v35, v43;
	[tilespmem:s12+$0x10] =	vst v62  }
0xa4: {  	s23 =	simm.s32 $0x17B80;
	s0 =	simm.s32 $0x2;
	v28 =	vmax.f32 v28, $0.0e+00;
	v37 =	vld [tilespmem:s21+$0xFFFFFFD0];
	v45 =	vmax.f32 v53, $0.0e+00;
	v24 =	vmul.f32 v20, v54;
	[tilespmem:s12+$0x20] =	vst v63  }
0xa5: {  	s13 =	simm.s32 $0x4;
	s18 =	simm.s32 $0x17A80;
	s19 =	simm.s32 $0x18380;
	v38 =	vmax.f32 v51, $0.0e+00;
	v17 =	vperm.xlane v17, v2;
	v42 =	vld [tilespmem:s21+$0xFFFFFF90];
	[tilespmem:s12+$0x0] =	vst v43;
	v43 =	vmul.f32 v35, v48  }
.LBB2_7:
0xa6: {  	s22 =	sadd.s32 $0x1, s13  }
0xa7: {  	v48 =	vld [tilespmem:s20+$0xFFFFFFD0];
	s20 =	sadd.s32 $0x100, s20;
	v45 =	vmul.f32 v20, v45;
	v47 =	vsub.f32 $1.000000000e+00, v47;
	v49 =	vmul.f32 v35, v23;
	s1 =	smov.u32 s13;
	s28 =	sadd.s32 $0x2, s13  }
0xa8: {  	p0 =	slt.u32 s13, $0xE;
	s21 =	sadd.s32 $0x100, s21;
	v38 =	vmul.f32 v20, v38;
	v50 =	vld [tilespmem:s20+$0x30];
	v51 =	vmov s22;
	v40 =	vmul.f32 v40, v41  }
0xa9: {  	v23 =	vld [tilespmem:s21+$0x70];
	v41 =	vperm.xlane v3, v51;
	[tilespmem:s12+$0xFFFFFF90] =	vst v45;
	v45 =	vmax.f32 v47, $0.0e+00;
	v47 =	vmul.f32 v35, v32  }
0xaa: {  	v21 =	vmul.f32 v35, v21;
	v32 =	vld [tilespmem:s20+$0x70];
	v42 =	vmul.f32 v42, v44;
	v40 =	vadd.f32 v46, v40;
	[tilespmem:s12+$0x30] =	vst v49  }
0xab: {  	v27 =	vmul.f32 v31, v27;
	v30 =	vmul.f32 v30, v30;
	v44 =	vld [tilespmem:s21+$0x30];
	v46 =	vadd.f32 $-7.000000000e+00, v41;
	[tilespmem:s12+$0x40] =	vst v47  }
0xac: {  	v25 =	vmul.f32 v35, v25;
	v47 =	vadd.f32 $-2.000000000e+00, v41;
	v31 =	vld [tilespmem:s20+$0xFFFFFFF0];
	v39 =	vadd.f32 v39, v40;
	[tilespmem:s12+$0x70] =	vst v43  }
0xad: {  	v28 =	vmul.f32 v20, v28;
	v40 =	vadd.f32 $-5.000000000e+00, v41;
	v27 =	vadd.f32 v42, v27;
	v35 =	vld [tilespmem:s21+$0xFFFFFFF0];
	[tilespmem:s12+$0x50] =	vst v21  }
0xae: {  	v30 =	vsub.f32 $1.000000000e+00, v30;
	v42 =	vmul.f32 v46, v46;
	v21 =	vld [tilespmem:s21+$0xFFFFFFE0];
	v15 =	vadd.f32 v15, v39;
	[tilespmem:s12+$0x60] =	vst v25  }
0xaf: {  	v25 =	vmul.f32 v47, v47;
	v34 =	vadd.f32 v34, v27;
	v39 =	vmul.f32 v20, v45;
	[tilespmem:s12+$0xFFFFFFE0] =	vst v28;
	v28 =	vld [tilespmem:s18+$0x0]  }
0xb0: {  	v33 =	vmul.f32 v20, v33;
	v40 =	vmul.f32 v40, v40;
	v27 =	vsub.f32 $1.000000000e+00, v42;
	v42 =	vld [tilespmem:s18+$0x10]  }
0xb1: {  	v25 =	vsub.f32 $1.000000000e+00, v25;
	v22 =	vadd.f32 v22, v34;
	v34 =	vmax.f32 v36, $0.0e+00;
	[tilespmem:s12+$0xFFFFFFA0] =	vst v39;
	v36 =	vld [tilespmem:s18+$0x20]  }
0xb2: {  	v15 =	vadd.f32 v29, v15;
	v39 =	vsub.f32 $1.000000000e+00, v40;
	v29 =	vmul.f32 v20, v34;
	[tilespmem:s12+$0xFFFFFF80] =	vst v33;
	v33 =	vld [tilespmem:s18+$0x30]  }
0xb3: {  	v30 =	vmax.f32 v30, $0.0e+00;
	v19 =	vadd.f32 v19, v22;
	v22 =	vmul.f32 v37, v48;
	v34 =	vld [tilespmem:s18+$0x40]  }
0xb4: {  	v37 =	vmul.f32 v41, v41;
	v15 =	vadd.f32 v26, v15;
	[tilespmem:s12+$0xFFFFFFB0] =	vst v29;
	v26 =	vmul.f32 v28, v17;
	v28 =	vld [tilespmem:s18+$0x50]  }
0xb5: {  	v20 =	vmul.f32 v20, v30;
	v29 =	vadd.f32 $-4.000000000e+00, v41;
	v19 =	vadd.f32 v22, v19;
	[tilespmem:s12+$0xFFFFFFF0] =	vst v38;
	v22 =	vld [tilespmem:s18+$0x60]  }
0xb6: {  	v30 =	vadd.f32 $-6.000000000e+00, v41;
	v15 =	vadd.f32 v16, v15;
	v16 =	vmul.f32 v42, v17;
	[tilespmem:s12+$0xFFFFFFC0] =	vst v24;
	v24 =	vld [tilespmem:s18+$0x70]  }
0xb7: {  	v18 =	vperm.xlane v18, v2;
	v29 =	vmul.f32 v29, v29;
	v13 =	vadd.f32 v13, v19;
	v38 =	vld [tilespmem:s20+$0xFFFFFFE0];
	[tilespmem:s12+$0xFFFFFFD0] =	vst v20;
	s12 =	smov.u32 s19  }
0xb8: {  	v19 =	vadd.f32 $-3.000000000e+00, v41;
	v14 =	vadd.f32 v14, v15;
	v15 =	vmul.f32 v36, v17;
	v20 =	vld [tilespmem:s18+$0xFFFFFF90];
	[tilespmem:s18+$0x0] =	vst v26  }
0xb9: {  	v26 =	vmul.f32 v30, v30;
	v12 =	vadd.f32 v12, v13;
	v13 =	vmul.f32 v33, v17;
	v30 =	vld [tilespmem:s18+$0xFFFFFFC0];
	[tilespmem:s18+$0x10] =	vst v16  }
0xba: {  	v29 =	vsub.f32 $1.000000000e+00, v29;
	v33 =	vmul.f32 v34, v17;
	v16 =	vmul.f32 v19, v19;
	v19 =	vld [tilespmem:s18+$0xFFFFFFE0];
	[tilespmem:s18+$0x20] =	vst v15  }
0xbb: {  	v36 =	vperm.xlane v14, v1;
	v26 =	vsub.f32 $1.000000000e+00, v26;
	v34 =	vperm.xlane v12, v1;
	v40 =	vld [tilespmem:s18+$0xFFFFFFD0];
	[tilespmem:s18+$0x30] =	vst v13  }
0xbc: {  	v41 =	vadd.f32 $-1.000000000e+00, v41;
	v15 =	vmul.f32 v44, v50;
	v13 =	vmul.f32 v24, v17;
	v42 =	vld [tilespmem:s18+$0xFFFFFFA0];
	[tilespmem:s18+$0x40] =	vst v33  }
0xbd: {  	v28 =	vmul.f32 v28, v17;
	v14 =	vadd.f32 v14, v36;
	v24 =	vadd.f32 v12, v34;
	v33 =	vld [tilespmem:s18+$0xFFFFFFF0]  }
0xbe: {  	v12 =	vmul.f32 v35, v31;
	v31 =	vsub.f32 $1.000000000e+00, v16;
	v16 =	vmul.f32 v20, v18;
	v20 =	vld [tilespmem:s18+$0xFFFFFFB0];
	[tilespmem:s18+$0x70] =	vst v13  }
0xbf: {  	v17 =	vmul.f32 v22, v17;
	v24 =	vnsel vm1, $0x0, v24;
	v34 =	vld [tilespmem:s18+$0xFFFFFF80];
	v19 =	vmul.f32 v19, v18;
	[tilespmem:s18+$0x50] =	vst v28  }
0xc0: {  	v13 =	vmul.f32 v21, v38;
	v21 =	vnsel vm1, $0x0, v14;
	v22 =	vld [tilespmem:s21+$0x60];
	[tilespmem:s18+$0xFFFFFF90] =	vst v16;
	v16 =	vmul.f32 v40, v18  }
0xc1: {  	v35 =	vsub.f32 $1.000000000e+00, v11;
	v11 =	vmul.f32 v30, v18;
	v24 =	vmul.f32 $1.442695020e+00, v24;
	v28 =	vld [tilespmem:s20+$0x60];
	[tilespmem:s18+$0xFFFFFFE0] =	vst v19  }
0xc2: {  	v14 =	vmul.f32 v23, v32;
	v19 =	vld [tilespmem:s21+$0xFFFFFFC0];
	[tilespmem:s18+$0xFFFFFFD0] =	vst v16;
	v16 =	vmul.f32 v33, v18  }
0xc3: {  	v30 =	vld [tilespmem:s20+$0xFFFFFFC0];
	(erf) = vpow2.f32 v24;
	v20 =	vmul.f32 v20, v18;
	[tilespmem:s18+$0xFFFFFFC0] =	vst v11  }
0xc4: {  	v23 =	vmul.f32 $1.442695020e+00, v21;
	v32 =	vmul.f32 v42, v18;
	v11 =	vmov s0;
	s0 =	smov.u32 s1;
	v24 =	vld [tilespmem:s21+$0x50];
	[tilespmem:s18+$0xFFFFFFF0] =	vst v16  }
0xc5: {  	v21 =	vmax.f32 v9, $0.0e+00;
	v9 =	vmovc v39;
	v36 =	vperm.xlane v3, v11;
	v11 =	vmul.f32 v34, v18;
	v33 =	vld [tilespmem:s20+$0x50];
	[tilespmem:s18+$0xFFFFFFB0] =	vst v20  }
0xc6: {  	v20 =	vsub.f32 $1.000000000e+00, v8;
	v8 =	vmovc v37;
	v18 =	vld [tilespmem:s21+$0xFFFFFFB0];
	v16 =	vmul.f32 v22, v28;
	(erf) = vpow2.f32 v23;
	[tilespmem:s18+$0xFFFFFFA0] =	vst v32  }
0xc7: {  	v28 =	vadd.f32 $-1.000000000e+00, v36;
	v32 =	vadd.f32 $-4.000000000e+00, v36;
	v23 =	vmax.f32 v10, $0.0e+00;
	v10 =	vmovc v31;
	v22 =	vld [tilespmem:s20+$0xFFFFFFB0];
	[tilespmem:s18+$0x60] =	vst v17  }
0xc8: {  	v17 =	vadd.f32 $-7.000000000e+00, v36;
	v43 =	vmax.f32 v20, $0.0e+00;
	v19 =	vmul.f32 v19, v30;
	v37 =	vld [tilespmem:s21+$0x40];
	[tilespmem:s18+$0xFFFFFF80] =	vst v11;
	s18 =	smov.u32 s23  }
0xc9: {  	v48 =	vmax.f32 v5, $0.0e+00;
	v5 =	vmovc v27;
	v20 =	vadd.f32 $-6.000000000e+00, v36;
	v11 =	vmul.f32 v41, v41;
	v38 =	vld [tilespmem:s20+$0x40]  }
0xca: {  	v42 =	vmax.f32 v4, $0.0e+00;
	v4 =	vmovc v25;
	v39 =	vmul.f32 v32, v32;
	v41 =	vmax.f32 v35, $0.0e+00;
	v34 =	vld [tilespmem:s21+$0xFFFFFFA0]  }
0xcb: {  	v30 =	vmul.f32 v36, v36;
	v35 =	vadd.f32 $-3.000000000e+00, v36;
	v32 =	vmul.f32 v20, v20;
	v40 =	vld [tilespmem:s20+$0xFFFFFFA0]  }
0xcc: {  	v25 =	vmax.f32 v7, $0.0e+00;
	v17 =	vmul.f32 v17, v17;
	v27 =	vld [tilespmem:s20+$0xFFFFFF80];
	v22 =	vmul.f32 v18, v22;
	v18 =	vpop (erf)  }
0xcd: {  	v7 =	vmovc v26;
	v46 =	vadd.f32 $-2.000000000e+00, v36;
	v44 =	vsub.f32 $1.000000000e+00, v32;
	v31 =	vld [tilespmem:s21+$0xFFFFFF80];
	v20 =	vnsel vm1, $0x0, v18  }
0xce: {  	v26 =	vmul.f32 v28, v28;
	v47 =	vsub.f32 $1.000000000e+00, v30;
	v32 =	vmax.f32 v6, $0.0e+00;
	v6 =	vmovc v29;
	v45 =	vld [tilespmem:s21+$0x20]  }
0xcf: {  	v50 =	vmul.f32 v35, v35;
	v30 =	vadd.f32 $-5.000000000e+00, v36;
	v28 =	vmax.f32 v44, $0.0e+00;
	v49 =	vld [tilespmem:s20+$0x20];
	v29 =	vpop (erf)  }
0xd0: {  	v39 =	vsub.f32 $1.000000000e+00, v39;
	v44 =	vsub.f32 $1.000000000e+00, v17;
	v36 =	vld [tilespmem:s21+$0x10];
	v35 =	vnsel vm1, $0x0, v29  }
0xd1: {  	v52 =	vsub.f32 $1.000000000e+00, v26;
	v34 =	vmul.f32 v34, v40;
	v17 =	vperm.xlane v29, v2;
	v51 =	vld [tilespmem:s20+$0x10]  }
.Ltmp2:
0xd2: {  	v29 =	vmul.f32 v37, v38;
	v37 =	vmax.f32 v39, $0.0e+00;
	v53 =	vmul.f32 v35, v41;
	v40 =	vld [tilespmem:s21+$0x0];
	(pc) =	sbr.rel @p0 .LBB2_7-.Ltmp2, $4  }
0xd3: {  	v26 =	vmul.f32 v24, v33;
	v38 =	vmax.f32 v44, $0.0e+00;
	v54 =	vmul.f32 v35, v42;
	v41 =	vld [tilespmem:s20+$0x0]  }
0xd4: {  	v33 =	vmax.f32 v47, $0.0e+00;
	v43 =	vmul.f32 v35, v43;
	v42 =	vld [tilespmem:s21+$0xFFFFFF90];
	v39 =	vmul.f32 v45, v49;
	[tilespmem:s19+$0x10] =	vst v53  }
0xd5: {  	v47 =	vmul.f32 v46, v46;
	v24 =	vmul.f32 v20, v37;
	v45 =	vmax.f32 v52, $0.0e+00;
	v44 =	vld [tilespmem:s20+$0xFFFFFF90];
	[tilespmem:s19+$0x20] =	vst v54  }
0xd6: {  	s13 =	smov.u32 s28;
	s23 =	sadd.s32 $0x100, s23;
	s19 =	sadd.s32 $0x100, s19;
	v37 =	vld [tilespmem:s21+$0xFFFFFFD0];
	v46 =	vmul.f32 v36, v51;
	v36 =	vsub.f32 $1.000000000e+00, v50;
	[tilespmem:s12+$0x0] =	vst v43;
	v43 =	vmul.f32 v35, v48  }
0xd7: {  	_ =	sdelay $0x2  }
0xd8: {  	v27 =	vmul.f32 v31, v27;
	v42 =	vmul.f32 v42, v44  }
0xd9: {  	v31 =	vmul.f32 v40, v41  }
0xda: {  	v27 =	vadd.f32 v42, v27  }
0xdb: {  	v63 =	vld [tilespmem:s20+$0xFFFFFFD0];
	v31 =	vadd.f32 v46, v31  }
0xdc: {  	v27 =	vadd.f32 v34, v27  }
0xdd: {  	v31 =	vadd.f32 v39, v31  }
0xde: {  	v22 =	vadd.f32 v22, v27  }
0xdf: {  	v23 =	vmul.f32 v35, v23;
	[tilespmem:s12+$0xFFFFFFC0] =	vst v24;
	v15 =	vadd.f32 v15, v31  }
0xe0: {  	v32 =	vmul.f32 v35, v32;
	[tilespmem:s12+$0x70] =	vst v43;
	v19 =	vadd.f32 v19, v22;
	v22 =	vmul.f32 v37, v63  }
0xe1: {  	v21 =	vmul.f32 v35, v21;
	[tilespmem:s12+$0x30] =	vst v23;
	v23 =	vsub.f32 $1.000000000e+00, v47;
	v15 =	vadd.f32 v29, v15  }
0xe2: {  	v25 =	vmul.f32 v35, v25;
	[tilespmem:s12+$0x40] =	vst v32;
	v19 =	vadd.f32 v22, v19  }
0xe3: {  	[tilespmem:s12+$0x50] =	vst v21;
	v21 =	vmax.f32 v23, $0.0e+00;
	v23 =	vmul.f32 v20, v28;
	v15 =	vadd.f32 v26, v15  }
0xe4: {  	[tilespmem:s12+$0x60] =	vst v25;
	v27 =	vmul.f32 v20, v45;
	v13 =	vadd.f32 v13, v19  }
0xe5: {  	v25 =	vld [tilespmem:s18+$0x0];
	v21 =	vmul.f32 v20, v21;
	[tilespmem:s12+$0xFFFFFFE0] =	vst v23;
	v22 =	vmul.f32 v30, v30;
	v15 =	vadd.f32 v16, v15  }
0xe6: {  	v24 =	vld [tilespmem:s18+$0x70];
	[tilespmem:s12+$0xFFFFFF90] =	vst v27;
	v27 =	vmax.f32 v36, $0.0e+00;
	v16 =	vmul.f32 v20, v38;
	v12 =	vadd.f32 v12, v13  }
0xe7: {  	[tilespmem:s12+$0xFFFFFFA0] =	vst v21;
	v26 =	vld [tilespmem:s18+$0x10];
	v19 =	vsub.f32 $1.000000000e+00, v22;
	v22 =	vmul.f32 v20, v27;
	v14 =	vadd.f32 v14, v15  }
0xe8: {  	v23 =	vmul.f32 v20, v33;
	v15 =	vld [tilespmem:s18+$0x50];
	[tilespmem:s12+$0xFFFFFFF0] =	vst v16;
	v16 =	vperm.xlane v12, v1  }
0xe9: {  	v21 =	vld [tilespmem:s18+$0x20];
	v13 =	vmax.f32 v19, $0.0e+00;
	[tilespmem:s12+$0xFFFFFFB0] =	vst v22;
	v22 =	vperm.xlane v14, v1  }
0xea: {  	[tilespmem:s12+$0xFFFFFF80] =	vst v23;
	v23 =	vld [tilespmem:s18+$0x30];
	v13 =	vmul.f32 v20, v13;
	v12 =	vadd.f32 v12, v16  }
0xeb: {  	v19 =	vld [tilespmem:s18+$0x40];
	v14 =	vadd.f32 v14, v22  }
0xec: {  	v20 =	vld [tilespmem:s18+$0x60];
	v22 =	vmul.f32 v26, v17;
	[tilespmem:s12+$0xFFFFFFD0] =	vst v13;
	v12 =	vnsel vm1, $0x0, v12  }
0xed: {  	v15 =	vmul.f32 v15, v17;
	v13 =	vld [tilespmem:s18+$0xFFFFFF90];
	v14 =	vnsel vm1, $0x0, v14;
	v12 =	vmul.f32 $1.442695020e+00, v12  }
0xee: {  	v16 =	vmul.f32 v25, v17;
	v25 =	vld [tilespmem:s18+$0xFFFFFFC0];
	[tilespmem:s18+$0x10] =	vst v22;
	v14 =	vmul.f32 $1.442695020e+00, v14  }
0xef: {  	v22 =	vmul.f32 v23, v17;
	v23 =	vld [tilespmem:s18+$0xFFFFFFF0];
	[tilespmem:s18+$0x50] =	vst v15;
	(erf) = vpow2.f32 v12  }
0xf0: {  	[tilespmem:s18+$0x0] =	vst v16;
	v16 =	vmul.f32 v21, v17;
	v21 =	vld [tilespmem:s18+$0xFFFFFFD0];
	(erf) = vpow2.f32 v14  }
0xf1: {  	v18 =	vperm.xlane v18, v2;
	v26 =	vld [tilespmem:s18+$0xFFFFFFE0];
	[tilespmem:s18+$0x30] =	vst v22;
	v12 =	vmul.f32 v19, v17  }
0xf2: {  	v11 =	vsub.f32 $1.000000000e+00, v11;
	[tilespmem:s18+$0x20] =	vst v16;
	v19 =	vmul.f32 v24, v17  }
0xf3: {  	v9 =	vmax.f32 v9, $0.0e+00;
	v8 =	vsub.f32 $1.000000000e+00, v8;
	v15 =	vmul.f32 v25, v18;
	[tilespmem:s18+$0x40] =	vst v12  }
0xf4: {  	v10 =	vmax.f32 v10, $0.0e+00;
	v16 =	vld [tilespmem:s18+$0xFFFFFFB0];
	v17 =	vmul.f32 v20, v17;
	v12 =	vmul.f32 v13, v18;
	[tilespmem:s18+$0x70] =	vst v19  }
0xf5: {  	v22 =	vmov s0;
	v14 =	vld [tilespmem:s18+$0xFFFFFFA0];
	v19 =	vmul.f32 v21, v18;
	v21 =	vmul.f32 v23, v18;
	[tilespmem:s18+$0xFFFFFFC0] =	vst v15  }
0xf6: {  	v5 =	vmax.f32 v5, $0.0e+00;
	v3 =	vperm.xlane v3, v22;
	v13 =	vmul.f32 v26, v18;
	[tilespmem:s18+$0x60] =	vst v17  }
0xf7: {  	v4 =	vmax.f32 v4, $0.0e+00;
	v7 =	vmax.f32 v7, $0.0e+00;
	v6 =	vmax.f32 v6, $0.0e+00;
	[tilespmem:s18+$0xFFFFFF90] =	vst v12  }
0xf8: {  	v8 =	vmax.f32 v8, $0.0e+00;
	v11 =	vmax.f32 v11, $0.0e+00;
	v15 =	vadd.f32 $-7.000000000e+00, v3;
	[tilespmem:s18+$0xFFFFFFE0] =	vst v13;
	v22 =	vpop (erf)  }
0xf9: {  	v24 =	vadd.f32 $-2.000000000e+00, v3;
	v12 =	vmul.f32 v16, v18;
	v16 =	vadd.f32 $-4.000000000e+00, v3;
	[tilespmem:s18+$0xFFFFFFF0] =	vst v21;
	v21 =	vpop (erf)  }
0xfa: {  	[tilespmem:s18+$0xFFFFFFD0] =	vst v19;
	v15 =	vmul.f32 v15, v15;
	v13 =	vmul.f32 v14, v18;
	v23 =	vnsel vm1, $0x0, v21  }
0xfb: {  	v19 =	vadd.f32 $-6.000000000e+00, v3;
	v16 =	vmul.f32 v16, v16;
	[tilespmem:s18+$0xFFFFFFB0] =	vst v12;
	v11 =	vmul.f32 v23, v11  }
0xfc: {  	v14 =	vadd.f32 $-1.000000000e+00, v3;
	v12 =	vmul.f32 v3, v3;
	[tilespmem:s18+$0xFFFFFFA0] =	vst v13;
	v4 =	vmul.f32 v23, v4  }
0xfd: {  	v19 =	vmul.f32 v19, v19;
	v13 =	vadd.f32 $-3.000000000e+00, v3;
	v8 =	vmul.f32 v23, v8;
	[tilespmem:s19+$0x10] =	vst v11  }
0xfe: {  	v12 =	vsub.f32 $1.000000000e+00, v12;
	v3 =	vadd.f32 $-5.000000000e+00, v3;
	v6 =	vmul.f32 v23, v6;
	[tilespmem:s19+$0x20] =	vst v4  }
0xff: {  	v17 =	vnsel vm1, $0x0, v22;
	v5 =	vmul.f32 v23, v5;
	v9 =	vmul.f32 v23, v9;
	[tilespmem:s19+$0x0] =	vst v8  }
0x100: {  	v11 =	vmul.f32 v14, v14;
	v4 =	vmul.f32 v23, v10;
	v10 =	vsub.f32 $1.000000000e+00, v19;
	[tilespmem:s19+$0x40] =	vst v6  }
0x101: {  	v3 =	vmul.f32 v3, v3;
	v7 =	vmul.f32 v23, v7;
	[tilespmem:s19+$0x50] =	vst v9;
	v9 =	vsub.f32 $1.000000000e+00, v16  }
0x102: {  	[tilespmem:s19+$0x70] =	vst v5;
	v8 =	vsub.f32 $1.000000000e+00, v11;
	v11 =	vmul.f32 v24, v24;
	v5 =	vmax.f32 v10, $0.0e+00  }
0x103: {  	[tilespmem:s19+$0x30] =	vst v4;
	v4 =	vmul.f32 v13, v13;
	v9 =	vmax.f32 v9, $0.0e+00;
	v5 =	vmul.f32 v17, v5  }
0x104: {  	[tilespmem:s19+$0x60] =	vst v7;
	v10 =	vsub.f32 $1.000000000e+00, v15;
	v9 =	vmul.f32 v17, v9;
	v6 =	vmax.f32 v8, $0.0e+00  }
0x105: {  	v20 =	vld [tilespmem:s18+$0xFFFFFF80];
	v7 =	vmax.f32 v12, $0.0e+00;
	v4 =	vsub.f32 $1.000000000e+00, v4;
	v6 =	vmul.f32 v17, v6;
	[tilespmem:s19+$0xFFFFFFE0] =	vst v5  }
0x106: {  	v12 =	vld [tilespmem:s23+$0x50];
	v8 =	vsub.f32 $1.000000000e+00, v11;
	v10 =	vmax.f32 v10, $0.0e+00;
	v5 =	vmul.f32 v17, v7;
	[tilespmem:s19+$0xFFFFFFC0] =	vst v9  }
0x107: {  	v3 =	vsub.f32 $1.000000000e+00, v3;
	v7 =	vld [tilespmem:s23+$0x10];
	v10 =	vmul.f32 v17, v10;
	v4 =	vmax.f32 v4, $0.0e+00;
	[tilespmem:s19+$0xFFFFFF90] =	vst v6  }
0x108: {  	v9 =	vld [tilespmem:s23+$0x70];
	v8 =	vmax.f32 v8, $0.0e+00;
	v4 =	vmul.f32 v17, v4;
	[tilespmem:s19+$0xFFFFFF80] =	vst v5  }
0x109: {  	v3 =	vmax.f32 v3, $0.0e+00;
	v6 =	vmul.f32 v17, v8;
	v8 =	vld [tilespmem:s23+$0x0];
	[tilespmem:s19+$0xFFFFFFF0] =	vst v10  }
0x10a: {  	v3 =	vmul.f32 v17, v3;
	v5 =	vld [tilespmem:s23+$0x30];
	[tilespmem:s19+$0xFFFFFFB0] =	vst v4;
	v4 =	vperm.xlane v21, v2  }
0x10b: {  	v10 =	vmul.f32 v20, v18;
	[tilespmem:s19+$0xFFFFFFA0] =	vst v6;
	v6 =	vld [tilespmem:s23+$0x20]  }
0x10c: {  	[tilespmem:s19+$0xFFFFFFD0] =	vst v3;
	v3 =	vmul.f32 v7, v4  }
0x10d: {  	v11 =	vld [tilespmem:s23+$0x40];
	[tilespmem:s18+$0xFFFFFF80] =	vst v10;
	v9 =	vmul.f32 v9, v4  }
0x10e: {  	v13 =	vld [tilespmem:s23+$0x60];
	v12 =	vmul.f32 v12, v4;
	[tilespmem:s23+$0x10] =	vst v3  }
0x10f: {  	v7 =	vld [tilespmem:s23+$0xFFFFFF90];
	v8 =	vmul.f32 v8, v4;
	[tilespmem:s23+$0x70] =	vst v9  }
0x110: {  	v3 =	vmul.f32 v5, v4;
	v5 =	vld [tilespmem:s23+$0xFFFFFFE0];
	[tilespmem:s23+$0x50] =	vst v12;
	v6 =	vmul.f32 v6, v4  }
0x111: {  	[tilespmem:s23+$0x0] =	vst v8;
	v8 =	vld [tilespmem:s23+$0xFFFFFFC0]  }
0x112: {  	v10 =	vld [tilespmem:s23+$0xFFFFFFD0];
	[tilespmem:s23+$0x20] =	vst v6;
	v6 =	vmul.f32 v11, v4;
	v11 =	vperm.xlane v22, v2  }
0x113: {  	[tilespmem:s23+$0x30] =	vst v3;
	v3 =	vld [tilespmem:s23+$0xFFFFFFA0];
	v4 =	vmul.f32 v13, v4  }
0x114: {  	[tilespmem:s23+$0x40] =	vst v6;
	v6 =	vld [tilespmem:s23+$0xFFFFFFF0];
	v7 =	vmul.f32 v7, v11  }
0x115: {  	v14 =	vld [tilespmem:s23+$0xFFFFFFB0];
	v5 =	vmul.f32 v5, v11;
	[tilespmem:s23+$0x60] =	vst v4  }
0x116: {  	v9 =	vld [tilespmem:s23+$0xFFFFFF80];
	v8 =	vmul.f32 v8, v11;
	[tilespmem:s23+$0xFFFFFF90] =	vst v7  }
0x117: {  	v7 =	vmul.f32 v10, v11;
	[tilespmem:s23+$0xFFFFFFE0] =	vst v5  }
0x118: {  	v3 =	vmul.f32 v3, v11;
	[tilespmem:s23+$0xFFFFFFC0] =	vst v8  }
0x119: {  	[tilespmem:s23+$0xFFFFFFD0] =	vst v7;
	v5 =	vmul.f32 v6, v11  }
0x11a: {  	[tilespmem:s23+$0xFFFFFFA0] =	vst v3;
	v6 =	vmul.f32 v14, v11  }
0x11b: {  	[tilespmem:s23+$0xFFFFFFF0] =	vst v5;
	v5 =	vmul.f32 v9, v11  }
0x11c: {  	[tilespmem:s23+$0xFFFFFFB0] =	vst v6  }
0x11d: {  	[tilespmem:s23+$0xFFFFFF80] =	vst v5  }
0x11e: {  	v3 =	vld [tilespmem:$0x16800];
	_ =	sdelay $0x4  }
0x11f: {  	v4 =	vshrl.u32 v3, $0x3  }
0x120: {  	v4 =	vadd.s32 $0x2800, v4;
	_ =	sdelay $0x1  }
0x121: {  	s20 =	simm.s32 $0x17A00  }
0x122: {  	[spmem:s2] =	stream.indirect_vreg.scatter.add.f32 [tilespmem:s20], [sflag:$0x4], $0x80, v3, vm0, $0xb8;
	[tilespmem:$0x1B200] =	vst v63  }
0x123: {  	s21 =	simm.s32 $0x18200  }
0x124: {  	[spmem:s2] =	stream.indirect_vreg.scatter.add.f32 [tilespmem:s21], [sflag:$0x5], $0x80, v4, vm0, $0xb8;
	[tilespmem:$0x1B200] =	vst v63  }
0x125: {  	_ =	swait.ge [sflag:s4], $0x800  }
0x126: {  	[sflag:s4] =	ssyncset.done $0x0  }
0x127: {  	[sflag:s4] =	ssyncadd.s32 $0xFFFFF800  }
0x128: {  	_ =	swait.ge [sflag:s10], $0x800  }
0x129: {  	s22 =	rddreg [dreg:$0x8]  }
0x12a: {  	s0 =	sadd.s32 s26, s22  }
0x12b: {  	s13 =	simm.s32 $0x16800;
	[sflag:s10] =	ssyncset.done $0x0;
	s1 =	sshrl.u32 s0, $0x3  }
0x12c: {  	[sflag:s10] =	ssyncadd.s32 $0xFFFFF800;
	s0 =	simm.s32 $0x0;
	s23 =	sadd.s32 s5, s1  }
0x12d: {  	[tilespmem:s13], [sflag:$0xB] =	stream.linear.gather [hbm4b:s23+s0], $0x10, $0x38;
	[tilespmem:$0x1B200] =	vst v63  }
0x12e: {  	_ =	swait.ge [sflag:s17], $0x10  }
0x12f: {  	[sflag:s17] =	ssyncset.done $0x0  }
0x130: {  	s26 =	simm.s32 $0x16880;
	s1 =	sadd.s32 s6, s1;
	[sflag:s17] =	ssyncadd.s32 $0xFFFFFFF0  }
0x131: {  	[tilespmem:s26], [sflag:$0xB] =	stream.linear.gather [hbm4b:s1+s0], $0x10, $0x38;
	[tilespmem:$0x1B200] =	vst v63  }
0x132: {  	_ =	swait.ge [sflag:s17], $0x10  }
0x133: {  	[sflag:s17] =	ssyncset.done $0x0  }
0x134: {  	[sflag:s17] =	ssyncadd.s32 $0xFFFFFFF0  }
0x135: {  	v3 =	vld [tilespmem:$0x16800];
	_ =	sdelay $0x1  }
0x136: {  	v4 =	vld [tilespmem:$0x16880];
	_ =	sdelay $0x4  }
0x137: {  	s13 =	simm.s32 $0x16A00  }
0x138: {  	[tilespmem:s13], [sflag:$0x1] =	stream.indirect_vreg.gather [hbm4b:s11+s0], $0x80, v3, vm0, $0xb8;
	[tilespmem:$0x1B200] =	vst v63  }
0x139: {  	s14 =	simm.s32 $0x17200  }
0x13a: {  	[tilespmem:s14], [sflag:$0x2] =	stream.indirect_vreg.gather [hbm4b:s7+s0], $0x80, v4, vm0, $0xb8;
	[tilespmem:$0x1B200] =	vst v63  }
0x13b: {  	s19 =	simm.s32 $0x6  }
0x13c: {  	[tilespmem:s20], [sflag:$0x3] =	stream.indirect_vreg.gather [hbm4b:s8+s0], $0x80, v4, vm0, $0xb8;
	[tilespmem:$0x1B200] =	vst v63  }
0x13d: {  	_ =	swait.ge [sflag:s19], $0x800  }
0x13e: {  	[sflag:s19] =	ssyncset.done $0x0  }
0x13f: {  	s20 =	simm.s32 $0x7;
	[sflag:s19] =	ssyncadd.s32 $0xFFFFF800  }
0x140: {  	_ =	swait.ge [sflag:s20], $0x800  }
0x141: {  	[sflag:s20] =	ssyncset.done $0x0  }
0x142: {  	[sflag:s20] =	ssyncadd.s32 $0xFFFFF800  }
0x143: {  	_ =	swait.ge [sflag:s3], $0x800  }
0x144: {  	[sflag:s3] =	ssyncset.done $0x0  }
0x145: {  	[sflag:s3] =	ssyncadd.s32 $0xFFFFF800  }
0x146: {  	s21 =	simm.s32 $0x18A80;
	v3 =	vld [tilespmem:$0x16900]  }
0x147: {  	s22 =	simm.s32 $0x19280;
	v4 =	vld [tilespmem:s21+$0x30]  }
0x148: {  	v5 =	vld [tilespmem:s22+$0x70]  }
0x149: {  	v7 =	vld [tilespmem:s22+$0x30]  }
0x14a: {  	v8 =	vld [tilespmem:s21+$0xFFFFFFF0]  }
0x14b: {  	v9 =	vld [tilespmem:s22+$0xFFFFFFF0]  }
0x14c: {  	v10 =	vld [tilespmem:s22+$0xFFFFFFE0]  }
0x14d: {  	v13 =	vld [tilespmem:s22+$0xFFFFFFC0]  }
0x14e: {  	v15 =	vld [tilespmem:s22+$0xFFFFFFB0]  }
0x14f: {  	v18 =	vld [tilespmem:s22+$0xFFFFFFA0]  }
0x150: {  	v19 =	vld [tilespmem:s21+$0xFFFFFFA0]  }
0x151: {  	v22 =	vld [tilespmem:s22+$0x10]  }
0x152: {  	v24 =	vld [tilespmem:s22+$0xFFFFFF90]  }
0x153: {  	v26 =	vld [tilespmem:s21+$0xFFFFFF90]  }
0x154: {  	v28 =	vld [tilespmem:s21+$0x10]  }
0x155: {  	v30 =	vld [tilespmem:s22+$0x0]  }
0x156: {  	v44 =	vld [tilespmem:s21+$0x0]  }
0x157: {  	v16 =	vld [tilespmem:s21+$0xFFFFFFB0]  }
0x158: {  	v14 =	vld [tilespmem:s21+$0xFFFFFFC0]  }
0x159: {  	v11 =	vld [tilespmem:s21+$0xFFFFFFE0];
	v3 =	vand.u32 $0x7, v3;
	v24 =	vmul.f32 v24, v26;
	v18 =	vmul.f32 v18, v19  }
0x15a: {  	s23 =	simm.s32 $0x1;
	v6 =	vld [tilespmem:s21+$0x70];
	v22 =	vmul.f32 v22, v28;
	v3 =	vcvt.s32.f32 v3  }
0x15b: {  	v17 =	vmov s23;
	v20 =	vld [tilespmem:s21+$0xFFFFFF80];
	v28 =	vmul.f32 v30, v44;
	v4 =	vmul.f32 v7, v4  }
0x15c: {  	v15 =	vmul.f32 v15, v16;
	v21 =	vperm.xlane v3, v17;
	v17 =	vld [tilespmem:s22+$0xFFFFFF80]  }
0x15d: {  	v8 =	vmul.f32 v9, v8;
	v13 =	vmul.f32 v13, v14;
	v22 =	vadd.f32 v22, v28  }
0x15e: {  	v47 =	vld [tilespmem:s22+$0x20];
	v10 =	vmul.f32 v10, v11;
	v23 =	vadd.f32 $-7.000000000e+00, v21;
	v27 =	vadd.f32 $-5.000000000e+00, v21  }
0x15f: {  	v48 =	vld [tilespmem:s21+$0x20];
	v6 =	vmul.f32 v5, v6;
	v25 =	vadd.f32 $-2.000000000e+00, v21;
	v29 =	vadd.f32 $-4.000000000e+00, v21  }
0x160: {  	v50 =	vld [tilespmem:s22+$0x40];
	v45 =	vadd.f32 $-6.000000000e+00, v21;
	v23 =	vmul.f32 v23, v23;
	v27 =	vmul.f32 v27, v27  }
0x161: {  	v7 =	vld [tilespmem:s21+$0x40];
	v46 =	vadd.f32 $-3.000000000e+00, v21;
	v25 =	vmul.f32 v25, v25;
	v20 =	vmul.f32 v17, v20  }
0x162: {  	v29 =	vmul.f32 v29, v29;
	v26 =	vsub.f32 $1.000000000e+00, v27;
	v27 =	vmul.f32 v45, v45  }
0x163: {  	v19 =	vld [tilespmem:s22+$0xFFFFFFD0];
	v49 =	vmul.f32 v46, v46;
	v31 =	vsub.f32 $1.000000000e+00, v23;
	v20 =	vadd.f32 v24, v20  }
0x164: {  	v23 =	vmul.f32 v21, v21;
	v25 =	vsub.f32 $1.000000000e+00, v25;
	v24 =	vsub.f32 $1.000000000e+00, v27;
	v27 =	vld [tilespmem:s21+$0xFFFFFFD0]  }
0x165: {  	v9 =	vld [tilespmem:s21+$0x50];
	v16 =	vadd.f32 v18, v20;
	v18 =	vadd.f32 $-1.000000000e+00, v21;
	v21 =	vmul.f32 v47, v48  }
0x166: {  	s26 =	simm.s32 $0x3;
	v7 =	vmul.f32 v50, v7;
	v17 =	vsub.f32 $1.000000000e+00, v29;
	v28 =	vsub.f32 $1.000000000e+00, v49;
	v20 =	vld [tilespmem:s22+$0x50]  }
0x167: {  	v12 =	vld [tilespmem:s22+$0x60];
	v14 =	vadd.f32 v15, v16;
	v16 =	vmov s26;
	v21 =	vadd.f32 v21, v22  }
0x168: {  	v63 =	vmax.f32 v25, $0.0e+00;
	v32 =	vmax.f32 v17, $0.0e+00;
	v15 =	vld [tilespmem:s21+$0x60];
	v16 =	vperm.xlane v3, v16  }
0x169: {  	s20 =	simm.s32 $0x18B80;
	v13 =	vadd.f32 v13, v14;
	v14 =	vmul.f32 v19, v27;
	v4 =	vadd.f32 v4, v21  }
0x16a: {  	v55 =	vld [tilespmem:s20+$0xFFFFFFA0];
	v48 =	vmax.f32 v31, $0.0e+00;
	v25 =	vmax.f32 v24, $0.0e+00;
	s21 =	simm.s32 $0x19380;
	v5 =	vadd.f32 $-7.000000000e+00, v16  }
0x16b: {  	v54 =	vld [tilespmem:s21+$0xFFFFFFA0];
	v9 =	vmul.f32 v20, v9;
	v11 =	vadd.f32 v14, v13;
	v4 =	vadd.f32 v7, v4  }
0x16c: {  	v37 =	vld [tilespmem:s20+$0x50];
	v18 =	vmul.f32 v18, v18;
	v20 =	vadd.f32 $-6.000000000e+00, v16;
	v13 =	vadd.f32 $-2.000000000e+00, v16  }
0x16d: {  	v39 =	vld [tilespmem:s20+$0x40];
	v7 =	vmul.f32 v12, v15;
	v10 =	vadd.f32 v10, v11;
	v9 =	vadd.f32 v9, v4  }
0x16e: {  	v19 =	vld [tilespmem:s20+$0xFFFFFFF0];
	v27 =	vadd.f32 $-3.000000000e+00, v16;
	v14 =	vadd.f32 $-5.000000000e+00, v16;
	v5 =	vmul.f32 v5, v5  }
0x16f: {  	v12 =	vld [tilespmem:s20+$0x30];
	v13 =	vmul.f32 v13, v13;
	v10 =	vadd.f32 v8, v10;
	v7 =	vadd.f32 v7, v9  }
0x170: {  	v52 =	vadd.f32 $-1.000000000e+00, v16;
	v15 =	vld [tilespmem:s21+$0x30];
	v14 =	vmul.f32 v14, v14;
	v34 =	vmul.f32 v54, v55  }
0x171: {  	v4 =	vsub.f32 $1.000000000e+00, v13;
	v13 =	vld [tilespmem:s21+$0xFFFFFFF0];
	v21 =	vperm.xlane v10, v1;
	v29 =	vadd.f32 v6, v7  }
0x172: {  	v30 =	vld [tilespmem:s20+$0xFFFFFFE0];
	v9 =	vadd.f32 $-4.000000000e+00, v16;
	v8 =	vmul.f32 v16, v16;
	v16 =	vmov s0  }
0x173: {  	v22 =	vld [tilespmem:s21+$0xFFFFFFE0];
	v53 =	vperm.xlane v3, v16;
	v10 =	vadd.f32 v10, v21;
	v21 =	vperm.xlane v29, v1  }
0x174: {  	v18 =	vsub.f32 $1.000000000e+00, v18;
	v11 =	vld [tilespmem:s21+$0x70];
	v6 =	vmul.f32 v9, v9;
	v7 =	vmul.f32 v20, v20  }
0x175: {  	v20 =	vld [tilespmem:s20+$0x70];
	v9 =	vsub.f32 $1.000000000e+00, v14;
	v14 =	vmul.f32 v27, v27;
	v21 =	vadd.f32 v29, v21  }
0x176: {  	v27 =	vld [tilespmem:s21+$0x60];
	v15 =	vmul.f32 v15, v12;
	v12 =	vmul.f32 v13, v19;
	v10 =	vnsel vm1, $0x0, v10  }
0x177: {  	v19 =	vld [tilespmem:s21+$0xFFFFFFC0];
	v51 =	vmul.f32 $1.442695020e+00, v10;
	v10 =	vsub.f32 $1.000000000e+00, v14;
	v14 =	vnsel vm1, $0x0, v21  }
0x178: {  	v62 =	vmax.f32 v18, $0.0e+00;
	v13 =	vmul.f32 v22, v30;
	v22 =	vld [tilespmem:s20+$0xFFFFFFC0];
	v30 =	vmul.f32 $1.442695020e+00, v14  }
0x179: {  	v56 =	vadd.f32 $-3.000000000e+00, v53;
	v24 =	vadd.f32 $-2.000000000e+00, v53;
	v29 =	vld [tilespmem:s20+$0x60];
	(erf) = vpow2.f32 v51  }
0x17a: {  	v60 =	vld [tilespmem:s20+$0x20];
	v5 =	vsub.f32 $1.000000000e+00, v5;
	v6 =	vsub.f32 $1.000000000e+00, v6;
	(erf) = vpow2.f32 v30  }
0x17b: {  	v36 =	vld [tilespmem:s21+$0x50];
	v7 =	vsub.f32 $1.000000000e+00, v7;
	v49 =	vmul.f32 v56, v56;
	v47 =	vmul.f32 v24, v24  }
0x17c: {  	v21 =	vmax.f32 v26, $0.0e+00;
	v26 =	vld [tilespmem:s20+$0xFFFFFFB0];
	v14 =	vmul.f32 v11, v20;
	v11 =	vsub.f32 $1.000000000e+00, v23  }
0x17d: {  	v20 =	vld [tilespmem:s21+$0xFFFFFFB0];
	v23 =	vmax.f32 v28, $0.0e+00;
	v19 =	vmul.f32 v19, v22;
	v22 =	vadd.f32 $-6.000000000e+00, v53  }
0x17e: {  	v38 =	vld [tilespmem:s21+$0x40];
	v16 =	vmul.f32 v27, v29;
	v29 =	vadd.f32 $-1.000000000e+00, v53;
	v27 =	vadd.f32 $-4.000000000e+00, v53  }
0x17f: {  	v58 =	vld [tilespmem:s21+$0x20];
	v43 =	vmax.f32 v11, $0.0e+00;
	v11 =	vmul.f32 v52, v52;
	v30 =	vmul.f32 v53, v53  }
0x180: {  	v50 =	vld [tilespmem:s21+$0x10];
	v28 =	vadd.f32 $-7.000000000e+00, v53;
	v57 =	vmul.f32 v22, v22;
	v61 =	vmul.f32 v27, v27  }
0x181: {  	v52 =	vld [tilespmem:s20+$0x10];
	v59 =	vsub.f32 $1.000000000e+00, v30;
	v29 =	vmul.f32 v29, v29;
	v30 =	vadd.f32 $-5.000000000e+00, v53  }
0x182: {  	v22 =	vmul.f32 v20, v26;
	v26 =	vmul.f32 v28, v28;
	v28 =	vsub.f32 $1.000000000e+00, v57;
	v18 =	vpop (erf)  }
0x183: {  	v41 =	vld [tilespmem:s20+$0x0];
	v61 =	vsub.f32 $1.000000000e+00, v61;
	v53 =	vsub.f32 $1.000000000e+00, v29;
	v29 =	vmul.f32 v38, v39;
	v17 =	vpop (erf)  }
0x184: {  	v44 =	vld [tilespmem:s20+$0xFFFFFF90];
	v39 =	vmul.f32 v58, v60;
	v33 =	vmax.f32 v59, $0.0e+00;
	v35 =	vnsel vm1, $0x0, v17  }
0x185: {  	v31 =	vld [tilespmem:s21+$0xFFFFFF80];
	v51 =	vsub.f32 $1.000000000e+00, v26;
	v26 =	vmul.f32 v36, v37;
	v62 =	vmul.f32 v35, v62  }
0x186: {  	s12 =	simm.s32 $0x1A280;
	v40 =	vld [tilespmem:s21+$0x0];
	v28 =	vmax.f32 v28, $0.0e+00;
	v46 =	vmul.f32 v50, v52;
	v63 =	vmul.f32 v35, v63  }
0x187: {  	s28 =	smov.u32 s11;
	v42 =	vld [tilespmem:s21+$0xFFFFFF90];
	v54 =	vmax.f32 v61, $0.0e+00;
	v20 =	vnsel vm1, $0x0, v18;
	v43 =	vmul.f32 v35, v43;
	[tilespmem:s12+$0x10] =	vst v62  }
0x188: {  	s18 =	simm.s32 $0x19A80;
	s23 =	simm.s32 $0x19B80;
	s14 =	simm.s32 $0x17A00;
	v27 =	vld [tilespmem:s20+$0xFFFFFF80];
	v36 =	vsub.f32 $1.000000000e+00, v49;
	v45 =	vmax.f32 v53, $0.0e+00;
	v24 =	vmul.f32 v20, v54;
	[tilespmem:s12+$0x20] =	vst v63  }
0x189: {  	s19 =	simm.s32 $0x1A380;
	s26 =	simm.s32 $0x4;
	s0 =	simm.s32 $0x2;
	v37 =	vld [tilespmem:s21+$0xFFFFFFD0];
	v38 =	vmax.f32 v51, $0.0e+00;
	v17 =	vperm.xlane v17, v2;
	[tilespmem:s12+$0x0] =	vst v43;
	v43 =	vmul.f32 v35, v48  }
.LBB2_9:
0x18a: {  	s22 =	sadd.s32 $0x1, s26  }
0x18b: {  	v48 =	vld [tilespmem:s20+$0xFFFFFFD0];
	s20 =	sadd.s32 $0x100, s20;
	v45 =	vmul.f32 v20, v45;
	v47 =	vsub.f32 $1.000000000e+00, v47;
	v49 =	vmul.f32 v35, v23;
	s1 =	smov.u32 s26;
	s13 =	sadd.s32 $0x2, s26  }
0x18c: {  	p0 =	slt.u32 s26, $0xE;
	s21 =	sadd.s32 $0x100, s21;
	v38 =	vmul.f32 v20, v38;
	v50 =	vld [tilespmem:s20+$0x30];
	v51 =	vmov s22;
	v40 =	vmul.f32 v40, v41  }
0x18d: {  	v23 =	vld [tilespmem:s21+$0x70];
	v41 =	vperm.xlane v3, v51;
	[tilespmem:s12+$0xFFFFFF90] =	vst v45;
	v45 =	vmax.f32 v47, $0.0e+00;
	v47 =	vmul.f32 v35, v32  }
0x18e: {  	v21 =	vmul.f32 v35, v21;
	v32 =	vld [tilespmem:s20+$0x70];
	v42 =	vmul.f32 v42, v44;
	v40 =	vadd.f32 v46, v40;
	[tilespmem:s12+$0x30] =	vst v49  }
0x18f: {  	v27 =	vmul.f32 v31, v27;
	v30 =	vmul.f32 v30, v30;
	v44 =	vld [tilespmem:s21+$0x30];
	v46 =	vadd.f32 $-7.000000000e+00, v41;
	[tilespmem:s12+$0x40] =	vst v47  }
0x190: {  	v25 =	vmul.f32 v35, v25;
	v47 =	vadd.f32 $-2.000000000e+00, v41;
	v31 =	vld [tilespmem:s20+$0xFFFFFFF0];
	v39 =	vadd.f32 v39, v40;
	[tilespmem:s12+$0x70] =	vst v43  }
0x191: {  	v28 =	vmul.f32 v20, v28;
	v40 =	vadd.f32 $-5.000000000e+00, v41;
	v27 =	vadd.f32 v42, v27;
	v35 =	vld [tilespmem:s21+$0xFFFFFFF0];
	[tilespmem:s12+$0x50] =	vst v21  }
0x192: {  	v30 =	vsub.f32 $1.000000000e+00, v30;
	v42 =	vmul.f32 v46, v46;
	v21 =	vld [tilespmem:s21+$0xFFFFFFE0];
	v15 =	vadd.f32 v15, v39;
	[tilespmem:s12+$0x60] =	vst v25  }
0x193: {  	v25 =	vmul.f32 v47, v47;
	v34 =	vadd.f32 v34, v27;
	v39 =	vmul.f32 v20, v45;
	[tilespmem:s12+$0xFFFFFFE0] =	vst v28;
	v28 =	vld [tilespmem:s18+$0x0]  }
0x194: {  	v33 =	vmul.f32 v20, v33;
	v40 =	vmul.f32 v40, v40;
	v27 =	vsub.f32 $1.000000000e+00, v42;
	v42 =	vld [tilespmem:s18+$0x10]  }
0x195: {  	v25 =	vsub.f32 $1.000000000e+00, v25;
	v22 =	vadd.f32 v22, v34;
	v34 =	vmax.f32 v36, $0.0e+00;
	[tilespmem:s12+$0xFFFFFFA0] =	vst v39;
	v36 =	vld [tilespmem:s18+$0x20]  }
0x196: {  	v15 =	vadd.f32 v29, v15;
	v39 =	vsub.f32 $1.000000000e+00, v40;
	v29 =	vmul.f32 v20, v34;
	[tilespmem:s12+$0xFFFFFF80] =	vst v33;
	v33 =	vld [tilespmem:s18+$0x30]  }
0x197: {  	v30 =	vmax.f32 v30, $0.0e+00;
	v19 =	vadd.f32 v19, v22;
	v22 =	vmul.f32 v37, v48;
	v34 =	vld [tilespmem:s18+$0x40]  }
0x198: {  	v37 =	vmul.f32 v41, v41;
	v15 =	vadd.f32 v26, v15;
	[tilespmem:s12+$0xFFFFFFB0] =	vst v29;
	v26 =	vmul.f32 v28, v17;
	v28 =	vld [tilespmem:s18+$0x50]  }
0x199: {  	v20 =	vmul.f32 v20, v30;
	v29 =	vadd.f32 $-4.000000000e+00, v41;
	v19 =	vadd.f32 v22, v19;
	[tilespmem:s12+$0xFFFFFFF0] =	vst v38;
	v22 =	vld [tilespmem:s18+$0x60]  }
0x19a: {  	v30 =	vadd.f32 $-6.000000000e+00, v41;
	v15 =	vadd.f32 v16, v15;
	v16 =	vmul.f32 v42, v17;
	[tilespmem:s12+$0xFFFFFFC0] =	vst v24;
	v24 =	vld [tilespmem:s18+$0x70]  }
0x19b: {  	v18 =	vperm.xlane v18, v2;
	v29 =	vmul.f32 v29, v29;
	v13 =	vadd.f32 v13, v19;
	v38 =	vld [tilespmem:s20+$0xFFFFFFE0];
	[tilespmem:s12+$0xFFFFFFD0] =	vst v20;
	s12 =	smov.u32 s19  }
0x19c: {  	v19 =	vadd.f32 $-3.000000000e+00, v41;
	v14 =	vadd.f32 v14, v15;
	v15 =	vmul.f32 v36, v17;
	v20 =	vld [tilespmem:s18+$0xFFFFFF90];
	[tilespmem:s18+$0x0] =	vst v26  }
0x19d: {  	v26 =	vmul.f32 v30, v30;
	v12 =	vadd.f32 v12, v13;
	v13 =	vmul.f32 v33, v17;
	v30 =	vld [tilespmem:s18+$0xFFFFFFC0];
	[tilespmem:s18+$0x10] =	vst v16  }
0x19e: {  	v29 =	vsub.f32 $1.000000000e+00, v29;
	v33 =	vmul.f32 v34, v17;
	v16 =	vmul.f32 v19, v19;
	v19 =	vld [tilespmem:s18+$0xFFFFFFE0];
	[tilespmem:s18+$0x20] =	vst v15  }
0x19f: {  	v36 =	vperm.xlane v14, v1;
	v26 =	vsub.f32 $1.000000000e+00, v26;
	v34 =	vperm.xlane v12, v1;
	v40 =	vld [tilespmem:s18+$0xFFFFFFD0];
	[tilespmem:s18+$0x30] =	vst v13  }
0x1a0: {  	v41 =	vadd.f32 $-1.000000000e+00, v41;
	v15 =	vmul.f32 v44, v50;
	v13 =	vmul.f32 v24, v17;
	v42 =	vld [tilespmem:s18+$0xFFFFFFA0];
	[tilespmem:s18+$0x40] =	vst v33  }
0x1a1: {  	v28 =	vmul.f32 v28, v17;
	v14 =	vadd.f32 v14, v36;
	v24 =	vadd.f32 v12, v34;
	v33 =	vld [tilespmem:s18+$0xFFFFFFF0]  }
0x1a2: {  	v12 =	vmul.f32 v35, v31;
	v31 =	vsub.f32 $1.000000000e+00, v16;
	v16 =	vmul.f32 v20, v18;
	v20 =	vld [tilespmem:s18+$0xFFFFFFB0];
	[tilespmem:s18+$0x70] =	vst v13  }
0x1a3: {  	v17 =	vmul.f32 v22, v17;
	v24 =	vnsel vm1, $0x0, v24;
	v34 =	vld [tilespmem:s18+$0xFFFFFF80];
	v19 =	vmul.f32 v19, v18;
	[tilespmem:s18+$0x50] =	vst v28  }
0x1a4: {  	v13 =	vmul.f32 v21, v38;
	v21 =	vnsel vm1, $0x0, v14;
	v22 =	vld [tilespmem:s21+$0x60];
	[tilespmem:s18+$0xFFFFFF90] =	vst v16;
	v16 =	vmul.f32 v40, v18  }
0x1a5: {  	v35 =	vsub.f32 $1.000000000e+00, v11;
	v11 =	vmul.f32 v30, v18;
	v24 =	vmul.f32 $1.442695020e+00, v24;
	v28 =	vld [tilespmem:s20+$0x60];
	[tilespmem:s18+$0xFFFFFFE0] =	vst v19  }
0x1a6: {  	v14 =	vmul.f32 v23, v32;
	v19 =	vld [tilespmem:s21+$0xFFFFFFC0];
	[tilespmem:s18+$0xFFFFFFD0] =	vst v16;
	v16 =	vmul.f32 v33, v18  }
0x1a7: {  	v30 =	vld [tilespmem:s20+$0xFFFFFFC0];
	(erf) = vpow2.f32 v24;
	v20 =	vmul.f32 v20, v18;
	[tilespmem:s18+$0xFFFFFFC0] =	vst v11  }
0x1a8: {  	v23 =	vmul.f32 $1.442695020e+00, v21;
	v32 =	vmul.f32 v42, v18;
	v11 =	vmov s0;
	s0 =	smov.u32 s1;
	v24 =	vld [tilespmem:s21+$0x50];
	[tilespmem:s18+$0xFFFFFFF0] =	vst v16  }
0x1a9: {  	v21 =	vmax.f32 v9, $0.0e+00;
	v9 =	vmovc v39;
	v36 =	vperm.xlane v3, v11;
	v11 =	vmul.f32 v34, v18;
	v33 =	vld [tilespmem:s20+$0x50];
	[tilespmem:s18+$0xFFFFFFB0] =	vst v20  }
0x1aa: {  	v20 =	vsub.f32 $1.000000000e+00, v8;
	v8 =	vmovc v37;
	v18 =	vld [tilespmem:s21+$0xFFFFFFB0];
	v16 =	vmul.f32 v22, v28;
	(erf) = vpow2.f32 v23;
	[tilespmem:s18+$0xFFFFFFA0] =	vst v32  }
0x1ab: {  	v28 =	vadd.f32 $-1.000000000e+00, v36;
	v32 =	vadd.f32 $-4.000000000e+00, v36;
	v23 =	vmax.f32 v10, $0.0e+00;
	v10 =	vmovc v31;
	v22 =	vld [tilespmem:s20+$0xFFFFFFB0];
	[tilespmem:s18+$0x60] =	vst v17  }
0x1ac: {  	v17 =	vadd.f32 $-7.000000000e+00, v36;
	v43 =	vmax.f32 v20, $0.0e+00;
	v19 =	vmul.f32 v19, v30;
	v37 =	vld [tilespmem:s21+$0x40];
	[tilespmem:s18+$0xFFFFFF80] =	vst v11;
	s18 =	smov.u32 s23  }
0x1ad: {  	v48 =	vmax.f32 v5, $0.0e+00;
	v5 =	vmovc v27;
	v20 =	vadd.f32 $-6.000000000e+00, v36;
	v11 =	vmul.f32 v41, v41;
	v38 =	vld [tilespmem:s20+$0x40]  }
0x1ae: {  	v42 =	vmax.f32 v4, $0.0e+00;
	v4 =	vmovc v25;
	v39 =	vmul.f32 v32, v32;
	v41 =	vmax.f32 v35, $0.0e+00;
	v34 =	vld [tilespmem:s21+$0xFFFFFFA0]  }
0x1af: {  	v30 =	vmul.f32 v36, v36;
	v35 =	vadd.f32 $-3.000000000e+00, v36;
	v32 =	vmul.f32 v20, v20;
	v40 =	vld [tilespmem:s20+$0xFFFFFFA0]  }
0x1b0: {  	v25 =	vmax.f32 v7, $0.0e+00;
	v17 =	vmul.f32 v17, v17;
	v27 =	vld [tilespmem:s20+$0xFFFFFF80];
	v22 =	vmul.f32 v18, v22;
	v18 =	vpop (erf)  }
0x1b1: {  	v7 =	vmovc v26;
	v46 =	vadd.f32 $-2.000000000e+00, v36;
	v44 =	vsub.f32 $1.000000000e+00, v32;
	v31 =	vld [tilespmem:s21+$0xFFFFFF80];
	v20 =	vnsel vm1, $0x0, v18  }
0x1b2: {  	v26 =	vmul.f32 v28, v28;
	v47 =	vsub.f32 $1.000000000e+00, v30;
	v32 =	vmax.f32 v6, $0.0e+00;
	v6 =	vmovc v29;
	v45 =	vld [tilespmem:s21+$0x20]  }
0x1b3: {  	v50 =	vmul.f32 v35, v35;
	v30 =	vadd.f32 $-5.000000000e+00, v36;
	v28 =	vmax.f32 v44, $0.0e+00;
	v49 =	vld [tilespmem:s20+$0x20];
	v29 =	vpop (erf)  }
0x1b4: {  	v39 =	vsub.f32 $1.000000000e+00, v39;
	v44 =	vsub.f32 $1.000000000e+00, v17;
	v36 =	vld [tilespmem:s21+$0x10];
	v35 =	vnsel vm1, $0x0, v29  }
0x1b5: {  	v52 =	vsub.f32 $1.000000000e+00, v26;
	v34 =	vmul.f32 v34, v40;
	v17 =	vperm.xlane v29, v2;
	v51 =	vld [tilespmem:s20+$0x10]  }
.Ltmp3:
0x1b6: {  	v29 =	vmul.f32 v37, v38;
	v37 =	vmax.f32 v39, $0.0e+00;
	v53 =	vmul.f32 v35, v41;
	v40 =	vld [tilespmem:s21+$0x0];
	(pc) =	sbr.rel @p0 .LBB2_9-.Ltmp3, $4  }
0x1b7: {  	v26 =	vmul.f32 v24, v33;
	v38 =	vmax.f32 v44, $0.0e+00;
	v54 =	vmul.f32 v35, v42;
	v41 =	vld [tilespmem:s20+$0x0]  }
0x1b8: {  	v33 =	vmax.f32 v47, $0.0e+00;
	v43 =	vmul.f32 v35, v43;
	v42 =	vld [tilespmem:s21+$0xFFFFFF90];
	v39 =	vmul.f32 v45, v49;
	[tilespmem:s19+$0x10] =	vst v53  }
0x1b9: {  	v47 =	vmul.f32 v46, v46;
	v24 =	vmul.f32 v20, v37;
	v45 =	vmax.f32 v52, $0.0e+00;
	v44 =	vld [tilespmem:s20+$0xFFFFFF90];
	[tilespmem:s19+$0x20] =	vst v54  }
0x1ba: {  	s26 =	smov.u32 s13;
	s23 =	sadd.s32 $0x100, s23;
	s19 =	sadd.s32 $0x100, s19;
	v37 =	vld [tilespmem:s21+$0xFFFFFFD0];
	v46 =	vmul.f32 v36, v51;
	v36 =	vsub.f32 $1.000000000e+00, v50;
	[tilespmem:s12+$0x0] =	vst v43;
	v43 =	vmul.f32 v35, v48  }
0x1bb: {  	_ =	sdelay $0x2  }
0x1bc: {  	v27 =	vmul.f32 v31, v27;
	v42 =	vmul.f32 v42, v44  }
0x1bd: {  	v63 =	vmul.f32 v40, v41  }
0x1be: {  	v27 =	vadd.f32 v42, v27  }
0x1bf: {  	v44 =	vld [tilespmem:s20+$0xFFFFFFD0];
	v31 =	vadd.f32 v46, v63  }
0x1c0: {  	v27 =	vadd.f32 v34, v27  }
0x1c1: {  	v31 =	vadd.f32 v39, v31  }
0x1c2: {  	v23 =	vmul.f32 v35, v23;
	v22 =	vadd.f32 v22, v27  }
0x1c3: {  	v32 =	vmul.f32 v35, v32;
	v21 =	vmul.f32 v35, v21;
	[tilespmem:s12+$0x70] =	vst v43;
	v15 =	vadd.f32 v15, v31  }
0x1c4: {  	[tilespmem:s12+$0x30] =	vst v23;
	v46 =	vsub.f32 $1.000000000e+00, v47;
	v47 =	vmul.f32 v37, v44;
	v19 =	vadd.f32 v19, v22  }
0x1c5: {  	v25 =	vmul.f32 v35, v25;
	[tilespmem:s12+$0x40] =	vst v32;
	v15 =	vadd.f32 v29, v15  }
0x1c6: {  	[tilespmem:s12+$0x50] =	vst v21;
	v19 =	vadd.f32 v47, v19  }
0x1c7: {  	v48 =	vmul.f32 v20, v45;
	[tilespmem:s12+$0x60] =	vst v25;
	v15 =	vadd.f32 v26, v15  }
0x1c8: {  	v50 =	vmul.f32 v20, v28;
	v51 =	vmul.f32 v30, v30;
	[tilespmem:s12+$0xFFFFFFC0] =	vst v24;
	v25 =	vld [tilespmem:s18+$0x0];
	v13 =	vadd.f32 v13, v19  }
0x1c9: {  	v52 =	vmul.f32 v20, v33;
	v58 =	vmul.f32 v20, v38;
	[tilespmem:s12+$0xFFFFFF90] =	vst v48;
	v15 =	vadd.f32 v16, v15  }
0x1ca: {  	v54 =	vmax.f32 v36, $0.0e+00;
	[tilespmem:s12+$0xFFFFFFE0] =	vst v50;
	v55 =	vsub.f32 $1.000000000e+00, v51;
	v53 =	vld [tilespmem:s18+$0x10];
	v12 =	vadd.f32 v12, v13  }
0x1cb: {  	v57 =	vmul.f32 v20, v54;
	[tilespmem:s12+$0xFFFFFF80] =	vst v52;
	v56 =	vld [tilespmem:s18+$0x20];
	v49 =	vmax.f32 v46, $0.0e+00;
	v14 =	vadd.f32 v14, v15  }
0x1cc: {  	[tilespmem:s12+$0xFFFFFFF0] =	vst v58;
	v59 =	vld [tilespmem:s18+$0x30];
	v21 =	vmul.f32 v20, v49;
	v63 =	vperm.xlane v12, v1  }
0x1cd: {  	v61 =	vld [tilespmem:s18+$0x40];
	v60 =	vmax.f32 v55, $0.0e+00;
	[tilespmem:s12+$0xFFFFFFB0] =	vst v57;
	v31 =	vmul.f32 v25, v17;
	v29 =	vperm.xlane v14, v1  }
0x1ce: {  	v30 =	vld [tilespmem:s18+$0x70];
	[tilespmem:s12+$0xFFFFFFA0] =	vst v21;
	v13 =	vmul.f32 v20, v60;
	v12 =	vadd.f32 v12, v63  }
0x1cf: {  	v28 =	vld [tilespmem:s18+$0x60];
	v32 =	vmul.f32 v53, v17;
	[tilespmem:s18+$0x0] =	vst v31;
	v14 =	vadd.f32 v14, v29  }
0x1d0: {  	v18 =	vperm.xlane v18, v2;
	v62 =	vld [tilespmem:s18+$0x50];
	v35 =	vmul.f32 v56, v17;
	[tilespmem:s12+$0xFFFFFFD0] =	vst v13;
	v12 =	vnsel vm1, $0x0, v12  }
0x1d1: {  	v37 =	vmul.f32 v59, v17;
	[tilespmem:s18+$0x10] =	vst v32;
	v13 =	vld [tilespmem:s18+$0xFFFFFF90];
	v14 =	vnsel vm1, $0x0, v14;
	v12 =	vmul.f32 $1.442695020e+00, v12  }
0x1d2: {  	v39 =	vmul.f32 v61, v17;
	[tilespmem:s18+$0x20] =	vst v35;
	v34 =	vld [tilespmem:s18+$0xFFFFFFE0];
	v14 =	vmul.f32 $1.442695020e+00, v14  }
0x1d3: {  	v42 =	vmul.f32 v30, v17;
	[tilespmem:s18+$0x30] =	vst v37;
	v36 =	vld [tilespmem:s18+$0xFFFFFFD0];
	(erf) = vpow2.f32 v12  }
0x1d4: {  	v45 =	vmul.f32 v28, v17;
	[tilespmem:s18+$0x40] =	vst v39;
	v33 =	vld [tilespmem:s18+$0xFFFFFFC0];
	(erf) = vpow2.f32 v14  }
0x1d5: {  	v11 =	vsub.f32 $1.000000000e+00, v11;
	[tilespmem:s18+$0x70] =	vst v42;
	v15 =	vmul.f32 v62, v17;
	v38 =	vld [tilespmem:s18+$0xFFFFFFF0]  }
0x1d6: {  	v9 =	vmax.f32 v9, $0.0e+00;
	v50 =	vmov s0;
	[tilespmem:s18+$0x60] =	vst v45;
	v40 =	vld [tilespmem:s18+$0xFFFFFFB0];
	v43 =	vmul.f32 v13, v18  }
0x1d7: {  	v8 =	vsub.f32 $1.000000000e+00, v8;
	v3 =	vperm.xlane v3, v50;
	[tilespmem:s18+$0x50] =	vst v15;
	v41 =	vld [tilespmem:s18+$0xFFFFFFA0];
	v44 =	vmul.f32 v34, v18  }
0x1d8: {  	v10 =	vmax.f32 v10, $0.0e+00;
	v4 =	vmax.f32 v4, $0.0e+00;
	v47 =	vld [tilespmem:s18+$0xFFFFFF80];
	v46 =	vmul.f32 v36, v18;
	[tilespmem:s18+$0xFFFFFF90] =	vst v43  }
0x1d9: {  	v8 =	vmax.f32 v8, $0.0e+00;
	v59 =	vmul.f32 v3, v3;
	v48 =	vmul.f32 v33, v18;
	[tilespmem:s18+$0xFFFFFFE0] =	vst v44  }
0x1da: {  	v11 =	vmax.f32 v11, $0.0e+00;
	v54 =	vadd.f32 $-4.000000000e+00, v3;
	v49 =	vmul.f32 v38, v18;
	[tilespmem:s18+$0xFFFFFFD0] =	vst v46  }
0x1db: {  	v55 =	vadd.f32 $-7.000000000e+00, v3;
	v51 =	vmul.f32 v40, v18;
	v12 =	vsub.f32 $1.000000000e+00, v59;
	[tilespmem:s18+$0xFFFFFFC0] =	vst v48  }
0x1dc: {  	v53 =	vadd.f32 $-1.000000000e+00, v3;
	v61 =	vadd.f32 $-3.000000000e+00, v3;
	v52 =	vmul.f32 v41, v18;
	[tilespmem:s18+$0xFFFFFFF0] =	vst v49;
	v57 =	vpop (erf)  }
0x1dd: {  	v47 =	vmul.f32 v47, v18;
	[tilespmem:s18+$0xFFFFFFB0] =	vst v51;
	v36 =	vmax.f32 v12, $0.0e+00;
	v58 =	vpop (erf);
	v62 =	vnsel vm1, $0x0, v57  }
0x1de: {  	v31 =	vmul.f32 v61, v61;
	[tilespmem:s18+$0xFFFFFFA0] =	vst v52;
	v60 =	vnsel vm1, $0x0, v58;
	v40 =	vmul.f32 v62, v36  }
0x1df: {  	v56 =	vadd.f32 $-6.000000000e+00, v3;
	v26 =	vmul.f32 v53, v53;
	[tilespmem:s18+$0xFFFFFF80] =	vst v47;
	v11 =	vmul.f32 v60, v11  }
0x1e0: {  	v63 =	vadd.f32 $-2.000000000e+00, v3;
	v3 =	vadd.f32 $-5.000000000e+00, v3;
	v4 =	vmul.f32 v60, v4;
	[tilespmem:s19+$0xFFFFFF80] =	vst v40  }
0x1e1: {  	v5 =	vmax.f32 v5, $0.0e+00;
	v16 =	vmul.f32 v54, v54;
	v8 =	vmul.f32 v60, v8;
	[tilespmem:s19+$0x10] =	vst v11  }
0x1e2: {  	v6 =	vmax.f32 v6, $0.0e+00;
	v3 =	vmul.f32 v3, v3;
	v27 =	vmul.f32 v60, v10;
	[tilespmem:s19+$0x20] =	vst v4  }
0x1e3: {  	v7 =	vmax.f32 v7, $0.0e+00;
	v15 =	vmul.f32 v55, v55;
	v6 =	vmul.f32 v60, v6;
	[tilespmem:s19+$0x0] =	vst v8  }
0x1e4: {  	v19 =	vmul.f32 v56, v56;
	v3 =	vsub.f32 $1.000000000e+00, v3;
	v5 =	vmul.f32 v60, v5;
	[tilespmem:s19+$0x30] =	vst v27  }
0x1e5: {  	v29 =	vsub.f32 $1.000000000e+00, v26;
	v35 =	vsub.f32 $1.000000000e+00, v15;
	v9 =	vmul.f32 v60, v9;
	[tilespmem:s19+$0x40] =	vst v6  }
0x1e6: {  	v30 =	vmul.f32 v63, v63;
	v3 =	vmax.f32 v3, $0.0e+00;
	v7 =	vmul.f32 v60, v7;
	[tilespmem:s19+$0x70] =	vst v5  }
0x1e7: {  	v28 =	vsub.f32 $1.000000000e+00, v19;
	v3 =	vmul.f32 v62, v3;
	v10 =	vmax.f32 v35, $0.0e+00;
	[tilespmem:s19+$0x50] =	vst v9  }
0x1e8: {  	v32 =	vmax.f32 v29, $0.0e+00;
	v33 =	vsub.f32 $1.000000000e+00, v30;
	v10 =	vmul.f32 v62, v10;
	[tilespmem:s19+$0x60] =	vst v7  }
0x1e9: {  	v39 =	vsub.f32 $1.000000000e+00, v16;
	v34 =	vmax.f32 v28, $0.0e+00;
	[tilespmem:s19+$0xFFFFFFD0] =	vst v3;
	v6 =	vmul.f32 v62, v32;
	v38 =	vld [tilespmem:s23+$0x0]  }
0x1ea: {  	v4 =	vsub.f32 $1.000000000e+00, v31;
	v8 =	vmax.f32 v33, $0.0e+00;
	v5 =	vmul.f32 v62, v34;
	v41 =	vld [tilespmem:s23+$0x10];
	[tilespmem:s19+$0xFFFFFFF0] =	vst v10  }
0x1eb: {  	v9 =	vmax.f32 v39, $0.0e+00;
	v37 =	vmul.f32 v62, v8;
	v42 =	vld [tilespmem:s23+$0x20];
	[tilespmem:s19+$0xFFFFFF90] =	vst v6  }
0x1ec: {  	v45 =	vperm.xlane v58, v2;
	v9 =	vmul.f32 v62, v9;
	v44 =	vld [tilespmem:s23+$0x40];
	[tilespmem:s19+$0xFFFFFFE0] =	vst v5;
	v4 =	vmax.f32 v4, $0.0e+00  }
0x1ed: {  	v49 =	vld [tilespmem:s23+$0x70];
	[tilespmem:s19+$0xFFFFFFA0] =	vst v37;
	v4 =	vmul.f32 v62, v4  }
0x1ee: {  	v46 =	vld [tilespmem:s23+$0x50];
	[tilespmem:s19+$0xFFFFFFC0] =	vst v9;
	v8 =	vmul.f32 v38, v45  }
0x1ef: {  	v48 =	vld [tilespmem:s23+$0x60];
	[tilespmem:s19+$0xFFFFFFB0] =	vst v4;
	v3 =	vmul.f32 v41, v45  }
0x1f0: {  	v43 =	vld [tilespmem:s23+$0x30];
	v6 =	vmul.f32 v42, v45;
	[tilespmem:s23+$0x0] =	vst v8  }
0x1f1: {  	v50 =	vld [tilespmem:s23+$0xFFFFFF90];
	v53 =	vmul.f32 v44, v45;
	[tilespmem:s23+$0x10] =	vst v3  }
0x1f2: {  	v52 =	vld [tilespmem:s23+$0xFFFFFFE0];
	v9 =	vmul.f32 v49, v45;
	[tilespmem:s23+$0x20] =	vst v6  }
0x1f3: {  	v54 =	vld [tilespmem:s23+$0xFFFFFFD0];
	v12 =	vmul.f32 v46, v45;
	[tilespmem:s23+$0x40] =	vst v53  }
0x1f4: {  	v55 =	vperm.xlane v57, v2;
	v51 =	vld [tilespmem:s23+$0xFFFFFFC0];
	v4 =	vmul.f32 v48, v45;
	[tilespmem:s23+$0x70] =	vst v9  }
0x1f5: {  	v56 =	vld [tilespmem:s23+$0xFFFFFFF0];
	v3 =	vmul.f32 v43, v45;
	[tilespmem:s23+$0x50] =	vst v12  }
0x1f6: {  	v57 =	vld [tilespmem:s23+$0xFFFFFFB0];
	[tilespmem:s23+$0x60] =	vst v4;
	v7 =	vmul.f32 v50, v55  }
0x1f7: {  	v58 =	vld [tilespmem:s23+$0xFFFFFF80];
	[tilespmem:s23+$0x30] =	vst v3;
	v5 =	vmul.f32 v52, v55  }
0x1f8: {  	v3 =	vld [tilespmem:s23+$0xFFFFFFA0];
	v59 =	vmul.f32 v54, v55;
	[tilespmem:s23+$0xFFFFFF90] =	vst v7  }
0x1f9: {  	v8 =	vmul.f32 v51, v55;
	[tilespmem:s23+$0xFFFFFFE0] =	vst v5  }
0x1fa: {  	v60 =	vmul.f32 v56, v55;
	[tilespmem:s23+$0xFFFFFFD0] =	vst v59  }
0x1fb: {  	v61 =	vmul.f32 v57, v55;
	[tilespmem:s23+$0xFFFFFFC0] =	vst v8  }
0x1fc: {  	v62 =	vmul.f32 v58, v55;
	[tilespmem:s23+$0xFFFFFFF0] =	vst v60  }
0x1fd: {  	[tilespmem:s23+$0xFFFFFFB0] =	vst v61;
	v3 =	vmul.f32 v3, v55  }
0x1fe: {  	[tilespmem:s23+$0xFFFFFF80] =	vst v62  }
0x1ff: {  	[tilespmem:s23+$0xFFFFFFA0] =	vst v3  }
0x200: {  	v3 =	vld [tilespmem:$0x16900];
	_ =	sdelay $0x4  }
0x201: {  	s25 =	sadd.s32 $0x1, s25;
	v63 =	vshrl.u32 v3, $0x3  }
0x202: {  	p0 =	sne.s32 s25, $0x138;
	v4 =	vadd.s32 $0x2800, v63  }
.Ltmp4:
0x203: {  	_ = 	snop;
	(pc) =	sbr.rel @p0 .LBB2_6-.Ltmp4, $4  }
0x204: {  	s12 =	simm.s32 $0x19A00  }
0x205: {  	[spmem:s2] =	stream.indirect_vreg.scatter.add.f32 [tilespmem:s12], [sflag:$0x9], $0x80, v3, vm0, $0xb8;
	[tilespmem:$0x1B200] =	vst v63  }
0x206: {  	s26 =	simm.s32 $0x1A200  }
0x207: {  	[spmem:s2] =	stream.indirect_vreg.scatter.add.f32 [tilespmem:s26], [sflag:$0xA], $0x80, v4, vm0, $0xb8;
	[tilespmem:$0x1B200] =	vst v63  }
0x208: {  	s0 =	simm.s32 $0x9  }
0x209: {  	_ =	swait.ge [sflag:s0], $0x800  }
0x20a: {  	[sflag:s0] =	ssyncset.done $0x0  }
0x20b: {  	s23 =	simm.s32 $0xA;
	[sflag:s0] =	ssyncadd.s32 $0xFFFFF800  }
0x20c: {  	_ =	swait.ge [sflag:s23], $0x800  }
0x20d: {  	[sflag:s23] =	ssyncset.done $0x0  }
0x20e: {  	[sflag:s23] =	ssyncadd.s32 $0xFFFFF800  }
0x20f: {  	_ =	swait.ge [sflag:s29], $0x800  }
0x210: {  	[sflag:s29] =	ssyncset.done $0x0  }
0x211: {  	[sflag:s29] =	ssyncadd.s32 $0xFFFFF800  }
0x212: {  	_ =	swait.ge [sflag:s30], $0x800  }
0x213: {  	[sflag:s30] =	ssyncset.done $0x0  }
0x214: {  	[sflag:s30] =	ssyncadd.s32 $0xFFFFF800  }
0x215: {  	_ =	swait.ge [sflag:s31], $0x800  }
0x216: {  	[sflag:s31] =	ssyncset.done $0x0  }
0x217: {  	[sflag:s31] =	ssyncadd.s32 $0xFFFFF800  }
0x218: {  	s24 =	simm.s32 $0x16A80;
	v3 =	vld [tilespmem:$0x16800]  }
0x219: {  	s1 =	simm.s32 $0x17280;
	v4 =	vld [tilespmem:s24+$0x30]  }
0x21a: {  	v5 =	vld [tilespmem:s1+$0x70]  }
0x21b: {  	v7 =	vld [tilespmem:s1+$0x30]  }
0x21c: {  	v8 =	vld [tilespmem:s24+$0xFFFFFFF0]  }
0x21d: {  	v9 =	vld [tilespmem:s1+$0xFFFFFFF0]  }
0x21e: {  	v10 =	vld [tilespmem:s1+$0xFFFFFFE0]  }
0x21f: {  	v13 =	vld [tilespmem:s1+$0xFFFFFFC0]  }
0x220: {  	v15 =	vld [tilespmem:s1+$0xFFFFFFB0]  }
0x221: {  	v18 =	vld [tilespmem:s1+$0xFFFFFFA0]  }
0x222: {  	v19 =	vld [tilespmem:s24+$0xFFFFFFA0]  }
0x223: {  	v22 =	vld [tilespmem:s1+$0x10]  }
0x224: {  	v24 =	vld [tilespmem:s1+$0xFFFFFF90]  }
0x225: {  	v26 =	vld [tilespmem:s24+$0xFFFFFF90]  }
0x226: {  	v28 =	vld [tilespmem:s24+$0x10]  }
0x227: {  	v30 =	vld [tilespmem:s1+$0x0]  }
0x228: {  	v32 =	vld [tilespmem:s24+$0x0]  }
0x229: {  	v16 =	vld [tilespmem:s24+$0xFFFFFFB0]  }
0x22a: {  	v14 =	vld [tilespmem:s24+$0xFFFFFFC0]  }
0x22b: {  	v11 =	vld [tilespmem:s24+$0xFFFFFFE0];
	v3 =	vand.u32 $0x7, v3;
	v24 =	vmul.f32 v24, v26;
	v18 =	vmul.f32 v18, v19  }
0x22c: {  	s12 =	simm.s32 $0x1;
	v6 =	vld [tilespmem:s24+$0x70];
	v22 =	vmul.f32 v22, v28;
	v3 =	vcvt.s32.f32 v3  }
0x22d: {  	v17 =	vmov s12;
	v20 =	vld [tilespmem:s24+$0xFFFFFF80];
	v28 =	vmul.f32 v30, v32;
	v4 =	vmul.f32 v7, v4  }
0x22e: {  	v15 =	vmul.f32 v15, v16;
	v21 =	vperm.xlane v3, v17;
	v17 =	vld [tilespmem:s1+$0xFFFFFF80]  }
0x22f: {  	v8 =	vmul.f32 v9, v8;
	v13 =	vmul.f32 v13, v14;
	v22 =	vadd.f32 v22, v28  }
0x230: {  	v35 =	vld [tilespmem:s1+$0x20];
	v10 =	vmul.f32 v10, v11;
	v23 =	vadd.f32 $-7.000000000e+00, v21;
	v27 =	vadd.f32 $-5.000000000e+00, v21  }
0x231: {  	v36 =	vld [tilespmem:s24+$0x20];
	v6 =	vmul.f32 v5, v6;
	v25 =	vadd.f32 $-2.000000000e+00, v21;
	v29 =	vadd.f32 $-4.000000000e+00, v21  }
0x232: {  	v60 =	vld [tilespmem:s1+$0x40];
	v33 =	vadd.f32 $-6.000000000e+00, v21;
	v23 =	vmul.f32 v23, v23;
	v27 =	vmul.f32 v27, v27  }
0x233: {  	v7 =	vld [tilespmem:s24+$0x40];
	v34 =	vadd.f32 $-3.000000000e+00, v21;
	v25 =	vmul.f32 v25, v25;
	v20 =	vmul.f32 v17, v20  }
0x234: {  	v29 =	vmul.f32 v29, v29;
	v26 =	vsub.f32 $1.000000000e+00, v27;
	v27 =	vmul.f32 v33, v33  }
0x235: {  	v19 =	vld [tilespmem:s1+$0xFFFFFFD0];
	v59 =	vmul.f32 v34, v34;
	v31 =	vsub.f32 $1.000000000e+00, v23;
	v20 =	vadd.f32 v24, v20  }
0x236: {  	v23 =	vmul.f32 v21, v21;
	v25 =	vsub.f32 $1.000000000e+00, v25;
	v24 =	vsub.f32 $1.000000000e+00, v27;
	v27 =	vld [tilespmem:s24+$0xFFFFFFD0]  }
0x237: {  	v9 =	vld [tilespmem:s24+$0x50];
	v16 =	vadd.f32 v18, v20;
	v18 =	vadd.f32 $-1.000000000e+00, v21;
	v21 =	vmul.f32 v35, v36  }
0x238: {  	s25 =	simm.s32 $0x3;
	v7 =	vmul.f32 v60, v7;
	v17 =	vsub.f32 $1.000000000e+00, v29;
	v28 =	vsub.f32 $1.000000000e+00, v59;
	v20 =	vld [tilespmem:s1+$0x50]  }
0x239: {  	v12 =	vld [tilespmem:s1+$0x60];
	v14 =	vadd.f32 v15, v16;
	v16 =	vmov s25;
	v21 =	vadd.f32 v21, v22  }
0x23a: {  	v48 =	vmax.f32 v31, $0.0e+00;
	v15 =	vld [tilespmem:s24+$0x60];
	v18 =	vmul.f32 v18, v18;
	v16 =	vperm.xlane v3, v16  }
0x23b: {  	s20 =	simm.s32 $0x17380;
	v13 =	vadd.f32 v13, v14;
	v14 =	vmul.f32 v19, v27;
	v4 =	vadd.f32 v4, v21  }
0x23c: {  	v63 =	vld [tilespmem:s20+$0x50];
	v42 =	vmax.f32 v25, $0.0e+00;
	v18 =	vsub.f32 $1.000000000e+00, v18;
	v5 =	vadd.f32 $-7.000000000e+00, v16  }
0x23d: {  	v38 =	vld [tilespmem:s20+$0x40];
	v9 =	vmul.f32 v20, v9;
	v11 =	vadd.f32 v14, v13;
	v4 =	vadd.f32 v7, v4  }
0x23e: {  	v58 =	vld [tilespmem:s20+$0xFFFFFFA0];
	v32 =	vmax.f32 v17, $0.0e+00;
	v20 =	vadd.f32 $-6.000000000e+00, v16;
	v13 =	vadd.f32 $-2.000000000e+00, v16  }
0x23f: {  	s24 =	simm.s32 $0x16B80;
	v22 =	vld [tilespmem:s20+$0xFFFFFFE0];
	v7 =	vmul.f32 v12, v15;
	v10 =	vadd.f32 v10, v11;
	v9 =	vadd.f32 v9, v4  }
0x240: {  	v25 =	vmax.f32 v24, $0.0e+00;
	v19 =	vld [tilespmem:s24+$0xFFFFFFF0];
	v27 =	vadd.f32 $-3.000000000e+00, v16;
	v14 =	vadd.f32 $-5.000000000e+00, v16  }
0x241: {  	v12 =	vld [tilespmem:s24+$0x30];
	v13 =	vmul.f32 v13, v13;
	v10 =	vadd.f32 v8, v10;
	v7 =	vadd.f32 v7, v9  }
0x242: {  	v62 =	vadd.f32 $-1.000000000e+00, v16;
	v5 =	vmul.f32 v5, v5;
	v15 =	vld [tilespmem:s20+$0x30];
	v14 =	vmul.f32 v14, v14  }
0x243: {  	s26 =	simm.s32 $0x0;
	v4 =	vsub.f32 $1.000000000e+00, v13;
	v13 =	vld [tilespmem:s20+$0xFFFFFFF0];
	v21 =	vperm.xlane v10, v1;
	v29 =	vadd.f32 v6, v7  }
0x244: {  	v30 =	vld [tilespmem:s24+$0xFFFFFFE0];
	v9 =	vadd.f32 $-4.000000000e+00, v16;
	v8 =	vmul.f32 v16, v16;
	v16 =	vmov s26  }
0x245: {  	v40 =	vld [tilespmem:s24+$0xFFFFFFA0];
	v57 =	vperm.xlane v3, v16;
	v10 =	vadd.f32 v10, v21;
	v21 =	vperm.xlane v29, v1  }
0x246: {  	v11 =	vld [tilespmem:s20+$0x70];
	v6 =	vmul.f32 v9, v9;
	v7 =	vmul.f32 v20, v20;
	v9 =	vsub.f32 $1.000000000e+00, v14  }
0x247: {  	v20 =	vld [tilespmem:s24+$0x70];
	v14 =	vmul.f32 v27, v27;
	v15 =	vmul.f32 v15, v12;
	v21 =	vadd.f32 v29, v21  }
0x248: {  	v27 =	vld [tilespmem:s20+$0x60];
	v44 =	vadd.f32 $-3.000000000e+00, v57;
	v12 =	vmul.f32 v13, v19;
	v10 =	vnsel vm1, $0x0, v10  }
0x249: {  	v19 =	vld [tilespmem:s20+$0xFFFFFFC0];
	v61 =	vmul.f32 $1.442695020e+00, v10;
	v10 =	vsub.f32 $1.000000000e+00, v14;
	v14 =	vnsel vm1, $0x0, v21  }
0x24a: {  	v41 =	vmax.f32 v18, $0.0e+00;
	v13 =	vmul.f32 v22, v30;
	v22 =	vld [tilespmem:s24+$0xFFFFFFC0];
	v30 =	vmul.f32 $1.442695020e+00, v14  }
0x24b: {  	v5 =	vsub.f32 $1.000000000e+00, v5;
	v49 =	vmul.f32 v44, v44;
	v29 =	vld [tilespmem:s24+$0x60];
	(erf) = vpow2.f32 v61  }
0x24c: {  	v45 =	vld [tilespmem:s20+$0x20];
	v24 =	vadd.f32 $-2.000000000e+00, v57;
	v6 =	vsub.f32 $1.000000000e+00, v6;
	(erf) = vpow2.f32 v30  }
0x24d: {  	v50 =	vld [tilespmem:s20+$0x10];
	v34 =	vmul.f32 v58, v40;
	v7 =	vsub.f32 $1.000000000e+00, v7;
	v36 =	vsub.f32 $1.000000000e+00, v49  }
0x24e: {  	v21 =	vmax.f32 v26, $0.0e+00;
	v26 =	vld [tilespmem:s24+$0xFFFFFFB0];
	v14 =	vmul.f32 v11, v20;
	v11 =	vsub.f32 $1.000000000e+00, v23  }
0x24f: {  	v20 =	vld [tilespmem:s20+$0xFFFFFFB0];
	v23 =	vmax.f32 v28, $0.0e+00;
	v19 =	vmul.f32 v19, v22;
	v22 =	vadd.f32 $-6.000000000e+00, v57  }
0x250: {  	v39 =	vld [tilespmem:s24+$0x40];
	v16 =	vmul.f32 v27, v29;
	v29 =	vadd.f32 $-1.000000000e+00, v57;
	v27 =	vadd.f32 $-4.000000000e+00, v57  }
0x251: {  	v47 =	vld [tilespmem:s24+$0x20];
	v43 =	vmax.f32 v11, $0.0e+00;
	v11 =	vmul.f32 v62, v62;
	v30 =	vmul.f32 v57, v57  }
0x252: {  	v52 =	vld [tilespmem:s24+$0x10];
	v28 =	vadd.f32 $-7.000000000e+00, v57;
	v60 =	vmul.f32 v22, v22;
	v59 =	vmul.f32 v27, v27  }
0x253: {  	v37 =	vld [tilespmem:s24+$0x50];
	v46 =	vsub.f32 $1.000000000e+00, v30;
	v29 =	vmul.f32 v29, v29;
	v30 =	vadd.f32 $-5.000000000e+00, v57  }
0x254: {  	v22 =	vmul.f32 v20, v26;
	v26 =	vmul.f32 v28, v28;
	v28 =	vsub.f32 $1.000000000e+00, v60;
	v18 =	vpop (erf)  }
0x255: {  	v31 =	vld [tilespmem:s20+$0xFFFFFF80];
	v61 =	vsub.f32 $1.000000000e+00, v59;
	v53 =	vsub.f32 $1.000000000e+00, v29;
	v29 =	vmul.f32 v38, v39;
	v17 =	vpop (erf)  }
0x256: {  	v40 =	vld [tilespmem:s20+$0x0];
	v39 =	vmul.f32 v45, v47;
	v47 =	vmul.f32 v24, v24;
	v35 =	vnsel vm1, $0x0, v17  }
0x257: {  	v44 =	vld [tilespmem:s24+$0xFFFFFF90];
	v33 =	vmax.f32 v46, $0.0e+00;
	v46 =	vmul.f32 v50, v52;
	v62 =	vmul.f32 v35, v41  }
0x258: {  	s12 =	simm.s32 $0x18280;
	v27 =	vld [tilespmem:s24+$0xFFFFFF80];
	v51 =	vsub.f32 $1.000000000e+00, v26;
	v26 =	vmul.f32 v63, v37;
	v63 =	vmul.f32 v35, v42  }
0x259: {  	v54 =	vmax.f32 v61, $0.0e+00;
	v20 =	vnsel vm1, $0x0, v18;
	v41 =	vld [tilespmem:s24+$0x0];
	v43 =	vmul.f32 v35, v43;
	[tilespmem:s12+$0x10] =	vst v62  }
0x25a: {  	s18 =	simm.s32 $0x17A80;
	s21 =	simm.s32 $0x4;
	v28 =	vmax.f32 v28, $0.0e+00;
	v37 =	vld [tilespmem:s20+$0xFFFFFFD0];
	v45 =	vmax.f32 v53, $0.0e+00;
	v24 =	vmul.f32 v20, v54;
	[tilespmem:s12+$0x20] =	vst v63  }
0x25b: {  	s19 =	simm.s32 $0x18380;
	s0 =	simm.s32 $0x2;
	s23 =	simm.s32 $0x17B80;
	v38 =	vmax.f32 v51, $0.0e+00;
	v17 =	vperm.xlane v17, v2;
	v42 =	vld [tilespmem:s20+$0xFFFFFF90];
	[tilespmem:s12+$0x0] =	vst v43;
	v43 =	vmul.f32 v35, v48  }
.LBB2_12:
0x25c: {  	s22 =	sadd.s32 $0x1, s21  }
0x25d: {  	v48 =	vld [tilespmem:s24+$0xFFFFFFD0];
	s24 =	sadd.s32 $0x100, s24;
	v45 =	vmul.f32 v20, v45;
	v47 =	vsub.f32 $1.000000000e+00, v47;
	v49 =	vmul.f32 v35, v23;
	s1 =	smov.u32 s21;
	s13 =	sadd.s32 $0x2, s21  }
0x25e: {  	p0 =	slt.u32 s21, $0xE;
	s20 =	sadd.s32 $0x100, s20;
	v38 =	vmul.f32 v20, v38;
	v50 =	vld [tilespmem:s24+$0x30];
	v51 =	vmov s22;
	v40 =	vmul.f32 v40, v41  }
0x25f: {  	v23 =	vld [tilespmem:s20+$0x70];
	v41 =	vperm.xlane v3, v51;
	[tilespmem:s12+$0xFFFFFF90] =	vst v45;
	v45 =	vmax.f32 v47, $0.0e+00;
	v47 =	vmul.f32 v35, v32  }
0x260: {  	v21 =	vmul.f32 v35, v21;
	v32 =	vld [tilespmem:s24+$0x70];
	v42 =	vmul.f32 v42, v44;
	v40 =	vadd.f32 v46, v40;
	[tilespmem:s12+$0x30] =	vst v49  }
0x261: {  	v27 =	vmul.f32 v31, v27;
	v30 =	vmul.f32 v30, v30;
	v44 =	vld [tilespmem:s20+$0x30];
	v46 =	vadd.f32 $-7.000000000e+00, v41;
	[tilespmem:s12+$0x40] =	vst v47  }
0x262: {  	v25 =	vmul.f32 v35, v25;
	v47 =	vadd.f32 $-2.000000000e+00, v41;
	v31 =	vld [tilespmem:s24+$0xFFFFFFF0];
	v39 =	vadd.f32 v39, v40;
	[tilespmem:s12+$0x70] =	vst v43  }
0x263: {  	v28 =	vmul.f32 v20, v28;
	v40 =	vadd.f32 $-5.000000000e+00, v41;
	v27 =	vadd.f32 v42, v27;
	v35 =	vld [tilespmem:s20+$0xFFFFFFF0];
	[tilespmem:s12+$0x50] =	vst v21  }
0x264: {  	v30 =	vsub.f32 $1.000000000e+00, v30;
	v42 =	vmul.f32 v46, v46;
	v21 =	vld [tilespmem:s20+$0xFFFFFFE0];
	v15 =	vadd.f32 v15, v39;
	[tilespmem:s12+$0x60] =	vst v25  }
0x265: {  	v25 =	vmul.f32 v47, v47;
	v34 =	vadd.f32 v34, v27;
	v39 =	vmul.f32 v20, v45;
	[tilespmem:s12+$0xFFFFFFE0] =	vst v28;
	v28 =	vld [tilespmem:s18+$0x0]  }
0x266: {  	v33 =	vmul.f32 v20, v33;
	v40 =	vmul.f32 v40, v40;
	v27 =	vsub.f32 $1.000000000e+00, v42;
	v42 =	vld [tilespmem:s18+$0x10]  }
0x267: {  	v25 =	vsub.f32 $1.000000000e+00, v25;
	v22 =	vadd.f32 v22, v34;
	v34 =	vmax.f32 v36, $0.0e+00;
	[tilespmem:s12+$0xFFFFFFA0] =	vst v39;
	v36 =	vld [tilespmem:s18+$0x20]  }
0x268: {  	v15 =	vadd.f32 v29, v15;
	v39 =	vsub.f32 $1.000000000e+00, v40;
	v29 =	vmul.f32 v20, v34;
	[tilespmem:s12+$0xFFFFFF80] =	vst v33;
	v33 =	vld [tilespmem:s18+$0x30]  }
0x269: {  	v30 =	vmax.f32 v30, $0.0e+00;
	v19 =	vadd.f32 v19, v22;
	v22 =	vmul.f32 v37, v48;
	v34 =	vld [tilespmem:s18+$0x40]  }
0x26a: {  	v37 =	vmul.f32 v41, v41;
	v15 =	vadd.f32 v26, v15;
	[tilespmem:s12+$0xFFFFFFB0] =	vst v29;
	v26 =	vmul.f32 v28, v17;
	v28 =	vld [tilespmem:s18+$0x50]  }
0x26b: {  	v20 =	vmul.f32 v20, v30;
	v29 =	vadd.f32 $-4.000000000e+00, v41;
	v19 =	vadd.f32 v22, v19;
	[tilespmem:s12+$0xFFFFFFF0] =	vst v38;
	v22 =	vld [tilespmem:s18+$0x60]  }
0x26c: {  	v30 =	vadd.f32 $-6.000000000e+00, v41;
	v15 =	vadd.f32 v16, v15;
	v16 =	vmul.f32 v42, v17;
	[tilespmem:s12+$0xFFFFFFC0] =	vst v24;
	v24 =	vld [tilespmem:s18+$0x70]  }
0x26d: {  	v18 =	vperm.xlane v18, v2;
	v29 =	vmul.f32 v29, v29;
	v13 =	vadd.f32 v13, v19;
	v38 =	vld [tilespmem:s24+$0xFFFFFFE0];
	[tilespmem:s12+$0xFFFFFFD0] =	vst v20;
	s12 =	smov.u32 s19  }
0x26e: {  	v19 =	vadd.f32 $-3.000000000e+00, v41;
	v14 =	vadd.f32 v14, v15;
	v15 =	vmul.f32 v36, v17;
	v20 =	vld [tilespmem:s18+$0xFFFFFF90];
	[tilespmem:s18+$0x0] =	vst v26  }
0x26f: {  	v26 =	vmul.f32 v30, v30;
	v12 =	vadd.f32 v12, v13;
	v13 =	vmul.f32 v33, v17;
	v30 =	vld [tilespmem:s18+$0xFFFFFFC0];
	[tilespmem:s18+$0x10] =	vst v16  }
0x270: {  	v29 =	vsub.f32 $1.000000000e+00, v29;
	v33 =	vmul.f32 v34, v17;
	v16 =	vmul.f32 v19, v19;
	v19 =	vld [tilespmem:s18+$0xFFFFFFE0];
	[tilespmem:s18+$0x20] =	vst v15  }
0x271: {  	v36 =	vperm.xlane v14, v1;
	v26 =	vsub.f32 $1.000000000e+00, v26;
	v34 =	vperm.xlane v12, v1;
	v40 =	vld [tilespmem:s18+$0xFFFFFFD0];
	[tilespmem:s18+$0x30] =	vst v13  }
0x272: {  	v41 =	vadd.f32 $-1.000000000e+00, v41;
	v15 =	vmul.f32 v44, v50;
	v13 =	vmul.f32 v24, v17;
	v42 =	vld [tilespmem:s18+$0xFFFFFFA0];
	[tilespmem:s18+$0x40] =	vst v33  }
0x273: {  	v28 =	vmul.f32 v28, v17;
	v14 =	vadd.f32 v14, v36;
	v24 =	vadd.f32 v12, v34;
	v33 =	vld [tilespmem:s18+$0xFFFFFFF0]  }
0x274: {  	v12 =	vmul.f32 v35, v31;
	v31 =	vsub.f32 $1.000000000e+00, v16;
	v16 =	vmul.f32 v20, v18;
	v20 =	vld [tilespmem:s18+$0xFFFFFFB0];
	[tilespmem:s18+$0x70] =	vst v13  }
0x275: {  	v17 =	vmul.f32 v22, v17;
	v24 =	vnsel vm1, $0x0, v24;
	v34 =	vld [tilespmem:s18+$0xFFFFFF80];
	v19 =	vmul.f32 v19, v18;
	[tilespmem:s18+$0x50] =	vst v28  }
0x276: {  	v13 =	vmul.f32 v21, v38;
	v21 =	vnsel vm1, $0x0, v14;
	v22 =	vld [tilespmem:s20+$0x60];
	[tilespmem:s18+$0xFFFFFF90] =	vst v16;
	v16 =	vmul.f32 v40, v18  }
0x277: {  	v35 =	vsub.f32 $1.000000000e+00, v11;
	v11 =	vmul.f32 v30, v18;
	v24 =	vmul.f32 $1.442695020e+00, v24;
	v28 =	vld [tilespmem:s24+$0x60];
	[tilespmem:s18+$0xFFFFFFE0] =	vst v19  }
0x278: {  	v14 =	vmul.f32 v23, v32;
	v19 =	vld [tilespmem:s20+$0xFFFFFFC0];
	[tilespmem:s18+$0xFFFFFFD0] =	vst v16;
	v16 =	vmul.f32 v33, v18  }
0x279: {  	v30 =	vld [tilespmem:s24+$0xFFFFFFC0];
	(erf) = vpow2.f32 v24;
	v20 =	vmul.f32 v20, v18;
	[tilespmem:s18+$0xFFFFFFC0] =	vst v11  }
0x27a: {  	v23 =	vmul.f32 $1.442695020e+00, v21;
	v32 =	vmul.f32 v42, v18;
	v11 =	vmov s0;
	s0 =	smov.u32 s1;
	v24 =	vld [tilespmem:s20+$0x50];
	[tilespmem:s18+$0xFFFFFFF0] =	vst v16  }
0x27b: {  	v21 =	vmax.f32 v9, $0.0e+00;
	v9 =	vmovc v39;
	v36 =	vperm.xlane v3, v11;
	v11 =	vmul.f32 v34, v18;
	v33 =	vld [tilespmem:s24+$0x50];
	[tilespmem:s18+$0xFFFFFFB0] =	vst v20  }
0x27c: {  	v20 =	vsub.f32 $1.000000000e+00, v8;
	v8 =	vmovc v37;
	v18 =	vld [tilespmem:s20+$0xFFFFFFB0];
	v16 =	vmul.f32 v22, v28;
	(erf) = vpow2.f32 v23;
	[tilespmem:s18+$0xFFFFFFA0] =	vst v32  }
0x27d: {  	v28 =	vadd.f32 $-1.000000000e+00, v36;
	v32 =	vadd.f32 $-4.000000000e+00, v36;
	v23 =	vmax.f32 v10, $0.0e+00;
	v10 =	vmovc v31;
	v22 =	vld [tilespmem:s24+$0xFFFFFFB0];
	[tilespmem:s18+$0x60] =	vst v17  }
0x27e: {  	v17 =	vadd.f32 $-7.000000000e+00, v36;
	v43 =	vmax.f32 v20, $0.0e+00;
	v19 =	vmul.f32 v19, v30;
	v37 =	vld [tilespmem:s20+$0x40];
	[tilespmem:s18+$0xFFFFFF80] =	vst v11;
	s18 =	smov.u32 s23  }
0x27f: {  	v48 =	vmax.f32 v5, $0.0e+00;
	v5 =	vmovc v27;
	v20 =	vadd.f32 $-6.000000000e+00, v36;
	v11 =	vmul.f32 v41, v41;
	v38 =	vld [tilespmem:s24+$0x40]  }
0x280: {  	v42 =	vmax.f32 v4, $0.0e+00;
	v4 =	vmovc v25;
	v39 =	vmul.f32 v32, v32;
	v41 =	vmax.f32 v35, $0.0e+00;
	v34 =	vld [tilespmem:s20+$0xFFFFFFA0]  }
0x281: {  	v30 =	vmul.f32 v36, v36;
	v35 =	vadd.f32 $-3.000000000e+00, v36;
	v32 =	vmul.f32 v20, v20;
	v40 =	vld [tilespmem:s24+$0xFFFFFFA0]  }
0x282: {  	v25 =	vmax.f32 v7, $0.0e+00;
	v17 =	vmul.f32 v17, v17;
	v27 =	vld [tilespmem:s24+$0xFFFFFF80];
	v22 =	vmul.f32 v18, v22;
	v18 =	vpop (erf)  }
0x283: {  	v7 =	vmovc v26;
	v46 =	vadd.f32 $-2.000000000e+00, v36;
	v44 =	vsub.f32 $1.000000000e+00, v32;
	v31 =	vld [tilespmem:s20+$0xFFFFFF80];
	v20 =	vnsel vm1, $0x0, v18  }
0x284: {  	v26 =	vmul.f32 v28, v28;
	v47 =	vsub.f32 $1.000000000e+00, v30;
	v32 =	vmax.f32 v6, $0.0e+00;
	v6 =	vmovc v29;
	v45 =	vld [tilespmem:s20+$0x20]  }
0x285: {  	v50 =	vmul.f32 v35, v35;
	v30 =	vadd.f32 $-5.000000000e+00, v36;
	v28 =	vmax.f32 v44, $0.0e+00;
	v49 =	vld [tilespmem:s24+$0x20];
	v29 =	vpop (erf)  }
0x286: {  	v39 =	vsub.f32 $1.000000000e+00, v39;
	v44 =	vsub.f32 $1.000000000e+00, v17;
	v36 =	vld [tilespmem:s20+$0x10];
	v35 =	vnsel vm1, $0x0, v29  }
0x287: {  	v52 =	vsub.f32 $1.000000000e+00, v26;
	v34 =	vmul.f32 v34, v40;
	v17 =	vperm.xlane v29, v2;
	v51 =	vld [tilespmem:s24+$0x10]  }
.Ltmp5:
0x288: {  	v29 =	vmul.f32 v37, v38;
	v37 =	vmax.f32 v39, $0.0e+00;
	v53 =	vmul.f32 v35, v41;
	v40 =	vld [tilespmem:s20+$0x0];
	(pc) =	sbr.rel @p0 .LBB2_12-.Ltmp5, $4  }
0x289: {  	v26 =	vmul.f32 v24, v33;
	v38 =	vmax.f32 v44, $0.0e+00;
	v54 =	vmul.f32 v35, v42;
	v41 =	vld [tilespmem:s24+$0x0]  }
0x28a: {  	v33 =	vmax.f32 v47, $0.0e+00;
	v43 =	vmul.f32 v35, v43;
	v42 =	vld [tilespmem:s20+$0xFFFFFF90];
	v39 =	vmul.f32 v45, v49;
	[tilespmem:s19+$0x10] =	vst v53  }
0x28b: {  	v47 =	vmul.f32 v46, v46;
	v24 =	vmul.f32 v20, v37;
	v45 =	vmax.f32 v52, $0.0e+00;
	v44 =	vld [tilespmem:s24+$0xFFFFFF90];
	[tilespmem:s19+$0x20] =	vst v54  }
0x28c: {  	s21 =	smov.u32 s13;
	s23 =	sadd.s32 $0x100, s23;
	s19 =	sadd.s32 $0x100, s19;
	v37 =	vld [tilespmem:s20+$0xFFFFFFD0];
	v46 =	vmul.f32 v36, v51;
	v36 =	vsub.f32 $1.000000000e+00, v50;
	[tilespmem:s12+$0x0] =	vst v43;
	v43 =	vmul.f32 v35, v48  }
0x28d: {  	_ =	sdelay $0x2  }
0x28e: {  	v27 =	vmul.f32 v31, v27;
	v42 =	vmul.f32 v42, v44  }
0x28f: {  	v63 =	vmul.f32 v40, v41  }
0x290: {  	v27 =	vadd.f32 v42, v27  }
0x291: {  	v44 =	vld [tilespmem:s24+$0xFFFFFFD0];
	v31 =	vadd.f32 v46, v63  }
0x292: {  	v27 =	vadd.f32 v34, v27  }
0x293: {  	v31 =	vadd.f32 v39, v31  }
0x294: {  	v23 =	vmul.f32 v35, v23;
	v22 =	vadd.f32 v22, v27  }
0x295: {  	v32 =	vmul.f32 v35, v32;
	v21 =	vmul.f32 v35, v21;
	[tilespmem:s12+$0x70] =	vst v43;
	v15 =	vadd.f32 v15, v31  }
0x296: {  	[tilespmem:s12+$0x30] =	vst v23;
	v46 =	vsub.f32 $1.000000000e+00, v47;
	v47 =	vmul.f32 v37, v44;
	v19 =	vadd.f32 v19, v22  }
0x297: {  	v25 =	vmul.f32 v35, v25;
	[tilespmem:s12+$0x40] =	vst v32;
	v15 =	vadd.f32 v29, v15  }
0x298: {  	[tilespmem:s12+$0x50] =	vst v21;
	v19 =	vadd.f32 v47, v19  }
0x299: {  	v48 =	vmul.f32 v20, v45;
	[tilespmem:s12+$0x60] =	vst v25;
	v15 =	vadd.f32 v26, v15  }
0x29a: {  	v50 =	vmul.f32 v20, v28;
	v51 =	vmul.f32 v30, v30;
	[tilespmem:s12+$0xFFFFFFC0] =	vst v24;
	v25 =	vld [tilespmem:s18+$0x0];
	v13 =	vadd.f32 v13, v19  }
0x29b: {  	v52 =	vmul.f32 v20, v33;
	v58 =	vmul.f32 v20, v38;
	[tilespmem:s12+$0xFFFFFF90] =	vst v48;
	v15 =	vadd.f32 v16, v15  }
0x29c: {  	v54 =	vmax.f32 v36, $0.0e+00;
	[tilespmem:s12+$0xFFFFFFE0] =	vst v50;
	v55 =	vsub.f32 $1.000000000e+00, v51;
	v53 =	vld [tilespmem:s18+$0x10];
	v12 =	vadd.f32 v12, v13  }
0x29d: {  	v57 =	vmul.f32 v20, v54;
	[tilespmem:s12+$0xFFFFFF80] =	vst v52;
	v56 =	vld [tilespmem:s18+$0x20];
	v49 =	vmax.f32 v46, $0.0e+00;
	v14 =	vadd.f32 v14, v15  }
0x29e: {  	[tilespmem:s12+$0xFFFFFFF0] =	vst v58;
	v59 =	vld [tilespmem:s18+$0x30];
	v21 =	vmul.f32 v20, v49;
	v63 =	vperm.xlane v12, v1  }
0x29f: {  	v61 =	vld [tilespmem:s18+$0x40];
	v60 =	vmax.f32 v55, $0.0e+00;
	[tilespmem:s12+$0xFFFFFFB0] =	vst v57;
	v31 =	vmul.f32 v25, v17;
	v29 =	vperm.xlane v14, v1  }
0x2a0: {  	v30 =	vld [tilespmem:s18+$0x70];
	[tilespmem:s12+$0xFFFFFFA0] =	vst v21;
	v13 =	vmul.f32 v20, v60;
	v12 =	vadd.f32 v12, v63  }
0x2a1: {  	v28 =	vld [tilespmem:s18+$0x60];
	v32 =	vmul.f32 v53, v17;
	[tilespmem:s18+$0x0] =	vst v31;
	v14 =	vadd.f32 v14, v29  }
0x2a2: {  	v18 =	vperm.xlane v18, v2;
	v62 =	vld [tilespmem:s18+$0x50];
	v35 =	vmul.f32 v56, v17;
	[tilespmem:s12+$0xFFFFFFD0] =	vst v13;
	v12 =	vnsel vm1, $0x0, v12  }
0x2a3: {  	v37 =	vmul.f32 v59, v17;
	[tilespmem:s18+$0x10] =	vst v32;
	v13 =	vld [tilespmem:s18+$0xFFFFFF90];
	v14 =	vnsel vm1, $0x0, v14;
	v12 =	vmul.f32 $1.442695020e+00, v12  }
0x2a4: {  	v39 =	vmul.f32 v61, v17;
	[tilespmem:s18+$0x20] =	vst v35;
	v34 =	vld [tilespmem:s18+$0xFFFFFFE0];
	v14 =	vmul.f32 $1.442695020e+00, v14  }
0x2a5: {  	v42 =	vmul.f32 v30, v17;
	[tilespmem:s18+$0x30] =	vst v37;
	v36 =	vld [tilespmem:s18+$0xFFFFFFD0];
	(erf) = vpow2.f32 v12  }
0x2a6: {  	v45 =	vmul.f32 v28, v17;
	[tilespmem:s18+$0x40] =	vst v39;
	v33 =	vld [tilespmem:s18+$0xFFFFFFC0];
	(erf) = vpow2.f32 v14  }
0x2a7: {  	v11 =	vsub.f32 $1.000000000e+00, v11;
	[tilespmem:s18+$0x70] =	vst v42;
	v15 =	vmul.f32 v62, v17;
	v38 =	vld [tilespmem:s18+$0xFFFFFFF0]  }
0x2a8: {  	v9 =	vmax.f32 v9, $0.0e+00;
	v50 =	vmov s0;
	[tilespmem:s18+$0x60] =	vst v45;
	v40 =	vld [tilespmem:s18+$0xFFFFFFB0];
	v43 =	vmul.f32 v13, v18  }
0x2a9: {  	v8 =	vsub.f32 $1.000000000e+00, v8;
	v3 =	vperm.xlane v3, v50;
	[tilespmem:s18+$0x50] =	vst v15;
	v41 =	vld [tilespmem:s18+$0xFFFFFFA0];
	v44 =	vmul.f32 v34, v18  }
0x2aa: {  	v10 =	vmax.f32 v10, $0.0e+00;
	v4 =	vmax.f32 v4, $0.0e+00;
	v47 =	vld [tilespmem:s18+$0xFFFFFF80];
	v46 =	vmul.f32 v36, v18;
	[tilespmem:s18+$0xFFFFFF90] =	vst v43  }
0x2ab: {  	v8 =	vmax.f32 v8, $0.0e+00;
	v59 =	vmul.f32 v3, v3;
	v48 =	vmul.f32 v33, v18;
	[tilespmem:s18+$0xFFFFFFE0] =	vst v44  }
0x2ac: {  	v11 =	vmax.f32 v11, $0.0e+00;
	v54 =	vadd.f32 $-4.000000000e+00, v3;
	v49 =	vmul.f32 v38, v18;
	[tilespmem:s18+$0xFFFFFFD0] =	vst v46  }
0x2ad: {  	v55 =	vadd.f32 $-7.000000000e+00, v3;
	v51 =	vmul.f32 v40, v18;
	v12 =	vsub.f32 $1.000000000e+00, v59;
	[tilespmem:s18+$0xFFFFFFC0] =	vst v48  }
0x2ae: {  	v53 =	vadd.f32 $-1.000000000e+00, v3;
	v61 =	vadd.f32 $-3.000000000e+00, v3;
	v52 =	vmul.f32 v41, v18;
	[tilespmem:s18+$0xFFFFFFF0] =	vst v49;
	v57 =	vpop (erf)  }
0x2af: {  	v47 =	vmul.f32 v47, v18;
	[tilespmem:s18+$0xFFFFFFB0] =	vst v51;
	v36 =	vmax.f32 v12, $0.0e+00;
	v58 =	vpop (erf);
	v62 =	vnsel vm1, $0x0, v57  }
0x2b0: {  	v31 =	vmul.f32 v61, v61;
	[tilespmem:s18+$0xFFFFFFA0] =	vst v52;
	v60 =	vnsel vm1, $0x0, v58;
	v40 =	vmul.f32 v62, v36  }
0x2b1: {  	v56 =	vadd.f32 $-6.000000000e+00, v3;
	v26 =	vmul.f32 v53, v53;
	[tilespmem:s18+$0xFFFFFF80] =	vst v47;
	v11 =	vmul.f32 v60, v11  }
0x2b2: {  	v63 =	vadd.f32 $-2.000000000e+00, v3;
	v3 =	vadd.f32 $-5.000000000e+00, v3;
	v4 =	vmul.f32 v60, v4;
	[tilespmem:s19+$0xFFFFFF80] =	vst v40  }
0x2b3: {  	v5 =	vmax.f32 v5, $0.0e+00;
	v16 =	vmul.f32 v54, v54;
	v8 =	vmul.f32 v60, v8;
	[tilespmem:s19+$0x10] =	vst v11  }
0x2b4: {  	v6 =	vmax.f32 v6, $0.0e+00;
	v3 =	vmul.f32 v3, v3;
	v27 =	vmul.f32 v60, v10;
	[tilespmem:s19+$0x20] =	vst v4  }
0x2b5: {  	v7 =	vmax.f32 v7, $0.0e+00;
	v15 =	vmul.f32 v55, v55;
	v6 =	vmul.f32 v60, v6;
	[tilespmem:s19+$0x0] =	vst v8  }
0x2b6: {  	v19 =	vmul.f32 v56, v56;
	v3 =	vsub.f32 $1.000000000e+00, v3;
	v5 =	vmul.f32 v60, v5;
	[tilespmem:s19+$0x30] =	vst v27  }
0x2b7: {  	v29 =	vsub.f32 $1.000000000e+00, v26;
	v35 =	vsub.f32 $1.000000000e+00, v15;
	v9 =	vmul.f32 v60, v9;
	[tilespmem:s19+$0x40] =	vst v6  }
0x2b8: {  	v30 =	vmul.f32 v63, v63;
	v3 =	vmax.f32 v3, $0.0e+00;
	v7 =	vmul.f32 v60, v7;
	[tilespmem:s19+$0x70] =	vst v5  }
0x2b9: {  	v28 =	vsub.f32 $1.000000000e+00, v19;
	v3 =	vmul.f32 v62, v3;
	v10 =	vmax.f32 v35, $0.0e+00;
	[tilespmem:s19+$0x50] =	vst v9  }
0x2ba: {  	v32 =	vmax.f32 v29, $0.0e+00;
	v33 =	vsub.f32 $1.000000000e+00, v30;
	v10 =	vmul.f32 v62, v10;
	[tilespmem:s19+$0x60] =	vst v7  }
0x2bb: {  	v39 =	vsub.f32 $1.000000000e+00, v16;
	v34 =	vmax.f32 v28, $0.0e+00;
	[tilespmem:s19+$0xFFFFFFD0] =	vst v3;
	v6 =	vmul.f32 v62, v32;
	v38 =	vld [tilespmem:s23+$0x0]  }
0x2bc: {  	v4 =	vsub.f32 $1.000000000e+00, v31;
	v8 =	vmax.f32 v33, $0.0e+00;
	v5 =	vmul.f32 v62, v34;
	v41 =	vld [tilespmem:s23+$0x10];
	[tilespmem:s19+$0xFFFFFFF0] =	vst v10  }
0x2bd: {  	v9 =	vmax.f32 v39, $0.0e+00;
	v37 =	vmul.f32 v62, v8;
	v42 =	vld [tilespmem:s23+$0x20];
	[tilespmem:s19+$0xFFFFFF90] =	vst v6  }
0x2be: {  	v45 =	vperm.xlane v58, v2;
	v9 =	vmul.f32 v62, v9;
	v44 =	vld [tilespmem:s23+$0x40];
	[tilespmem:s19+$0xFFFFFFE0] =	vst v5;
	v4 =	vmax.f32 v4, $0.0e+00  }
0x2bf: {  	v49 =	vld [tilespmem:s23+$0x70];
	[tilespmem:s19+$0xFFFFFFA0] =	vst v37;
	v4 =	vmul.f32 v62, v4  }
0x2c0: {  	v46 =	vld [tilespmem:s23+$0x50];
	[tilespmem:s19+$0xFFFFFFC0] =	vst v9;
	v8 =	vmul.f32 v38, v45  }
0x2c1: {  	v48 =	vld [tilespmem:s23+$0x60];
	[tilespmem:s19+$0xFFFFFFB0] =	vst v4;
	v3 =	vmul.f32 v41, v45  }
0x2c2: {  	v43 =	vld [tilespmem:s23+$0x30];
	v6 =	vmul.f32 v42, v45;
	[tilespmem:s23+$0x0] =	vst v8  }
0x2c3: {  	v50 =	vld [tilespmem:s23+$0xFFFFFF90];
	v53 =	vmul.f32 v44, v45;
	[tilespmem:s23+$0x10] =	vst v3  }
0x2c4: {  	v52 =	vld [tilespmem:s23+$0xFFFFFFE0];
	v9 =	vmul.f32 v49, v45;
	[tilespmem:s23+$0x20] =	vst v6  }
0x2c5: {  	v54 =	vld [tilespmem:s23+$0xFFFFFFD0];
	v12 =	vmul.f32 v46, v45;
	[tilespmem:s23+$0x40] =	vst v53  }
0x2c6: {  	v55 =	vperm.xlane v57, v2;
	v51 =	vld [tilespmem:s23+$0xFFFFFFC0];
	v4 =	vmul.f32 v48, v45;
	[tilespmem:s23+$0x70] =	vst v9  }
0x2c7: {  	v56 =	vld [tilespmem:s23+$0xFFFFFFF0];
	v3 =	vmul.f32 v43, v45;
	[tilespmem:s23+$0x50] =	vst v12  }
0x2c8: {  	v57 =	vld [tilespmem:s23+$0xFFFFFFB0];
	[tilespmem:s23+$0x60] =	vst v4;
	v7 =	vmul.f32 v50, v55  }
0x2c9: {  	v58 =	vld [tilespmem:s23+$0xFFFFFF80];
	[tilespmem:s23+$0x30] =	vst v3;
	v5 =	vmul.f32 v52, v55  }
0x2ca: {  	v3 =	vld [tilespmem:s23+$0xFFFFFFA0];
	v59 =	vmul.f32 v54, v55;
	[tilespmem:s23+$0xFFFFFF90] =	vst v7  }
0x2cb: {  	v8 =	vmul.f32 v51, v55;
	[tilespmem:s23+$0xFFFFFFE0] =	vst v5  }
0x2cc: {  	v60 =	vmul.f32 v56, v55;
	[tilespmem:s23+$0xFFFFFFD0] =	vst v59  }
0x2cd: {  	v61 =	vmul.f32 v57, v55;
	[tilespmem:s23+$0xFFFFFFC0] =	vst v8  }
0x2ce: {  	v62 =	vmul.f32 v58, v55;
	[tilespmem:s23+$0xFFFFFFF0] =	vst v60  }
0x2cf: {  	[tilespmem:s23+$0xFFFFFFB0] =	vst v61;
	v3 =	vmul.f32 v3, v55  }
0x2d0: {  	[tilespmem:s23+$0xFFFFFF80] =	vst v62  }
0x2d1: {  	[tilespmem:s23+$0xFFFFFFA0] =	vst v3  }
0x2d2: {  	v3 =	vld [tilespmem:$0x16800];
	_ =	sdelay $0x4  }
0x2d3: {  	v63 =	vshrl.u32 v3, $0x3  }
0x2d4: {  	v4 =	vadd.s32 $0x2800, v63;
	_ =	sdelay $0x2  }
0x2d5: {  	[spmem:s2] =	stream.indirect_vreg.scatter.add.f32 [tilespmem:s14], [sflag:$0x4], $0x80, v3, vm0, $0xb8;
	[tilespmem:$0x1B200] =	vst v63  }
0x2d6: {  	s24 =	simm.s32 $0x18200  }
0x2d7: {  	[spmem:s2] =	stream.indirect_vreg.scatter.add.f32 [tilespmem:s24], [sflag:$0x5], $0x80, v4, vm0, $0xb8;
	[tilespmem:$0x1B200] =	vst v63  }
0x2d8: {  	_ =	swait.ge [sflag:s4], $0x800  }
0x2d9: {  	[sflag:s4] =	ssyncset.done $0x0  }
0x2da: {  	[sflag:s4] =	ssyncadd.s32 $0xFFFFF800  }
0x2db: {  	_ =	swait.ge [sflag:s10], $0x800  }
0x2dc: {  	s25 =	stileid.u32;
	[sflag:s10] =	ssyncset.done $0x0  }
0x2dd: {  	s1 =	sadd.s32 $0x0, s15;
	s0 =	sshll.u32 s25, $0x6;
	[sflag:s10] =	ssyncadd.s32 $0xFFFFF800  }
0x2de: {  	s26 =	sshrl.u32 s9, $0x3;
	s0 =	sor.u32 $0x1C0B, s0;
	[bflag:$0x0] =	sbarrier.arrive $0xFFFF  }
0x2df: {  	[hbm:s1], [sflag:s0] =	dma.local [spmem:s26], $0x100  }
0x2e0: {  	_ =	swait.ge [sflag:s17], $0x100  }
0x2e1: {  	s12 =	sadd.s32 $0x800, s9;
	s1 =	simm.s32 $0x100;
	s11 =	rddreg [dreg:$0x4]  }
.LBB2_14:
0x2e2: {  	s13 =	sadd.s32 s1, s15;
	[sflag:s17] =	ssyncset.done $0x0;
	p0 =	sne.s32 s1, $0x2C00  }
.Ltmp6:
0x2e3: {  	s18 =	sshrl.u32 s12, $0x3;
	[sflag:s17] =	ssyncadd.s32 $0xFFFFFF00;
	(pc) =	sbr.rel @p0 .LBB2_14-.Ltmp6, $3  }
0x2e4: {  	[hbm:s13], [sflag:s0] =	dma.local [spmem:s18], $0x100  }
0x2e5: {  	s1 =	sadd.s32 $0x100, s1;
	_ =	sdelay $0x1  }
0x2e6: {  	s12 =	sadd.s32 $0x800, s12;
	_ =	swait.ge [sflag:s17], $0x100  }
0x2e7: {  	s11 =	sadd.s32 $0x1, s11;
	s0 =	rddreg [dreg:$0x9]  }
0x2e8: {  	p0 =	sne.s32 s11, s0  }
.Ltmp7:
0x2e9: {  	_ = 	snop;
	(pc) =	sbr.rel @p0 .LBB2_1-.Ltmp7, $3  }
0x2ea: {  	_ =	sdelay $0x1  }
0x2eb: {  	[sflag:s17] =	ssyncset.done $0x0  }
0x2ec: {  	s12 =	simm.s32 $0x19A00;
	[sflag:s17] =	ssyncadd.s32 $0xFFFFFF00  }
0x2ed: {  	_ =	sfence.sel $0x180000  }
0x2ee: {  	[bflag:$0x0] =	sbarrier.arrive $0xFFFF  }
0x2ef: {  	_ =	strace $0x90000047  }
0x2f0: {  	s0 =	stileid.u32;
	[bflag:$0x2] =	sbarrier.arrive $0xFFFF  }
0x2f1: {  	p0 =	sne.s32 s0, $0x0;
	s0 =	rddreg [dreg:$0x3]  }
0x2f2: {  	s0 =	sadd.s32 @!p0 $0x100000, s0  }
0x2f3: {  	[sflag:s0] =	ssyncadd.tile.s32 @!p0 $0x1;
	_ =	shalt  }
.Lfunc_end2:
_tile_overlayer_lowered:
.L_overlay_start_2:
0x2f4: {  	(tag) =	ssettag $0x2  }
0x2f5: {  	s0 =	rddreg [dreg:$0x0];
	s2 =	stileid.u32  }
0x2f6: {  	s1 =	rddreg [dreg:$0x1];
	p0 =	sne.s32 s2, $0x0  }
0x2f7: {  	s3 =	rddreg [dreg:$0x2];
	[bflag:$0x3] =	sbarrier.arrive $0xFFFF;
	s2 =	simm.s32 @!p0 $0x1C0B  }
0x2f8: {  	[timem:s3], [sflag:s2] =	dma.local @!p0 [hbm:s0], s1  }
0x2f9: {  	s0 =	simm.s32 @!p0 $0xB  }
0x2fa: {  	_ =	swait.ge @!p0 [sflag:s0], s1  }
0x2fb: {  	s1 =	ssub.s32 @!p0 $0x0, s1;
	[sflag:s0] =	ssyncset.done @!p0 $0x0  }
0x2fc: {  	[sflag:s0] =	ssyncadd.s32 @!p0 s1  }
0x2fd: {  	[bflag:$0x3] =	sbarrier.arrive $0xFFFF  }
0x2fe: {  	_ =	shalt  }

// kernel: kernel.9.cloned.1.call-start
scs
__scs_entry_jumppad:
0x0: {  	(pc) =	sbr.rel $0x88, $3  }
0x1: {  	(tag) =	ssettag $0x0;
	lr =	simm.s32 $0x1  }
0x2: {  	[smem:$0x3F8F] =	sst lr;
	_ =	strace $0xD0000000  }
0x3: {  	_ = 	snop  }
0x4: {  	_ = 	snop  }
0x5: {  	_ = 	snop  }
0x6: {  	_ = 	snop  }
0x7: {  	_ = 	snop  }
__scs_overlays_trampoline_lowered:
0x8: {  	[smem:$0x3F9E] =	sst s0  }
0x9: {  	[smem:$0x3F9F] =	sst s1  }
0xa: {  	[smem:$0x3FA0] =	sst s2  }
0xb: {  	[smem:$0x3FA1] =	sst s3  }
0xc: {  	[smem:$0x3FA2] =	sst s4  }
0xd: {  	[smem:$0x3FA3] =	sst s5  }
0xe: {  	[smem:$0x3FA4] =	sst s6  }
0xf: {  	[smem:$0x3FA5] =	sst s7  }
0x10: {  	[smem:$0x3FA6] =	sst s8  }
0x11: {  	[smem:$0x3FA7] =	sst s9;
	s0 =	simm.s32 @!p0 $0x0  }
0x12: {  	s1 =	sld [smem:$0x3F8D];
	s0 =	simm.s32 @p0 $0x1  }
0x13: {  	[smem:$0x3FA8] =	sst s0;
	s0 =	simm.s32 @!p1 $0x0  }
0x14: {  	s2 =	sld [smem:$0x3F8C];
	s0 =	simm.s32 @p1 $0x1  }
0x15: {  	[smem:$0x3FA9] =	sst s0;
	s0 =	simm.s32 @!p2 $0x0  }
0x16: {  	s3 =	sld [smem:$0x3FDB];
	s0 =	simm.s32 @p2 $0x1  }
0x17: {  	s4 =	simm.s32 $0x1BF5;
	[smem:$0x3FAB] =	sst s0  }
0x18: {  	s0 =	sld [smem:$0x3F8E];
	_ =	swait.ge [sflag:s4], $0x0  }
0x19: {  	s7 =	sld [smem:$0x3F8F]  }
0x1a: {  	s8 =	sadd.s32 $0xFFFFE003, lr  }
0x1b: {  	s9 =	sadd.s32 $0xFFFFFEF7, lr;
	s5 =	simm.s32 $0xFFFFFFFF;
	p2 =	slt.u32 s8, $0xFFFFF086  }
0x1c: {  	p1 =	slt.u32 s9, $0xF7A;
	s5 =	simm.s32 @!p2 $0x0  }
0x1d: {  	s5 =	simm.s32 @p1 $0x1;
	p0 =	seq.s32 s7, s2  }
0x1e: {  	s7 =	smul.u32 @!p0 $0xF7A, s2;
	p2 =	seq.s32 @!p0 s5, $0x0  }
0x1f: {  	s9 =	smul.u32 $0xF7A, s1;
	s8 =	simm.s32 @!p0 $0x1BF5;
	p2 =	por !p2, p0  }
0x20: {  	[sflag:s8] =	ssyncset.s32 @!p0 $0xFFFFF086;
	s6 =	sadd.s32 @!p0 s3, s7;
	s7 =	simm.s32 @!p0 $0x108  }
0x21: {  	s3 =	sadd.s32 s3, s9;
	s6 =	sadd.s32 @!p0 $0x88, s6;
	s7 =	simm.s32 @p2 $0x1082  }
0x22: {  	[simem:s7], [sflag:s8] =	dma.local @!p0 [hbm:s6], $0xF7A  }
0x23: {  	s9 =	sor.u32 $0xD0000000, s2;
	s6 =	simm.s32 $0x108;
	_ =	swait.ge @!p0 [sflag:s8], $0x0  }
0x24: {  	s3 =	sadd.s32 $0x88, s3;
	s6 =	simm.s32 @!p1 $0x1082;
	[sflag:s4] =	ssyncset.s32 $0xFFFFF086  }
0x25: {  	[simem:s6], [sflag:s4] =	dma.local [hbm:s3], $0xF7A  }
0x26: {  	[smem:$0x3F8F] =	sst s1;
	(tag) =	ssettag s2;
	_ =	strace s9  }
0x27: {  	s1 =	sld [smem:$0x3F9F]  }
0x28: {  	s2 =	sld [smem:$0x3FA0]  }
0x29: {  	s4 =	sld [smem:$0x3FA2]  }
0x2a: {  	p0 =	seq.s32 s5, $0x0;
	s5 =	sld [smem:$0x3FA3]  }
0x2b: {  	s6 =	sld [smem:$0x3FA4]  }
0x2c: {  	s7 =	sld [smem:$0x3FA5]  }
0x2d: {  	s3 =	simm.s32 $0x108;
	s8 =	sld [smem:$0x3FA6]  }
0x2e: {  	s3 =	simm.s32 @!p0 $0x1082;
	s9 =	sld [smem:$0x3FA7]  }
0x2f: {  	lr =	sadd.s32 s0, s3;
	s0 =	sld [smem:$0x3F9E]  }
0x30: {  	s3 =	sld [smem:$0x3FA1]  }
0x31: {  	[smem:$0x3FAA] =	sst s10  }
0x32: {  	s10 =	sld [smem:$0x3FA8];
	_ =	sdelay $0x3  }
0x33: {  	p0 =	seq.s32 s10, $0x1;
	s10 =	sld [smem:$0x3FAA];
	_ =	sdelay $0x3  }
0x34: {  	[smem:$0x3FAA] =	sst s10  }
0x35: {  	s10 =	sld [smem:$0x3FA9];
	_ =	sdelay $0x3  }
0x36: {  	p1 =	seq.s32 s10, $0x1;
	s10 =	sld [smem:$0x3FAA];
	_ =	sdelay $0x3  }
0x37: {  	[smem:$0x3FAA] =	sst s10  }
0x38: {  	s10 =	sld [smem:$0x3FAB]  }
0x39: {  	_ = 	snop;
	(pc) =	sbr.ind lr, $3  }
0x3a: {  	_ = 	snop  }
0x3b: {  	_ = 	snop  }
0x3c: {  	p2 =	seq.s32 s10, $0x1;
	s10 =	sld [smem:$0x3FAA]  }
0x3d: {  	_ =	shalt  }
0x3e: {  	_ =	shalt  }
0x3f: {  	_ =	shalt  }
0x40: {  	_ =	shalt  }
0x41: {  	_ =	shalt  }
0x42: {  	_ =	shalt  }
0x43: {  	_ =	shalt  }
0x44: {  	_ =	shalt  }
0x45: {  	_ =	shalt  }
0x46: {  	_ =	shalt  }
0x47: {  	_ =	shalt  }
0x48: {  	_ =	shalt  }
0x49: {  	_ =	shalt  }
0x4a: {  	_ =	shalt  }
0x4b: {  	_ =	shalt  }
0x4c: {  	_ =	shalt  }
0x4d: {  	_ =	shalt  }
0x4e: {  	_ =	shalt  }
0x4f: {  	_ =	shalt  }
0x50: {  	_ =	shalt  }
0x51: {  	_ =	shalt  }
0x52: {  	_ =	shalt  }
0x53: {  	_ =	shalt  }
0x54: {  	_ =	shalt  }
0x55: {  	_ =	shalt  }
0x56: {  	_ =	shalt  }
0x57: {  	_ =	shalt  }
0x58: {  	_ =	shalt  }
0x59: {  	_ =	shalt  }
0x5a: {  	_ =	shalt  }
0x5b: {  	_ =	shalt  }
0x5c: {  	_ =	shalt  }
0x5d: {  	_ =	shalt  }
0x5e: {  	_ =	shalt  }
0x5f: {  	_ =	shalt  }
0x60: {  	_ =	shalt  }
0x61: {  	_ =	shalt  }
0x62: {  	_ =	shalt  }
0x63: {  	_ =	shalt  }
0x64: {  	_ =	shalt  }
0x65: {  	_ =	shalt  }
0x66: {  	_ =	shalt  }
0x67: {  	_ =	shalt  }
0x68: {  	_ =	shalt  }
0x69: {  	_ =	shalt  }
0x6a: {  	_ =	shalt  }
0x6b: {  	_ =	shalt  }
0x6c: {  	_ =	shalt  }
0x6d: {  	_ =	shalt  }
0x6e: {  	_ =	shalt  }
0x6f: {  	_ =	shalt  }
0x70: {  	_ =	shalt  }
0x71: {  	_ =	shalt  }
0x72: {  	_ =	shalt  }
0x73: {  	_ =	shalt  }
0x74: {  	_ =	shalt  }
0x75: {  	_ =	shalt  }
0x76: {  	_ =	shalt  }
0x77: {  	_ =	shalt  }
0x78: {  	_ =	shalt  }
0x79: {  	_ =	shalt  }
0x7a: {  	_ =	shalt  }
0x7b: {  	_ =	shalt  }
0x7c: {  	_ =	shalt  }
0x7d: {  	_ =	shalt  }
0x7e: {  	_ =	shalt  }
0x7f: {  	_ =	shalt  }
0x80: {  	_ =	shalt  }
0x81: {  	_ =	shalt  }
0x82: {  	_ =	shalt  }
0x83: {  	_ =	shalt  }
0x84: {  	_ =	shalt  }
0x85: {  	_ =	shalt  }
0x86: {  	_ =	shalt  }
0x87: {  	_ =	shalt  }
.Lfunc_end0:
.L_simem_size_0:
called_computation.1_lowered:
.L_overlay_start_0:
0x88: {  	s2 =	sld [smem:$0x3FD9]  }
0x89: {  	s3 =	sld [smem:$0x3FFE];
	_ =	sdelay $0x1  }
0x8a: {  	s1 =	srdreg.scid  }
0x8b: {  	s0 =	sand.u32 $0x1, s1  }
0x8c: {  	s16 =	sshll.u32 s0, $0xA;
	s2 =	sadd.s32 s3, s2  }
0x8d: {  	s2 =	sadd.s32 s2, s16  }
0x8e: {  	[smem:$0x3FB6] =	sst s2  }
0x8f: {  	_ = 	snop  }
0x90: {  	(tm) =	ssettm $0x1  }
0x91: {  	s17 =	sld [smem:$0x3FFB];
	_ =	sdelay $0x3  }
0x92: {  	_ =	strace s17  }
0x93: {  	s2 =	sld [smem:$0x3FFC];
	_ =	sdelay $0x3  }
0x94: {  	_ =	strace s2  }
0x95: {  	s2 =	sld [smem:$0x3FFD];
	_ =	sdelay $0x3  }
0x96: {  	_ =	strace s2  }
0x97: {  	_ =	strace $0x8FFFFFFF  }
0x98: {  	s18 =	sld [smem:$0x3FDB];
	_ =	sdelay $0x1  }
0x99: {  	s19 =	simm.s32 $_scs_section_size  }
0x9a: {  	s4 =	simm.s32 $_size__tile_overlayer_lowered;
	s5 =	simm.s32 $_tile_overlayer_lowered  }
0x9b: {  	s22 =	simm.s32 $0x1BFF;
	s21 =	sshll.u32 s5, $0x1;
	s2 =	sadd.s32 s19, s18  }
0x9c: {  	s6 =	simm.s32 $0x0;
	s20 =	sshll.u32 s4, $0x1;
	s4 =	sadd.s32 s21, s2  }
0x9d: {  	[timem:s6], [sflag:s22] =	dma.local [hbm:s4], s20  }
0x9e: {  	_ =	swait.ge [sflag:s22], s20  }
0x9f: {  	s3 =	ssub.s32 $0x0, s20;
	[sflag:s22] =	ssyncset.done $0x0  }
0xa0: {  	[sflag:s22] =	ssyncadd.s32 s3;
	_ =	sdelay $0x1  }
0xa1: {  	s23 =	simm.s32 $0x1B8B  }
0xa2: {  	_ =	swait.ge [sflag:s23], $0x1  }
0xa3: {  	[sflag:s23] =	ssyncset.done $0x0  }
0xa4: {  	s25 =	simm.s32 $0x1B8E;
	s24 =	sld [smem:$0x3FFE];
	[sflag:s23] =	ssyncadd.s32 $0xFFFFFFFF  }
0xa5: {  	s26 =	simm.s32 $execute0_lowered;
	[smem:$0x3FD2] =	sst s25  }
0xa6: {  	s4 =	sshll.u32 s26, $0x1;
	_ =	strace $0x80000049;
	[dreg:$0x1] =	wrdreg $0xFFFFFFFF  }
0xa7: {  	s28 =	simm.s32 $_size_execute0_lowered;
	s2 =	sadd.s32 s2, s4;
	[dreg:$0x0] =	wrdreg $0x0  }
0xa8: {  	s4 =	sshll.u32 s28, $0x1;
	[dreg:$0x2] =	wrdreg s2  }
0xa9: {  	[dreg:$0x3] =	wrdreg s4  }
0xaa: {  	[dreg:$0x4] =	wrdreg $0xC0  }
0xab: {  	_ =	task [dreg:s6], $0x5FFFF  }
0xac: {  	[dreg:$0x1] =	wrdreg $0xFFFFFFFF  }
0xad: {  	[dreg:$0x0] =	wrdreg $0x60  }
0xae: {  	[dreg:$0x2] =	wrdreg s24  }
0xaf: {  	[dreg:$0x3] =	wrdreg $0x9  }
0xb0: {  	_ =	task.clear_ibuf [dreg:s6], $0x4FFFF;
	_ =	strace $0x90000049  }
0xb1: {  	s29 =	simm.s32 $0x9;
	_ =	strace $0x8000004B  }
0xb2: {  	_ =	swait.ge [sflag:s29], $0x1  }
0xb3: {  	[sflag:s29] =	ssyncadd.s32 $0xFFFFFFFF  }
0xb4: {  	_ =	strace $0x9000004B  }
0xb5: {  	_ =	sfence  }
0xb6: {  	s30 =	sld [smem:$0x0];
	_ =	sdelay $0x2  }
0xb7: {  	s31 =	sshll.u32 s1, $0xD;
	s1 =	sshrl.u32 s1, $0x2  }
0xb8: {  	s3 =	sand.u32 $0x4000, s31;
	s1 =	sadd.s32 s1, s30  }
0xb9: {  	s0 =	sor.u32 s3, s0;
	s1 =	sshll.u32 s1, $0x11  }
0xba: {  	s0 =	sor.u32 s1, s0  }
0xbb: {  	s0 =	sadd.s32 $0x8F2B, s0  }
0xbc: {  	[sflag:s0] =	ssyncadd.remote.s32 $0x1  }
0xbd: {  	_ =	sfence.sel $0xFFFF  }
0xbe: {  	[dreg:$0x0] =	wrdreg $0xFFFFFFFF;
	(pc) =	sbr.abs _section_cstart, $3  }
0xbf: {  	[dreg:$0x1] =	wrdreg $0xFFFFFFFF  }
0xc0: {  	_ =	task.clear_ibuf [dreg:s6], $0x2FFFF;
	_ =	strace $0x9FFFFFFF  }
0xc1: {  	(tm) =	ssettm $0x7FFFFFFF  }
tec
execute0_lowered:
.L_overlay_start_1:
0x0: {  	(tag) =	ssettag $0x1  }
0x1: {  	s7 =	rddreg [dreg:$0x0]  }
0x2: {  	s0 =	rddreg [dreg:$0x1];
	s3 =	srdreg.scid  }
0x3: {  	s1 =	stileid.u32;
	s2 =	simm.s32 $0x0;
	s10 =	simm.s32 $0x4000  }
0x4: {  	s11 =	simm.s32 $0x4400;
	s12 =	simm.s32 $0x1;
	s13 =	simm.s32 $0x2  }
0x5: {  	s14 =	simm.s32 $0x3;
	s15 =	simm.s32 $0x4;
	s16 =	simm.s32 $0x4800  }
0x6: {  	s17 =	simm.s32 $0x5;
	s3 =	sand.u32 $0x1, s3;
	s4 =	sshll.u32 s1, $0x1  }
0x7: {  	s18 =	simm.s32 $0x0;
	[smem:$0x7FF] =	sst s2;
	s5 =	sor.u32 s3, s4  }
0x8: {  	_ =	strace $0x8000004A;
	s6 =	ssub.s32 $0x2, s3;
	s3 =	sadd.s32 $0x64C00, s7  }
0x9: {  	s4 =	sadd.s32 $0x2C00, s7;
	s8 =	smul.u32 $0x5, s5;
	s9 =	sshrl.u32 s6, $0x1  }
0xa: {  	v0 =	vlaneseq.u32;
	s7 =	sadd.s32 $0x91C00, s7;
	s5 =	smul.u32 $0xA000, s5;
	s9 =	ssub.s32 s6, s9  }
0xb: {  	v0 =	vand.u32 $0x7, v0;
	s6 =	sor.u32 $0x500, s8;
	s8 =	smax.u32 s9, $0x1;
	s9 =	simm.s32 $0x2000  }
.LBB2_1:
0xc: {  	s19 =	simm.s32 $0x0  }
.LBB2_2:
0xd: {  	s20 =	sshll.u32 s19, $0xD  }
0xe: {  	s20 =	sadd.s32 s5, s20  }
0xf: {  	s20 =	sshrl.u32 s20, $0x3  }
0x10: {  	s21 =	simm.s32 $0x0;
	s22 =	sadd.s32 s3, s20  }
0x11: {  	[tilespmem:s21], [sflag:$0x1] =	stream.linear.gather [hbm4b:s22+s21], $0x2000, $0x38;
	[tilespmem:$0x6800] =	vst v63  }
0x12: {  	s31 =	sadd.s32 s19, s6;
	s22 =	sadd.s32 $0x2D000, s22  }
0x13: {  	[tilespmem:s9], [sflag:$0x2] =	stream.linear.gather [hbm4b:s22+s21], $0x2000, $0x38;
	[tilespmem:$0x6800] =	vst v63  }
0x14: {  	s22 =	sshll.u32 s31, $0x7  }
0x15: {  	s23 =	sadd.s32 s3, s22  }
0x16: {  	[tilespmem:s10], [sflag:$0x3] =	stream.linear.gather [hbm4b:s23+s21], $0x400, $0x38;
	[tilespmem:$0x6800] =	vst v63  }
0x17: {  	s22 =	sadd.s32 s22, s7  }
0x18: {  	[tilespmem:s11], [sflag:$0x4] =	stream.linear.gather [hbm4b:s22+s21], $0x400, $0x38;
	[tilespmem:$0x6800] =	vst v63  }
0x19: {  	_ =	swait.ge [sflag:s12], $0x2000  }
0x1a: {  	[sflag:s12] =	ssyncset.done $0x0  }
0x1b: {  	[sflag:s12] =	ssyncadd.s32 $0xFFFFE000  }
0x1c: {  	_ =	swait.ge [sflag:s13], $0x2000  }
0x1d: {  	[sflag:s13] =	ssyncset.done $0x0  }
0x1e: {  	[sflag:s13] =	ssyncadd.s32 $0xFFFFE000  }
0x1f: {  	_ =	swait.ge [sflag:s14], $0x400  }
0x20: {  	[sflag:s14] =	ssyncset.done $0x0  }
0x21: {  	[sflag:s14] =	ssyncadd.s32 $0xFFFFFC00  }
0x22: {  	_ =	swait.ge [sflag:s15], $0x400  }
0x23: {  	[sflag:s15] =	ssyncset.done $0x0  }
0x24: {  	[sflag:s15] =	ssyncadd.s32 $0xFFFFFC00  }
.LBB2_3:
0x25: {  	s23 =	sshll.u32 s21, $0x7  }
0x26: {  	v1 =	vld [tilespmem:s23+$0x4000]  }
0x27: {  	v2 =	vld [tilespmem:s23+$0x4400];
	_ =	sdelay $0x3  }
0x28: {  	s22 =	sshll.u32 s21, $0xA  }
0x29: {  	v3 =	vld [tilespmem:s22+$0x2000];
	v1 =	vadd.f32 v2, v1  }
0x2a: {  	v4 =	vld [tilespmem:s22+$0x10]  }
0x2b: {  	v5 =	vld [tilespmem:s22+$0x20];
	v1 =	vmax.f32 v1, $1.000000000e-30  }
0x2c: {  	v6 =	vld [tilespmem:s22+$0x2020];
	(erf) = vrcp.f32 v1  }
0x2d: {  	v7 =	vld [tilespmem:s22+$0x30]  }
0x2e: {  	v8 =	vld [tilespmem:s22+$0x2030]  }
0x2f: {  	v9 =	vld [tilespmem:s22+$0x40]  }
0x30: {  	v10 =	vld [tilespmem:s22+$0x2040]  }
0x31: {  	v2 =	vld [tilespmem:s22+$0x0]  }
0x32: {  	v1 =	vld [tilespmem:s22+$0x2010]  }
0x33: {  	v11 =	vld [tilespmem:s22+$0x50]  }
0x34: {  	v12 =	vld [tilespmem:s22+$0x2050]  }
0x35: {  	v14 =	vld [tilespmem:s22+$0x60];
	v13 =	vpop (erf)  }
0x36: {  	v53 =	vld [tilespmem:s22+$0x70];
	v2 =	vadd.f32 v3, v2;
	v13 =	vperm.xlane v13, v0  }
0x37: {  	v3 =	vld [tilespmem:s22+$0x2060];
	v1 =	vadd.f32 v1, v4  }
0x38: {  	v54 =	vld [tilespmem:s22+$0x2070];
	v5 =	vadd.f32 v6, v5;
	v2 =	vmul.f32 v2, v13  }
0x39: {  	v7 =	vadd.f32 v8, v7;
	v1 =	vmul.f32 v1, v13  }
0x3a: {  	v55 =	vadd.f32 v10, v9;
	[tilespmem:s22+$0x4800] =	vst v2;
	v2 =	vmul.f32 v5, v13  }
0x3b: {  	v56 =	vadd.f32 v12, v11;
	[tilespmem:s22+$0x4810] =	vst v1;
	v1 =	vmul.f32 v7, v13  }
0x3c: {  	v3 =	vadd.f32 v3, v14;
	[tilespmem:s22+$0x4820] =	vst v2;
	v2 =	vmul.f32 v55, v13  }
0x3d: {  	v4 =	vadd.f32 v54, v53;
	[tilespmem:s22+$0x4830] =	vst v1;
	v1 =	vmul.f32 v56, v13  }
0x3e: {  	[tilespmem:s22+$0x4840] =	vst v2;
	v2 =	vmul.f32 v3, v13  }
0x3f: {  	[tilespmem:s22+$0x4850] =	vst v1;
	v1 =	vmul.f32 v4, v13  }
0x40: {  	[tilespmem:s22+$0x4860] =	vst v2  }
0x41: {  	[tilespmem:s22+$0x4870] =	vst v1  }
0x42: {  	v1 =	vld [tilespmem:s23+$0x4010]  }
0x43: {  	v2 =	vld [tilespmem:s23+$0x4410];
	_ =	sdelay $0x4  }
0x44: {  	v57 =	vld [tilespmem:s22+$0x90];
	v1 =	vadd.f32 v2, v1  }
0x45: {  	v58 =	vld [tilespmem:s22+$0xA0]  }
0x46: {  	v59 =	vld [tilespmem:s22+$0x20A0];
	v1 =	vmax.f32 v1, $1.000000000e-30  }
0x47: {  	v60 =	vld [tilespmem:s22+$0xB0];
	(erf) = vrcp.f32 v1  }
0x48: {  	v61 =	vld [tilespmem:s22+$0x20B0]  }
0x49: {  	v62 =	vld [tilespmem:s22+$0xC0]  }
0x4a: {  	v63 =	vld [tilespmem:s22+$0x20C0]  }
0x4b: {  	v3 =	vld [tilespmem:s22+$0x2080]  }
0x4c: {  	v2 =	vld [tilespmem:s22+$0x80]  }
0x4d: {  	v1 =	vld [tilespmem:s22+$0x2090]  }
0x4e: {  	v16 =	vld [tilespmem:s22+$0xD0]  }
0x4f: {  	v17 =	vld [tilespmem:s22+$0x20D0]  }
0x50: {  	v19 =	vld [tilespmem:s22+$0xE0];
	v18 =	vpop (erf)  }
0x51: {  	v20 =	vld [tilespmem:s22+$0xF0];
	v2 =	vadd.f32 v3, v2;
	v13 =	vperm.xlane v18, v0  }
0x52: {  	v3 =	vld [tilespmem:s22+$0x20E0];
	v1 =	vadd.f32 v1, v57  }
0x53: {  	v21 =	vld [tilespmem:s22+$0x20F0];
	v5 =	vadd.f32 v59, v58;
	v2 =	vmul.f32 v2, v13  }
0x54: {  	v7 =	vadd.f32 v61, v60;
	v1 =	vmul.f32 v1, v13  }
0x55: {  	v22 =	vadd.f32 v63, v62;
	[tilespmem:s22+$0x4880] =	vst v2;
	v2 =	vmul.f32 v5, v13  }
0x56: {  	v23 =	vadd.f32 v17, v16;
	[tilespmem:s22+$0x4890] =	vst v1;
	v1 =	vmul.f32 v7, v13  }
0x57: {  	v3 =	vadd.f32 v3, v19;
	[tilespmem:s22+$0x48A0] =	vst v2;
	v2 =	vmul.f32 v22, v13  }
0x58: {  	v4 =	vadd.f32 v21, v20;
	[tilespmem:s22+$0x48B0] =	vst v1;
	v1 =	vmul.f32 v23, v13  }
0x59: {  	[tilespmem:s22+$0x48C0] =	vst v2;
	v2 =	vmul.f32 v3, v13  }
0x5a: {  	[tilespmem:s22+$0x48D0] =	vst v1;
	v1 =	vmul.f32 v4, v13  }
0x5b: {  	[tilespmem:s22+$0x48E0] =	vst v2  }
0x5c: {  	[tilespmem:s22+$0x48F0] =	vst v1  }
0x5d: {  	v1 =	vld [tilespmem:s23+$0x4020]  }
0x5e: {  	v2 =	vld [tilespmem:s23+$0x4420];
	_ =	sdelay $0x4  }
0x5f: {  	v24 =	vld [tilespmem:s22+$0x110];
	v1 =	vadd.f32 v2, v1  }
0x60: {  	v25 =	vld [tilespmem:s22+$0x120]  }
0x61: {  	v26 =	vld [tilespmem:s22+$0x2120];
	v1 =	vmax.f32 v1, $1.000000000e-30  }
0x62: {  	v27 =	vld [tilespmem:s22+$0x130];
	(erf) = vrcp.f32 v1  }
0x63: {  	v28 =	vld [tilespmem:s22+$0x2130]  }
0x64: {  	v29 =	vld [tilespmem:s22+$0x140]  }
0x65: {  	v30 =	vld [tilespmem:s22+$0x2140]  }
0x66: {  	v3 =	vld [tilespmem:s22+$0x2100]  }
0x67: {  	v2 =	vld [tilespmem:s22+$0x100]  }
0x68: {  	v1 =	vld [tilespmem:s22+$0x2110]  }
0x69: {  	v31 =	vld [tilespmem:s22+$0x150]  }
0x6a: {  	v32 =	vld [tilespmem:s22+$0x2150]  }
0x6b: {  	v34 =	vld [tilespmem:s22+$0x160];
	v33 =	vpop (erf)  }
0x6c: {  	v35 =	vld [tilespmem:s22+$0x170];
	v2 =	vadd.f32 v3, v2;
	v13 =	vperm.xlane v33, v0  }
0x6d: {  	v3 =	vld [tilespmem:s22+$0x2160];
	v1 =	vadd.f32 v1, v24  }
0x6e: {  	v36 =	vld [tilespmem:s22+$0x2170];
	v5 =	vadd.f32 v26, v25;
	v2 =	vmul.f32 v2, v13  }
0x6f: {  	v7 =	vadd.f32 v28, v27;
	v1 =	vmul.f32 v1, v13  }
0x70: {  	v37 =	vadd.f32 v30, v29;
	[tilespmem:s22+$0x4900] =	vst v2;
	v2 =	vmul.f32 v5, v13  }
0x71: {  	v38 =	vadd.f32 v32, v31;
	[tilespmem:s22+$0x4910] =	vst v1;
	v1 =	vmul.f32 v7, v13  }
0x72: {  	v3 =	vadd.f32 v3, v34;
	[tilespmem:s22+$0x4920] =	vst v2;
	v2 =	vmul.f32 v37, v13  }
0x73: {  	v4 =	vadd.f32 v36, v35;
	[tilespmem:s22+$0x4930] =	vst v1;
	v1 =	vmul.f32 v38, v13  }
0x74: {  	[tilespmem:s22+$0x4940] =	vst v2;
	v2 =	vmul.f32 v3, v13  }
0x75: {  	[tilespmem:s22+$0x4950] =	vst v1;
	v1 =	vmul.f32 v4, v13  }
0x76: {  	[tilespmem:s22+$0x4960] =	vst v2  }
0x77: {  	[tilespmem:s22+$0x4970] =	vst v1  }
0x78: {  	v1 =	vld [tilespmem:s23+$0x4030]  }
0x79: {  	v2 =	vld [tilespmem:s23+$0x4430];
	_ =	sdelay $0x4  }
0x7a: {  	v39 =	vld [tilespmem:s22+$0x190];
	v1 =	vadd.f32 v2, v1  }
0x7b: {  	v40 =	vld [tilespmem:s22+$0x1A0]  }
0x7c: {  	v41 =	vld [tilespmem:s22+$0x21A0];
	v1 =	vmax.f32 v1, $1.000000000e-30  }
0x7d: {  	v42 =	vld [tilespmem:s22+$0x1B0];
	(erf) = vrcp.f32 v1  }
0x7e: {  	v43 =	vld [tilespmem:s22+$0x21B0]  }
0x7f: {  	v44 =	vld [tilespmem:s22+$0x1C0]  }
0x80: {  	v45 =	vld [tilespmem:s22+$0x21C0]  }
0x81: {  	v3 =	vld [tilespmem:s22+$0x2180]  }
0x82: {  	v2 =	vld [tilespmem:s22+$0x180]  }
0x83: {  	v1 =	vld [tilespmem:s22+$0x2190]  }
0x84: {  	v46 =	vld [tilespmem:s22+$0x1D0]  }
0x85: {  	v47 =	vld [tilespmem:s22+$0x21D0]  }
0x86: {  	v49 =	vld [tilespmem:s22+$0x1E0];
	v48 =	vpop (erf)  }
0x87: {  	v50 =	vld [tilespmem:s22+$0x1F0];
	v2 =	vadd.f32 v3, v2;
	v13 =	vperm.xlane v48, v0  }
0x88: {  	v3 =	vld [tilespmem:s22+$0x21E0];
	v1 =	vadd.f32 v1, v39  }
0x89: {  	v51 =	vld [tilespmem:s22+$0x21F0];
	v5 =	vadd.f32 v41, v40;
	v2 =	vmul.f32 v2, v13  }
0x8a: {  	v7 =	vadd.f32 v43, v42;
	v1 =	vmul.f32 v1, v13  }
0x8b: {  	v52 =	vadd.f32 v45, v44;
	[tilespmem:s22+$0x4980] =	vst v2;
	v2 =	vmul.f32 v5, v13  }
0x8c: {  	v53 =	vadd.f32 v47, v46;
	[tilespmem:s22+$0x4990] =	vst v1;
	v1 =	vmul.f32 v7, v13  }
0x8d: {  	v3 =	vadd.f32 v3, v49;
	[tilespmem:s22+$0x49A0] =	vst v2;
	v2 =	vmul.f32 v52, v13  }
0x8e: {  	v4 =	vadd.f32 v51, v50;
	[tilespmem:s22+$0x49B0] =	vst v1;
	v1 =	vmul.f32 v53, v13  }
0x8f: {  	[tilespmem:s22+$0x49C0] =	vst v2;
	v2 =	vmul.f32 v3, v13  }
0x90: {  	[tilespmem:s22+$0x49D0] =	vst v1;
	v1 =	vmul.f32 v4, v13  }
0x91: {  	[tilespmem:s22+$0x49E0] =	vst v2  }
0x92: {  	[tilespmem:s22+$0x49F0] =	vst v1  }
0x93: {  	v1 =	vld [tilespmem:s23+$0x4040]  }
0x94: {  	v2 =	vld [tilespmem:s23+$0x4440];
	_ =	sdelay $0x4  }
0x95: {  	v62 =	vld [tilespmem:s22+$0x2250];
	v1 =	vadd.f32 v2, v1  }
0x96: {  	v16 =	vld [tilespmem:s22+$0x260]  }
0x97: {  	v17 =	vld [tilespmem:s22+$0x270];
	v1 =	vmax.f32 v1, $1.000000000e-30  }
0x98: {  	v54 =	vld [tilespmem:s22+$0x210];
	(erf) = vrcp.f32 v1  }
0x99: {  	v58 =	vld [tilespmem:s22+$0x2230]  }
0x9a: {  	v59 =	vld [tilespmem:s22+$0x240]  }
0x9b: {  	v55 =	vld [tilespmem:s22+$0x220]  }
0x9c: {  	v3 =	vld [tilespmem:s22+$0x2200]  }
0x9d: {  	v2 =	vld [tilespmem:s22+$0x200]  }
0x9e: {  	v1 =	vld [tilespmem:s22+$0x2210]  }
0x9f: {  	v56 =	vld [tilespmem:s22+$0x2220]  }
0xa0: {  	v57 =	vld [tilespmem:s22+$0x230]  }
0xa1: {  	v60 =	vld [tilespmem:s22+$0x2240];
	v63 =	vpop (erf)  }
0xa2: {  	v61 =	vld [tilespmem:s22+$0x250];
	v2 =	vadd.f32 v3, v2;
	v13 =	vperm.xlane v63, v0  }
0xa3: {  	v3 =	vld [tilespmem:s22+$0x2260];
	v1 =	vadd.f32 v1, v54  }
0xa4: {  	v18 =	vld [tilespmem:s22+$0x2270];
	v5 =	vadd.f32 v56, v55;
	v2 =	vmul.f32 v2, v13  }
0xa5: {  	v7 =	vadd.f32 v58, v57;
	v1 =	vmul.f32 v1, v13  }
0xa6: {  	v19 =	vadd.f32 v60, v59;
	[tilespmem:s22+$0x4A00] =	vst v2;
	v2 =	vmul.f32 v5, v13  }
0xa7: {  	v20 =	vadd.f32 v62, v61;
	[tilespmem:s22+$0x4A10] =	vst v1;
	v1 =	vmul.f32 v7, v13  }
0xa8: {  	v3 =	vadd.f32 v3, v16;
	[tilespmem:s22+$0x4A20] =	vst v2;
	v2 =	vmul.f32 v19, v13  }
0xa9: {  	v4 =	vadd.f32 v18, v17;
	[tilespmem:s22+$0x4A30] =	vst v1;
	v1 =	vmul.f32 v20, v13  }
0xaa: {  	[tilespmem:s22+$0x4A40] =	vst v2;
	v2 =	vmul.f32 v3, v13  }
0xab: {  	[tilespmem:s22+$0x4A50] =	vst v1;
	v1 =	vmul.f32 v4, v13  }
0xac: {  	[tilespmem:s22+$0x4A60] =	vst v2  }
0xad: {  	[tilespmem:s22+$0x4A70] =	vst v1  }
0xae: {  	v1 =	vld [tilespmem:s23+$0x4050]  }
0xaf: {  	v2 =	vld [tilespmem:s23+$0x4450];
	_ =	sdelay $0x4  }
0xb0: {  	v29 =	vld [tilespmem:s22+$0x22D0];
	v1 =	vadd.f32 v2, v1  }
0xb1: {  	v31 =	vld [tilespmem:s22+$0x2E0]  }
0xb2: {  	v32 =	vld [tilespmem:s22+$0x2F0];
	v1 =	vmax.f32 v1, $1.000000000e-30  }
0xb3: {  	v21 =	vld [tilespmem:s22+$0x290];
	(erf) = vrcp.f32 v1  }
0xb4: {  	v25 =	vld [tilespmem:s22+$0x22B0]  }
0xb5: {  	v26 =	vld [tilespmem:s22+$0x2C0]  }
0xb6: {  	v22 =	vld [tilespmem:s22+$0x2A0]  }
0xb7: {  	v3 =	vld [tilespmem:s22+$0x2280]  }
0xb8: {  	v2 =	vld [tilespmem:s22+$0x280]  }
0xb9: {  	v1 =	vld [tilespmem:s22+$0x2290]  }
0xba: {  	v23 =	vld [tilespmem:s22+$0x22A0]  }
0xbb: {  	v24 =	vld [tilespmem:s22+$0x2B0]  }
0xbc: {  	v27 =	vld [tilespmem:s22+$0x22C0];
	v30 =	vpop (erf)  }
0xbd: {  	v28 =	vld [tilespmem:s22+$0x2D0];
	v2 =	vadd.f32 v3, v2;
	v13 =	vperm.xlane v30, v0  }
0xbe: {  	v3 =	vld [tilespmem:s22+$0x22E0];
	v1 =	vadd.f32 v1, v21  }
0xbf: {  	v33 =	vld [tilespmem:s22+$0x22F0];
	v5 =	vadd.f32 v23, v22;
	v2 =	vmul.f32 v2, v13  }
0xc0: {  	v7 =	vadd.f32 v25, v24;
	v1 =	vmul.f32 v1, v13  }
0xc1: {  	v34 =	vadd.f32 v27, v26;
	[tilespmem:s22+$0x4A80] =	vst v2;
	v2 =	vmul.f32 v5, v13  }
0xc2: {  	v35 =	vadd.f32 v29, v28;
	[tilespmem:s22+$0x4A90] =	vst v1;
	v1 =	vmul.f32 v7, v13  }
0xc3: {  	v3 =	vadd.f32 v3, v31;
	[tilespmem:s22+$0x4AA0] =	vst v2;
	v2 =	vmul.f32 v34, v13  }
0xc4: {  	v4 =	vadd.f32 v33, v32;
	[tilespmem:s22+$0x4AB0] =	vst v1;
	v1 =	vmul.f32 v35, v13  }
0xc5: {  	[tilespmem:s22+$0x4AC0] =	vst v2;
	v2 =	vmul.f32 v3, v13  }
0xc6: {  	[tilespmem:s22+$0x4AD0] =	vst v1;
	v1 =	vmul.f32 v4, v13  }
0xc7: {  	[tilespmem:s22+$0x4AE0] =	vst v2  }
0xc8: {  	[tilespmem:s22+$0x4AF0] =	vst v1  }
0xc9: {  	v1 =	vld [tilespmem:s23+$0x4060]  }
0xca: {  	v2 =	vld [tilespmem:s23+$0x4460];
	_ =	sdelay $0x4  }
0xcb: {  	v44 =	vld [tilespmem:s22+$0x2350];
	v1 =	vadd.f32 v2, v1  }
0xcc: {  	v46 =	vld [tilespmem:s22+$0x360]  }
0xcd: {  	v47 =	vld [tilespmem:s22+$0x370];
	v1 =	vmax.f32 v1, $1.000000000e-30  }
0xce: {  	v36 =	vld [tilespmem:s22+$0x310];
	(erf) = vrcp.f32 v1  }
0xcf: {  	v40 =	vld [tilespmem:s22+$0x2330]  }
0xd0: {  	v41 =	vld [tilespmem:s22+$0x340]  }
0xd1: {  	v37 =	vld [tilespmem:s22+$0x320]  }
0xd2: {  	v3 =	vld [tilespmem:s22+$0x2300]  }
0xd3: {  	v2 =	vld [tilespmem:s22+$0x300]  }
0xd4: {  	v1 =	vld [tilespmem:s22+$0x2310]  }
0xd5: {  	v38 =	vld [tilespmem:s22+$0x2320]  }
0xd6: {  	v39 =	vld [tilespmem:s22+$0x330]  }
0xd7: {  	v42 =	vld [tilespmem:s22+$0x2340];
	v45 =	vpop (erf)  }
0xd8: {  	v43 =	vld [tilespmem:s22+$0x350];
	v2 =	vadd.f32 v3, v2;
	v13 =	vperm.xlane v45, v0  }
0xd9: {  	v3 =	vld [tilespmem:s22+$0x2360];
	v1 =	vadd.f32 v1, v36  }
0xda: {  	v48 =	vld [tilespmem:s22+$0x2370];
	v5 =	vadd.f32 v38, v37;
	v2 =	vmul.f32 v2, v13  }
0xdb: {  	v7 =	vadd.f32 v40, v39;
	v1 =	vmul.f32 v1, v13  }
0xdc: {  	v49 =	vadd.f32 v42, v41;
	[tilespmem:s22+$0x4B00] =	vst v2;
	v2 =	vmul.f32 v5, v13  }
0xdd: {  	v50 =	vadd.f32 v44, v43;
	[tilespmem:s22+$0x4B10] =	vst v1;
	v1 =	vmul.f32 v7, v13  }
0xde: {  	v3 =	vadd.f32 v3, v46;
	[tilespmem:s22+$0x4B20] =	vst v2;
	v2 =	vmul.f32 v49, v13  }
0xdf: {  	v4 =	vadd.f32 v48, v47;
	[tilespmem:s22+$0x4B30] =	vst v1;
	v1 =	vmul.f32 v50, v13  }
0xe0: {  	[tilespmem:s22+$0x4B40] =	vst v2;
	v2 =	vmul.f32 v3, v13  }
0xe1: {  	[tilespmem:s22+$0x4B50] =	vst v1;
	v1 =	vmul.f32 v4, v13  }
0xe2: {  	[tilespmem:s22+$0x4B60] =	vst v2  }
0xe3: {  	[tilespmem:s22+$0x4B70] =	vst v1  }
0xe4: {  	v1 =	vld [tilespmem:s23+$0x4070]  }
0xe5: {  	v2 =	vld [tilespmem:s23+$0x4470];
	_ =	sdelay $0x4  }
0xe6: {  	v59 =	vld [tilespmem:s22+$0x23D0];
	v1 =	vadd.f32 v2, v1  }
0xe7: {  	v61 =	vld [tilespmem:s22+$0x3E0]  }
0xe8: {  	v62 =	vld [tilespmem:s22+$0x3F0];
	v1 =	vmax.f32 v1, $1.000000000e-30  }
0xe9: {  	v51 =	vld [tilespmem:s22+$0x390];
	(erf) = vrcp.f32 v1  }
0xea: {  	v55 =	vld [tilespmem:s22+$0x23B0]  }
0xeb: {  	v56 =	vld [tilespmem:s22+$0x3C0]  }
0xec: {  	v52 =	vld [tilespmem:s22+$0x3A0]  }
0xed: {  	v3 =	vld [tilespmem:s22+$0x2380]  }
0xee: {  	v2 =	vld [tilespmem:s22+$0x380]  }
0xef: {  	v1 =	vld [tilespmem:s22+$0x2390]  }
0xf0: {  	v53 =	vld [tilespmem:s22+$0x23A0]  }
0xf1: {  	v54 =	vld [tilespmem:s22+$0x3B0]  }
0xf2: {  	v57 =	vld [tilespmem:s22+$0x23C0];
	v60 =	vpop (erf)  }
0xf3: {  	v58 =	vld [tilespmem:s22+$0x3D0];
	v2 =	vadd.f32 v3, v2;
	v13 =	vperm.xlane v60, v0  }
0xf4: {  	v3 =	vld [tilespmem:s22+$0x23E0];
	v1 =	vadd.f32 v1, v51  }
0xf5: {  	v63 =	vld [tilespmem:s22+$0x23F0];
	v5 =	vadd.f32 v53, v52;
	v2 =	vmul.f32 v2, v13  }
0xf6: {  	v7 =	vadd.f32 v55, v54;
	v1 =	vmul.f32 v1, v13  }
0xf7: {  	v5 =	vmul.f32 v5, v13;
	[tilespmem:s22+$0x4B80] =	vst v2;
	v2 =	vadd.f32 v57, v56  }
0xf8: {  	v7 =	vmul.f32 v7, v13;
	[tilespmem:s22+$0x4B90] =	vst v1;
	v1 =	vadd.f32 v59, v58  }
0xf9: {  	p0 =	sne.s32 s21, $0x7;
	v3 =	vadd.f32 v3, v61;
	[tilespmem:s22+$0x4BA0] =	vst v5;
	v2 =	vmul.f32 v2, v13  }
.Ltmp0:
0xfa: {  	v4 =	vadd.f32 v63, v62;
	[tilespmem:s22+$0x4BB0] =	vst v7;
	v1 =	vmul.f32 v1, v13;
	(pc) =	sbr.rel @p0 .LBB2_3-.Ltmp0, $4  }
0xfb: {  	[tilespmem:s22+$0x4BC0] =	vst v2;
	v2 =	vmul.f32 v3, v13  }
0xfc: {  	[tilespmem:s22+$0x4BD0] =	vst v1;
	v1 =	vmul.f32 v4, v13  }
0xfd: {  	[tilespmem:s22+$0x4BE0] =	vst v2  }
0xfe: {  	s21 =	sadd.s32 $0x1, s21;
	[tilespmem:s22+$0x4BF0] =	vst v1  }
0xff: {  	s19 =	sadd.s32 $0x1, s19  }
0x100: {  	p0 =	sne.s32 s19, $0x5  }
.Ltmp1:
0x101: {  	s20 =	sadd.s32 s4, s20;
	(pc) =	sbr.rel @p0 .LBB2_2-.Ltmp1, $4  }
0x102: {  	[hbm4b:s20+s2] =	stream.linear.scatter [tilespmem:s16], [sflag:$0x5], $0x2000, $0x38;
	[tilespmem:$0x6800] =	vst v63  }
0x103: {  	_ =	swait.ge [sflag:s17], $0x2000  }
0x104: {  	[sflag:s17] =	ssyncset.done $0x0  }
0x105: {  	[sflag:s17] =	ssyncadd.s32 $0xFFFFE000  }
0x106: {  	s18 =	sadd.s32 $0x1, s18  }
0x107: {  	p0 =	sne.s32 s18, s8  }
.Ltmp2:
0x108: {  	_ = 	snop;
	(pc) =	sbr.rel @p0 .LBB2_1-.Ltmp2, $1  }
0x109: {  	_ =	sdelay $0x3  }
0x10a: {  	_ =	sfence.sel $0x180000  }
0x10b: {  	[bflag:$0x0] =	sbarrier.arrive $0xFFFF  }
0x10c: {  	p0 =	sne.s32 s1, $0x0;
	_ =	strace $0x9000004A  }
0x10d: {  	s0 =	sadd.s32 @!p0 $0x100000, s0;
	[bflag:$0x2] =	sbarrier.arrive $0xFFFF  }
0x10e: {  	[sflag:s0] =	ssyncadd.tile.s32 @!p0 $0x1;
	_ =	shalt  }
.Lfunc_end2:
_tile_overlayer_lowered:
.L_overlay_start_2:
0x10f: {  	(tag) =	ssettag $0x2  }
0x110: {  	s0 =	rddreg [dreg:$0x0];
	s2 =	stileid.u32  }
0x111: {  	s1 =	rddreg [dreg:$0x1];
	p0 =	sne.s32 s2, $0x0  }
0x112: {  	s3 =	rddreg [dreg:$0x2];
	[bflag:$0x3] =	sbarrier.arrive $0xFFFF;
	s2 =	simm.s32 @!p0 $0x1C05  }
0x113: {  	[timem:s3], [sflag:s2] =	dma.local @!p0 [hbm:s0], s1  }
0x114: {  	s0 =	simm.s32 @!p0 $0x5  }
0x115: {  	_ =	swait.ge @!p0 [sflag:s0], s1  }
0x116: {  	s1 =	ssub.s32 @!p0 $0x0, s1;
	[sflag:s0] =	ssyncset.done @!p0 $0x0  }
0x117: {  	[sflag:s0] =	ssyncadd.s32 @!p0 s1  }
0x118: {  	[bflag:$0x3] =	sbarrier.arrive $0xFFFF  }
0x119: {  	_ =	shalt  }

</sc_bundles>
